<compile_context>
chip_gen: v7x
topology: tpu7x:2x2x1
jax: 0.10.2.dev20260603
libtpu: 0.0.44.dev20260713+nightly
codegen_flags: <defaults>
</compile_context>

<pallas_src>
import functools

import jax
import jax.numpy as jnp
from jax import lax
from jax.experimental import pallas as pl
from jax.experimental.pallas import tpu as pltpu
from jax.experimental.pallas import tpu_sc as plsc

B = 16384
D = 64
L = 16
_EPS = 1e-12

NUM_FILES = 1000000
NUM_TESTS = 100000

_info = plsc.get_sparse_core_info()
NC = _info.num_cores
NS = _info.num_subcores
NW = NC * NS
BPW = B // NW
NG = BPW // L
SUB = 1
NSUB = L // SUB
NBUF = 8
DEPTH = 7
TH = 8


def _rsqrt_newton(x):
    i = lax.bitcast_convert_type(x, jnp.int32)
    i = jnp.int32(0x5F3759DF) - lax.shift_right_arithmetic(i, 1)
    y = lax.bitcast_convert_type(i, jnp.float32)
    half_x = x * 0.5
    for _ in range(3):
        y = y * (1.5 - half_x * y * y)
    return y


def _make_sc_kernel():
    mesh = plsc.VectorSubcoreMesh(core_axis_name="c", subcore_axis_name="s")

    @functools.partial(
        pl.kernel,
        mesh=mesh,
        out_type=jax.ShapeDtypeStruct((B,), jnp.float32),
        compiler_params=pltpu.CompilerParams(needs_layout_passes=False),
        scratch_types=[
            pltpu.VMEM((BPW,), jnp.int32),
            pltpu.VMEM((BPW + L,), jnp.int32),
            pltpu.VMEM((NBUF, SUB, 64, 128), jnp.float32),
            pltpu.VMEM((2, TH, 8, D), jnp.float32),
            pltpu.VMEM((BPW // 2, 2 * D), jnp.float32),
            pltpu.VMEM((BPW,), jnp.float32),
            pltpu.SemaphoreType.DMA,
            pltpu.SemaphoreType.DMA,
            pltpu.SemaphoreType.DMA,
            pltpu.SemaphoreType.DMA,
            pltpu.SemaphoreType.DMA,
            pltpu.SemaphoreType.DMA,
            pltpu.SemaphoreType.DMA,
            pltpu.SemaphoreType.DMA,
            pltpu.SemaphoreType.DMA,
            pltpu.SemaphoreType.DMA,
        ],
    )
    def sc_kernel(fidx_hbm, tidx_hbm, ftabd_hbm, ttab3_hbm, out_hbm,
                  fidx_v, tidx_v, fblk_v, tbuf_v, frows_v, out_v,
                  semf0, semf1, semf2, semf3, semf4, semf5, semf6, semf7,
                  semt0, semt1):
        semf = (semf0, semf1, semf2, semf3, semf4, semf5, semf6, semf7)
        semt = (semt0, semt1)
        wid = lax.axis_index("s") * NC + lax.axis_index("c")
        base = wid * BPW

        pltpu.sync_copy(fidx_hbm.at[pl.ds(base, BPW)], fidx_v)
        pltpu.sync_copy(tidx_hbm.at[pl.ds(base, BPW)],
                        tidx_v.at[pl.ds(0, BPW)])

        lane16 = lax.iota(jnp.int32, L)

        dvecs = [(jnp.int32(k * L) + lane16) for k in range(D // L)]

        def f_fire(jblk, buf, rr):
            off = pl.multiple_of(jblk * 128, 128)
            pltpu.async_copy(
                ftabd_hbm.at[slice(None), pl.ds(off, 128)],
                fblk_v.at[buf, rr], semf[buf])

        def f_drain(buf, rr):
            pltpu.make_async_copy(
                ftabd_hbm.at[slice(None), pl.ds(0, 128)],
                fblk_v.at[buf, rr], semf[buf]).wait()

        def f_body(g, _):
            fvec = fidx_v[pl.ds(g * L, L)]
            jvec = lax.shift_right_logical(fvec, 7)
            lvec = fvec & 127

            @pl.when(g == 0)
            def _():
                for m in range(DEPTH):
                    for rr in range(SUB):
                        f_fire(jvec[m * SUB + rr], m, rr)

            for q in range(NSUB):
                buf = q % NBUF
                nbuf = (q + DEPTH) % NBUF
                if q + DEPTH < NSUB:
                    for rr in range(SUB):
                        f_fire(jvec[(q + DEPTH) * SUB + rr], nbuf, rr)
                else:
                    @pl.when(g + 1 < NG)
                    def _():
                        nvec = lax.shift_right_logical(
                            fidx_v[pl.ds((g + 1) * L, L)], 7)
                        for rr in range(SUB):
                            f_fire(nvec[(q + DEPTH - NSUB) * SUB + rr],
                                   nbuf, rr)

                for rr in range(SUB):
                    f_drain(buf, rr)
                for rr in range(SUB):
                    j = q * SUB + rr
                    lanev = jnp.full((L,), lvec[j], jnp.int32)
                    for k in range(D // L):
                        v = plsc.load_gather(
                            fblk_v,
                            [jnp.full((L,), buf, jnp.int32),
                             jnp.full((L,), rr, jnp.int32),
                             dvecs[k], lanev])
                        frows_v[g * 8 + (j >> 1),
                                pl.ds((j & 1) * D + k * L, L)] = v
            return 0

        lax.fori_loop(0, NG, f_body, 0)

        def t_fire(h, buf):
            tvec = lax.shift_right_logical(tidx_v[pl.ds(h * TH, L)], 3)
            for j in range(TH):
                pltpu.async_copy(
                    ttab3_hbm.at[tvec[j]], tbuf_v.at[buf, j], semt[buf])

        def t_drain(buf):
            pltpu.make_async_copy(
                ttab3_hbm.at[pl.ds(0, TH)], tbuf_v.at[buf], semt[buf]).wait()

        t_fire(jnp.int32(0), 0)

        def g_body(g, _):
            acc_dot = jnp.zeros((L,), jnp.float32)
            acc_nf = jnp.zeros((L,), jnp.float32)
            acc_nt = jnp.zeros((L,), jnp.float32)
            for hh in range(2):
                h = g * 2 + hh
                buf = hh
                nbuf = 1 - hh

                @pl.when(h + 1 < 2 * NG)
                def _():
                    t_fire(h + 1, nbuf)

                t_drain(buf)
                tvec = tidx_v[pl.ds(h * TH, L)] & 7
                for j in range(TH):
                    ts = tvec[j]
                    frow = h * (TH // 2) + (j >> 1)
                    fcol = (j & 1) * D
                    f = [frows_v[frow, pl.ds(fcol + k * L, L)]
                         for k in range(D // L)]
                    t = [tbuf_v[buf, j, ts, pl.ds(k * L, L)]
                         for k in range(D // L)]
                    p_dot = f[0] * t[0]
                    p_nf = f[0] * f[0]
                    p_nt = t[0] * t[0]
                    for k in range(1, D // L):
                        p_dot = p_dot + f[k] * t[k]
                        p_nf = p_nf + f[k] * f[k]
                        p_nt = p_nt + t[k] * t[k]
                    m = lane16 == (hh * TH + j)
                    acc_dot = jnp.where(m, jnp.sum(p_dot), acc_dot)
                    acc_nf = jnp.where(m, jnp.sum(p_nf), acc_nf)
                    acc_nt = jnp.where(m, jnp.sum(p_nt), acc_nt)
            denom = jnp.maximum(acc_nf, _EPS) * jnp.maximum(acc_nt, _EPS)
            out_v[pl.ds(g * L, L)] = acc_dot * _rsqrt_newton(denom)
            return 0

        lax.fori_loop(0, NG, g_body, 0)

        pltpu.sync_copy(out_v, out_hbm.at[pl.ds(base, BPW)])

    return sc_kernel


_sc_kernel = _make_sc_kernel()


@jax.jit
def kernel(file, test, file_table, test_table):
    ftabd = file_table.T
    ttab3 = test_table.reshape(NUM_TESTS // 8, 8, D)
    out = _sc_kernel(file.reshape(B), test.reshape(B), ftabd, ttab3)
    return out.reshape(B, 1)

# --- scband reference (transcript-rebuilt; emitter-appended) ---
"""Pipeline reference for scband-nnembeddings-55190329753639 (READ-ONLY COPY).

The authoritative reference and input builder live on the scoring server;
editing this copy changes nothing except your own understanding.
"""

import jax, jax.numpy as jnp
import numpy as np

NUM_FILES = 1000000
NUM_TESTS = 100000
EMBED_DIM = 64
BATCH = 16384


def _l2_normalize(x, axis=-1, eps=1e-12):
    # matches tf.nn.l2_normalize used by keras Dot(normalize=True)
    sq = jnp.sum(x * x, axis=axis, keepdims=True)
    return x * jax.lax.rsqrt(jnp.maximum(sq, eps))


def setup_inputs(seed: int = 0) -> dict:
    key = jax.random.key(seed)
    k1, k2, k3, k4 = jax.random.split(key, 4)
    file_idx = jax.random.randint(k1, (BATCH, 1), 0, NUM_FILES, dtype=jnp.int64 if jax.config.jax_enable_x64 else jnp.int32).astype(jnp.int32)
    test_idx = jax.random.randint(k2, (BATCH, 1), 0, NUM_TESTS, dtype=jnp.int32)
    # Embedding tables (keras Embedding default init is uniform(-0.05, 0.05))
    file_table = jax.random.uniform(k3, (NUM_FILES, EMBED_DIM), dtype=jnp.float32, minval=-0.05, maxval=0.05)
    test_table = jax.random.uniform(k4, (NUM_TESTS, EMBED_DIM), dtype=jnp.float32, minval=-0.05, maxval=0.05)
    return {"file": file_idx, "test": test_idx, "file_table": file_table, "test_table": test_table}


def reference(file, test, file_table, test_table):
    # Embedding lookups: [B, 1] -> [B, 1, D]
    file_emb = jnp.take(file_table, file, axis=0)
    test_emb = jnp.take(test_table, test, axis=0)
    # Dot(normalize=True, axes=2): cosine similarity along embedding axis
    fe = _l2_normalize(file_emb, axis=2)
    te = _l2_normalize(test_emb, axis=2)
    merged = jnp.sum(fe * te, axis=2)  # [B, 1]
    # Reshape(target_shape=[1]) -> [B, 1]
    out = merged.reshape(-1, 1)
    return out


if False:  # reference __main__ guard neutralized (emitter)
    inp = setup_inputs()
    out = reference(**inp)
    print(out.shape, out.dtype)

if __name__ == "__main__":
    import jax
    _d = setup_inputs()
    print(jax.jit(kernel)(*tuple(_d.values())))

</pallas_src>

<mosaic_0001>
#map = affine_map<(d0, d1) -> (0)>
#map1 = affine_map<(d0, d1) -> (0, 0)>
#map2 = affine_map<(d0, d1) -> (0, 0, 0)>
module attributes {stable_mosaic.version = 14 : i64} {
  func.func @sc_kernel(%arg0: i32, %arg1: i32, %arg2: memref<16384xi32, #tpu.memory_space<hbm>>, %arg3: memref<16384xi32, #tpu.memory_space<hbm>>, %arg4: memref<64x1000000xf32, #tpu.memory_space<hbm>>, %arg5: memref<12500x8x64xf32, #tpu.memory_space<hbm>>, %arg6: memref<16384xf32, #tpu.memory_space<hbm>>, %arg7: memref<512xi32, #tpu.memory_space<vmem>>, %arg8: memref<528xi32, #tpu.memory_space<vmem>>, %arg9: memref<8x1x64x128xf32, #tpu.memory_space<vmem>>, %arg10: memref<2x8x8x64xf32, #tpu.memory_space<vmem>>, %arg11: memref<256x128xf32, #tpu.memory_space<vmem>>, %arg12: memref<512xf32, #tpu.memory_space<vmem>>, %arg13: memref<!tpu.dma_semaphore, #tpu.memory_space<semaphore_mem>>, %arg14: memref<!tpu.dma_semaphore, #tpu.memory_space<semaphore_mem>>, %arg15: memref<!tpu.dma_semaphore, #tpu.memory_space<semaphore_mem>>, %arg16: memref<!tpu.dma_semaphore, #tpu.memory_space<semaphore_mem>>, %arg17: memref<!tpu.dma_semaphore, #tpu.memory_space<semaphore_mem>>, %arg18: memref<!tpu.dma_semaphore, #tpu.memory_space<semaphore_mem>>, %arg19: memref<!tpu.dma_semaphore, #tpu.memory_space<semaphore_mem>>, %arg20: memref<!tpu.dma_semaphore, #tpu.memory_space<semaphore_mem>>, %arg21: memref<!tpu.dma_semaphore, #tpu.memory_space<semaphore_mem>>, %arg22: memref<!tpu.dma_semaphore, #tpu.memory_space<semaphore_mem>>) attributes {dimension_semantics = [#tpu.dimension_semantics<core_parallel>, #tpu.dimension_semantics<subcore_parallel>], iteration_bounds = array<i64: 2, 16>, scalar_prefetch = 0 : i64, scratch_operands = 16 : i64, tpu.core_type = #tpu.core_type<sc_vector_subcore>, window_params = [{transform_indices = #map}, {transform_indices = #map}, {transform_indices = #map1}, {transform_indices = #map2}, {transform_indices = #map}]} {
    %mul3A = arith.constant 2 : i32
    %mul3A_0 = arith.muli %arg1, %mul3A : i32
    %add3A = arith.addi %mul3A_0, %arg0 : i32
    %mul3A_1 = arith.constant 512 : i32
    %mul3A_2 = arith.muli %add3A, %mul3A_1 : i32
    "tpu.region"() ({
      %run_scoped3A = tpu.sem_alloc : memref<!tpu.dma_semaphore, #tpu.memory_space<semaphore_mem>>
      %dma_start3A_191 = tpu.memref_slice %arg2[%mul3A_2] : memref<16384xi32, #tpu.memory_space<hbm>> -> memref<512xi32, #tpu.memory_space<hbm>>
      %dma_start3A_192 = tpu.memref_slice %arg2[%mul3A_2] : memref<16384xi32, #tpu.memory_space<hbm>> -> memref<512xi32, #tpu.memory_space<hbm>>
      tpu.enqueue_dma source(%dma_start3A_192 : memref<512xi32, #tpu.memory_space<hbm>>) target(%arg7 : memref<512xi32, #tpu.memory_space<vmem>>) target_semaphore(%run_scoped3A : memref<!tpu.dma_semaphore, #tpu.memory_space<semaphore_mem>>)
      %dma_wait3A = tpu.memref_slice %arg2[%mul3A_2] : memref<16384xi32, #tpu.memory_space<hbm>> -> memref<512xi32, #tpu.memory_space<hbm>>
      %dma_wait3A_193 = tpu.memref_slice %arg2[%mul3A_2] : memref<16384xi32, #tpu.memory_space<hbm>> -> memref<512xi32, #tpu.memory_space<hbm>>
      tpu.wait_dma2 semaphore(%run_scoped3A : memref<!tpu.dma_semaphore, #tpu.memory_space<semaphore_mem>>) src(%dma_wait3A_193 : memref<512xi32, #tpu.memory_space<hbm>>) dst(%arg7 : memref<512xi32, #tpu.memory_space<vmem>>)
      tpu.yield
    }) : () -> ()
    "tpu.region"() ({
      %run_scoped3A = tpu.sem_alloc : memref<!tpu.dma_semaphore, #tpu.memory_space<semaphore_mem>>
      %dma_start3A_191 = arith.constant 0 : i32
      %dma_start3A_192 = tpu.memref_slice %arg8[%dma_start3A_191] : memref<528xi32, #tpu.memory_space<vmem>> -> memref<512xi32, #tpu.memory_space<vmem>>
      %dma_start3A_193 = tpu.memref_slice %arg3[%mul3A_2] : memref<16384xi32, #tpu.memory_space<hbm>> -> memref<512xi32, #tpu.memory_space<hbm>>
      %dma_start3A_194 = arith.constant 0 : i32
      %dma_start3A_195 = tpu.memref_slice %arg8[%dma_start3A_194] : memref<528xi32, #tpu.memory_space<vmem>> -> memref<512xi32, #tpu.memory_space<vmem>>
      %dma_start3A_196 = tpu.memref_slice %arg3[%mul3A_2] : memref<16384xi32, #tpu.memory_space<hbm>> -> memref<512xi32, #tpu.memory_space<hbm>>
      tpu.enqueue_dma source(%dma_start3A_196 : memref<512xi32, #tpu.memory_space<hbm>>) target(%dma_start3A_195 : memref<512xi32, #tpu.memory_space<vmem>>) target_semaphore(%run_scoped3A : memref<!tpu.dma_semaphore, #tpu.memory_space<semaphore_mem>>)
      %dma_wait3A = arith.constant 0 : i32
      %dma_wait3A_197 = tpu.memref_slice %arg8[%dma_wait3A] : memref<528xi32, #tpu.memory_space<vmem>> -> memref<512xi32, #tpu.memory_space<vmem>>
      %dma_wait3A_198 = tpu.memref_slice %arg3[%mul3A_2] : memref<16384xi32, #tpu.memory_space<hbm>> -> memref<512xi32, #tpu.memory_space<hbm>>
      %dma_wait3A_199 = arith.constant 0 : i32
      %dma_wait3A_200 = tpu.memref_slice %arg8[%dma_wait3A_199] : memref<528xi32, #tpu.memory_space<vmem>> -> memref<512xi32, #tpu.memory_space<vmem>>
      %dma_wait3A_201 = tpu.memref_slice %arg3[%mul3A_2] : memref<16384xi32, #tpu.memory_space<hbm>> -> memref<512xi32, #tpu.memory_space<hbm>>
      tpu.wait_dma2 semaphore(%run_scoped3A : memref<!tpu.dma_semaphore, #tpu.memory_space<semaphore_mem>>) src(%dma_wait3A_201 : memref<512xi32, #tpu.memory_space<hbm>>) dst(%dma_wait3A_200 : memref<512xi32, #tpu.memory_space<vmem>>)
      tpu.yield
    }) : () -> ()
    %iota3A = tpu.iota {dimensions = array<i32: 0>} : vector<16xi32>
    %add3A_3 = arith.constant 0 : i32
    %add3A_4 = vector.broadcast %add3A_3 : i32 to vector<16xi32>
    %add3A_5 = arith.addi %add3A_4, %iota3A : vector<16xi32>
    %add3A_6 = arith.constant 16 : i32
    %add3A_7 = vector.broadcast %add3A_6 : i32 to vector<16xi32>
    %add3A_8 = arith.addi %add3A_7, %iota3A : vector<16xi32>
    %add3A_9 = arith.constant 32 : i32
    %add3A_10 = vector.broadcast %add3A_9 : i32 to vector<16xi32>
    %add3A_11 = arith.addi %add3A_10, %iota3A : vector<16xi32>
    %add3A_12 = arith.constant 48 : i32
    %add3A_13 = vector.broadcast %add3A_12 : i32 to vector<16xi32>
    %add3A_14 = arith.addi %add3A_13, %iota3A : vector<16xi32>
    %scan3A = arith.constant 0 : i32
    %scan3A_15 = arith.constant 0 : i32
    %scan3A_16 = arith.constant 32 : i32
    %scan3A_17 = arith.addi %scan3A_15, %scan3A_16 : i32
    %scan3A_18 = arith.constant 1 : i32
    %scan3A_19 = scf.for %scan3A_191 = %scan3A_15 to %scan3A_17 step %scan3A_18 iter_args(%scan3A_192 = %scan3A) -> (i32)  : i32 {
      %mul3A_193 = arith.constant 16 : i32
      %mul3A_194 = arith.muli %scan3A_191, %mul3A_193 : i32
      %get3A_195 = arith.index_cast %mul3A_194 : i32 to index
      %get3A_196 = tpu.vector_load %arg7[%get3A_195] {strides = array<i32>} : memref<512xi32, #tpu.memory_space<vmem>>, vector<16xi32>,
      %shift_right_logical3A_197 = arith.constant 7 : i32
      %shift_right_logical3A_198 = vector.broadcast %shift_right_logical3A_197 : i32 to vector<16xi32>
      %shift_right_logical3A_199 = arith.shrui %get3A_196, %shift_right_logical3A_198 : vector<16xi32>
      %and3A = arith.constant 127 : i32
      %and3A_200 = vector.broadcast %and3A : i32 to vector<16xi32>
      %and3A_201 = arith.andi %get3A_196, %and3A_200 : vector<16xi32>
      %eq3A = arith.constant 0 : i32
      %eq3A_202 = arith.cmpi eq, %scan3A_191, %eq3A : i32
      %convert_element_type3A = arith.extui %eq3A_202 : i1 to i32
      %cond3A = arith.constant 0 : i32
      %cond3A_203 = arith.cmpi ne, %convert_element_type3A, %cond3A : i32
      scf.if %cond3A_203 {
        %slice3A_1491 = vector.extract_strided_slice %shift_right_logical3A_199 {offsets = [0], sizes = [1], strides = [1]} : vector<16xi32> to vector<1xi32>
        %squeeze3A_1492 = vector.extract %slice3A_1491[0] : i32 from vector<1xi32>
        %mul3A_1493 = arith.constant 128 : i32
        %mul3A_1494 = arith.muli %squeeze3A_1492, %mul3A_1493 : i32
        %multiple_of3A_1495 = tpu.assume_multiple %mul3A_1494, 128 : i32
        %dma_start3A_1496 = arith.constant 0 : i32
        %dma_start3A_1497 = arith.constant 0 : i32
        %dma_start3A_1498 = arith.constant 0 : i32
        %dma_start3A_1499 = arith.constant 0 : i32
        %dma_start3A_1500 = tpu.memref_slice %arg9[%dma_start3A_1496, %dma_start3A_1497, %dma_start3A_1498, %dma_start3A_1499] : memref<8x1x64x128xf32, #tpu.memory_space<vmem>> -> memref<1x1x64x128xf32, #tpu.memory_space<vmem>>
        %dma_start3A_1501 = tpu.memref_squeeze %dma_start3A_1500 : memref<1x1x64x128xf32, #tpu.memory_space<vmem>> -> memref<64x128xf32, #tpu.memory_space<vmem>>
        %dma_start3A_1502 = arith.constant 0 : i32
        %dma_start3A_1503 = tpu.memref_slice %arg4[%dma_start3A_1502, %multiple_of3A_1495] : memref<64x1000000xf32, #tpu.memory_space<hbm>> -> memref<64x128xf32, #tpu.memory_space<hbm>>
        %dma_start3A_1504 = arith.constant 0 : i32
        %dma_start3A_1505 = arith.constant 0 : i32
        %dma_start3A_1506 = tpu.memref_slice %arg9[%dma_start3A_1496, %dma_start3A_1497, %dma_start3A_1504, %dma_start3A_1505] : memref<8x1x64x128xf32, #tpu.memory_space<vmem>> -> memref<1x1x64x128xf32, #tpu.memory_space<vmem>>
        %dma_start3A_1507 = tpu.memref_squeeze %dma_start3A_1506 : memref<1x1x64x128xf32, #tpu.memory_space<vmem>> -> memref<64x128xf32, #tpu.memory_space<vmem>>
        %dma_start3A_1508 = arith.constant 0 : i32
        %dma_start3A_1509 = tpu.memref_slice %arg4[%dma_start3A_1508, %multiple_of3A_1495] : memref<64x1000000xf32, #tpu.memory_space<hbm>> -> memref<64x128xf32, #tpu.memory_space<hbm>>
        tpu.enqueue_dma source(%dma_start3A_1509 : memref<64x128xf32, #tpu.memory_space<hbm>>) target(%dma_start3A_1507 : memref<64x128xf32, #tpu.memory_space<vmem>>) target_semaphore(%arg13 : memref<!tpu.dma_semaphore, #tpu.memory_space<semaphore_mem>>)
        %slice3A_1510 = vector.extract_strided_slice %shift_right_logical3A_199 {offsets = [1], sizes = [1], strides = [1]} : vector<16xi32> to vector<1xi32>
        %squeeze3A_1511 = vector.extract %slice3A_1510[0] : i32 from vector<1xi32>
        %mul3A_1512 = arith.constant 128 : i32
        %mul3A_1513 = arith.muli %squeeze3A_1511, %mul3A_1512 : i32
        %multiple_of3A_1514 = tpu.assume_multiple %mul3A_1513, 128 : i32
        %dma_start3A_1515 = arith.constant 1 : i32
        %dma_start3A_1516 = arith.constant 0 : i32
        %dma_start3A_1517 = arith.constant 0 : i32
        %dma_start3A_1518 = arith.constant 0 : i32
        %dma_start3A_1519 = tpu.memref_slice %arg9[%dma_start3A_1515, %dma_start3A_1516, %dma_start3A_1517, %dma_start3A_1518] : memref<8x1x64x128xf32, #tpu.memory_space<vmem>> -> memref<1x1x64x128xf32, #tpu.memory_space<vmem>>
        %dma_start3A_1520 = tpu.memref_squeeze %dma_start3A_1519 : memref<1x1x64x128xf32, #tpu.memory_space<vmem>> -> memref<64x128xf32, #tpu.memory_space<vmem>>
        %dma_start3A_1521 = arith.constant 0 : i32
        %dma_start3A_1522 = tpu.memref_slice %arg4[%dma_start3A_1521, %multiple_of3A_1514] : memref<64x1000000xf32, #tpu.memory_space<hbm>> -> memref<64x128xf32, #tpu.memory_space<hbm>>
        %dma_start3A_1523 = arith.constant 0 : i32
        %dma_start3A_1524 = arith.constant 0 : i32
        %dma_start3A_1525 = tpu.memref_slice %arg9[%dma_start3A_1515, %dma_start3A_1516, %dma_start3A_1523, %dma_start3A_1524] : memref<8x1x64x128xf32, #tpu.memory_space<vmem>> -> memref<1x1x64x128xf32, #tpu.memory_space<vmem>>
        %dma_start3A_1526 = tpu.memref_squeeze %dma_start3A_1525 : memref<1x1x64x128xf32, #tpu.memory_space<vmem>> -> memref<64x128xf32, #tpu.memory_space<vmem>>
        %dma_start3A_1527 = arith.constant 0 : i32
        %dma_start3A_1528 = tpu.memref_slice %arg4[%dma_start3A_1527, %multiple_of3A_1514] : memref<64x1000000xf32, #tpu.memory_space<hbm>> -> memref<64x128xf32, #tpu.memory_space<hbm>>
        tpu.enqueue_dma source(%dma_start3A_1528 : memref<64x128xf32, #tpu.memory_space<hbm>>) target(%dma_start3A_1526 : memref<64x128xf32, #tpu.memory_space<vmem>>) target_semaphore(%arg14 : memref<!tpu.dma_semaphore, #tpu.memory_space<semaphore_mem>>)
        %slice3A_1529 = vector.extract_strided_slice %shift_right_logical3A_199 {offsets = [2], sizes = [1], strides = [1]} : vector<16xi32> to vector<1xi32>
        %squeeze3A_1530 = vector.extract %slice3A_1529[0] : i32 from vector<1xi32>
        %mul3A_1531 = arith.constant 128 : i32
        %mul3A_1532 = arith.muli %squeeze3A_1530, %mul3A_1531 : i32
        %multiple_of3A_1533 = tpu.assume_multiple %mul3A_1532, 128 : i32
        %dma_start3A_1534 = arith.constant 2 : i32
        %dma_start3A_1535 = arith.constant 0 : i32
        %dma_start3A_1536 = arith.constant 0 : i32
        %dma_start3A_1537 = arith.constant 0 : i32
        %dma_start3A_1538 = tpu.memref_slice %arg9[%dma_start3A_1534, %dma_start3A_1535, %dma_start3A_1536, %dma_start3A_1537] : memref<8x1x64x128xf32, #tpu.memory_space<vmem>> -> memref<1x1x64x128xf32, #tpu.memory_space<vmem>>
        %dma_start3A_1539 = tpu.memref_squeeze %dma_start3A_1538 : memref<1x1x64x128xf32, #tpu.memory_space<vmem>> -> memref<64x128xf32, #tpu.memory_space<vmem>>
        %dma_start3A_1540 = arith.constant 0 : i32
        %dma_start3A_1541 = tpu.memref_slice %arg4[%dma_start3A_1540, %multiple_of3A_1533] : memref<64x1000000xf32, #tpu.memory_space<hbm>> -> memref<64x128xf32, #tpu.memory_space<hbm>>
        %dma_start3A_1542 = arith.constant 0 : i32
        %dma_start3A_1543 = arith.constant 0 : i32
        %dma_start3A_1544 = tpu.memref_slice %arg9[%dma_start3A_1534, %dma_start3A_1535, %dma_start3A_1542, %dma_start3A_1543] : memref<8x1x64x128xf32, #tpu.memory_space<vmem>> -> memref<1x1x64x128xf32, #tpu.memory_space<vmem>>
        %dma_start3A_1545 = tpu.memref_squeeze %dma_start3A_1544 : memref<1x1x64x128xf32, #tpu.memory_space<vmem>> -> memref<64x128xf32, #tpu.memory_space<vmem>>
        %dma_start3A_1546 = arith.constant 0 : i32
        %dma_start3A_1547 = tpu.memref_slice %arg4[%dma_start3A_1546, %multiple_of3A_1533] : memref<64x1000000xf32, #tpu.memory_space<hbm>> -> memref<64x128xf32, #tpu.memory_space<hbm>>
        tpu.enqueue_dma source(%dma_start3A_1547 : memref<64x128xf32, #tpu.memory_space<hbm>>) target(%dma_start3A_1545 : memref<64x128xf32, #tpu.memory_space<vmem>>) target_semaphore(%arg15 : memref<!tpu.dma_semaphore, #tpu.memory_space<semaphore_mem>>)
        %slice3A_1548 = vector.extract_strided_slice %shift_right_logical3A_199 {offsets = [3], sizes = [1], strides = [1]} : vector<16xi32> to vector<1xi32>
        %squeeze3A_1549 = vector.extract %slice3A_1548[0] : i32 from vector<1xi32>
        %mul3A_1550 = arith.constant 128 : i32
        %mul3A_1551 = arith.muli %squeeze3A_1549, %mul3A_1550 : i32
        %multiple_of3A_1552 = tpu.assume_multiple %mul3A_1551, 128 : i32
        %dma_start3A_1553 = arith.constant 3 : i32
        %dma_start3A_1554 = arith.constant 0 : i32
        %dma_start3A_1555 = arith.constant 0 : i32
        %dma_start3A_1556 = arith.constant 0 : i32
        %dma_start3A_1557 = tpu.memref_slice %arg9[%dma_start3A_1553, %dma_start3A_1554, %dma_start3A_1555, %dma_start3A_1556] : memref<8x1x64x128xf32, #tpu.memory_space<vmem>> -> memref<1x1x64x128xf32, #tpu.memory_space<vmem>>
        %dma_start3A_1558 = tpu.memref_squeeze %dma_start3A_1557 : memref<1x1x64x128xf32, #tpu.memory_space<vmem>> -> memref<64x128xf32, #tpu.memory_space<vmem>>
        %dma_start3A_1559 = arith.constant 0 : i32
        %dma_start3A_1560 = tpu.memref_slice %arg4[%dma_start3A_1559, %multiple_of3A_1552] : memref<64x1000000xf32, #tpu.memory_space<hbm>> -> memref<64x128xf32, #tpu.memory_space<hbm>>
        %dma_start3A_1561 = arith.constant 0 : i32
        %dma_start3A_1562 = arith.constant 0 : i32
        %dma_start3A_1563 = tpu.memref_slice %arg9[%dma_start3A_1553, %dma_start3A_1554, %dma_start3A_1561, %dma_start3A_1562] : memref<8x1x64x128xf32, #tpu.memory_space<vmem>> -> memref<1x1x64x128xf32, #tpu.memory_space<vmem>>
        %dma_start3A_1564 = tpu.memref_squeeze %dma_start3A_1563 : memref<1x1x64x128xf32, #tpu.memory_space<vmem>> -> memref<64x128xf32, #tpu.memory_space<vmem>>
        %dma_start3A_1565 = arith.constant 0 : i32
        %dma_start3A_1566 = tpu.memref_slice %arg4[%dma_start3A_1565, %multiple_of3A_1552] : memref<64x1000000xf32, #tpu.memory_space<hbm>> -> memref<64x128xf32, #tpu.memory_space<hbm>>
        tpu.enqueue_dma source(%dma_start3A_1566 : memref<64x128xf32, #tpu.memory_space<hbm>>) target(%dma_start3A_1564 : memref<64x128xf32, #tpu.memory_space<vmem>>) target_semaphore(%arg16 : memref<!tpu.dma_semaphore, #tpu.memory_space<semaphore_mem>>)
        %slice3A_1567 = vector.extract_strided_slice %shift_right_logical3A_199 {offsets = [4], sizes = [1], strides = [1]} : vector<16xi32> to vector<1xi32>
        %squeeze3A_1568 = vector.extract %slice3A_1567[0] : i32 from vector<1xi32>
        %mul3A_1569 = arith.constant 128 : i32
        %mul3A_1570 = arith.muli %squeeze3A_1568, %mul3A_1569 : i32
        %multiple_of3A_1571 = tpu.assume_multiple %mul3A_1570, 128 : i32
        %dma_start3A_1572 = arith.constant 4 : i32
        %dma_start3A_1573 = arith.constant 0 : i32
        %dma_start3A_1574 = arith.constant 0 : i32
        %dma_start3A_1575 = arith.constant 0 : i32
        %dma_start3A_1576 = tpu.memref_slice %arg9[%dma_start3A_1572, %dma_start3A_1573, %dma_start3A_1574, %dma_start3A_1575] : memref<8x1x64x128xf32, #tpu.memory_space<vmem>> -> memref<1x1x64x128xf32, #tpu.memory_space<vmem>>
        %dma_start3A_1577 = tpu.memref_squeeze %dma_start3A_1576 : memref<1x1x64x128xf32, #tpu.memory_space<vmem>> -> memref<64x128xf32, #tpu.memory_space<vmem>>
        %dma_start3A_1578 = arith.constant 0 : i32
        %dma_start3A_1579 = tpu.memref_slice %arg4[%dma_start3A_1578, %multiple_of3A_1571] : memref<64x1000000xf32, #tpu.memory_space<hbm>> -> memref<64x128xf32, #tpu.memory_space<hbm>>
        %dma_start3A_1580 = arith.constant 0 : i32
        %dma_start3A_1581 = arith.constant 0 : i32
        %dma_start3A_1582 = tpu.memref_slice %arg9[%dma_start3A_1572, %dma_start3A_1573, %dma_start3A_1580, %dma_start3A_1581] : memref<8x1x64x128xf32, #tpu.memory_space<vmem>> -> memref<1x1x64x128xf32, #tpu.memory_space<vmem>>
        %dma_start3A_1583 = tpu.memref_squeeze %dma_start3A_1582 : memref<1x1x64x128xf32, #tpu.memory_space<vmem>> -> memref<64x128xf32, #tpu.memory_space<vmem>>
        %dma_start3A_1584 = arith.constant 0 : i32
        %dma_start3A_1585 = tpu.memref_slice %arg4[%dma_start3A_1584, %multiple_of3A_1571] : memref<64x1000000xf32, #tpu.memory_space<hbm>> -> memref<64x128xf32, #tpu.memory_space<hbm>>
        tpu.enqueue_dma source(%dma_start3A_1585 : memref<64x128xf32, #tpu.memory_space<hbm>>) target(%dma_start3A_1583 : memref<64x128xf32, #tpu.memory_space<vmem>>) target_semaphore(%arg17 : memref<!tpu.dma_semaphore, #tpu.memory_space<semaphore_mem>>)
        %slice3A_1586 = vector.extract_strided_slice %shift_right_logical3A_199 {offsets = [5], sizes = [1], strides = [1]} : vector<16xi32> to vector<1xi32>
        %squeeze3A_1587 = vector.extract %slice3A_1586[0] : i32 from vector<1xi32>
        %mul3A_1588 = arith.constant 128 : i32
        %mul3A_1589 = arith.muli %squeeze3A_1587, %mul3A_1588 : i32
        %multiple_of3A_1590 = tpu.assume_multiple %mul3A_1589, 128 : i32
        %dma_start3A_1591 = arith.constant 5 : i32
        %dma_start3A_1592 = arith.constant 0 : i32
        %dma_start3A_1593 = arith.constant 0 : i32
        %dma_start3A_1594 = arith.constant 0 : i32
        %dma_start3A_1595 = tpu.memref_slice %arg9[%dma_start3A_1591, %dma_start3A_1592, %dma_start3A_1593, %dma_start3A_1594] : memref<8x1x64x128xf32, #tpu.memory_space<vmem>> -> memref<1x1x64x128xf32, #tpu.memory_space<vmem>>
        %dma_start3A_1596 = tpu.memref_squeeze %dma_start3A_1595 : memref<1x1x64x128xf32, #tpu.memory_space<vmem>> -> memref<64x128xf32, #tpu.memory_space<vmem>>
        %dma_start3A_1597 = arith.constant 0 : i32
        %dma_start3A_1598 = tpu.memref_slice %arg4[%dma_start3A_1597, %multiple_of3A_1590] : memref<64x1000000xf32, #tpu.memory_space<hbm>> -> memref<64x128xf32, #tpu.memory_space<hbm>>
        %dma_start3A_1599 = arith.constant 0 : i32
        %dma_start3A_1600 = arith.constant 0 : i32
        %dma_start3A_1601 = tpu.memref_slice %arg9[%dma_start3A_1591, %dma_start3A_1592, %dma_start3A_1599, %dma_start3A_1600] : memref<8x1x64x128xf32, #tpu.memory_space<vmem>> -> memref<1x1x64x128xf32, #tpu.memory_space<vmem>>
        %dma_start3A_1602 = tpu.memref_squeeze %dma_start3A_1601 : memref<1x1x64x128xf32, #tpu.memory_space<vmem>> -> memref<64x128xf32, #tpu.memory_space<vmem>>
        %dma_start3A_1603 = arith.constant 0 : i32
        %dma_start3A_1604 = tpu.memref_slice %arg4[%dma_start3A_1603, %multiple_of3A_1590] : memref<64x1000000xf32, #tpu.memory_space<hbm>> -> memref<64x128xf32, #tpu.memory_space<hbm>>
        tpu.enqueue_dma source(%dma_start3A_1604 : memref<64x128xf32, #tpu.memory_space<hbm>>) target(%dma_start3A_1602 : memref<64x128xf32, #tpu.memory_space<vmem>>) target_semaphore(%arg18 : memref<!tpu.dma_semaphore, #tpu.memory_space<semaphore_mem>>)
        %slice3A_1605 = vector.extract_strided_slice %shift_right_logical3A_199 {offsets = [6], sizes = [1], strides = [1]} : vector<16xi32> to vector<1xi32>
        %squeeze3A_1606 = vector.extract %slice3A_1605[0] : i32 from vector<1xi32>
        %mul3A_1607 = arith.constant 128 : i32
        %mul3A_1608 = arith.muli %squeeze3A_1606, %mul3A_1607 : i32
        %multiple_of3A_1609 = tpu.assume_multiple %mul3A_1608, 128 : i32
        %dma_start3A_1610 = arith.constant 6 : i32
        %dma_start3A_1611 = arith.constant 0 : i32
        %dma_start3A_1612 = arith.constant 0 : i32
        %dma_start3A_1613 = arith.constant 0 : i32
        %dma_start3A_1614 = tpu.memref_slice %arg9[%dma_start3A_1610, %dma_start3A_1611, %dma_start3A_1612, %dma_start3A_1613] : memref<8x1x64x128xf32, #tpu.memory_space<vmem>> -> memref<1x1x64x128xf32, #tpu.memory_space<vmem>>
        %dma_start3A_1615 = tpu.memref_squeeze %dma_start3A_1614 : memref<1x1x64x128xf32, #tpu.memory_space<vmem>> -> memref<64x128xf32, #tpu.memory_space<vmem>>
        %dma_start3A_1616 = arith.constant 0 : i32
        %dma_start3A_1617 = tpu.memref_slice %arg4[%dma_start3A_1616, %multiple_of3A_1609] : memref<64x1000000xf32, #tpu.memory_space<hbm>> -> memref<64x128xf32, #tpu.memory_space<hbm>>
        %dma_start3A_1618 = arith.constant 0 : i32
        %dma_start3A_1619 = arith.constant 0 : i32
        %dma_start3A_1620 = tpu.memref_slice %arg9[%dma_start3A_1610, %dma_start3A_1611, %dma_start3A_1618, %dma_start3A_1619] : memref<8x1x64x128xf32, #tpu.memory_space<vmem>> -> memref<1x1x64x128xf32, #tpu.memory_space<vmem>>
        %dma_start3A_1621 = tpu.memref_squeeze %dma_start3A_1620 : memref<1x1x64x128xf32, #tpu.memory_space<vmem>> -> memref<64x128xf32, #tpu.memory_space<vmem>>
        %dma_start3A_1622 = arith.constant 0 : i32
        %dma_start3A_1623 = tpu.memref_slice %arg4[%dma_start3A_1622, %multiple_of3A_1609] : memref<64x1000000xf32, #tpu.memory_space<hbm>> -> memref<64x128xf32, #tpu.memory_space<hbm>>
        tpu.enqueue_dma source(%dma_start3A_1623 : memref<64x128xf32, #tpu.memory_space<hbm>>) target(%dma_start3A_1621 : memref<64x128xf32, #tpu.memory_space<vmem>>) target_semaphore(%arg19 : memref<!tpu.dma_semaphore, #tpu.memory_space<semaphore_mem>>)
      } else {
      }
      %slice3A_204 = vector.extract_strided_slice %shift_right_logical3A_199 {offsets = [7], sizes = [1], strides = [1]} : vector<16xi32> to vector<1xi32>
      %squeeze3A_205 = vector.extract %slice3A_204[0] : i32 from vector<1xi32>
      %mul3A_206 = arith.constant 128 : i32
      %mul3A_207 = arith.muli %squeeze3A_205, %mul3A_206 : i32
      %multiple_of3A = tpu.assume_multiple %mul3A_207, 128 : i32
      %dma_start3A_208 = arith.constant 7 : i32
      %dma_start3A_209 = arith.constant 0 : i32
      %dma_start3A_210 = arith.constant 0 : i32
      %dma_start3A_211 = arith.constant 0 : i32
      %dma_start3A_212 = tpu.memref_slice %arg9[%dma_start3A_208, %dma_start3A_209, %dma_start3A_210, %dma_start3A_211] : memref<8x1x64x128xf32, #tpu.memory_space<vmem>> -> memref<1x1x64x128xf32, #tpu.memory_space<vmem>>
      %dma_start3A_213 = tpu.memref_squeeze %dma_start3A_212 : memref<1x1x64x128xf32, #tpu.memory_space<vmem>> -> memref<64x128xf32, #tpu.memory_space<vmem>>
      %dma_start3A_214 = arith.constant 0 : i32
      %dma_start3A_215 = tpu.memref_slice %arg4[%dma_start3A_214, %multiple_of3A] : memref<64x1000000xf32, #tpu.memory_space<hbm>> -> memref<64x128xf32, #tpu.memory_space<hbm>>
      %dma_start3A_216 = arith.constant 0 : i32
      %dma_start3A_217 = arith.constant 0 : i32
      %dma_start3A_218 = tpu.memref_slice %arg9[%dma_start3A_208, %dma_start3A_209, %dma_start3A_216, %dma_start3A_217] : memref<8x1x64x128xf32, #tpu.memory_space<vmem>> -> memref<1x1x64x128xf32, #tpu.memory_space<vmem>>
      %dma_start3A_219 = tpu.memref_squeeze %dma_start3A_218 : memref<1x1x64x128xf32, #tpu.memory_space<vmem>> -> memref<64x128xf32, #tpu.memory_space<vmem>>
      %dma_start3A_220 = arith.constant 0 : i32
      %dma_start3A_221 = tpu.memref_slice %arg4[%dma_start3A_220, %multiple_of3A] : memref<64x1000000xf32, #tpu.memory_space<hbm>> -> memref<64x128xf32, #tpu.memory_space<hbm>>
      tpu.enqueue_dma source(%dma_start3A_221 : memref<64x128xf32, #tpu.memory_space<hbm>>) target(%dma_start3A_219 : memref<64x128xf32, #tpu.memory_space<vmem>>) target_semaphore(%arg20 : memref<!tpu.dma_semaphore, #tpu.memory_space<semaphore_mem>>)
      %dma_wait3A = arith.constant 0 : i32
      %dma_wait3A_222 = arith.constant 0 : i32
      %dma_wait3A_223 = arith.constant 0 : i32
      %dma_wait3A_224 = arith.constant 0 : i32
      %dma_wait3A_225 = tpu.memref_slice %arg9[%dma_wait3A, %dma_wait3A_222, %dma_wait3A_223, %dma_wait3A_224] : memref<8x1x64x128xf32, #tpu.memory_space<vmem>> -> memref<1x1x64x128xf32, #tpu.memory_space<vmem>>
      %dma_wait3A_226 = tpu.memref_squeeze %dma_wait3A_225 : memref<1x1x64x128xf32, #tpu.memory_space<vmem>> -> memref<64x128xf32, #tpu.memory_space<vmem>>
      %dma_wait3A_227 = arith.constant 0 : i32
      %dma_wait3A_228 = arith.constant 0 : i32
      %dma_wait3A_229 = tpu.memref_slice %arg4[%dma_wait3A_227, %dma_wait3A_228] : memref<64x1000000xf32, #tpu.memory_space<hbm>> -> memref<64x128xf32, #tpu.memory_space<hbm>>
      %dma_wait3A_230 = arith.constant 0 : i32
      %dma_wait3A_231 = arith.constant 0 : i32
      %dma_wait3A_232 = tpu.memref_slice %arg9[%dma_wait3A, %dma_wait3A_222, %dma_wait3A_230, %dma_wait3A_231] : memref<8x1x64x128xf32, #tpu.memory_space<vmem>> -> memref<1x1x64x128xf32, #tpu.memory_space<vmem>>
      %dma_wait3A_233 = tpu.memref_squeeze %dma_wait3A_232 : memref<1x1x64x128xf32, #tpu.memory_space<vmem>> -> memref<64x128xf32, #tpu.memory_space<vmem>>
      %dma_wait3A_234 = arith.constant 0 : i32
      %dma_wait3A_235 = arith.constant 0 : i32
      %dma_wait3A_236 = tpu.memref_slice %arg4[%dma_wait3A_234, %dma_wait3A_235] : memref<64x1000000xf32, #tpu.memory_space<hbm>> -> memref<64x128xf32, #tpu.memory_space<hbm>>
      tpu.wait_dma2 semaphore(%arg13 : memref<!tpu.dma_semaphore, #tpu.memory_space<semaphore_mem>>) src(%dma_wait3A_236 : memref<64x128xf32, #tpu.memory_space<hbm>>) dst(%dma_wait3A_233 : memref<64x128xf32, #tpu.memory_space<vmem>>)
      %slice3A_237 = vector.extract_strided_slice %and3A_201 {offsets = [0], sizes = [1], strides = [1]} : vector<16xi32> to vector<1xi32>
      %squeeze3A_238 = vector.extract %slice3A_237[0] : i32 from vector<1xi32>
      %broadcast_in_dim3A = vector.broadcast %squeeze3A_238 : i32 to vector<16xi32>
      %broadcast_in_dim3A_239 = arith.constant 0 : i32
      %broadcast_in_dim3A_240 = vector.broadcast %broadcast_in_dim3A_239 : i32 to vector<16xi32>
      %broadcast_in_dim3A_241 = arith.constant 0 : i32
      %broadcast_in_dim3A_242 = vector.broadcast %broadcast_in_dim3A_241 : i32 to vector<16xi32>
      %gather3A = tpu.vector_load_idx %arg9[%broadcast_in_dim3A_240, %broadcast_in_dim3A_242, %add3A_5, %broadcast_in_dim3A] : memref<8x1x64x128xf32, #tpu.memory_space<vmem>>[vector<16xi32>, vector<16xi32>, vector<16xi32>, vector<16xi32>], vector<16xf32>,
      %mul3A_243 = arith.constant 8 : i32
      %mul3A_244 = arith.muli %scan3A_191, %mul3A_243 : i32
      %add3A_245 = arith.constant 0 : i32
      %add3A_246 = arith.addi %mul3A_244, %add3A_245 : i32
      %swap3A = arith.index_cast %add3A_246 : i32 to index
      %swap3A_247 = arith.constant 0 : index
      %swap3A_248 = tpu.vector_load %arg11[%swap3A, %swap3A_247] {strides = array<i32>} : memref<256x128xf32, #tpu.memory_space<vmem>>, vector<16xf32>,
      tpu.vector_store %arg11[%swap3A, %swap3A_247], %gather3A {strides = array<i32>} : memref<256x128xf32, #tpu.memory_space<vmem>>, vector<16xf32>,
      %broadcast_in_dim3A_249 = arith.constant 0 : i32
      %broadcast_in_dim3A_250 = vector.broadcast %broadcast_in_dim3A_249 : i32 to vector<16xi32>
      %broadcast_in_dim3A_251 = arith.constant 0 : i32
      %broadcast_in_dim3A_252 = vector.broadcast %broadcast_in_dim3A_251 : i32 to vector<16xi32>
      %gather3A_253 = tpu.vector_load_idx %arg9[%broadcast_in_dim3A_250, %broadcast_in_dim3A_252, %add3A_8, %broadcast_in_dim3A] : memref<8x1x64x128xf32, #tpu.memory_space<vmem>>[vector<16xi32>, vector<16xi32>, vector<16xi32>, vector<16xi32>], vector<16xf32>,
      %mul3A_254 = arith.constant 8 : i32
      %mul3A_255 = arith.muli %scan3A_191, %mul3A_254 : i32
      %add3A_256 = arith.constant 0 : i32
      %add3A_257 = arith.addi %mul3A_255, %add3A_256 : i32
      %swap3A_258 = arith.index_cast %add3A_257 : i32 to index
      %swap3A_259 = arith.constant 16 : index
      %swap3A_260 = tpu.vector_load %arg11[%swap3A_258, %swap3A_259] {strides = array<i32>} : memref<256x128xf32, #tpu.memory_space<vmem>>, vector<16xf32>,
      tpu.vector_store %arg11[%swap3A_258, %swap3A_259], %gather3A_253 {strides = array<i32>} : memref<256x128xf32, #tpu.memory_space<vmem>>, vector<16xf32>,
      %broadcast_in_dim3A_261 = arith.constant 0 : i32
      %broadcast_in_dim3A_262 = vector.broadcast %broadcast_in_dim3A_261 : i32 to vector<16xi32>
      %broadcast_in_dim3A_263 = arith.constant 0 : i32
      %broadcast_in_dim3A_264 = vector.broadcast %broadcast_in_dim3A_263 : i32 to vector<16xi32>
      %gather3A_265 = tpu.vector_load_idx %arg9[%broadcast_in_dim3A_262, %broadcast_in_dim3A_264, %add3A_11, %broadcast_in_dim3A] : memref<8x1x64x128xf32, #tpu.memory_space<vmem>>[vector<16xi32>, vector<16xi32>, vector<16xi32>, vector<16xi32>], vector<16xf32>,
      %mul3A_266 = arith.constant 8 : i32
      %mul3A_267 = arith.muli %scan3A_191, %mul3A_266 : i32
      %add3A_268 = arith.constant 0 : i32
      %add3A_269 = arith.addi %mul3A_267, %add3A_268 : i32
      %swap3A_270 = arith.index_cast %add3A_269 : i32 to index
      %swap3A_271 = arith.constant 32 : index
      %swap3A_272 = tpu.vector_load %arg11[%swap3A_270, %swap3A_271] {strides = array<i32>} : memref<256x128xf32, #tpu.memory_space<vmem>>, vector<16xf32>,
      tpu.vector_store %arg11[%swap3A_270, %swap3A_271], %gather3A_265 {strides = array<i32>} : memref<256x128xf32, #tpu.memory_space<vmem>>, vector<16xf32>,
      %broadcast_in_dim3A_273 = arith.constant 0 : i32
      %broadcast_in_dim3A_274 = vector.broadcast %broadcast_in_dim3A_273 : i32 to vector<16xi32>
      %broadcast_in_dim3A_275 = arith.constant 0 : i32
      %broadcast_in_dim3A_276 = vector.broadcast %broadcast_in_dim3A_275 : i32 to vector<16xi32>
      %gather3A_277 = tpu.vector_load_idx %arg9[%broadcast_in_dim3A_274, %broadcast_in_dim3A_276, %add3A_14, %broadcast_in_dim3A] : memref<8x1x64x128xf32, #tpu.memory_space<vmem>>[vector<16xi32>, vector<16xi32>, vector<16xi32>, vector<16xi32>], vector<16xf32>,
      %mul3A_278 = arith.constant 8 : i32
      %mul3A_279 = arith.muli %scan3A_191, %mul3A_278 : i32
      %add3A_280 = arith.constant 0 : i32
      %add3A_281 = arith.addi %mul3A_279, %add3A_280 : i32
      %swap3A_282 = arith.index_cast %add3A_281 : i32 to index
      %swap3A_283 = arith.constant 48 : index
      %swap3A_284 = tpu.vector_load %arg11[%swap3A_282, %swap3A_283] {strides = array<i32>} : memref<256x128xf32, #tpu.memory_space<vmem>>, vector<16xf32>,
      tpu.vector_store %arg11[%swap3A_282, %swap3A_283], %gather3A_277 {strides = array<i32>} : memref<256x128xf32, #tpu.memory_space<vmem>>, vector<16xf32>,
      %slice3A_285 = vector.extract_strided_slice %shift_right_logical3A_199 {offsets = [8], sizes = [1], strides = [1]} : vector<16xi32> to vector<1xi32>
      %squeeze3A_286 = vector.extract %slice3A_285[0] : i32 from vector<1xi32>
      %mul3A_287 = arith.constant 128 : i32
      %mul3A_288 = arith.muli %squeeze3A_286, %mul3A_287 : i32
      %multiple_of3A_289 = tpu.assume_multiple %mul3A_288, 128 : i32
      %dma_start3A_290 = arith.constant 0 : i32
      %dma_start3A_291 = arith.constant 0 : i32
      %dma_start3A_292 = arith.constant 0 : i32
      %dma_start3A_293 = arith.constant 0 : i32
      %dma_start3A_294 = tpu.memref_slice %arg9[%dma_start3A_290, %dma_start3A_291, %dma_start3A_292, %dma_start3A_293] : memref<8x1x64x128xf32, #tpu.memory_space<vmem>> -> memref<1x1x64x128xf32, #tpu.memory_space<vmem>>
      %dma_start3A_295 = tpu.memref_squeeze %dma_start3A_294 : memref<1x1x64x128xf32, #tpu.memory_space<vmem>> -> memref<64x128xf32, #tpu.memory_space<vmem>>
      %dma_start3A_296 = arith.constant 0 : i32
      %dma_start3A_297 = tpu.memref_slice %arg4[%dma_start3A_296, %multiple_of3A_289] : memref<64x1000000xf32, #tpu.memory_space<hbm>> -> memref<64x128xf32, #tpu.memory_space<hbm>>
      %dma_start3A_298 = arith.constant 0 : i32
      %dma_start3A_299 = arith.constant 0 : i32
      %dma_start3A_300 = tpu.memref_slice %arg9[%dma_start3A_290, %dma_start3A_291, %dma_start3A_298, %dma_start3A_299] : memref<8x1x64x128xf32, #tpu.memory_space<vmem>> -> memref<1x1x64x128xf32, #tpu.memory_space<vmem>>
      %dma_start3A_301 = tpu.memref_squeeze %dma_start3A_300 : memref<1x1x64x128xf32, #tpu.memory_space<vmem>> -> memref<64x128xf32, #tpu.memory_space<vmem>>
      %dma_start3A_302 = arith.constant 0 : i32
      %dma_start3A_303 = tpu.memref_slice %arg4[%dma_start3A_302, %multiple_of3A_289] : memref<64x1000000xf32, #tpu.memory_space<hbm>> -> memref<64x128xf32, #tpu.memory_space<hbm>>
      tpu.enqueue_dma source(%dma_start3A_303 : memref<64x128xf32, #tpu.memory_space<hbm>>) target(%dma_start3A_301 : memref<64x128xf32, #tpu.memory_space<vmem>>) target_semaphore(%arg13 : memref<!tpu.dma_semaphore, #tpu.memory_space<semaphore_mem>>)
      %dma_wait3A_304 = arith.constant 1 : i32
      %dma_wait3A_305 = arith.constant 0 : i32
      %dma_wait3A_306 = arith.constant 0 : i32
      %dma_wait3A_307 = arith.constant 0 : i32
      %dma_wait3A_308 = tpu.memref_slice %arg9[%dma_wait3A_304, %dma_wait3A_305, %dma_wait3A_306, %dma_wait3A_307] : memref<8x1x64x128xf32, #tpu.memory_space<vmem>> -> memref<1x1x64x128xf32, #tpu.memory_space<vmem>>
      %dma_wait3A_309 = tpu.memref_squeeze %dma_wait3A_308 : memref<1x1x64x128xf32, #tpu.memory_space<vmem>> -> memref<64x128xf32, #tpu.memory_space<vmem>>
      %dma_wait3A_310 = arith.constant 0 : i32
      %dma_wait3A_311 = arith.constant 0 : i32
      %dma_wait3A_312 = tpu.memref_slice %arg4[%dma_wait3A_310, %dma_wait3A_311] : memref<64x1000000xf32, #tpu.memory_space<hbm>> -> memref<64x128xf32, #tpu.memory_space<hbm>>
      %dma_wait3A_313 = arith.constant 0 : i32
      %dma_wait3A_314 = arith.constant 0 : i32
      %dma_wait3A_315 = tpu.memref_slice %arg9[%dma_wait3A_304, %dma_wait3A_305, %dma_wait3A_313, %dma_wait3A_314] : memref<8x1x64x128xf32, #tpu.memory_space<vmem>> -> memref<1x1x64x128xf32, #tpu.memory_space<vmem>>
      %dma_wait3A_316 = tpu.memref_squeeze %dma_wait3A_315 : memref<1x1x64x128xf32, #tpu.memory_space<vmem>> -> memref<64x128xf32, #tpu.memory_space<vmem>>
      %dma_wait3A_317 = arith.constant 0 : i32
      %dma_wait3A_318 = arith.constant 0 : i32
      %dma_wait3A_319 = tpu.memref_slice %arg4[%dma_wait3A_317, %dma_wait3A_318] : memref<64x1000000xf32, #tpu.memory_space<hbm>> -> memref<64x128xf32, #tpu.memory_space<hbm>>
      tpu.wait_dma2 semaphore(%arg14 : memref<!tpu.dma_semaphore, #tpu.memory_space<semaphore_mem>>) src(%dma_wait3A_319 : memref<64x128xf32, #tpu.memory_space<hbm>>) dst(%dma_wait3A_316 : memref<64x128xf32, #tpu.memory_space<vmem>>)
      %slice3A_320 = vector.extract_strided_slice %and3A_201 {offsets = [1], sizes = [1], strides = [1]} : vector<16xi32> to vector<1xi32>
      %squeeze3A_321 = vector.extract %slice3A_320[0] : i32 from vector<1xi32>
      %broadcast_in_dim3A_322 = vector.broadcast %squeeze3A_321 : i32 to vector<16xi32>
      %broadcast_in_dim3A_323 = arith.constant 1 : i32
      %broadcast_in_dim3A_324 = vector.broadcast %broadcast_in_dim3A_323 : i32 to vector<16xi32>
      %broadcast_in_dim3A_325 = arith.constant 0 : i32
      %broadcast_in_dim3A_326 = vector.broadcast %broadcast_in_dim3A_325 : i32 to vector<16xi32>
      %gather3A_327 = tpu.vector_load_idx %arg9[%broadcast_in_dim3A_324, %broadcast_in_dim3A_326, %add3A_5, %broadcast_in_dim3A_322] : memref<8x1x64x128xf32, #tpu.memory_space<vmem>>[vector<16xi32>, vector<16xi32>, vector<16xi32>, vector<16xi32>], vector<16xf32>,
      %mul3A_328 = arith.constant 8 : i32
      %mul3A_329 = arith.muli %scan3A_191, %mul3A_328 : i32
      %add3A_330 = arith.constant 0 : i32
      %add3A_331 = arith.addi %mul3A_329, %add3A_330 : i32
      %swap3A_332 = arith.index_cast %add3A_331 : i32 to index
      %swap3A_333 = arith.constant 64 : index
      %swap3A_334 = tpu.vector_load %arg11[%swap3A_332, %swap3A_333] {strides = array<i32>} : memref<256x128xf32, #tpu.memory_space<vmem>>, vector<16xf32>,
      tpu.vector_store %arg11[%swap3A_332, %swap3A_333], %gather3A_327 {strides = array<i32>} : memref<256x128xf32, #tpu.memory_space<vmem>>, vector<16xf32>,
      %broadcast_in_dim3A_335 = arith.constant 1 : i32
      %broadcast_in_dim3A_336 = vector.broadcast %broadcast_in_dim3A_335 : i32 to vector<16xi32>
      %broadcast_in_dim3A_337 = arith.constant 0 : i32
      %broadcast_in_dim3A_338 = vector.broadcast %broadcast_in_dim3A_337 : i32 to vector<16xi32>
      %gather3A_339 = tpu.vector_load_idx %arg9[%broadcast_in_dim3A_336, %broadcast_in_dim3A_338, %add3A_8, %broadcast_in_dim3A_322] : memref<8x1x64x128xf32, #tpu.memory_space<vmem>>[vector<16xi32>, vector<16xi32>, vector<16xi32>, vector<16xi32>], vector<16xf32>,
      %mul3A_340 = arith.constant 8 : i32
      %mul3A_341 = arith.muli %scan3A_191, %mul3A_340 : i32
      %add3A_342 = arith.constant 0 : i32
      %add3A_343 = arith.addi %mul3A_341, %add3A_342 : i32
      %swap3A_344 = arith.index_cast %add3A_343 : i32 to index
      %swap3A_345 = arith.constant 80 : index
      %swap3A_346 = tpu.vector_load %arg11[%swap3A_344, %swap3A_345] {strides = array<i32>} : memref<256x128xf32, #tpu.memory_space<vmem>>, vector<16xf32>,
      tpu.vector_store %arg11[%swap3A_344, %swap3A_345], %gather3A_339 {strides = array<i32>} : memref<256x128xf32, #tpu.memory_space<vmem>>, vector<16xf32>,
      %broadcast_in_dim3A_347 = arith.constant 1 : i32
      %broadcast_in_dim3A_348 = vector.broadcast %broadcast_in_dim3A_347 : i32 to vector<16xi32>
      %broadcast_in_dim3A_349 = arith.constant 0 : i32
      %broadcast_in_dim3A_350 = vector.broadcast %broadcast_in_dim3A_349 : i32 to vector<16xi32>
      %gather3A_351 = tpu.vector_load_idx %arg9[%broadcast_in_dim3A_348, %broadcast_in_dim3A_350, %add3A_11, %broadcast_in_dim3A_322] : memref<8x1x64x128xf32, #tpu.memory_space<vmem>>[vector<16xi32>, vector<16xi32>, vector<16xi32>, vector<16xi32>], vector<16xf32>,
      %mul3A_352 = arith.constant 8 : i32
      %mul3A_353 = arith.muli %scan3A_191, %mul3A_352 : i32
      %add3A_354 = arith.constant 0 : i32
      %add3A_355 = arith.addi %mul3A_353, %add3A_354 : i32
      %swap3A_356 = arith.index_cast %add3A_355 : i32 to index
      %swap3A_357 = arith.constant 96 : index
      %swap3A_358 = tpu.vector_load %arg11[%swap3A_356, %swap3A_357] {strides = array<i32>} : memref<256x128xf32, #tpu.memory_space<vmem>>, vector<16xf32>,
      tpu.vector_store %arg11[%swap3A_356, %swap3A_357], %gather3A_351 {strides = array<i32>} : memref<256x128xf32, #tpu.memory_space<vmem>>, vector<16xf32>,
      %broadcast_in_dim3A_359 = arith.constant 1 : i32
      %broadcast_in_dim3A_360 = vector.broadcast %broadcast_in_dim3A_359 : i32 to vector<16xi32>
      %broadcast_in_dim3A_361 = arith.constant 0 : i32
      %broadcast_in_dim3A_362 = vector.broadcast %broadcast_in_dim3A_361 : i32 to vector<16xi32>
      %gather3A_363 = tpu.vector_load_idx %arg9[%broadcast_in_dim3A_360, %broadcast_in_dim3A_362, %add3A_14, %broadcast_in_dim3A_322] : memref<8x1x64x128xf32, #tpu.memory_space<vmem>>[vector<16xi32>, vector<16xi32>, vector<16xi32>, vector<16xi32>], vector<16xf32>,
      %mul3A_364 = arith.constant 8 : i32
      %mul3A_365 = arith.muli %scan3A_191, %mul3A_364 : i32
      %add3A_366 = arith.constant 0 : i32
      %add3A_367 = arith.addi %mul3A_365, %add3A_366 : i32
      %swap3A_368 = arith.index_cast %add3A_367 : i32 to index
      %swap3A_369 = arith.constant 112 : index
      %swap3A_370 = tpu.vector_load %arg11[%swap3A_368, %swap3A_369] {strides = array<i32>} : memref<256x128xf32, #tpu.memory_space<vmem>>, vector<16xf32>,
      tpu.vector_store %arg11[%swap3A_368, %swap3A_369], %gather3A_363 {strides = array<i32>} : memref<256x128xf32, #tpu.memory_space<vmem>>, vector<16xf32>,
      %slice3A_371 = vector.extract_strided_slice %shift_right_logical3A_199 {offsets = [9], sizes = [1], strides = [1]} : vector<16xi32> to vector<1xi32>
      %squeeze3A_372 = vector.extract %slice3A_371[0] : i32 from vector<1xi32>
      %mul3A_373 = arith.constant 128 : i32
      %mul3A_374 = arith.muli %squeeze3A_372, %mul3A_373 : i32
      %multiple_of3A_375 = tpu.assume_multiple %mul3A_374, 128 : i32
      %dma_start3A_376 = arith.constant 1 : i32
      %dma_start3A_377 = arith.constant 0 : i32
      %dma_start3A_378 = arith.constant 0 : i32
      %dma_start3A_379 = arith.constant 0 : i32
      %dma_start3A_380 = tpu.memref_slice %arg9[%dma_start3A_376, %dma_start3A_377, %dma_start3A_378, %dma_start3A_379] : memref<8x1x64x128xf32, #tpu.memory_space<vmem>> -> memref<1x1x64x128xf32, #tpu.memory_space<vmem>>
      %dma_start3A_381 = tpu.memref_squeeze %dma_start3A_380 : memref<1x1x64x128xf32, #tpu.memory_space<vmem>> -> memref<64x128xf32, #tpu.memory_space<vmem>>
      %dma_start3A_382 = arith.constant 0 : i32
      %dma_start3A_383 = tpu.memref_slice %arg4[%dma_start3A_382, %multiple_of3A_375] : memref<64x1000000xf32, #tpu.memory_space<hbm>> -> memref<64x128xf32, #tpu.memory_space<hbm>>
      %dma_start3A_384 = arith.constant 0 : i32
      %dma_start3A_385 = arith.constant 0 : i32
      %dma_start3A_386 = tpu.memref_slice %arg9[%dma_start3A_376, %dma_start3A_377, %dma_start3A_384, %dma_start3A_385] : memref<8x1x64x128xf32, #tpu.memory_space<vmem>> -> memref<1x1x64x128xf32, #tpu.memory_space<vmem>>
      %dma_start3A_387 = tpu.memref_squeeze %dma_start3A_386 : memref<1x1x64x128xf32, #tpu.memory_space<vmem>> -> memref<64x128xf32, #tpu.memory_space<vmem>>
      %dma_start3A_388 = arith.constant 0 : i32
      %dma_start3A_389 = tpu.memref_slice %arg4[%dma_start3A_388, %multiple_of3A_375] : memref<64x1000000xf32, #tpu.memory_space<hbm>> -> memref<64x128xf32, #tpu.memory_space<hbm>>
      tpu.enqueue_dma source(%dma_start3A_389 : memref<64x128xf32, #tpu.memory_space<hbm>>) target(%dma_start3A_387 : memref<64x128xf32, #tpu.memory_space<vmem>>) target_semaphore(%arg14 : memref<!tpu.dma_semaphore, #tpu.memory_space<semaphore_mem>>)
      %dma_wait3A_390 = arith.constant 2 : i32
      %dma_wait3A_391 = arith.constant 0 : i32
      %dma_wait3A_392 = arith.constant 0 : i32
      %dma_wait3A_393 = arith.constant 0 : i32
      %dma_wait3A_394 = tpu.memref_slice %arg9[%dma_wait3A_390, %dma_wait3A_391, %dma_wait3A_392, %dma_wait3A_393] : memref<8x1x64x128xf32, #tpu.memory_space<vmem>> -> memref<1x1x64x128xf32, #tpu.memory_space<vmem>>
      %dma_wait3A_395 = tpu.memref_squeeze %dma_wait3A_394 : memref<1x1x64x128xf32, #tpu.memory_space<vmem>> -> memref<64x128xf32, #tpu.memory_space<vmem>>
      %dma_wait3A_396 = arith.constant 0 : i32
      %dma_wait3A_397 = arith.constant 0 : i32
      %dma_wait3A_398 = tpu.memref_slice %arg4[%dma_wait3A_396, %dma_wait3A_397] : memref<64x1000000xf32, #tpu.memory_space<hbm>> -> memref<64x128xf32, #tpu.memory_space<hbm>>
      %dma_wait3A_399 = arith.constant 0 : i32
      %dma_wait3A_400 = arith.constant 0 : i32
      %dma_wait3A_401 = tpu.memref_slice %arg9[%dma_wait3A_390, %dma_wait3A_391, %dma_wait3A_399, %dma_wait3A_400] : memref<8x1x64x128xf32, #tpu.memory_space<vmem>> -> memref<1x1x64x128xf32, #tpu.memory_space<vmem>>
      %dma_wait3A_402 = tpu.memref_squeeze %dma_wait3A_401 : memref<1x1x64x128xf32, #tpu.memory_space<vmem>> -> memref<64x128xf32, #tpu.memory_space<vmem>>
      %dma_wait3A_403 = arith.constant 0 : i32
      %dma_wait3A_404 = arith.constant 0 : i32
      %dma_wait3A_405 = tpu.memref_slice %arg4[%dma_wait3A_403, %dma_wait3A_404] : memref<64x1000000xf32, #tpu.memory_space<hbm>> -> memref<64x128xf32, #tpu.memory_space<hbm>>
      tpu.wait_dma2 semaphore(%arg15 : memref<!tpu.dma_semaphore, #tpu.memory_space<semaphore_mem>>) src(%dma_wait3A_405 : memref<64x128xf32, #tpu.memory_space<hbm>>) dst(%dma_wait3A_402 : memref<64x128xf32, #tpu.memory_space<vmem>>)
      %slice3A_406 = vector.extract_strided_slice %and3A_201 {offsets = [2], sizes = [1], strides = [1]} : vector<16xi32> to vector<1xi32>
      %squeeze3A_407 = vector.extract %slice3A_406[0] : i32 from vector<1xi32>
      %broadcast_in_dim3A_408 = vector.broadcast %squeeze3A_407 : i32 to vector<16xi32>
      %broadcast_in_dim3A_409 = arith.constant 2 : i32
      %broadcast_in_dim3A_410 = vector.broadcast %broadcast_in_dim3A_409 : i32 to vector<16xi32>
      %broadcast_in_dim3A_411 = arith.constant 0 : i32
      %broadcast_in_dim3A_412 = vector.broadcast %broadcast_in_dim3A_411 : i32 to vector<16xi32>
      %gather3A_413 = tpu.vector_load_idx %arg9[%broadcast_in_dim3A_410, %broadcast_in_dim3A_412, %add3A_5, %broadcast_in_dim3A_408] : memref<8x1x64x128xf32, #tpu.memory_space<vmem>>[vector<16xi32>, vector<16xi32>, vector<16xi32>, vector<16xi32>], vector<16xf32>,
      %mul3A_414 = arith.constant 8 : i32
      %mul3A_415 = arith.muli %scan3A_191, %mul3A_414 : i32
      %add3A_416 = arith.constant 1 : i32
      %add3A_417 = arith.addi %mul3A_415, %add3A_416 : i32
      %swap3A_418 = arith.index_cast %add3A_417 : i32 to index
      %swap3A_419 = arith.constant 0 : index
      %swap3A_420 = tpu.vector_load %arg11[%swap3A_418, %swap3A_419] {strides = array<i32>} : memref<256x128xf32, #tpu.memory_space<vmem>>, vector<16xf32>,
      tpu.vector_store %arg11[%swap3A_418, %swap3A_419], %gather3A_413 {strides = array<i32>} : memref<256x128xf32, #tpu.memory_space<vmem>>, vector<16xf32>,
      %broadcast_in_dim3A_421 = arith.constant 2 : i32
      %broadcast_in_dim3A_422 = vector.broadcast %broadcast_in_dim3A_421 : i32 to vector<16xi32>
      %broadcast_in_dim3A_423 = arith.constant 0 : i32
      %broadcast_in_dim3A_424 = vector.broadcast %broadcast_in_dim3A_423 : i32 to vector<16xi32>
      %gather3A_425 = tpu.vector_load_idx %arg9[%broadcast_in_dim3A_422, %broadcast_in_dim3A_424, %add3A_8, %broadcast_in_dim3A_408] : memref<8x1x64x128xf32, #tpu.memory_space<vmem>>[vector<16xi32>, vector<16xi32>, vector<16xi32>, vector<16xi32>], vector<16xf32>,
      %mul3A_426 = arith.constant 8 : i32
      %mul3A_427 = arith.muli %scan3A_191, %mul3A_426 : i32
      %add3A_428 = arith.constant 1 : i32
      %add3A_429 = arith.addi %mul3A_427, %add3A_428 : i32
      %swap3A_430 = arith.index_cast %add3A_429 : i32 to index
      %swap3A_431 = arith.constant 16 : index
      %swap3A_432 = tpu.vector_load %arg11[%swap3A_430, %swap3A_431] {strides = array<i32>} : memref<256x128xf32, #tpu.memory_space<vmem>>, vector<16xf32>,
      tpu.vector_store %arg11[%swap3A_430, %swap3A_431], %gather3A_425 {strides = array<i32>} : memref<256x128xf32, #tpu.memory_space<vmem>>, vector<16xf32>,
      %broadcast_in_dim3A_433 = arith.constant 2 : i32
      %broadcast_in_dim3A_434 = vector.broadcast %broadcast_in_dim3A_433 : i32 to vector<16xi32>
      %broadcast_in_dim3A_435 = arith.constant 0 : i32
      %broadcast_in_dim3A_436 = vector.broadcast %broadcast_in_dim3A_435 : i32 to vector<16xi32>
      %gather3A_437 = tpu.vector_load_idx %arg9[%broadcast_in_dim3A_434, %broadcast_in_dim3A_436, %add3A_11, %broadcast_in_dim3A_408] : memref<8x1x64x128xf32, #tpu.memory_space<vmem>>[vector<16xi32>, vector<16xi32>, vector<16xi32>, vector<16xi32>], vector<16xf32>,
      %mul3A_438 = arith.constant 8 : i32
      %mul3A_439 = arith.muli %scan3A_191, %mul3A_438 : i32
      %add3A_440 = arith.constant 1 : i32
      %add3A_441 = arith.addi %mul3A_439, %add3A_440 : i32
      %swap3A_442 = arith.index_cast %add3A_441 : i32 to index
      %swap3A_443 = arith.constant 32 : index
      %swap3A_444 = tpu.vector_load %arg11[%swap3A_442, %swap3A_443] {strides = array<i32>} : memref<256x128xf32, #tpu.memory_space<vmem>>, vector<16xf32>,
      tpu.vector_store %arg11[%swap3A_442, %swap3A_443], %gather3A_437 {strides = array<i32>} : memref<256x128xf32, #tpu.memory_space<vmem>>, vector<16xf32>,
      %broadcast_in_dim3A_445 = arith.constant 2 : i32
      %broadcast_in_dim3A_446 = vector.broadcast %broadcast_in_dim3A_445 : i32 to vector<16xi32>
      %broadcast_in_dim3A_447 = arith.constant 0 : i32
      %broadcast_in_dim3A_448 = vector.broadcast %broadcast_in_dim3A_447 : i32 to vector<16xi32>
      %gather3A_449 = tpu.vector_load_idx %arg9[%broadcast_in_dim3A_446, %broadcast_in_dim3A_448, %add3A_14, %broadcast_in_dim3A_408] : memref<8x1x64x128xf32, #tpu.memory_space<vmem>>[vector<16xi32>, vector<16xi32>, vector<16xi32>, vector<16xi32>], vector<16xf32>,
      %mul3A_450 = arith.constant 8 : i32
      %mul3A_451 = arith.muli %scan3A_191, %mul3A_450 : i32
      %add3A_452 = arith.constant 1 : i32
      %add3A_453 = arith.addi %mul3A_451, %add3A_452 : i32
      %swap3A_454 = arith.index_cast %add3A_453 : i32 to index
      %swap3A_455 = arith.constant 48 : index
      %swap3A_456 = tpu.vector_load %arg11[%swap3A_454, %swap3A_455] {strides = array<i32>} : memref<256x128xf32, #tpu.memory_space<vmem>>, vector<16xf32>,
      tpu.vector_store %arg11[%swap3A_454, %swap3A_455], %gather3A_449 {strides = array<i32>} : memref<256x128xf32, #tpu.memory_space<vmem>>, vector<16xf32>,
      %slice3A_457 = vector.extract_strided_slice %shift_right_logical3A_199 {offsets = [10], sizes = [1], strides = [1]} : vector<16xi32> to vector<1xi32>
      %squeeze3A_458 = vector.extract %slice3A_457[0] : i32 from vector<1xi32>
      %mul3A_459 = arith.constant 128 : i32
      %mul3A_460 = arith.muli %squeeze3A_458, %mul3A_459 : i32
      %multiple_of3A_461 = tpu.assume_multiple %mul3A_460, 128 : i32
      %dma_start3A_462 = arith.constant 2 : i32
      %dma_start3A_463 = arith.constant 0 : i32
      %dma_start3A_464 = arith.constant 0 : i32
      %dma_start3A_465 = arith.constant 0 : i32
      %dma_start3A_466 = tpu.memref_slice %arg9[%dma_start3A_462, %dma_start3A_463, %dma_start3A_464, %dma_start3A_465] : memref<8x1x64x128xf32, #tpu.memory_space<vmem>> -> memref<1x1x64x128xf32, #tpu.memory_space<vmem>>
      %dma_start3A_467 = tpu.memref_squeeze %dma_start3A_466 : memref<1x1x64x128xf32, #tpu.memory_space<vmem>> -> memref<64x128xf32, #tpu.memory_space<vmem>>
      %dma_start3A_468 = arith.constant 0 : i32
      %dma_start3A_469 = tpu.memref_slice %arg4[%dma_start3A_468, %multiple_of3A_461] : memref<64x1000000xf32, #tpu.memory_space<hbm>> -> memref<64x128xf32, #tpu.memory_space<hbm>>
      %dma_start3A_470 = arith.constant 0 : i32
      %dma_start3A_471 = arith.constant 0 : i32
      %dma_start3A_472 = tpu.memref_slice %arg9[%dma_start3A_462, %dma_start3A_463, %dma_start3A_470, %dma_start3A_471] : memref<8x1x64x128xf32, #tpu.memory_space<vmem>> -> memref<1x1x64x128xf32, #tpu.memory_space<vmem>>
      %dma_start3A_473 = tpu.memref_squeeze %dma_start3A_472 : memref<1x1x64x128xf32, #tpu.memory_space<vmem>> -> memref<64x128xf32, #tpu.memory_space<vmem>>
      %dma_start3A_474 = arith.constant 0 : i32
      %dma_start3A_475 = tpu.memref_slice %arg4[%dma_start3A_474, %multiple_of3A_461] : memref<64x1000000xf32, #tpu.memory_space<hbm>> -> memref<64x128xf32, #tpu.memory_space<hbm>>
      tpu.enqueue_dma source(%dma_start3A_475 : memref<64x128xf32, #tpu.memory_space<hbm>>) target(%dma_start3A_473 : memref<64x128xf32, #tpu.memory_space<vmem>>) target_semaphore(%arg15 : memref<!tpu.dma_semaphore, #tpu.memory_space<semaphore_mem>>)
      %dma_wait3A_476 = arith.constant 3 : i32
      %dma_wait3A_477 = arith.constant 0 : i32
      %dma_wait3A_478 = arith.constant 0 : i32
      %dma_wait3A_479 = arith.constant 0 : i32
      %dma_wait3A_480 = tpu.memref_slice %arg9[%dma_wait3A_476, %dma_wait3A_477, %dma_wait3A_478, %dma_wait3A_479] : memref<8x1x64x128xf32, #tpu.memory_space<vmem>> -> memref<1x1x64x128xf32, #tpu.memory_space<vmem>>
      %dma_wait3A_481 = tpu.memref_squeeze %dma_wait3A_480 : memref<1x1x64x128xf32, #tpu.memory_space<vmem>> -> memref<64x128xf32, #tpu.memory_space<vmem>>
      %dma_wait3A_482 = arith.constant 0 : i32
      %dma_wait3A_483 = arith.constant 0 : i32
      %dma_wait3A_484 = tpu.memref_slice %arg4[%dma_wait3A_482, %dma_wait3A_483] : memref<64x1000000xf32, #tpu.memory_space<hbm>> -> memref<64x128xf32, #tpu.memory_space<hbm>>
      %dma_wait3A_485 = arith.constant 0 : i32
      %dma_wait3A_486 = arith.constant 0 : i32
      %dma_wait3A_487 = tpu.memref_slice %arg9[%dma_wait3A_476, %dma_wait3A_477, %dma_wait3A_485, %dma_wait3A_486] : memref<8x1x64x128xf32, #tpu.memory_space<vmem>> -> memref<1x1x64x128xf32, #tpu.memory_space<vmem>>
      %dma_wait3A_488 = tpu.memref_squeeze %dma_wait3A_487 : memref<1x1x64x128xf32, #tpu.memory_space<vmem>> -> memref<64x128xf32, #tpu.memory_space<vmem>>
      %dma_wait3A_489 = arith.constant 0 : i32
      %dma_wait3A_490 = arith.constant 0 : i32
      %dma_wait3A_491 = tpu.memref_slice %arg4[%dma_wait3A_489, %dma_wait3A_490] : memref<64x1000000xf32, #tpu.memory_space<hbm>> -> memref<64x128xf32, #tpu.memory_space<hbm>>
      tpu.wait_dma2 semaphore(%arg16 : memref<!tpu.dma_semaphore, #tpu.memory_space<semaphore_mem>>) src(%dma_wait3A_491 : memref<64x128xf32, #tpu.memory_space<hbm>>) dst(%dma_wait3A_488 : memref<64x128xf32, #tpu.memory_space<vmem>>)
      %slice3A_492 = vector.extract_strided_slice %and3A_201 {offsets = [3], sizes = [1], strides = [1]} : vector<16xi32> to vector<1xi32>
      %squeeze3A_493 = vector.extract %slice3A_492[0] : i32 from vector<1xi32>
      %broadcast_in_dim3A_494 = vector.broadcast %squeeze3A_493 : i32 to vector<16xi32>
      %broadcast_in_dim3A_495 = arith.constant 3 : i32
      %broadcast_in_dim3A_496 = vector.broadcast %broadcast_in_dim3A_495 : i32 to vector<16xi32>
      %broadcast_in_dim3A_497 = arith.constant 0 : i32
      %broadcast_in_dim3A_498 = vector.broadcast %broadcast_in_dim3A_497 : i32 to vector<16xi32>
      %gather3A_499 = tpu.vector_load_idx %arg9[%broadcast_in_dim3A_496, %broadcast_in_dim3A_498, %add3A_5, %broadcast_in_dim3A_494] : memref<8x1x64x128xf32, #tpu.memory_space<vmem>>[vector<16xi32>, vector<16xi32>, vector<16xi32>, vector<16xi32>], vector<16xf32>,
      %mul3A_500 = arith.constant 8 : i32
      %mul3A_501 = arith.muli %scan3A_191, %mul3A_500 : i32
      %add3A_502 = arith.constant 1 : i32
      %add3A_503 = arith.addi %mul3A_501, %add3A_502 : i32
      %swap3A_504 = arith.index_cast %add3A_503 : i32 to index
      %swap3A_505 = arith.constant 64 : index
      %swap3A_506 = tpu.vector_load %arg11[%swap3A_504, %swap3A_505] {strides = array<i32>} : memref<256x128xf32, #tpu.memory_space<vmem>>, vector<16xf32>,
      tpu.vector_store %arg11[%swap3A_504, %swap3A_505], %gather3A_499 {strides = array<i32>} : memref<256x128xf32, #tpu.memory_space<vmem>>, vector<16xf32>,
      %broadcast_in_dim3A_507 = arith.constant 3 : i32
      %broadcast_in_dim3A_508 = vector.broadcast %broadcast_in_dim3A_507 : i32 to vector<16xi32>
      %broadcast_in_dim3A_509 = arith.constant 0 : i32
      %broadcast_in_dim3A_510 = vector.broadcast %broadcast_in_dim3A_509 : i32 to vector<16xi32>
      %gather3A_511 = tpu.vector_load_idx %arg9[%broadcast_in_dim3A_508, %broadcast_in_dim3A_510, %add3A_8, %broadcast_in_dim3A_494] : memref<8x1x64x128xf32, #tpu.memory_space<vmem>>[vector<16xi32>, vector<16xi32>, vector<16xi32>, vector<16xi32>], vector<16xf32>,
      %mul3A_512 = arith.constant 8 : i32
      %mul3A_513 = arith.muli %scan3A_191, %mul3A_512 : i32
      %add3A_514 = arith.constant 1 : i32
      %add3A_515 = arith.addi %mul3A_513, %add3A_514 : i32
      %swap3A_516 = arith.index_cast %add3A_515 : i32 to index
      %swap3A_517 = arith.constant 80 : index
      %swap3A_518 = tpu.vector_load %arg11[%swap3A_516, %swap3A_517] {strides = array<i32>} : memref<256x128xf32, #tpu.memory_space<vmem>>, vector<16xf32>,
      tpu.vector_store %arg11[%swap3A_516, %swap3A_517], %gather3A_511 {strides = array<i32>} : memref<256x128xf32, #tpu.memory_space<vmem>>, vector<16xf32>,
      %broadcast_in_dim3A_519 = arith.constant 3 : i32
      %broadcast_in_dim3A_520 = vector.broadcast %broadcast_in_dim3A_519 : i32 to vector<16xi32>
      %broadcast_in_dim3A_521 = arith.constant 0 : i32
      %broadcast_in_dim3A_522 = vector.broadcast %broadcast_in_dim3A_521 : i32 to vector<16xi32>
      %gather3A_523 = tpu.vector_load_idx %arg9[%broadcast_in_dim3A_520, %broadcast_in_dim3A_522, %add3A_11, %broadcast_in_dim3A_494] : memref<8x1x64x128xf32, #tpu.memory_space<vmem>>[vector<16xi32>, vector<16xi32>, vector<16xi32>, vector<16xi32>], vector<16xf32>,
      %mul3A_524 = arith.constant 8 : i32
      %mul3A_525 = arith.muli %scan3A_191, %mul3A_524 : i32
      %add3A_526 = arith.constant 1 : i32
      %add3A_527 = arith.addi %mul3A_525, %add3A_526 : i32
      %swap3A_528 = arith.index_cast %add3A_527 : i32 to index
      %swap3A_529 = arith.constant 96 : index
      %swap3A_530 = tpu.vector_load %arg11[%swap3A_528, %swap3A_529] {strides = array<i32>} : memref<256x128xf32, #tpu.memory_space<vmem>>, vector<16xf32>,
      tpu.vector_store %arg11[%swap3A_528, %swap3A_529], %gather3A_523 {strides = array<i32>} : memref<256x128xf32, #tpu.memory_space<vmem>>, vector<16xf32>,
      %broadcast_in_dim3A_531 = arith.constant 3 : i32
      %broadcast_in_dim3A_532 = vector.broadcast %broadcast_in_dim3A_531 : i32 to vector<16xi32>
      %broadcast_in_dim3A_533 = arith.constant 0 : i32
      %broadcast_in_dim3A_534 = vector.broadcast %broadcast_in_dim3A_533 : i32 to vector<16xi32>
      %gather3A_535 = tpu.vector_load_idx %arg9[%broadcast_in_dim3A_532, %broadcast_in_dim3A_534, %add3A_14, %broadcast_in_dim3A_494] : memref<8x1x64x128xf32, #tpu.memory_space<vmem>>[vector<16xi32>, vector<16xi32>, vector<16xi32>, vector<16xi32>], vector<16xf32>,
      %mul3A_536 = arith.constant 8 : i32
      %mul3A_537 = arith.muli %scan3A_191, %mul3A_536 : i32
      %add3A_538 = arith.constant 1 : i32
      %add3A_539 = arith.addi %mul3A_537, %add3A_538 : i32
      %swap3A_540 = arith.index_cast %add3A_539 : i32 to index
      %swap3A_541 = arith.constant 112 : index
      %swap3A_542 = tpu.vector_load %arg11[%swap3A_540, %swap3A_541] {strides = array<i32>} : memref<256x128xf32, #tpu.memory_space<vmem>>, vector<16xf32>,
      tpu.vector_store %arg11[%swap3A_540, %swap3A_541], %gather3A_535 {strides = array<i32>} : memref<256x128xf32, #tpu.memory_space<vmem>>, vector<16xf32>,
      %slice3A_543 = vector.extract_strided_slice %shift_right_logical3A_199 {offsets = [11], sizes = [1], strides = [1]} : vector<16xi32> to vector<1xi32>
      %squeeze3A_544 = vector.extract %slice3A_543[0] : i32 from vector<1xi32>
      %mul3A_545 = arith.constant 128 : i32
      %mul3A_546 = arith.muli %squeeze3A_544, %mul3A_545 : i32
      %multiple_of3A_547 = tpu.assume_multiple %mul3A_546, 128 : i32
      %dma_start3A_548 = arith.constant 3 : i32
      %dma_start3A_549 = arith.constant 0 : i32
      %dma_start3A_550 = arith.constant 0 : i32
      %dma_start3A_551 = arith.constant 0 : i32
      %dma_start3A_552 = tpu.memref_slice %arg9[%dma_start3A_548, %dma_start3A_549, %dma_start3A_550, %dma_start3A_551] : memref<8x1x64x128xf32, #tpu.memory_space<vmem>> -> memref<1x1x64x128xf32, #tpu.memory_space<vmem>>
      %dma_start3A_553 = tpu.memref_squeeze %dma_start3A_552 : memref<1x1x64x128xf32, #tpu.memory_space<vmem>> -> memref<64x128xf32, #tpu.memory_space<vmem>>
      %dma_start3A_554 = arith.constant 0 : i32
      %dma_start3A_555 = tpu.memref_slice %arg4[%dma_start3A_554, %multiple_of3A_547] : memref<64x1000000xf32, #tpu.memory_space<hbm>> -> memref<64x128xf32, #tpu.memory_space<hbm>>
      %dma_start3A_556 = arith.constant 0 : i32
      %dma_start3A_557 = arith.constant 0 : i32
      %dma_start3A_558 = tpu.memref_slice %arg9[%dma_start3A_548, %dma_start3A_549, %dma_start3A_556, %dma_start3A_557] : memref<8x1x64x128xf32, #tpu.memory_space<vmem>> -> memref<1x1x64x128xf32, #tpu.memory_space<vmem>>
      %dma_start3A_559 = tpu.memref_squeeze %dma_start3A_558 : memref<1x1x64x128xf32, #tpu.memory_space<vmem>> -> memref<64x128xf32, #tpu.memory_space<vmem>>
      %dma_start3A_560 = arith.constant 0 : i32
      %dma_start3A_561 = tpu.memref_slice %arg4[%dma_start3A_560, %multiple_of3A_547] : memref<64x1000000xf32, #tpu.memory_space<hbm>> -> memref<64x128xf32, #tpu.memory_space<hbm>>
      tpu.enqueue_dma source(%dma_start3A_561 : memref<64x128xf32, #tpu.memory_space<hbm>>) target(%dma_start3A_559 : memref<64x128xf32, #tpu.memory_space<vmem>>) target_semaphore(%arg16 : memref<!tpu.dma_semaphore, #tpu.memory_space<semaphore_mem>>)
      %dma_wait3A_562 = arith.constant 4 : i32
      %dma_wait3A_563 = arith.constant 0 : i32
      %dma_wait3A_564 = arith.constant 0 : i32
      %dma_wait3A_565 = arith.constant 0 : i32
      %dma_wait3A_566 = tpu.memref_slice %arg9[%dma_wait3A_562, %dma_wait3A_563, %dma_wait3A_564, %dma_wait3A_565] : memref<8x1x64x128xf32, #tpu.memory_space<vmem>> -> memref<1x1x64x128xf32, #tpu.memory_space<vmem>>
      %dma_wait3A_567 = tpu.memref_squeeze %dma_wait3A_566 : memref<1x1x64x128xf32, #tpu.memory_space<vmem>> -> memref<64x128xf32, #tpu.memory_space<vmem>>
      %dma_wait3A_568 = arith.constant 0 : i32
      %dma_wait3A_569 = arith.constant 0 : i32
      %dma_wait3A_570 = tpu.memref_slice %arg4[%dma_wait3A_568, %dma_wait3A_569] : memref<64x1000000xf32, #tpu.memory_space<hbm>> -> memref<64x128xf32, #tpu.memory_space<hbm>>
      %dma_wait3A_571 = arith.constant 0 : i32
      %dma_wait3A_572 = arith.constant 0 : i32
      %dma_wait3A_573 = tpu.memref_slice %arg9[%dma_wait3A_562, %dma_wait3A_563, %dma_wait3A_571, %dma_wait3A_572] : memref<8x1x64x128xf32, #tpu.memory_space<vmem>> -> memref<1x1x64x128xf32, #tpu.memory_space<vmem>>
      %dma_wait3A_574 = tpu.memref_squeeze %dma_wait3A_573 : memref<1x1x64x128xf32, #tpu.memory_space<vmem>> -> memref<64x128xf32, #tpu.memory_space<vmem>>
      %dma_wait3A_575 = arith.constant 0 : i32
      %dma_wait3A_576 = arith.constant 0 : i32
      %dma_wait3A_577 = tpu.memref_slice %arg4[%dma_wait3A_575, %dma_wait3A_576] : memref<64x1000000xf32, #tpu.memory_space<hbm>> -> memref<64x128xf32, #tpu.memory_space<hbm>>
      tpu.wait_dma2 semaphore(%arg17 : memref<!tpu.dma_semaphore, #tpu.memory_space<semaphore_mem>>) src(%dma_wait3A_577 : memref<64x128xf32, #tpu.memory_space<hbm>>) dst(%dma_wait3A_574 : memref<64x128xf32, #tpu.memory_space<vmem>>)
      %slice3A_578 = vector.extract_strided_slice %and3A_201 {offsets = [4], sizes = [1], strides = [1]} : vector<16xi32> to vector<1xi32>
      %squeeze3A_579 = vector.extract %slice3A_578[0] : i32 from vector<1xi32>
      %broadcast_in_dim3A_580 = vector.broadcast %squeeze3A_579 : i32 to vector<16xi32>
      %broadcast_in_dim3A_581 = arith.constant 4 : i32
      %broadcast_in_dim3A_582 = vector.broadcast %broadcast_in_dim3A_581 : i32 to vector<16xi32>
      %broadcast_in_dim3A_583 = arith.constant 0 : i32
      %broadcast_in_dim3A_584 = vector.broadcast %broadcast_in_dim3A_583 : i32 to vector<16xi32>
      %gather3A_585 = tpu.vector_load_idx %arg9[%broadcast_in_dim3A_582, %broadcast_in_dim3A_584, %add3A_5, %broadcast_in_dim3A_580] : memref<8x1x64x128xf32, #tpu.memory_space<vmem>>[vector<16xi32>, vector<16xi32>, vector<16xi32>, vector<16xi32>], vector<16xf32>,
      %mul3A_586 = arith.constant 8 : i32
      %mul3A_587 = arith.muli %scan3A_191, %mul3A_586 : i32
      %add3A_588 = arith.constant 2 : i32
      %add3A_589 = arith.addi %mul3A_587, %add3A_588 : i32
      %swap3A_590 = arith.index_cast %add3A_589 : i32 to index
      %swap3A_591 = arith.constant 0 : index
      %swap3A_592 = tpu.vector_load %arg11[%swap3A_590, %swap3A_591] {strides = array<i32>} : memref<256x128xf32, #tpu.memory_space<vmem>>, vector<16xf32>,
      tpu.vector_store %arg11[%swap3A_590, %swap3A_591], %gather3A_585 {strides = array<i32>} : memref<256x128xf32, #tpu.memory_space<vmem>>, vector<16xf32>,
      %broadcast_in_dim3A_593 = arith.constant 4 : i32
      %broadcast_in_dim3A_594 = vector.broadcast %broadcast_in_dim3A_593 : i32 to vector<16xi32>
      %broadcast_in_dim3A_595 = arith.constant 0 : i32
      %broadcast_in_dim3A_596 = vector.broadcast %broadcast_in_dim3A_595 : i32 to vector<16xi32>
      %gather3A_597 = tpu.vector_load_idx %arg9[%broadcast_in_dim3A_594, %broadcast_in_dim3A_596, %add3A_8, %broadcast_in_dim3A_580] : memref<8x1x64x128xf32, #tpu.memory_space<vmem>>[vector<16xi32>, vector<16xi32>, vector<16xi32>, vector<16xi32>], vector<16xf32>,
      %mul3A_598 = arith.constant 8 : i32
      %mul3A_599 = arith.muli %scan3A_191, %mul3A_598 : i32
      %add3A_600 = arith.constant 2 : i32
      %add3A_601 = arith.addi %mul3A_599, %add3A_600 : i32
      %swap3A_602 = arith.index_cast %add3A_601 : i32 to index
      %swap3A_603 = arith.constant 16 : index
      %swap3A_604 = tpu.vector_load %arg11[%swap3A_602, %swap3A_603] {strides = array<i32>} : memref<256x128xf32, #tpu.memory_space<vmem>>, vector<16xf32>,
      tpu.vector_store %arg11[%swap3A_602, %swap3A_603], %gather3A_597 {strides = array<i32>} : memref<256x128xf32, #tpu.memory_space<vmem>>, vector<16xf32>,
      %broadcast_in_dim3A_605 = arith.constant 4 : i32
      %broadcast_in_dim3A_606 = vector.broadcast %broadcast_in_dim3A_605 : i32 to vector<16xi32>
      %broadcast_in_dim3A_607 = arith.constant 0 : i32
      %broadcast_in_dim3A_608 = vector.broadcast %broadcast_in_dim3A_607 : i32 to vector<16xi32>
      %gather3A_609 = tpu.vector_load_idx %arg9[%broadcast_in_dim3A_606, %broadcast_in_dim3A_608, %add3A_11, %broadcast_in_dim3A_580] : memref<8x1x64x128xf32, #tpu.memory_space<vmem>>[vector<16xi32>, vector<16xi32>, vector<16xi32>, vector<16xi32>], vector<16xf32>,
      %mul3A_610 = arith.constant 8 : i32
      %mul3A_611 = arith.muli %scan3A_191, %mul3A_610 : i32
      %add3A_612 = arith.constant 2 : i32
      %add3A_613 = arith.addi %mul3A_611, %add3A_612 : i32
      %swap3A_614 = arith.index_cast %add3A_613 : i32 to index
      %swap3A_615 = arith.constant 32 : index
      %swap3A_616 = tpu.vector_load %arg11[%swap3A_614, %swap3A_615] {strides = array<i32>} : memref<256x128xf32, #tpu.memory_space<vmem>>, vector<16xf32>,
      tpu.vector_store %arg11[%swap3A_614, %swap3A_615], %gather3A_609 {strides = array<i32>} : memref<256x128xf32, #tpu.memory_space<vmem>>, vector<16xf32>,
      %broadcast_in_dim3A_617 = arith.constant 4 : i32
      %broadcast_in_dim3A_618 = vector.broadcast %broadcast_in_dim3A_617 : i32 to vector<16xi32>
      %broadcast_in_dim3A_619 = arith.constant 0 : i32
      %broadcast_in_dim3A_620 = vector.broadcast %broadcast_in_dim3A_619 : i32 to vector<16xi32>
      %gather3A_621 = tpu.vector_load_idx %arg9[%broadcast_in_dim3A_618, %broadcast_in_dim3A_620, %add3A_14, %broadcast_in_dim3A_580] : memref<8x1x64x128xf32, #tpu.memory_space<vmem>>[vector<16xi32>, vector<16xi32>, vector<16xi32>, vector<16xi32>], vector<16xf32>,
      %mul3A_622 = arith.constant 8 : i32
      %mul3A_623 = arith.muli %scan3A_191, %mul3A_622 : i32
      %add3A_624 = arith.constant 2 : i32
      %add3A_625 = arith.addi %mul3A_623, %add3A_624 : i32
      %swap3A_626 = arith.index_cast %add3A_625 : i32 to index
      %swap3A_627 = arith.constant 48 : index
      %swap3A_628 = tpu.vector_load %arg11[%swap3A_626, %swap3A_627] {strides = array<i32>} : memref<256x128xf32, #tpu.memory_space<vmem>>, vector<16xf32>,
      tpu.vector_store %arg11[%swap3A_626, %swap3A_627], %gather3A_621 {strides = array<i32>} : memref<256x128xf32, #tpu.memory_space<vmem>>, vector<16xf32>,
      %slice3A_629 = vector.extract_strided_slice %shift_right_logical3A_199 {offsets = [12], sizes = [1], strides = [1]} : vector<16xi32> to vector<1xi32>
      %squeeze3A_630 = vector.extract %slice3A_629[0] : i32 from vector<1xi32>
      %mul3A_631 = arith.constant 128 : i32
      %mul3A_632 = arith.muli %squeeze3A_630, %mul3A_631 : i32
      %multiple_of3A_633 = tpu.assume_multiple %mul3A_632, 128 : i32
      %dma_start3A_634 = arith.constant 4 : i32
      %dma_start3A_635 = arith.constant 0 : i32
      %dma_start3A_636 = arith.constant 0 : i32
      %dma_start3A_637 = arith.constant 0 : i32
      %dma_start3A_638 = tpu.memref_slice %arg9[%dma_start3A_634, %dma_start3A_635, %dma_start3A_636, %dma_start3A_637] : memref<8x1x64x128xf32, #tpu.memory_space<vmem>> -> memref<1x1x64x128xf32, #tpu.memory_space<vmem>>
      %dma_start3A_639 = tpu.memref_squeeze %dma_start3A_638 : memref<1x1x64x128xf32, #tpu.memory_space<vmem>> -> memref<64x128xf32, #tpu.memory_space<vmem>>
      %dma_start3A_640 = arith.constant 0 : i32
      %dma_start3A_641 = tpu.memref_slice %arg4[%dma_start3A_640, %multiple_of3A_633] : memref<64x1000000xf32, #tpu.memory_space<hbm>> -> memref<64x128xf32, #tpu.memory_space<hbm>>
      %dma_start3A_642 = arith.constant 0 : i32
      %dma_start3A_643 = arith.constant 0 : i32
      %dma_start3A_644 = tpu.memref_slice %arg9[%dma_start3A_634, %dma_start3A_635, %dma_start3A_642, %dma_start3A_643] : memref<8x1x64x128xf32, #tpu.memory_space<vmem>> -> memref<1x1x64x128xf32, #tpu.memory_space<vmem>>
      %dma_start3A_645 = tpu.memref_squeeze %dma_start3A_644 : memref<1x1x64x128xf32, #tpu.memory_space<vmem>> -> memref<64x128xf32, #tpu.memory_space<vmem>>
      %dma_start3A_646 = arith.constant 0 : i32
      %dma_start3A_647 = tpu.memref_slice %arg4[%dma_start3A_646, %multiple_of3A_633] : memref<64x1000000xf32, #tpu.memory_space<hbm>> -> memref<64x128xf32, #tpu.memory_space<hbm>>
      tpu.enqueue_dma source(%dma_start3A_647 : memref<64x128xf32, #tpu.memory_space<hbm>>) target(%dma_start3A_645 : memref<64x128xf32, #tpu.memory_space<vmem>>) target_semaphore(%arg17 : memref<!tpu.dma_semaphore, #tpu.memory_space<semaphore_mem>>)
      %dma_wait3A_648 = arith.constant 5 : i32
      %dma_wait3A_649 = arith.constant 0 : i32
      %dma_wait3A_650 = arith.constant 0 : i32
      %dma_wait3A_651 = arith.constant 0 : i32
      %dma_wait3A_652 = tpu.memref_slice %arg9[%dma_wait3A_648, %dma_wait3A_649, %dma_wait3A_650, %dma_wait3A_651] : memref<8x1x64x128xf32, #tpu.memory_space<vmem>> -> memref<1x1x64x128xf32, #tpu.memory_space<vmem>>
      %dma_wait3A_653 = tpu.memref_squeeze %dma_wait3A_652 : memref<1x1x64x128xf32, #tpu.memory_space<vmem>> -> memref<64x128xf32, #tpu.memory_space<vmem>>
      %dma_wait3A_654 = arith.constant 0 : i32
      %dma_wait3A_655 = arith.constant 0 : i32
      %dma_wait3A_656 = tpu.memref_slice %arg4[%dma_wait3A_654, %dma_wait3A_655] : memref<64x1000000xf32, #tpu.memory_space<hbm>> -> memref<64x128xf32, #tpu.memory_space<hbm>>
      %dma_wait3A_657 = arith.constant 0 : i32
      %dma_wait3A_658 = arith.constant 0 : i32
      %dma_wait3A_659 = tpu.memref_slice %arg9[%dma_wait3A_648, %dma_wait3A_649, %dma_wait3A_657, %dma_wait3A_658] : memref<8x1x64x128xf32, #tpu.memory_space<vmem>> -> memref<1x1x64x128xf32, #tpu.memory_space<vmem>>
      %dma_wait3A_660 = tpu.memref_squeeze %dma_wait3A_659 : memref<1x1x64x128xf32, #tpu.memory_space<vmem>> -> memref<64x128xf32, #tpu.memory_space<vmem>>
      %dma_wait3A_661 = arith.constant 0 : i32
      %dma_wait3A_662 = arith.constant 0 : i32
      %dma_wait3A_663 = tpu.memref_slice %arg4[%dma_wait3A_661, %dma_wait3A_662] : memref<64x1000000xf32, #tpu.memory_space<hbm>> -> memref<64x128xf32, #tpu.memory_space<hbm>>
      tpu.wait_dma2 semaphore(%arg18 : memref<!tpu.dma_semaphore, #tpu.memory_space<semaphore_mem>>) src(%dma_wait3A_663 : memref<64x128xf32, #tpu.memory_space<hbm>>) dst(%dma_wait3A_660 : memref<64x128xf32, #tpu.memory_space<vmem>>)
      %slice3A_664 = vector.extract_strided_slice %and3A_201 {offsets = [5], sizes = [1], strides = [1]} : vector<16xi32> to vector<1xi32>
      %squeeze3A_665 = vector.extract %slice3A_664[0] : i32 from vector<1xi32>
      %broadcast_in_dim3A_666 = vector.broadcast %squeeze3A_665 : i32 to vector<16xi32>
      %broadcast_in_dim3A_667 = arith.constant 5 : i32
      %broadcast_in_dim3A_668 = vector.broadcast %broadcast_in_dim3A_667 : i32 to vector<16xi32>
      %broadcast_in_dim3A_669 = arith.constant 0 : i32
      %broadcast_in_dim3A_670 = vector.broadcast %broadcast_in_dim3A_669 : i32 to vector<16xi32>
      %gather3A_671 = tpu.vector_load_idx %arg9[%broadcast_in_dim3A_668, %broadcast_in_dim3A_670, %add3A_5, %broadcast_in_dim3A_666] : memref<8x1x64x128xf32, #tpu.memory_space<vmem>>[vector<16xi32>, vector<16xi32>, vector<16xi32>, vector<16xi32>], vector<16xf32>,
      %mul3A_672 = arith.constant 8 : i32
      %mul3A_673 = arith.muli %scan3A_191, %mul3A_672 : i32
      %add3A_674 = arith.constant 2 : i32
      %add3A_675 = arith.addi %mul3A_673, %add3A_674 : i32
      %swap3A_676 = arith.index_cast %add3A_675 : i32 to index
      %swap3A_677 = arith.constant 64 : index
      %swap3A_678 = tpu.vector_load %arg11[%swap3A_676, %swap3A_677] {strides = array<i32>} : memref<256x128xf32, #tpu.memory_space<vmem>>, vector<16xf32>,
      tpu.vector_store %arg11[%swap3A_676, %swap3A_677], %gather3A_671 {strides = array<i32>} : memref<256x128xf32, #tpu.memory_space<vmem>>, vector<16xf32>,
      %broadcast_in_dim3A_679 = arith.constant 5 : i32
      %broadcast_in_dim3A_680 = vector.broadcast %broadcast_in_dim3A_679 : i32 to vector<16xi32>
      %broadcast_in_dim3A_681 = arith.constant 0 : i32
      %broadcast_in_dim3A_682 = vector.broadcast %broadcast_in_dim3A_681 : i32 to vector<16xi32>
      %gather3A_683 = tpu.vector_load_idx %arg9[%broadcast_in_dim3A_680, %broadcast_in_dim3A_682, %add3A_8, %broadcast_in_dim3A_666] : memref<8x1x64x128xf32, #tpu.memory_space<vmem>>[vector<16xi32>, vector<16xi32>, vector<16xi32>, vector<16xi32>], vector<16xf32>,
      %mul3A_684 = arith.constant 8 : i32
      %mul3A_685 = arith.muli %scan3A_191, %mul3A_684 : i32
      %add3A_686 = arith.constant 2 : i32
      %add3A_687 = arith.addi %mul3A_685, %add3A_686 : i32
      %swap3A_688 = arith.index_cast %add3A_687 : i32 to index
      %swap3A_689 = arith.constant 80 : index
      %swap3A_690 = tpu.vector_load %arg11[%swap3A_688, %swap3A_689] {strides = array<i32>} : memref<256x128xf32, #tpu.memory_space<vmem>>, vector<16xf32>,
      tpu.vector_store %arg11[%swap3A_688, %swap3A_689], %gather3A_683 {strides = array<i32>} : memref<256x128xf32, #tpu.memory_space<vmem>>, vector<16xf32>,
      %broadcast_in_dim3A_691 = arith.constant 5 : i32
      %broadcast_in_dim3A_692 = vector.broadcast %broadcast_in_dim3A_691 : i32 to vector<16xi32>
      %broadcast_in_dim3A_693 = arith.constant 0 : i32
      %broadcast_in_dim3A_694 = vector.broadcast %broadcast_in_dim3A_693 : i32 to vector<16xi32>
      %gather3A_695 = tpu.vector_load_idx %arg9[%broadcast_in_dim3A_692, %broadcast_in_dim3A_694, %add3A_11, %broadcast_in_dim3A_666] : memref<8x1x64x128xf32, #tpu.memory_space<vmem>>[vector<16xi32>, vector<16xi32>, vector<16xi32>, vector<16xi32>], vector<16xf32>,
      %mul3A_696 = arith.constant 8 : i32
      %mul3A_697 = arith.muli %scan3A_191, %mul3A_696 : i32
      %add3A_698 = arith.constant 2 : i32
      %add3A_699 = arith.addi %mul3A_697, %add3A_698 : i32
      %swap3A_700 = arith.index_cast %add3A_699 : i32 to index
      %swap3A_701 = arith.constant 96 : index
      %swap3A_702 = tpu.vector_load %arg11[%swap3A_700, %swap3A_701] {strides = array<i32>} : memref<256x128xf32, #tpu.memory_space<vmem>>, vector<16xf32>,
      tpu.vector_store %arg11[%swap3A_700, %swap3A_701], %gather3A_695 {strides = array<i32>} : memref<256x128xf32, #tpu.memory_space<vmem>>, vector<16xf32>,
      %broadcast_in_dim3A_703 = arith.constant 5 : i32
      %broadcast_in_dim3A_704 = vector.broadcast %broadcast_in_dim3A_703 : i32 to vector<16xi32>
      %broadcast_in_dim3A_705 = arith.constant 0 : i32
      %broadcast_in_dim3A_706 = vector.broadcast %broadcast_in_dim3A_705 : i32 to vector<16xi32>
      %gather3A_707 = tpu.vector_load_idx %arg9[%broadcast_in_dim3A_704, %broadcast_in_dim3A_706, %add3A_14, %broadcast_in_dim3A_666] : memref<8x1x64x128xf32, #tpu.memory_space<vmem>>[vector<16xi32>, vector<16xi32>, vector<16xi32>, vector<16xi32>], vector<16xf32>,
      %mul3A_708 = arith.constant 8 : i32
      %mul3A_709 = arith.muli %scan3A_191, %mul3A_708 : i32
      %add3A_710 = arith.constant 2 : i32
      %add3A_711 = arith.addi %mul3A_709, %add3A_710 : i32
      %swap3A_712 = arith.index_cast %add3A_711 : i32 to index
      %swap3A_713 = arith.constant 112 : index
      %swap3A_714 = tpu.vector_load %arg11[%swap3A_712, %swap3A_713] {strides = array<i32>} : memref<256x128xf32, #tpu.memory_space<vmem>>, vector<16xf32>,
      tpu.vector_store %arg11[%swap3A_712, %swap3A_713], %gather3A_707 {strides = array<i32>} : memref<256x128xf32, #tpu.memory_space<vmem>>, vector<16xf32>,
      %slice3A_715 = vector.extract_strided_slice %shift_right_logical3A_199 {offsets = [13], sizes = [1], strides = [1]} : vector<16xi32> to vector<1xi32>
      %squeeze3A_716 = vector.extract %slice3A_715[0] : i32 from vector<1xi32>
      %mul3A_717 = arith.constant 128 : i32
      %mul3A_718 = arith.muli %squeeze3A_716, %mul3A_717 : i32
      %multiple_of3A_719 = tpu.assume_multiple %mul3A_718, 128 : i32
      %dma_start3A_720 = arith.constant 5 : i32
      %dma_start3A_721 = arith.constant 0 : i32
      %dma_start3A_722 = arith.constant 0 : i32
      %dma_start3A_723 = arith.constant 0 : i32
      %dma_start3A_724 = tpu.memref_slice %arg9[%dma_start3A_720, %dma_start3A_721, %dma_start3A_722, %dma_start3A_723] : memref<8x1x64x128xf32, #tpu.memory_space<vmem>> -> memref<1x1x64x128xf32, #tpu.memory_space<vmem>>
      %dma_start3A_725 = tpu.memref_squeeze %dma_start3A_724 : memref<1x1x64x128xf32, #tpu.memory_space<vmem>> -> memref<64x128xf32, #tpu.memory_space<vmem>>
      %dma_start3A_726 = arith.constant 0 : i32
      %dma_start3A_727 = tpu.memref_slice %arg4[%dma_start3A_726, %multiple_of3A_719] : memref<64x1000000xf32, #tpu.memory_space<hbm>> -> memref<64x128xf32, #tpu.memory_space<hbm>>
      %dma_start3A_728 = arith.constant 0 : i32
      %dma_start3A_729 = arith.constant 0 : i32
      %dma_start3A_730 = tpu.memref_slice %arg9[%dma_start3A_720, %dma_start3A_721, %dma_start3A_728, %dma_start3A_729] : memref<8x1x64x128xf32, #tpu.memory_space<vmem>> -> memref<1x1x64x128xf32, #tpu.memory_space<vmem>>
      %dma_start3A_731 = tpu.memref_squeeze %dma_start3A_730 : memref<1x1x64x128xf32, #tpu.memory_space<vmem>> -> memref<64x128xf32, #tpu.memory_space<vmem>>
      %dma_start3A_732 = arith.constant 0 : i32
      %dma_start3A_733 = tpu.memref_slice %arg4[%dma_start3A_732, %multiple_of3A_719] : memref<64x1000000xf32, #tpu.memory_space<hbm>> -> memref<64x128xf32, #tpu.memory_space<hbm>>
      tpu.enqueue_dma source(%dma_start3A_733 : memref<64x128xf32, #tpu.memory_space<hbm>>) target(%dma_start3A_731 : memref<64x128xf32, #tpu.memory_space<vmem>>) target_semaphore(%arg18 : memref<!tpu.dma_semaphore, #tpu.memory_space<semaphore_mem>>)
      %dma_wait3A_734 = arith.constant 6 : i32
      %dma_wait3A_735 = arith.constant 0 : i32
      %dma_wait3A_736 = arith.constant 0 : i32
      %dma_wait3A_737 = arith.constant 0 : i32
      %dma_wait3A_738 = tpu.memref_slice %arg9[%dma_wait3A_734, %dma_wait3A_735, %dma_wait3A_736, %dma_wait3A_737] : memref<8x1x64x128xf32, #tpu.memory_space<vmem>> -> memref<1x1x64x128xf32, #tpu.memory_space<vmem>>
      %dma_wait3A_739 = tpu.memref_squeeze %dma_wait3A_738 : memref<1x1x64x128xf32, #tpu.memory_space<vmem>> -> memref<64x128xf32, #tpu.memory_space<vmem>>
      %dma_wait3A_740 = arith.constant 0 : i32
      %dma_wait3A_741 = arith.constant 0 : i32
      %dma_wait3A_742 = tpu.memref_slice %arg4[%dma_wait3A_740, %dma_wait3A_741] : memref<64x1000000xf32, #tpu.memory_space<hbm>> -> memref<64x128xf32, #tpu.memory_space<hbm>>
      %dma_wait3A_743 = arith.constant 0 : i32
      %dma_wait3A_744 = arith.constant 0 : i32
      %dma_wait3A_745 = tpu.memref_slice %arg9[%dma_wait3A_734, %dma_wait3A_735, %dma_wait3A_743, %dma_wait3A_744] : memref<8x1x64x128xf32, #tpu.memory_space<vmem>> -> memref<1x1x64x128xf32, #tpu.memory_space<vmem>>
      %dma_wait3A_746 = tpu.memref_squeeze %dma_wait3A_745 : memref<1x1x64x128xf32, #tpu.memory_space<vmem>> -> memref<64x128xf32, #tpu.memory_space<vmem>>
      %dma_wait3A_747 = arith.constant 0 : i32
      %dma_wait3A_748 = arith.constant 0 : i32
      %dma_wait3A_749 = tpu.memref_slice %arg4[%dma_wait3A_747, %dma_wait3A_748] : memref<64x1000000xf32, #tpu.memory_space<hbm>> -> memref<64x128xf32, #tpu.memory_space<hbm>>
      tpu.wait_dma2 semaphore(%arg19 : memref<!tpu.dma_semaphore, #tpu.memory_space<semaphore_mem>>) src(%dma_wait3A_749 : memref<64x128xf32, #tpu.memory_space<hbm>>) dst(%dma_wait3A_746 : memref<64x128xf32, #tpu.memory_space<vmem>>)
      %slice3A_750 = vector.extract_strided_slice %and3A_201 {offsets = [6], sizes = [1], strides = [1]} : vector<16xi32> to vector<1xi32>
      %squeeze3A_751 = vector.extract %slice3A_750[0] : i32 from vector<1xi32>
      %broadcast_in_dim3A_752 = vector.broadcast %squeeze3A_751 : i32 to vector<16xi32>
      %broadcast_in_dim3A_753 = arith.constant 6 : i32
      %broadcast_in_dim3A_754 = vector.broadcast %broadcast_in_dim3A_753 : i32 to vector<16xi32>
      %broadcast_in_dim3A_755 = arith.constant 0 : i32
      %broadcast_in_dim3A_756 = vector.broadcast %broadcast_in_dim3A_755 : i32 to vector<16xi32>
      %gather3A_757 = tpu.vector_load_idx %arg9[%broadcast_in_dim3A_754, %broadcast_in_dim3A_756, %add3A_5, %broadcast_in_dim3A_752] : memref<8x1x64x128xf32, #tpu.memory_space<vmem>>[vector<16xi32>, vector<16xi32>, vector<16xi32>, vector<16xi32>], vector<16xf32>,
      %mul3A_758 = arith.constant 8 : i32
      %mul3A_759 = arith.muli %scan3A_191, %mul3A_758 : i32
      %add3A_760 = arith.constant 3 : i32
      %add3A_761 = arith.addi %mul3A_759, %add3A_760 : i32
      %swap3A_762 = arith.index_cast %add3A_761 : i32 to index
      %swap3A_763 = arith.constant 0 : index
      %swap3A_764 = tpu.vector_load %arg11[%swap3A_762, %swap3A_763] {strides = array<i32>} : memref<256x128xf32, #tpu.memory_space<vmem>>, vector<16xf32>,
      tpu.vector_store %arg11[%swap3A_762, %swap3A_763], %gather3A_757 {strides = array<i32>} : memref<256x128xf32, #tpu.memory_space<vmem>>, vector<16xf32>,
      %broadcast_in_dim3A_765 = arith.constant 6 : i32
      %broadcast_in_dim3A_766 = vector.broadcast %broadcast_in_dim3A_765 : i32 to vector<16xi32>
      %broadcast_in_dim3A_767 = arith.constant 0 : i32
      %broadcast_in_dim3A_768 = vector.broadcast %broadcast_in_dim3A_767 : i32 to vector<16xi32>
      %gather3A_769 = tpu.vector_load_idx %arg9[%broadcast_in_dim3A_766, %broadcast_in_dim3A_768, %add3A_8, %broadcast_in_dim3A_752] : memref<8x1x64x128xf32, #tpu.memory_space<vmem>>[vector<16xi32>, vector<16xi32>, vector<16xi32>, vector<16xi32>], vector<16xf32>,
      %mul3A_770 = arith.constant 8 : i32
      %mul3A_771 = arith.muli %scan3A_191, %mul3A_770 : i32
      %add3A_772 = arith.constant 3 : i32
      %add3A_773 = arith.addi %mul3A_771, %add3A_772 : i32
      %swap3A_774 = arith.index_cast %add3A_773 : i32 to index
      %swap3A_775 = arith.constant 16 : index
      %swap3A_776 = tpu.vector_load %arg11[%swap3A_774, %swap3A_775] {strides = array<i32>} : memref<256x128xf32, #tpu.memory_space<vmem>>, vector<16xf32>,
      tpu.vector_store %arg11[%swap3A_774, %swap3A_775], %gather3A_769 {strides = array<i32>} : memref<256x128xf32, #tpu.memory_space<vmem>>, vector<16xf32>,
      %broadcast_in_dim3A_777 = arith.constant 6 : i32
      %broadcast_in_dim3A_778 = vector.broadcast %broadcast_in_dim3A_777 : i32 to vector<16xi32>
      %broadcast_in_dim3A_779 = arith.constant 0 : i32
      %broadcast_in_dim3A_780 = vector.broadcast %broadcast_in_dim3A_779 : i32 to vector<16xi32>
      %gather3A_781 = tpu.vector_load_idx %arg9[%broadcast_in_dim3A_778, %broadcast_in_dim3A_780, %add3A_11, %broadcast_in_dim3A_752] : memref<8x1x64x128xf32, #tpu.memory_space<vmem>>[vector<16xi32>, vector<16xi32>, vector<16xi32>, vector<16xi32>], vector<16xf32>,
      %mul3A_782 = arith.constant 8 : i32
      %mul3A_783 = arith.muli %scan3A_191, %mul3A_782 : i32
      %add3A_784 = arith.constant 3 : i32
      %add3A_785 = arith.addi %mul3A_783, %add3A_784 : i32
      %swap3A_786 = arith.index_cast %add3A_785 : i32 to index
      %swap3A_787 = arith.constant 32 : index
      %swap3A_788 = tpu.vector_load %arg11[%swap3A_786, %swap3A_787] {strides = array<i32>} : memref<256x128xf32, #tpu.memory_space<vmem>>, vector<16xf32>,
      tpu.vector_store %arg11[%swap3A_786, %swap3A_787], %gather3A_781 {strides = array<i32>} : memref<256x128xf32, #tpu.memory_space<vmem>>, vector<16xf32>,
      %broadcast_in_dim3A_789 = arith.constant 6 : i32
      %broadcast_in_dim3A_790 = vector.broadcast %broadcast_in_dim3A_789 : i32 to vector<16xi32>
      %broadcast_in_dim3A_791 = arith.constant 0 : i32
      %broadcast_in_dim3A_792 = vector.broadcast %broadcast_in_dim3A_791 : i32 to vector<16xi32>
      %gather3A_793 = tpu.vector_load_idx %arg9[%broadcast_in_dim3A_790, %broadcast_in_dim3A_792, %add3A_14, %broadcast_in_dim3A_752] : memref<8x1x64x128xf32, #tpu.memory_space<vmem>>[vector<16xi32>, vector<16xi32>, vector<16xi32>, vector<16xi32>], vector<16xf32>,
      %mul3A_794 = arith.constant 8 : i32
      %mul3A_795 = arith.muli %scan3A_191, %mul3A_794 : i32
      %add3A_796 = arith.constant 3 : i32
      %add3A_797 = arith.addi %mul3A_795, %add3A_796 : i32
      %swap3A_798 = arith.index_cast %add3A_797 : i32 to index
      %swap3A_799 = arith.constant 48 : index
      %swap3A_800 = tpu.vector_load %arg11[%swap3A_798, %swap3A_799] {strides = array<i32>} : memref<256x128xf32, #tpu.memory_space<vmem>>, vector<16xf32>,
      tpu.vector_store %arg11[%swap3A_798, %swap3A_799], %gather3A_793 {strides = array<i32>} : memref<256x128xf32, #tpu.memory_space<vmem>>, vector<16xf32>,
      %slice3A_801 = vector.extract_strided_slice %shift_right_logical3A_199 {offsets = [14], sizes = [1], strides = [1]} : vector<16xi32> to vector<1xi32>
      %squeeze3A_802 = vector.extract %slice3A_801[0] : i32 from vector<1xi32>
      %mul3A_803 = arith.constant 128 : i32
      %mul3A_804 = arith.muli %squeeze3A_802, %mul3A_803 : i32
      %multiple_of3A_805 = tpu.assume_multiple %mul3A_804, 128 : i32
      %dma_start3A_806 = arith.constant 6 : i32
      %dma_start3A_807 = arith.constant 0 : i32
      %dma_start3A_808 = arith.constant 0 : i32
      %dma_start3A_809 = arith.constant 0 : i32
      %dma_start3A_810 = tpu.memref_slice %arg9[%dma_start3A_806, %dma_start3A_807, %dma_start3A_808, %dma_start3A_809] : memref<8x1x64x128xf32, #tpu.memory_space<vmem>> -> memref<1x1x64x128xf32, #tpu.memory_space<vmem>>
      %dma_start3A_811 = tpu.memref_squeeze %dma_start3A_810 : memref<1x1x64x128xf32, #tpu.memory_space<vmem>> -> memref<64x128xf32, #tpu.memory_space<vmem>>
      %dma_start3A_812 = arith.constant 0 : i32
      %dma_start3A_813 = tpu.memref_slice %arg4[%dma_start3A_812, %multiple_of3A_805] : memref<64x1000000xf32, #tpu.memory_space<hbm>> -> memref<64x128xf32, #tpu.memory_space<hbm>>
      %dma_start3A_814 = arith.constant 0 : i32
      %dma_start3A_815 = arith.constant 0 : i32
      %dma_start3A_816 = tpu.memref_slice %arg9[%dma_start3A_806, %dma_start3A_807, %dma_start3A_814, %dma_start3A_815] : memref<8x1x64x128xf32, #tpu.memory_space<vmem>> -> memref<1x1x64x128xf32, #tpu.memory_space<vmem>>
      %dma_start3A_817 = tpu.memref_squeeze %dma_start3A_816 : memref<1x1x64x128xf32, #tpu.memory_space<vmem>> -> memref<64x128xf32, #tpu.memory_space<vmem>>
      %dma_start3A_818 = arith.constant 0 : i32
      %dma_start3A_819 = tpu.memref_slice %arg4[%dma_start3A_818, %multiple_of3A_805] : memref<64x1000000xf32, #tpu.memory_space<hbm>> -> memref<64x128xf32, #tpu.memory_space<hbm>>
      tpu.enqueue_dma source(%dma_start3A_819 : memref<64x128xf32, #tpu.memory_space<hbm>>) target(%dma_start3A_817 : memref<64x128xf32, #tpu.memory_space<vmem>>) target_semaphore(%arg19 : memref<!tpu.dma_semaphore, #tpu.memory_space<semaphore_mem>>)
      %dma_wait3A_820 = arith.constant 7 : i32
      %dma_wait3A_821 = arith.constant 0 : i32
      %dma_wait3A_822 = arith.constant 0 : i32
      %dma_wait3A_823 = arith.constant 0 : i32
      %dma_wait3A_824 = tpu.memref_slice %arg9[%dma_wait3A_820, %dma_wait3A_821, %dma_wait3A_822, %dma_wait3A_823] : memref<8x1x64x128xf32, #tpu.memory_space<vmem>> -> memref<1x1x64x128xf32, #tpu.memory_space<vmem>>
      %dma_wait3A_825 = tpu.memref_squeeze %dma_wait3A_824 : memref<1x1x64x128xf32, #tpu.memory_space<vmem>> -> memref<64x128xf32, #tpu.memory_space<vmem>>
      %dma_wait3A_826 = arith.constant 0 : i32
      %dma_wait3A_827 = arith.constant 0 : i32
      %dma_wait3A_828 = tpu.memref_slice %arg4[%dma_wait3A_826, %dma_wait3A_827] : memref<64x1000000xf32, #tpu.memory_space<hbm>> -> memref<64x128xf32, #tpu.memory_space<hbm>>
      %dma_wait3A_829 = arith.constant 0 : i32
      %dma_wait3A_830 = arith.constant 0 : i32
      %dma_wait3A_831 = tpu.memref_slice %arg9[%dma_wait3A_820, %dma_wait3A_821, %dma_wait3A_829, %dma_wait3A_830] : memref<8x1x64x128xf32, #tpu.memory_space<vmem>> -> memref<1x1x64x128xf32, #tpu.memory_space<vmem>>
      %dma_wait3A_832 = tpu.memref_squeeze %dma_wait3A_831 : memref<1x1x64x128xf32, #tpu.memory_space<vmem>> -> memref<64x128xf32, #tpu.memory_space<vmem>>
      %dma_wait3A_833 = arith.constant 0 : i32
      %dma_wait3A_834 = arith.constant 0 : i32
      %dma_wait3A_835 = tpu.memref_slice %arg4[%dma_wait3A_833, %dma_wait3A_834] : memref<64x1000000xf32, #tpu.memory_space<hbm>> -> memref<64x128xf32, #tpu.memory_space<hbm>>
      tpu.wait_dma2 semaphore(%arg20 : memref<!tpu.dma_semaphore, #tpu.memory_space<semaphore_mem>>) src(%dma_wait3A_835 : memref<64x128xf32, #tpu.memory_space<hbm>>) dst(%dma_wait3A_832 : memref<64x128xf32, #tpu.memory_space<vmem>>)
      %slice3A_836 = vector.extract_strided_slice %and3A_201 {offsets = [7], sizes = [1], strides = [1]} : vector<16xi32> to vector<1xi32>
      %squeeze3A_837 = vector.extract %slice3A_836[0] : i32 from vector<1xi32>
      %broadcast_in_dim3A_838 = vector.broadcast %squeeze3A_837 : i32 to vector<16xi32>
      %broadcast_in_dim3A_839 = arith.constant 7 : i32
      %broadcast_in_dim3A_840 = vector.broadcast %broadcast_in_dim3A_839 : i32 to vector<16xi32>
      %broadcast_in_dim3A_841 = arith.constant 0 : i32
      %broadcast_in_dim3A_842 = vector.broadcast %broadcast_in_dim3A_841 : i32 to vector<16xi32>
      %gather3A_843 = tpu.vector_load_idx %arg9[%broadcast_in_dim3A_840, %broadcast_in_dim3A_842, %add3A_5, %broadcast_in_dim3A_838] : memref<8x1x64x128xf32, #tpu.memory_space<vmem>>[vector<16xi32>, vector<16xi32>, vector<16xi32>, vector<16xi32>], vector<16xf32>,
      %mul3A_844 = arith.constant 8 : i32
      %mul3A_845 = arith.muli %scan3A_191, %mul3A_844 : i32
      %add3A_846 = arith.constant 3 : i32
      %add3A_847 = arith.addi %mul3A_845, %add3A_846 : i32
      %swap3A_848 = arith.index_cast %add3A_847 : i32 to index
      %swap3A_849 = arith.constant 64 : index
      %swap3A_850 = tpu.vector_load %arg11[%swap3A_848, %swap3A_849] {strides = array<i32>} : memref<256x128xf32, #tpu.memory_space<vmem>>, vector<16xf32>,
      tpu.vector_store %arg11[%swap3A_848, %swap3A_849], %gather3A_843 {strides = array<i32>} : memref<256x128xf32, #tpu.memory_space<vmem>>, vector<16xf32>,
      %broadcast_in_dim3A_851 = arith.constant 7 : i32
      %broadcast_in_dim3A_852 = vector.broadcast %broadcast_in_dim3A_851 : i32 to vector<16xi32>
      %broadcast_in_dim3A_853 = arith.constant 0 : i32
      %broadcast_in_dim3A_854 = vector.broadcast %broadcast_in_dim3A_853 : i32 to vector<16xi32>
      %gather3A_855 = tpu.vector_load_idx %arg9[%broadcast_in_dim3A_852, %broadcast_in_dim3A_854, %add3A_8, %broadcast_in_dim3A_838] : memref<8x1x64x128xf32, #tpu.memory_space<vmem>>[vector<16xi32>, vector<16xi32>, vector<16xi32>, vector<16xi32>], vector<16xf32>,
      %mul3A_856 = arith.constant 8 : i32
      %mul3A_857 = arith.muli %scan3A_191, %mul3A_856 : i32
      %add3A_858 = arith.constant 3 : i32
      %add3A_859 = arith.addi %mul3A_857, %add3A_858 : i32
      %swap3A_860 = arith.index_cast %add3A_859 : i32 to index
      %swap3A_861 = arith.constant 80 : index
      %swap3A_862 = tpu.vector_load %arg11[%swap3A_860, %swap3A_861] {strides = array<i32>} : memref<256x128xf32, #tpu.memory_space<vmem>>, vector<16xf32>,
      tpu.vector_store %arg11[%swap3A_860, %swap3A_861], %gather3A_855 {strides = array<i32>} : memref<256x128xf32, #tpu.memory_space<vmem>>, vector<16xf32>,
      %broadcast_in_dim3A_863 = arith.constant 7 : i32
      %broadcast_in_dim3A_864 = vector.broadcast %broadcast_in_dim3A_863 : i32 to vector<16xi32>
      %broadcast_in_dim3A_865 = arith.constant 0 : i32
      %broadcast_in_dim3A_866 = vector.broadcast %broadcast_in_dim3A_865 : i32 to vector<16xi32>
      %gather3A_867 = tpu.vector_load_idx %arg9[%broadcast_in_dim3A_864, %broadcast_in_dim3A_866, %add3A_11, %broadcast_in_dim3A_838] : memref<8x1x64x128xf32, #tpu.memory_space<vmem>>[vector<16xi32>, vector<16xi32>, vector<16xi32>, vector<16xi32>], vector<16xf32>,
      %mul3A_868 = arith.constant 8 : i32
      %mul3A_869 = arith.muli %scan3A_191, %mul3A_868 : i32
      %add3A_870 = arith.constant 3 : i32
      %add3A_871 = arith.addi %mul3A_869, %add3A_870 : i32
      %swap3A_872 = arith.index_cast %add3A_871 : i32 to index
      %swap3A_873 = arith.constant 96 : index
      %swap3A_874 = tpu.vector_load %arg11[%swap3A_872, %swap3A_873] {strides = array<i32>} : memref<256x128xf32, #tpu.memory_space<vmem>>, vector<16xf32>,
      tpu.vector_store %arg11[%swap3A_872, %swap3A_873], %gather3A_867 {strides = array<i32>} : memref<256x128xf32, #tpu.memory_space<vmem>>, vector<16xf32>,
      %broadcast_in_dim3A_875 = arith.constant 7 : i32
      %broadcast_in_dim3A_876 = vector.broadcast %broadcast_in_dim3A_875 : i32 to vector<16xi32>
      %broadcast_in_dim3A_877 = arith.constant 0 : i32
      %broadcast_in_dim3A_878 = vector.broadcast %broadcast_in_dim3A_877 : i32 to vector<16xi32>
      %gather3A_879 = tpu.vector_load_idx %arg9[%broadcast_in_dim3A_876, %broadcast_in_dim3A_878, %add3A_14, %broadcast_in_dim3A_838] : memref<8x1x64x128xf32, #tpu.memory_space<vmem>>[vector<16xi32>, vector<16xi32>, vector<16xi32>, vector<16xi32>], vector<16xf32>,
      %mul3A_880 = arith.constant 8 : i32
      %mul3A_881 = arith.muli %scan3A_191, %mul3A_880 : i32
      %add3A_882 = arith.constant 3 : i32
      %add3A_883 = arith.addi %mul3A_881, %add3A_882 : i32
      %swap3A_884 = arith.index_cast %add3A_883 : i32 to index
      %swap3A_885 = arith.constant 112 : index
      %swap3A_886 = tpu.vector_load %arg11[%swap3A_884, %swap3A_885] {strides = array<i32>} : memref<256x128xf32, #tpu.memory_space<vmem>>, vector<16xf32>,
      tpu.vector_store %arg11[%swap3A_884, %swap3A_885], %gather3A_879 {strides = array<i32>} : memref<256x128xf32, #tpu.memory_space<vmem>>, vector<16xf32>,
      %slice3A_887 = vector.extract_strided_slice %shift_right_logical3A_199 {offsets = [15], sizes = [1], strides = [1]} : vector<16xi32> to vector<1xi32>
      %squeeze3A_888 = vector.extract %slice3A_887[0] : i32 from vector<1xi32>
      %mul3A_889 = arith.constant 128 : i32
      %mul3A_890 = arith.muli %squeeze3A_888, %mul3A_889 : i32
      %multiple_of3A_891 = tpu.assume_multiple %mul3A_890, 128 : i32
      %dma_start3A_892 = arith.constant 7 : i32
      %dma_start3A_893 = arith.constant 0 : i32
      %dma_start3A_894 = arith.constant 0 : i32
      %dma_start3A_895 = arith.constant 0 : i32
      %dma_start3A_896 = tpu.memref_slice %arg9[%dma_start3A_892, %dma_start3A_893, %dma_start3A_894, %dma_start3A_895] : memref<8x1x64x128xf32, #tpu.memory_space<vmem>> -> memref<1x1x64x128xf32, #tpu.memory_space<vmem>>
      %dma_start3A_897 = tpu.memref_squeeze %dma_start3A_896 : memref<1x1x64x128xf32, #tpu.memory_space<vmem>> -> memref<64x128xf32, #tpu.memory_space<vmem>>
      %dma_start3A_898 = arith.constant 0 : i32
      %dma_start3A_899 = tpu.memref_slice %arg4[%dma_start3A_898, %multiple_of3A_891] : memref<64x1000000xf32, #tpu.memory_space<hbm>> -> memref<64x128xf32, #tpu.memory_space<hbm>>
      %dma_start3A_900 = arith.constant 0 : i32
      %dma_start3A_901 = arith.constant 0 : i32
      %dma_start3A_902 = tpu.memref_slice %arg9[%dma_start3A_892, %dma_start3A_893, %dma_start3A_900, %dma_start3A_901] : memref<8x1x64x128xf32, #tpu.memory_space<vmem>> -> memref<1x1x64x128xf32, #tpu.memory_space<vmem>>
      %dma_start3A_903 = tpu.memref_squeeze %dma_start3A_902 : memref<1x1x64x128xf32, #tpu.memory_space<vmem>> -> memref<64x128xf32, #tpu.memory_space<vmem>>
      %dma_start3A_904 = arith.constant 0 : i32
      %dma_start3A_905 = tpu.memref_slice %arg4[%dma_start3A_904, %multiple_of3A_891] : memref<64x1000000xf32, #tpu.memory_space<hbm>> -> memref<64x128xf32, #tpu.memory_space<hbm>>
      tpu.enqueue_dma source(%dma_start3A_905 : memref<64x128xf32, #tpu.memory_space<hbm>>) target(%dma_start3A_903 : memref<64x128xf32, #tpu.memory_space<vmem>>) target_semaphore(%arg20 : memref<!tpu.dma_semaphore, #tpu.memory_space<semaphore_mem>>)
      %dma_wait3A_906 = arith.constant 0 : i32
      %dma_wait3A_907 = arith.constant 0 : i32
      %dma_wait3A_908 = arith.constant 0 : i32
      %dma_wait3A_909 = arith.constant 0 : i32
      %dma_wait3A_910 = tpu.memref_slice %arg9[%dma_wait3A_906, %dma_wait3A_907, %dma_wait3A_908, %dma_wait3A_909] : memref<8x1x64x128xf32, #tpu.memory_space<vmem>> -> memref<1x1x64x128xf32, #tpu.memory_space<vmem>>
      %dma_wait3A_911 = tpu.memref_squeeze %dma_wait3A_910 : memref<1x1x64x128xf32, #tpu.memory_space<vmem>> -> memref<64x128xf32, #tpu.memory_space<vmem>>
      %dma_wait3A_912 = arith.constant 0 : i32
      %dma_wait3A_913 = arith.constant 0 : i32
      %dma_wait3A_914 = tpu.memref_slice %arg4[%dma_wait3A_912, %dma_wait3A_913] : memref<64x1000000xf32, #tpu.memory_space<hbm>> -> memref<64x128xf32, #tpu.memory_space<hbm>>
      %dma_wait3A_915 = arith.constant 0 : i32
      %dma_wait3A_916 = arith.constant 0 : i32
      %dma_wait3A_917 = tpu.memref_slice %arg9[%dma_wait3A_906, %dma_wait3A_907, %dma_wait3A_915, %dma_wait3A_916] : memref<8x1x64x128xf32, #tpu.memory_space<vmem>> -> memref<1x1x64x128xf32, #tpu.memory_space<vmem>>
      %dma_wait3A_918 = tpu.memref_squeeze %dma_wait3A_917 : memref<1x1x64x128xf32, #tpu.memory_space<vmem>> -> memref<64x128xf32, #tpu.memory_space<vmem>>
      %dma_wait3A_919 = arith.constant 0 : i32
      %dma_wait3A_920 = arith.constant 0 : i32
      %dma_wait3A_921 = tpu.memref_slice %arg4[%dma_wait3A_919, %dma_wait3A_920] : memref<64x1000000xf32, #tpu.memory_space<hbm>> -> memref<64x128xf32, #tpu.memory_space<hbm>>
      tpu.wait_dma2 semaphore(%arg13 : memref<!tpu.dma_semaphore, #tpu.memory_space<semaphore_mem>>) src(%dma_wait3A_921 : memref<64x128xf32, #tpu.memory_space<hbm>>) dst(%dma_wait3A_918 : memref<64x128xf32, #tpu.memory_space<vmem>>)
      %slice3A_922 = vector.extract_strided_slice %and3A_201 {offsets = [8], sizes = [1], strides = [1]} : vector<16xi32> to vector<1xi32>
      %squeeze3A_923 = vector.extract %slice3A_922[0] : i32 from vector<1xi32>
      %broadcast_in_dim3A_924 = vector.broadcast %squeeze3A_923 : i32 to vector<16xi32>
      %broadcast_in_dim3A_925 = arith.constant 0 : i32
      %broadcast_in_dim3A_926 = vector.broadcast %broadcast_in_dim3A_925 : i32 to vector<16xi32>
      %broadcast_in_dim3A_927 = arith.constant 0 : i32
      %broadcast_in_dim3A_928 = vector.broadcast %broadcast_in_dim3A_927 : i32 to vector<16xi32>
      %gather3A_929 = tpu.vector_load_idx %arg9[%broadcast_in_dim3A_926, %broadcast_in_dim3A_928, %add3A_5, %broadcast_in_dim3A_924] : memref<8x1x64x128xf32, #tpu.memory_space<vmem>>[vector<16xi32>, vector<16xi32>, vector<16xi32>, vector<16xi32>], vector<16xf32>,
      %mul3A_930 = arith.constant 8 : i32
      %mul3A_931 = arith.muli %scan3A_191, %mul3A_930 : i32
      %add3A_932 = arith.constant 4 : i32
      %add3A_933 = arith.addi %mul3A_931, %add3A_932 : i32
      %swap3A_934 = arith.index_cast %add3A_933 : i32 to index
      %swap3A_935 = arith.constant 0 : index
      %swap3A_936 = tpu.vector_load %arg11[%swap3A_934, %swap3A_935] {strides = array<i32>} : memref<256x128xf32, #tpu.memory_space<vmem>>, vector<16xf32>,
      tpu.vector_store %arg11[%swap3A_934, %swap3A_935], %gather3A_929 {strides = array<i32>} : memref<256x128xf32, #tpu.memory_space<vmem>>, vector<16xf32>,
      %broadcast_in_dim3A_937 = arith.constant 0 : i32
      %broadcast_in_dim3A_938 = vector.broadcast %broadcast_in_dim3A_937 : i32 to vector<16xi32>
      %broadcast_in_dim3A_939 = arith.constant 0 : i32
      %broadcast_in_dim3A_940 = vector.broadcast %broadcast_in_dim3A_939 : i32 to vector<16xi32>
      %gather3A_941 = tpu.vector_load_idx %arg9[%broadcast_in_dim3A_938, %broadcast_in_dim3A_940, %add3A_8, %broadcast_in_dim3A_924] : memref<8x1x64x128xf32, #tpu.memory_space<vmem>>[vector<16xi32>, vector<16xi32>, vector<16xi32>, vector<16xi32>], vector<16xf32>,
      %mul3A_942 = arith.constant 8 : i32
      %mul3A_943 = arith.muli %scan3A_191, %mul3A_942 : i32
      %add3A_944 = arith.constant 4 : i32
      %add3A_945 = arith.addi %mul3A_943, %add3A_944 : i32
      %swap3A_946 = arith.index_cast %add3A_945 : i32 to index
      %swap3A_947 = arith.constant 16 : index
      %swap3A_948 = tpu.vector_load %arg11[%swap3A_946, %swap3A_947] {strides = array<i32>} : memref<256x128xf32, #tpu.memory_space<vmem>>, vector<16xf32>,
      tpu.vector_store %arg11[%swap3A_946, %swap3A_947], %gather3A_941 {strides = array<i32>} : memref<256x128xf32, #tpu.memory_space<vmem>>, vector<16xf32>,
      %broadcast_in_dim3A_949 = arith.constant 0 : i32
      %broadcast_in_dim3A_950 = vector.broadcast %broadcast_in_dim3A_949 : i32 to vector<16xi32>
      %broadcast_in_dim3A_951 = arith.constant 0 : i32
      %broadcast_in_dim3A_952 = vector.broadcast %broadcast_in_dim3A_951 : i32 to vector<16xi32>
      %gather3A_953 = tpu.vector_load_idx %arg9[%broadcast_in_dim3A_950, %broadcast_in_dim3A_952, %add3A_11, %broadcast_in_dim3A_924] : memref<8x1x64x128xf32, #tpu.memory_space<vmem>>[vector<16xi32>, vector<16xi32>, vector<16xi32>, vector<16xi32>], vector<16xf32>,
      %mul3A_954 = arith.constant 8 : i32
      %mul3A_955 = arith.muli %scan3A_191, %mul3A_954 : i32
      %add3A_956 = arith.constant 4 : i32
      %add3A_957 = arith.addi %mul3A_955, %add3A_956 : i32
      %swap3A_958 = arith.index_cast %add3A_957 : i32 to index
      %swap3A_959 = arith.constant 32 : index
      %swap3A_960 = tpu.vector_load %arg11[%swap3A_958, %swap3A_959] {strides = array<i32>} : memref<256x128xf32, #tpu.memory_space<vmem>>, vector<16xf32>,
      tpu.vector_store %arg11[%swap3A_958, %swap3A_959], %gather3A_953 {strides = array<i32>} : memref<256x128xf32, #tpu.memory_space<vmem>>, vector<16xf32>,
      %broadcast_in_dim3A_961 = arith.constant 0 : i32
      %broadcast_in_dim3A_962 = vector.broadcast %broadcast_in_dim3A_961 : i32 to vector<16xi32>
      %broadcast_in_dim3A_963 = arith.constant 0 : i32
      %broadcast_in_dim3A_964 = vector.broadcast %broadcast_in_dim3A_963 : i32 to vector<16xi32>
      %gather3A_965 = tpu.vector_load_idx %arg9[%broadcast_in_dim3A_962, %broadcast_in_dim3A_964, %add3A_14, %broadcast_in_dim3A_924] : memref<8x1x64x128xf32, #tpu.memory_space<vmem>>[vector<16xi32>, vector<16xi32>, vector<16xi32>, vector<16xi32>], vector<16xf32>,
      %mul3A_966 = arith.constant 8 : i32
      %mul3A_967 = arith.muli %scan3A_191, %mul3A_966 : i32
      %add3A_968 = arith.constant 4 : i32
      %add3A_969 = arith.addi %mul3A_967, %add3A_968 : i32
      %swap3A_970 = arith.index_cast %add3A_969 : i32 to index
      %swap3A_971 = arith.constant 48 : index
      %swap3A_972 = tpu.vector_load %arg11[%swap3A_970, %swap3A_971] {strides = array<i32>} : memref<256x128xf32, #tpu.memory_space<vmem>>, vector<16xf32>,
      tpu.vector_store %arg11[%swap3A_970, %swap3A_971], %gather3A_965 {strides = array<i32>} : memref<256x128xf32, #tpu.memory_space<vmem>>, vector<16xf32>,
      %add3A_973 = arith.constant 1 : i32
      %add3A_974 = arith.addi %scan3A_191, %add3A_973 : i32
      %lt3A = arith.constant 32 : i32
      %lt3A_975 = arith.cmpi slt, %add3A_974, %lt3A : i32
      %convert_element_type3A_976 = arith.extui %lt3A_975 : i1 to i32
      %cond3A_977 = arith.constant 0 : i32
      %cond3A_978 = arith.cmpi ne, %convert_element_type3A_976, %cond3A_977 : i32
      scf.if %cond3A_978 {
        %add3A_1491 = arith.constant 1 : i32
        %add3A_1492 = arith.addi %scan3A_191, %add3A_1491 : i32
        %mul3A_1493 = arith.constant 16 : i32
        %mul3A_1494 = arith.muli %add3A_1492, %mul3A_1493 : i32
        %get3A_1495 = arith.index_cast %mul3A_1494 : i32 to index
        %get3A_1496 = tpu.vector_load %arg7[%get3A_1495] {strides = array<i32>} : memref<512xi32, #tpu.memory_space<vmem>>, vector<16xi32>,
        %shift_right_logical3A_1497 = arith.constant 7 : i32
        %shift_right_logical3A_1498 = vector.broadcast %shift_right_logical3A_1497 : i32 to vector<16xi32>
        %shift_right_logical3A_1499 = arith.shrui %get3A_1496, %shift_right_logical3A_1498 : vector<16xi32>
        %slice3A_1500 = vector.extract_strided_slice %shift_right_logical3A_1499 {offsets = [0], sizes = [1], strides = [1]} : vector<16xi32> to vector<1xi32>
        %squeeze3A_1501 = vector.extract %slice3A_1500[0] : i32 from vector<1xi32>
        %mul3A_1502 = arith.constant 128 : i32
        %mul3A_1503 = arith.muli %squeeze3A_1501, %mul3A_1502 : i32
        %multiple_of3A_1504 = tpu.assume_multiple %mul3A_1503, 128 : i32
        %dma_start3A_1505 = arith.constant 0 : i32
        %dma_start3A_1506 = arith.constant 0 : i32
        %dma_start3A_1507 = arith.constant 0 : i32
        %dma_start3A_1508 = arith.constant 0 : i32
        %dma_start3A_1509 = tpu.memref_slice %arg9[%dma_start3A_1505, %dma_start3A_1506, %dma_start3A_1507, %dma_start3A_1508] : memref<8x1x64x128xf32, #tpu.memory_space<vmem>> -> memref<1x1x64x128xf32, #tpu.memory_space<vmem>>
        %dma_start3A_1510 = tpu.memref_squeeze %dma_start3A_1509 : memref<1x1x64x128xf32, #tpu.memory_space<vmem>> -> memref<64x128xf32, #tpu.memory_space<vmem>>
        %dma_start3A_1511 = arith.constant 0 : i32
        %dma_start3A_1512 = tpu.memref_slice %arg4[%dma_start3A_1511, %multiple_of3A_1504] : memref<64x1000000xf32, #tpu.memory_space<hbm>> -> memref<64x128xf32, #tpu.memory_space<hbm>>
        %dma_start3A_1513 = arith.constant 0 : i32
        %dma_start3A_1514 = arith.constant 0 : i32
        %dma_start3A_1515 = tpu.memref_slice %arg9[%dma_start3A_1505, %dma_start3A_1506, %dma_start3A_1513, %dma_start3A_1514] : memref<8x1x64x128xf32, #tpu.memory_space<vmem>> -> memref<1x1x64x128xf32, #tpu.memory_space<vmem>>
        %dma_start3A_1516 = tpu.memref_squeeze %dma_start3A_1515 : memref<1x1x64x128xf32, #tpu.memory_space<vmem>> -> memref<64x128xf32, #tpu.memory_space<vmem>>
        %dma_start3A_1517 = arith.constant 0 : i32
        %dma_start3A_1518 = tpu.memref_slice %arg4[%dma_start3A_1517, %multiple_of3A_1504] : memref<64x1000000xf32, #tpu.memory_space<hbm>> -> memref<64x128xf32, #tpu.memory_space<hbm>>
        tpu.enqueue_dma source(%dma_start3A_1518 : memref<64x128xf32, #tpu.memory_space<hbm>>) target(%dma_start3A_1516 : memref<64x128xf32, #tpu.memory_space<vmem>>) target_semaphore(%arg13 : memref<!tpu.dma_semaphore, #tpu.memory_space<semaphore_mem>>)
      } else {
      }
      %dma_wait3A_979 = arith.constant 1 : i32
      %dma_wait3A_980 = arith.constant 0 : i32
      %dma_wait3A_981 = arith.constant 0 : i32
      %dma_wait3A_982 = arith.constant 0 : i32
      %dma_wait3A_983 = tpu.memref_slice %arg9[%dma_wait3A_979, %dma_wait3A_980, %dma_wait3A_981, %dma_wait3A_982] : memref<8x1x64x128xf32, #tpu.memory_space<vmem>> -> memref<1x1x64x128xf32, #tpu.memory_space<vmem>>
      %dma_wait3A_984 = tpu.memref_squeeze %dma_wait3A_983 : memref<1x1x64x128xf32, #tpu.memory_space<vmem>> -> memref<64x128xf32, #tpu.memory_space<vmem>>
      %dma_wait3A_985 = arith.constant 0 : i32
      %dma_wait3A_986 = arith.constant 0 : i32
      %dma_wait3A_987 = tpu.memref_slice %arg4[%dma_wait3A_985, %dma_wait3A_986] : memref<64x1000000xf32, #tpu.memory_space<hbm>> -> memref<64x128xf32, #tpu.memory_space<hbm>>
      %dma_wait3A_988 = arith.constant 0 : i32
      %dma_wait3A_989 = arith.constant 0 : i32
      %dma_wait3A_990 = tpu.memref_slice %arg9[%dma_wait3A_979, %dma_wait3A_980, %dma_wait3A_988, %dma_wait3A_989] : memref<8x1x64x128xf32, #tpu.memory_space<vmem>> -> memref<1x1x64x128xf32, #tpu.memory_space<vmem>>
      %dma_wait3A_991 = tpu.memref_squeeze %dma_wait3A_990 : memref<1x1x64x128xf32, #tpu.memory_space<vmem>> -> memref<64x128xf32, #tpu.memory_space<vmem>>
      %dma_wait3A_992 = arith.constant 0 : i32
      %dma_wait3A_993 = arith.constant 0 : i32
      %dma_wait3A_994 = tpu.memref_slice %arg4[%dma_wait3A_992, %dma_wait3A_993] : memref<64x1000000xf32, #tpu.memory_space<hbm>> -> memref<64x128xf32, #tpu.memory_space<hbm>>
      tpu.wait_dma2 semaphore(%arg14 : memref<!tpu.dma_semaphore, #tpu.memory_space<semaphore_mem>>) src(%dma_wait3A_994 : memref<64x128xf32, #tpu.memory_space<hbm>>) dst(%dma_wait3A_991 : memref<64x128xf32, #tpu.memory_space<vmem>>)
      %slice3A_995 = vector.extract_strided_slice %and3A_201 {offsets = [9], sizes = [1], strides = [1]} : vector<16xi32> to vector<1xi32>
      %squeeze3A_996 = vector.extract %slice3A_995[0] : i32 from vector<1xi32>
      %broadcast_in_dim3A_997 = vector.broadcast %squeeze3A_996 : i32 to vector<16xi32>
      %broadcast_in_dim3A_998 = arith.constant 1 : i32
      %broadcast_in_dim3A_999 = vector.broadcast %broadcast_in_dim3A_998 : i32 to vector<16xi32>
      %broadcast_in_dim3A_1000 = arith.constant 0 : i32
      %broadcast_in_dim3A_1001 = vector.broadcast %broadcast_in_dim3A_1000 : i32 to vector<16xi32>
      %gather3A_1002 = tpu.vector_load_idx %arg9[%broadcast_in_dim3A_999, %broadcast_in_dim3A_1001, %add3A_5, %broadcast_in_dim3A_997] : memref<8x1x64x128xf32, #tpu.memory_space<vmem>>[vector<16xi32>, vector<16xi32>, vector<16xi32>, vector<16xi32>], vector<16xf32>,
      %mul3A_1003 = arith.constant 8 : i32
      %mul3A_1004 = arith.muli %scan3A_191, %mul3A_1003 : i32
      %add3A_1005 = arith.constant 4 : i32
      %add3A_1006 = arith.addi %mul3A_1004, %add3A_1005 : i32
      %swap3A_1007 = arith.index_cast %add3A_1006 : i32 to index
      %swap3A_1008 = arith.constant 64 : index
      %swap3A_1009 = tpu.vector_load %arg11[%swap3A_1007, %swap3A_1008] {strides = array<i32>} : memref<256x128xf32, #tpu.memory_space<vmem>>, vector<16xf32>,
      tpu.vector_store %arg11[%swap3A_1007, %swap3A_1008], %gather3A_1002 {strides = array<i32>} : memref<256x128xf32, #tpu.memory_space<vmem>>, vector<16xf32>,
      %broadcast_in_dim3A_1010 = arith.constant 1 : i32
      %broadcast_in_dim3A_1011 = vector.broadcast %broadcast_in_dim3A_1010 : i32 to vector<16xi32>
      %broadcast_in_dim3A_1012 = arith.constant 0 : i32
      %broadcast_in_dim3A_1013 = vector.broadcast %broadcast_in_dim3A_1012 : i32 to vector<16xi32>
      %gather3A_1014 = tpu.vector_load_idx %arg9[%broadcast_in_dim3A_1011, %broadcast_in_dim3A_1013, %add3A_8, %broadcast_in_dim3A_997] : memref<8x1x64x128xf32, #tpu.memory_space<vmem>>[vector<16xi32>, vector<16xi32>, vector<16xi32>, vector<16xi32>], vector<16xf32>,
      %mul3A_1015 = arith.constant 8 : i32
      %mul3A_1016 = arith.muli %scan3A_191, %mul3A_1015 : i32
      %add3A_1017 = arith.constant 4 : i32
      %add3A_1018 = arith.addi %mul3A_1016, %add3A_1017 : i32
      %swap3A_1019 = arith.index_cast %add3A_1018 : i32 to index
      %swap3A_1020 = arith.constant 80 : index
      %swap3A_1021 = tpu.vector_load %arg11[%swap3A_1019, %swap3A_1020] {strides = array<i32>} : memref<256x128xf32, #tpu.memory_space<vmem>>, vector<16xf32>,
      tpu.vector_store %arg11[%swap3A_1019, %swap3A_1020], %gather3A_1014 {strides = array<i32>} : memref<256x128xf32, #tpu.memory_space<vmem>>, vector<16xf32>,
      %broadcast_in_dim3A_1022 = arith.constant 1 : i32
      %broadcast_in_dim3A_1023 = vector.broadcast %broadcast_in_dim3A_1022 : i32 to vector<16xi32>
      %broadcast_in_dim3A_1024 = arith.constant 0 : i32
      %broadcast_in_dim3A_1025 = vector.broadcast %broadcast_in_dim3A_1024 : i32 to vector<16xi32>
      %gather3A_1026 = tpu.vector_load_idx %arg9[%broadcast_in_dim3A_1023, %broadcast_in_dim3A_1025, %add3A_11, %broadcast_in_dim3A_997] : memref<8x1x64x128xf32, #tpu.memory_space<vmem>>[vector<16xi32>, vector<16xi32>, vector<16xi32>, vector<16xi32>], vector<16xf32>,
      %mul3A_1027 = arith.constant 8 : i32
      %mul3A_1028 = arith.muli %scan3A_191, %mul3A_1027 : i32
      %add3A_1029 = arith.constant 4 : i32
      %add3A_1030 = arith.addi %mul3A_1028, %add3A_1029 : i32
      %swap3A_1031 = arith.index_cast %add3A_1030 : i32 to index
      %swap3A_1032 = arith.constant 96 : index
      %swap3A_1033 = tpu.vector_load %arg11[%swap3A_1031, %swap3A_1032] {strides = array<i32>} : memref<256x128xf32, #tpu.memory_space<vmem>>, vector<16xf32>,
      tpu.vector_store %arg11[%swap3A_1031, %swap3A_1032], %gather3A_1026 {strides = array<i32>} : memref<256x128xf32, #tpu.memory_space<vmem>>, vector<16xf32>,
      %broadcast_in_dim3A_1034 = arith.constant 1 : i32
      %broadcast_in_dim3A_1035 = vector.broadcast %broadcast_in_dim3A_1034 : i32 to vector<16xi32>
      %broadcast_in_dim3A_1036 = arith.constant 0 : i32
      %broadcast_in_dim3A_1037 = vector.broadcast %broadcast_in_dim3A_1036 : i32 to vector<16xi32>
      %gather3A_1038 = tpu.vector_load_idx %arg9[%broadcast_in_dim3A_1035, %broadcast_in_dim3A_1037, %add3A_14, %broadcast_in_dim3A_997] : memref<8x1x64x128xf32, #tpu.memory_space<vmem>>[vector<16xi32>, vector<16xi32>, vector<16xi32>, vector<16xi32>], vector<16xf32>,
      %mul3A_1039 = arith.constant 8 : i32
      %mul3A_1040 = arith.muli %scan3A_191, %mul3A_1039 : i32
      %add3A_1041 = arith.constant 4 : i32
      %add3A_1042 = arith.addi %mul3A_1040, %add3A_1041 : i32
      %swap3A_1043 = arith.index_cast %add3A_1042 : i32 to index
      %swap3A_1044 = arith.constant 112 : index
      %swap3A_1045 = tpu.vector_load %arg11[%swap3A_1043, %swap3A_1044] {strides = array<i32>} : memref<256x128xf32, #tpu.memory_space<vmem>>, vector<16xf32>,
      tpu.vector_store %arg11[%swap3A_1043, %swap3A_1044], %gather3A_1038 {strides = array<i32>} : memref<256x128xf32, #tpu.memory_space<vmem>>, vector<16xf32>,
      %add3A_1046 = arith.constant 1 : i32
      %add3A_1047 = arith.addi %scan3A_191, %add3A_1046 : i32
      %lt3A_1048 = arith.constant 32 : i32
      %lt3A_1049 = arith.cmpi slt, %add3A_1047, %lt3A_1048 : i32
      %convert_element_type3A_1050 = arith.extui %lt3A_1049 : i1 to i32
      %cond3A_1051 = arith.constant 0 : i32
      %cond3A_1052 = arith.cmpi ne, %convert_element_type3A_1050, %cond3A_1051 : i32
      scf.if %cond3A_1052 {
        %add3A_1491 = arith.constant 1 : i32
        %add3A_1492 = arith.addi %scan3A_191, %add3A_1491 : i32
        %mul3A_1493 = arith.constant 16 : i32
        %mul3A_1494 = arith.muli %add3A_1492, %mul3A_1493 : i32
        %get3A_1495 = arith.index_cast %mul3A_1494 : i32 to index
        %get3A_1496 = tpu.vector_load %arg7[%get3A_1495] {strides = array<i32>} : memref<512xi32, #tpu.memory_space<vmem>>, vector<16xi32>,
        %shift_right_logical3A_1497 = arith.constant 7 : i32
        %shift_right_logical3A_1498 = vector.broadcast %shift_right_logical3A_1497 : i32 to vector<16xi32>
        %shift_right_logical3A_1499 = arith.shrui %get3A_1496, %shift_right_logical3A_1498 : vector<16xi32>
        %slice3A_1500 = vector.extract_strided_slice %shift_right_logical3A_1499 {offsets = [1], sizes = [1], strides = [1]} : vector<16xi32> to vector<1xi32>
        %squeeze3A_1501 = vector.extract %slice3A_1500[0] : i32 from vector<1xi32>
        %mul3A_1502 = arith.constant 128 : i32
        %mul3A_1503 = arith.muli %squeeze3A_1501, %mul3A_1502 : i32
        %multiple_of3A_1504 = tpu.assume_multiple %mul3A_1503, 128 : i32
        %dma_start3A_1505 = arith.constant 1 : i32
        %dma_start3A_1506 = arith.constant 0 : i32
        %dma_start3A_1507 = arith.constant 0 : i32
        %dma_start3A_1508 = arith.constant 0 : i32
        %dma_start3A_1509 = tpu.memref_slice %arg9[%dma_start3A_1505, %dma_start3A_1506, %dma_start3A_1507, %dma_start3A_1508] : memref<8x1x64x128xf32, #tpu.memory_space<vmem>> -> memref<1x1x64x128xf32, #tpu.memory_space<vmem>>
        %dma_start3A_1510 = tpu.memref_squeeze %dma_start3A_1509 : memref<1x1x64x128xf32, #tpu.memory_space<vmem>> -> memref<64x128xf32, #tpu.memory_space<vmem>>
        %dma_start3A_1511 = arith.constant 0 : i32
        %dma_start3A_1512 = tpu.memref_slice %arg4[%dma_start3A_1511, %multiple_of3A_1504] : memref<64x1000000xf32, #tpu.memory_space<hbm>> -> memref<64x128xf32, #tpu.memory_space<hbm>>
        %dma_start3A_1513 = arith.constant 0 : i32
        %dma_start3A_1514 = arith.constant 0 : i32
        %dma_start3A_1515 = tpu.memref_slice %arg9[%dma_start3A_1505, %dma_start3A_1506, %dma_start3A_1513, %dma_start3A_1514] : memref<8x1x64x128xf32, #tpu.memory_space<vmem>> -> memref<1x1x64x128xf32, #tpu.memory_space<vmem>>
        %dma_start3A_1516 = tpu.memref_squeeze %dma_start3A_1515 : memref<1x1x64x128xf32, #tpu.memory_space<vmem>> -> memref<64x128xf32, #tpu.memory_space<vmem>>
        %dma_start3A_1517 = arith.constant 0 : i32
        %dma_start3A_1518 = tpu.memref_slice %arg4[%dma_start3A_1517, %multiple_of3A_1504] : memref<64x1000000xf32, #tpu.memory_space<hbm>> -> memref<64x128xf32, #tpu.memory_space<hbm>>
        tpu.enqueue_dma source(%dma_start3A_1518 : memref<64x128xf32, #tpu.memory_space<hbm>>) target(%dma_start3A_1516 : memref<64x128xf32, #tpu.memory_space<vmem>>) target_semaphore(%arg14 : memref<!tpu.dma_semaphore, #tpu.memory_space<semaphore_mem>>)
      } else {
      }
      %dma_wait3A_1053 = arith.constant 2 : i32
      %dma_wait3A_1054 = arith.constant 0 : i32
      %dma_wait3A_1055 = arith.constant 0 : i32
      %dma_wait3A_1056 = arith.constant 0 : i32
      %dma_wait3A_1057 = tpu.memref_slice %arg9[%dma_wait3A_1053, %dma_wait3A_1054, %dma_wait3A_1055, %dma_wait3A_1056] : memref<8x1x64x128xf32, #tpu.memory_space<vmem>> -> memref<1x1x64x128xf32, #tpu.memory_space<vmem>>
      %dma_wait3A_1058 = tpu.memref_squeeze %dma_wait3A_1057 : memref<1x1x64x128xf32, #tpu.memory_space<vmem>> -> memref<64x128xf32, #tpu.memory_space<vmem>>
      %dma_wait3A_1059 = arith.constant 0 : i32
      %dma_wait3A_1060 = arith.constant 0 : i32
      %dma_wait3A_1061 = tpu.memref_slice %arg4[%dma_wait3A_1059, %dma_wait3A_1060] : memref<64x1000000xf32, #tpu.memory_space<hbm>> -> memref<64x128xf32, #tpu.memory_space<hbm>>
      %dma_wait3A_1062 = arith.constant 0 : i32
      %dma_wait3A_1063 = arith.constant 0 : i32
      %dma_wait3A_1064 = tpu.memref_slice %arg9[%dma_wait3A_1053, %dma_wait3A_1054, %dma_wait3A_1062, %dma_wait3A_1063] : memref<8x1x64x128xf32, #tpu.memory_space<vmem>> -> memref<1x1x64x128xf32, #tpu.memory_space<vmem>>
      %dma_wait3A_1065 = tpu.memref_squeeze %dma_wait3A_1064 : memref<1x1x64x128xf32, #tpu.memory_space<vmem>> -> memref<64x128xf32, #tpu.memory_space<vmem>>
      %dma_wait3A_1066 = arith.constant 0 : i32
      %dma_wait3A_1067 = arith.constant 0 : i32
      %dma_wait3A_1068 = tpu.memref_slice %arg4[%dma_wait3A_1066, %dma_wait3A_1067] : memref<64x1000000xf32, #tpu.memory_space<hbm>> -> memref<64x128xf32, #tpu.memory_space<hbm>>
      tpu.wait_dma2 semaphore(%arg15 : memref<!tpu.dma_semaphore, #tpu.memory_space<semaphore_mem>>) src(%dma_wait3A_1068 : memref<64x128xf32, #tpu.memory_space<hbm>>) dst(%dma_wait3A_1065 : memref<64x128xf32, #tpu.memory_space<vmem>>)
      %slice3A_1069 = vector.extract_strided_slice %and3A_201 {offsets = [10], sizes = [1], strides = [1]} : vector<16xi32> to vector<1xi32>
      %squeeze3A_1070 = vector.extract %slice3A_1069[0] : i32 from vector<1xi32>
      %broadcast_in_dim3A_1071 = vector.broadcast %squeeze3A_1070 : i32 to vector<16xi32>
      %broadcast_in_dim3A_1072 = arith.constant 2 : i32
      %broadcast_in_dim3A_1073 = vector.broadcast %broadcast_in_dim3A_1072 : i32 to vector<16xi32>
      %broadcast_in_dim3A_1074 = arith.constant 0 : i32
      %broadcast_in_dim3A_1075 = vector.broadcast %broadcast_in_dim3A_1074 : i32 to vector<16xi32>
      %gather3A_1076 = tpu.vector_load_idx %arg9[%broadcast_in_dim3A_1073, %broadcast_in_dim3A_1075, %add3A_5, %broadcast_in_dim3A_1071] : memref<8x1x64x128xf32, #tpu.memory_space<vmem>>[vector<16xi32>, vector<16xi32>, vector<16xi32>, vector<16xi32>], vector<16xf32>,
      %mul3A_1077 = arith.constant 8 : i32
      %mul3A_1078 = arith.muli %scan3A_191, %mul3A_1077 : i32
      %add3A_1079 = arith.constant 5 : i32
      %add3A_1080 = arith.addi %mul3A_1078, %add3A_1079 : i32
      %swap3A_1081 = arith.index_cast %add3A_1080 : i32 to index
      %swap3A_1082 = arith.constant 0 : index
      %swap3A_1083 = tpu.vector_load %arg11[%swap3A_1081, %swap3A_1082] {strides = array<i32>} : memref<256x128xf32, #tpu.memory_space<vmem>>, vector<16xf32>,
      tpu.vector_store %arg11[%swap3A_1081, %swap3A_1082], %gather3A_1076 {strides = array<i32>} : memref<256x128xf32, #tpu.memory_space<vmem>>, vector<16xf32>,
      %broadcast_in_dim3A_1084 = arith.constant 2 : i32
      %broadcast_in_dim3A_1085 = vector.broadcast %broadcast_in_dim3A_1084 : i32 to vector<16xi32>
      %broadcast_in_dim3A_1086 = arith.constant 0 : i32
      %broadcast_in_dim3A_1087 = vector.broadcast %broadcast_in_dim3A_1086 : i32 to vector<16xi32>
      %gather3A_1088 = tpu.vector_load_idx %arg9[%broadcast_in_dim3A_1085, %broadcast_in_dim3A_1087, %add3A_8, %broadcast_in_dim3A_1071] : memref<8x1x64x128xf32, #tpu.memory_space<vmem>>[vector<16xi32>, vector<16xi32>, vector<16xi32>, vector<16xi32>], vector<16xf32>,
      %mul3A_1089 = arith.constant 8 : i32
      %mul3A_1090 = arith.muli %scan3A_191, %mul3A_1089 : i32
      %add3A_1091 = arith.constant 5 : i32
      %add3A_1092 = arith.addi %mul3A_1090, %add3A_1091 : i32
      %swap3A_1093 = arith.index_cast %add3A_1092 : i32 to index
      %swap3A_1094 = arith.constant 16 : index
      %swap3A_1095 = tpu.vector_load %arg11[%swap3A_1093, %swap3A_1094] {strides = array<i32>} : memref<256x128xf32, #tpu.memory_space<vmem>>, vector<16xf32>,
      tpu.vector_store %arg11[%swap3A_1093, %swap3A_1094], %gather3A_1088 {strides = array<i32>} : memref<256x128xf32, #tpu.memory_space<vmem>>, vector<16xf32>,
      %broadcast_in_dim3A_1096 = arith.constant 2 : i32
      %broadcast_in_dim3A_1097 = vector.broadcast %broadcast_in_dim3A_1096 : i32 to vector<16xi32>
      %broadcast_in_dim3A_1098 = arith.constant 0 : i32
      %broadcast_in_dim3A_1099 = vector.broadcast %broadcast_in_dim3A_1098 : i32 to vector<16xi32>
      %gather3A_1100 = tpu.vector_load_idx %arg9[%broadcast_in_dim3A_1097, %broadcast_in_dim3A_1099, %add3A_11, %broadcast_in_dim3A_1071] : memref<8x1x64x128xf32, #tpu.memory_space<vmem>>[vector<16xi32>, vector<16xi32>, vector<16xi32>, vector<16xi32>], vector<16xf32>,
      %mul3A_1101 = arith.constant 8 : i32
      %mul3A_1102 = arith.muli %scan3A_191, %mul3A_1101 : i32
      %add3A_1103 = arith.constant 5 : i32
      %add3A_1104 = arith.addi %mul3A_1102, %add3A_1103 : i32
      %swap3A_1105 = arith.index_cast %add3A_1104 : i32 to index
      %swap3A_1106 = arith.constant 32 : index
      %swap3A_1107 = tpu.vector_load %arg11[%swap3A_1105, %swap3A_1106] {strides = array<i32>} : memref<256x128xf32, #tpu.memory_space<vmem>>, vector<16xf32>,
      tpu.vector_store %arg11[%swap3A_1105, %swap3A_1106], %gather3A_1100 {strides = array<i32>} : memref<256x128xf32, #tpu.memory_space<vmem>>, vector<16xf32>,
      %broadcast_in_dim3A_1108 = arith.constant 2 : i32
      %broadcast_in_dim3A_1109 = vector.broadcast %broadcast_in_dim3A_1108 : i32 to vector<16xi32>
      %broadcast_in_dim3A_1110 = arith.constant 0 : i32
      %broadcast_in_dim3A_1111 = vector.broadcast %broadcast_in_dim3A_1110 : i32 to vector<16xi32>
      %gather3A_1112 = tpu.vector_load_idx %arg9[%broadcast_in_dim3A_1109, %broadcast_in_dim3A_1111, %add3A_14, %broadcast_in_dim3A_1071] : memref<8x1x64x128xf32, #tpu.memory_space<vmem>>[vector<16xi32>, vector<16xi32>, vector<16xi32>, vector<16xi32>], vector<16xf32>,
      %mul3A_1113 = arith.constant 8 : i32
      %mul3A_1114 = arith.muli %scan3A_191, %mul3A_1113 : i32
      %add3A_1115 = arith.constant 5 : i32
      %add3A_1116 = arith.addi %mul3A_1114, %add3A_1115 : i32
      %swap3A_1117 = arith.index_cast %add3A_1116 : i32 to index
      %swap3A_1118 = arith.constant 48 : index
      %swap3A_1119 = tpu.vector_load %arg11[%swap3A_1117, %swap3A_1118] {strides = array<i32>} : memref<256x128xf32, #tpu.memory_space<vmem>>, vector<16xf32>,
      tpu.vector_store %arg11[%swap3A_1117, %swap3A_1118], %gather3A_1112 {strides = array<i32>} : memref<256x128xf32, #tpu.memory_space<vmem>>, vector<16xf32>,
      %add3A_1120 = arith.constant 1 : i32
      %add3A_1121 = arith.addi %scan3A_191, %add3A_1120 : i32
      %lt3A_1122 = arith.constant 32 : i32
      %lt3A_1123 = arith.cmpi slt, %add3A_1121, %lt3A_1122 : i32
      %convert_element_type3A_1124 = arith.extui %lt3A_1123 : i1 to i32
      %cond3A_1125 = arith.constant 0 : i32
      %cond3A_1126 = arith.cmpi ne, %convert_element_type3A_1124, %cond3A_1125 : i32
      scf.if %cond3A_1126 {
        %add3A_1491 = arith.constant 1 : i32
        %add3A_1492 = arith.addi %scan3A_191, %add3A_1491 : i32
        %mul3A_1493 = arith.constant 16 : i32
        %mul3A_1494 = arith.muli %add3A_1492, %mul3A_1493 : i32
        %get3A_1495 = arith.index_cast %mul3A_1494 : i32 to index
        %get3A_1496 = tpu.vector_load %arg7[%get3A_1495] {strides = array<i32>} : memref<512xi32, #tpu.memory_space<vmem>>, vector<16xi32>,
        %shift_right_logical3A_1497 = arith.constant 7 : i32
        %shift_right_logical3A_1498 = vector.broadcast %shift_right_logical3A_1497 : i32 to vector<16xi32>
        %shift_right_logical3A_1499 = arith.shrui %get3A_1496, %shift_right_logical3A_1498 : vector<16xi32>
        %slice3A_1500 = vector.extract_strided_slice %shift_right_logical3A_1499 {offsets = [2], sizes = [1], strides = [1]} : vector<16xi32> to vector<1xi32>
        %squeeze3A_1501 = vector.extract %slice3A_1500[0] : i32 from vector<1xi32>
        %mul3A_1502 = arith.constant 128 : i32
        %mul3A_1503 = arith.muli %squeeze3A_1501, %mul3A_1502 : i32
        %multiple_of3A_1504 = tpu.assume_multiple %mul3A_1503, 128 : i32
        %dma_start3A_1505 = arith.constant 2 : i32
        %dma_start3A_1506 = arith.constant 0 : i32
        %dma_start3A_1507 = arith.constant 0 : i32
        %dma_start3A_1508 = arith.constant 0 : i32
        %dma_start3A_1509 = tpu.memref_slice %arg9[%dma_start3A_1505, %dma_start3A_1506, %dma_start3A_1507, %dma_start3A_1508] : memref<8x1x64x128xf32, #tpu.memory_space<vmem>> -> memref<1x1x64x128xf32, #tpu.memory_space<vmem>>
        %dma_start3A_1510 = tpu.memref_squeeze %dma_start3A_1509 : memref<1x1x64x128xf32, #tpu.memory_space<vmem>> -> memref<64x128xf32, #tpu.memory_space<vmem>>
        %dma_start3A_1511 = arith.constant 0 : i32
        %dma_start3A_1512 = tpu.memref_slice %arg4[%dma_start3A_1511, %multiple_of3A_1504] : memref<64x1000000xf32, #tpu.memory_space<hbm>> -> memref<64x128xf32, #tpu.memory_space<hbm>>
        %dma_start3A_1513 = arith.constant 0 : i32
        %dma_start3A_1514 = arith.constant 0 : i32
        %dma_start3A_1515 = tpu.memref_slice %arg9[%dma_start3A_1505, %dma_start3A_1506, %dma_start3A_1513, %dma_start3A_1514] : memref<8x1x64x128xf32, #tpu.memory_space<vmem>> -> memref<1x1x64x128xf32, #tpu.memory_space<vmem>>
        %dma_start3A_1516 = tpu.memref_squeeze %dma_start3A_1515 : memref<1x1x64x128xf32, #tpu.memory_space<vmem>> -> memref<64x128xf32, #tpu.memory_space<vmem>>
        %dma_start3A_1517 = arith.constant 0 : i32
        %dma_start3A_1518 = tpu.memref_slice %arg4[%dma_start3A_1517, %multiple_of3A_1504] : memref<64x1000000xf32, #tpu.memory_space<hbm>> -> memref<64x128xf32, #tpu.memory_space<hbm>>
        tpu.enqueue_dma source(%dma_start3A_1518 : memref<64x128xf32, #tpu.memory_space<hbm>>) target(%dma_start3A_1516 : memref<64x128xf32, #tpu.memory_space<vmem>>) target_semaphore(%arg15 : memref<!tpu.dma_semaphore, #tpu.memory_space<semaphore_mem>>)
      } else {
      }
      %dma_wait3A_1127 = arith.constant 3 : i32
      %dma_wait3A_1128 = arith.constant 0 : i32
      %dma_wait3A_1129 = arith.constant 0 : i32
      %dma_wait3A_1130 = arith.constant 0 : i32
      %dma_wait3A_1131 = tpu.memref_slice %arg9[%dma_wait3A_1127, %dma_wait3A_1128, %dma_wait3A_1129, %dma_wait3A_1130] : memref<8x1x64x128xf32, #tpu.memory_space<vmem>> -> memref<1x1x64x128xf32, #tpu.memory_space<vmem>>
      %dma_wait3A_1132 = tpu.memref_squeeze %dma_wait3A_1131 : memref<1x1x64x128xf32, #tpu.memory_space<vmem>> -> memref<64x128xf32, #tpu.memory_space<vmem>>
      %dma_wait3A_1133 = arith.constant 0 : i32
      %dma_wait3A_1134 = arith.constant 0 : i32
      %dma_wait3A_1135 = tpu.memref_slice %arg4[%dma_wait3A_1133, %dma_wait3A_1134] : memref<64x1000000xf32, #tpu.memory_space<hbm>> -> memref<64x128xf32, #tpu.memory_space<hbm>>
      %dma_wait3A_1136 = arith.constant 0 : i32
      %dma_wait3A_1137 = arith.constant 0 : i32
      %dma_wait3A_1138 = tpu.memref_slice %arg9[%dma_wait3A_1127, %dma_wait3A_1128, %dma_wait3A_1136, %dma_wait3A_1137] : memref<8x1x64x128xf32, #tpu.memory_space<vmem>> -> memref<1x1x64x128xf32, #tpu.memory_space<vmem>>
      %dma_wait3A_1139 = tpu.memref_squeeze %dma_wait3A_1138 : memref<1x1x64x128xf32, #tpu.memory_space<vmem>> -> memref<64x128xf32, #tpu.memory_space<vmem>>
      %dma_wait3A_1140 = arith.constant 0 : i32
      %dma_wait3A_1141 = arith.constant 0 : i32
      %dma_wait3A_1142 = tpu.memref_slice %arg4[%dma_wait3A_1140, %dma_wait3A_1141] : memref<64x1000000xf32, #tpu.memory_space<hbm>> -> memref<64x128xf32, #tpu.memory_space<hbm>>
      tpu.wait_dma2 semaphore(%arg16 : memref<!tpu.dma_semaphore, #tpu.memory_space<semaphore_mem>>) src(%dma_wait3A_1142 : memref<64x128xf32, #tpu.memory_space<hbm>>) dst(%dma_wait3A_1139 : memref<64x128xf32, #tpu.memory_space<vmem>>)
      %slice3A_1143 = vector.extract_strided_slice %and3A_201 {offsets = [11], sizes = [1], strides = [1]} : vector<16xi32> to vector<1xi32>
      %squeeze3A_1144 = vector.extract %slice3A_1143[0] : i32 from vector<1xi32>
      %broadcast_in_dim3A_1145 = vector.broadcast %squeeze3A_1144 : i32 to vector<16xi32>
      %broadcast_in_dim3A_1146 = arith.constant 3 : i32
      %broadcast_in_dim3A_1147 = vector.broadcast %broadcast_in_dim3A_1146 : i32 to vector<16xi32>
      %broadcast_in_dim3A_1148 = arith.constant 0 : i32
      %broadcast_in_dim3A_1149 = vector.broadcast %broadcast_in_dim3A_1148 : i32 to vector<16xi32>
      %gather3A_1150 = tpu.vector_load_idx %arg9[%broadcast_in_dim3A_1147, %broadcast_in_dim3A_1149, %add3A_5, %broadcast_in_dim3A_1145] : memref<8x1x64x128xf32, #tpu.memory_space<vmem>>[vector<16xi32>, vector<16xi32>, vector<16xi32>, vector<16xi32>], vector<16xf32>,
      %mul3A_1151 = arith.constant 8 : i32
      %mul3A_1152 = arith.muli %scan3A_191, %mul3A_1151 : i32
      %add3A_1153 = arith.constant 5 : i32
      %add3A_1154 = arith.addi %mul3A_1152, %add3A_1153 : i32
      %swap3A_1155 = arith.index_cast %add3A_1154 : i32 to index
      %swap3A_1156 = arith.constant 64 : index
      %swap3A_1157 = tpu.vector_load %arg11[%swap3A_1155, %swap3A_1156] {strides = array<i32>} : memref<256x128xf32, #tpu.memory_space<vmem>>, vector<16xf32>,
      tpu.vector_store %arg11[%swap3A_1155, %swap3A_1156], %gather3A_1150 {strides = array<i32>} : memref<256x128xf32, #tpu.memory_space<vmem>>, vector<16xf32>,
      %broadcast_in_dim3A_1158 = arith.constant 3 : i32
      %broadcast_in_dim3A_1159 = vector.broadcast %broadcast_in_dim3A_1158 : i32 to vector<16xi32>
      %broadcast_in_dim3A_1160 = arith.constant 0 : i32
      %broadcast_in_dim3A_1161 = vector.broadcast %broadcast_in_dim3A_1160 : i32 to vector<16xi32>
      %gather3A_1162 = tpu.vector_load_idx %arg9[%broadcast_in_dim3A_1159, %broadcast_in_dim3A_1161, %add3A_8, %broadcast_in_dim3A_1145] : memref<8x1x64x128xf32, #tpu.memory_space<vmem>>[vector<16xi32>, vector<16xi32>, vector<16xi32>, vector<16xi32>], vector<16xf32>,
      %mul3A_1163 = arith.constant 8 : i32
      %mul3A_1164 = arith.muli %scan3A_191, %mul3A_1163 : i32
      %add3A_1165 = arith.constant 5 : i32
      %add3A_1166 = arith.addi %mul3A_1164, %add3A_1165 : i32
      %swap3A_1167 = arith.index_cast %add3A_1166 : i32 to index
      %swap3A_1168 = arith.constant 80 : index
      %swap3A_1169 = tpu.vector_load %arg11[%swap3A_1167, %swap3A_1168] {strides = array<i32>} : memref<256x128xf32, #tpu.memory_space<vmem>>, vector<16xf32>,
      tpu.vector_store %arg11[%swap3A_1167, %swap3A_1168], %gather3A_1162 {strides = array<i32>} : memref<256x128xf32, #tpu.memory_space<vmem>>, vector<16xf32>,
      %broadcast_in_dim3A_1170 = arith.constant 3 : i32
      %broadcast_in_dim3A_1171 = vector.broadcast %broadcast_in_dim3A_1170 : i32 to vector<16xi32>
      %broadcast_in_dim3A_1172 = arith.constant 0 : i32
      %broadcast_in_dim3A_1173 = vector.broadcast %broadcast_in_dim3A_1172 : i32 to vector<16xi32>
      %gather3A_1174 = tpu.vector_load_idx %arg9[%broadcast_in_dim3A_1171, %broadcast_in_dim3A_1173, %add3A_11, %broadcast_in_dim3A_1145] : memref<8x1x64x128xf32, #tpu.memory_space<vmem>>[vector<16xi32>, vector<16xi32>, vector<16xi32>, vector<16xi32>], vector<16xf32>,
      %mul3A_1175 = arith.constant 8 : i32
      %mul3A_1176 = arith.muli %scan3A_191, %mul3A_1175 : i32
      %add3A_1177 = arith.constant 5 : i32
      %add3A_1178 = arith.addi %mul3A_1176, %add3A_1177 : i32
      %swap3A_1179 = arith.index_cast %add3A_1178 : i32 to index
      %swap3A_1180 = arith.constant 96 : index
      %swap3A_1181 = tpu.vector_load %arg11[%swap3A_1179, %swap3A_1180] {strides = array<i32>} : memref<256x128xf32, #tpu.memory_space<vmem>>, vector<16xf32>,
      tpu.vector_store %arg11[%swap3A_1179, %swap3A_1180], %gather3A_1174 {strides = array<i32>} : memref<256x128xf32, #tpu.memory_space<vmem>>, vector<16xf32>,
      %broadcast_in_dim3A_1182 = arith.constant 3 : i32
      %broadcast_in_dim3A_1183 = vector.broadcast %broadcast_in_dim3A_1182 : i32 to vector<16xi32>
      %broadcast_in_dim3A_1184 = arith.constant 0 : i32
      %broadcast_in_dim3A_1185 = vector.broadcast %broadcast_in_dim3A_1184 : i32 to vector<16xi32>
      %gather3A_1186 = tpu.vector_load_idx %arg9[%broadcast_in_dim3A_1183, %broadcast_in_dim3A_1185, %add3A_14, %broadcast_in_dim3A_1145] : memref<8x1x64x128xf32, #tpu.memory_space<vmem>>[vector<16xi32>, vector<16xi32>, vector<16xi32>, vector<16xi32>], vector<16xf32>,
      %mul3A_1187 = arith.constant 8 : i32
      %mul3A_1188 = arith.muli %scan3A_191, %mul3A_1187 : i32
      %add3A_1189 = arith.constant 5 : i32
      %add3A_1190 = arith.addi %mul3A_1188, %add3A_1189 : i32
      %swap3A_1191 = arith.index_cast %add3A_1190 : i32 to index
      %swap3A_1192 = arith.constant 112 : index
      %swap3A_1193 = tpu.vector_load %arg11[%swap3A_1191, %swap3A_1192] {strides = array<i32>} : memref<256x128xf32, #tpu.memory_space<vmem>>, vector<16xf32>,
      tpu.vector_store %arg11[%swap3A_1191, %swap3A_1192], %gather3A_1186 {strides = array<i32>} : memref<256x128xf32, #tpu.memory_space<vmem>>, vector<16xf32>,
      %add3A_1194 = arith.constant 1 : i32
      %add3A_1195 = arith.addi %scan3A_191, %add3A_1194 : i32
      %lt3A_1196 = arith.constant 32 : i32
      %lt3A_1197 = arith.cmpi slt, %add3A_1195, %lt3A_1196 : i32
      %convert_element_type3A_1198 = arith.extui %lt3A_1197 : i1 to i32
      %cond3A_1199 = arith.constant 0 : i32
      %cond3A_1200 = arith.cmpi ne, %convert_element_type3A_1198, %cond3A_1199 : i32
      scf.if %cond3A_1200 {
        %add3A_1491 = arith.constant 1 : i32
        %add3A_1492 = arith.addi %scan3A_191, %add3A_1491 : i32
        %mul3A_1493 = arith.constant 16 : i32
        %mul3A_1494 = arith.muli %add3A_1492, %mul3A_1493 : i32
        %get3A_1495 = arith.index_cast %mul3A_1494 : i32 to index
        %get3A_1496 = tpu.vector_load %arg7[%get3A_1495] {strides = array<i32>} : memref<512xi32, #tpu.memory_space<vmem>>, vector<16xi32>,
        %shift_right_logical3A_1497 = arith.constant 7 : i32
        %shift_right_logical3A_1498 = vector.broadcast %shift_right_logical3A_1497 : i32 to vector<16xi32>
        %shift_right_logical3A_1499 = arith.shrui %get3A_1496, %shift_right_logical3A_1498 : vector<16xi32>
        %slice3A_1500 = vector.extract_strided_slice %shift_right_logical3A_1499 {offsets = [3], sizes = [1], strides = [1]} : vector<16xi32> to vector<1xi32>
        %squeeze3A_1501 = vector.extract %slice3A_1500[0] : i32 from vector<1xi32>
        %mul3A_1502 = arith.constant 128 : i32
        %mul3A_1503 = arith.muli %squeeze3A_1501, %mul3A_1502 : i32
        %multiple_of3A_1504 = tpu.assume_multiple %mul3A_1503, 128 : i32
        %dma_start3A_1505 = arith.constant 3 : i32
        %dma_start3A_1506 = arith.constant 0 : i32
        %dma_start3A_1507 = arith.constant 0 : i32
        %dma_start3A_1508 = arith.constant 0 : i32
        %dma_start3A_1509 = tpu.memref_slice %arg9[%dma_start3A_1505, %dma_start3A_1506, %dma_start3A_1507, %dma_start3A_1508] : memref<8x1x64x128xf32, #tpu.memory_space<vmem>> -> memref<1x1x64x128xf32, #tpu.memory_space<vmem>>
        %dma_start3A_1510 = tpu.memref_squeeze %dma_start3A_1509 : memref<1x1x64x128xf32, #tpu.memory_space<vmem>> -> memref<64x128xf32, #tpu.memory_space<vmem>>
        %dma_start3A_1511 = arith.constant 0 : i32
        %dma_start3A_1512 = tpu.memref_slice %arg4[%dma_start3A_1511, %multiple_of3A_1504] : memref<64x1000000xf32, #tpu.memory_space<hbm>> -> memref<64x128xf32, #tpu.memory_space<hbm>>
        %dma_start3A_1513 = arith.constant 0 : i32
        %dma_start3A_1514 = arith.constant 0 : i32
        %dma_start3A_1515 = tpu.memref_slice %arg9[%dma_start3A_1505, %dma_start3A_1506, %dma_start3A_1513, %dma_start3A_1514] : memref<8x1x64x128xf32, #tpu.memory_space<vmem>> -> memref<1x1x64x128xf32, #tpu.memory_space<vmem>>
        %dma_start3A_1516 = tpu.memref_squeeze %dma_start3A_1515 : memref<1x1x64x128xf32, #tpu.memory_space<vmem>> -> memref<64x128xf32, #tpu.memory_space<vmem>>
        %dma_start3A_1517 = arith.constant 0 : i32
        %dma_start3A_1518 = tpu.memref_slice %arg4[%dma_start3A_1517, %multiple_of3A_1504] : memref<64x1000000xf32, #tpu.memory_space<hbm>> -> memref<64x128xf32, #tpu.memory_space<hbm>>
        tpu.enqueue_dma source(%dma_start3A_1518 : memref<64x128xf32, #tpu.memory_space<hbm>>) target(%dma_start3A_1516 : memref<64x128xf32, #tpu.memory_space<vmem>>) target_semaphore(%arg16 : memref<!tpu.dma_semaphore, #tpu.memory_space<semaphore_mem>>)
      } else {
      }
      %dma_wait3A_1201 = arith.constant 4 : i32
      %dma_wait3A_1202 = arith.constant 0 : i32
      %dma_wait3A_1203 = arith.constant 0 : i32
      %dma_wait3A_1204 = arith.constant 0 : i32
      %dma_wait3A_1205 = tpu.memref_slice %arg9[%dma_wait3A_1201, %dma_wait3A_1202, %dma_wait3A_1203, %dma_wait3A_1204] : memref<8x1x64x128xf32, #tpu.memory_space<vmem>> -> memref<1x1x64x128xf32, #tpu.memory_space<vmem>>
      %dma_wait3A_1206 = tpu.memref_squeeze %dma_wait3A_1205 : memref<1x1x64x128xf32, #tpu.memory_space<vmem>> -> memref<64x128xf32, #tpu.memory_space<vmem>>
      %dma_wait3A_1207 = arith.constant 0 : i32
      %dma_wait3A_1208 = arith.constant 0 : i32
      %dma_wait3A_1209 = tpu.memref_slice %arg4[%dma_wait3A_1207, %dma_wait3A_1208] : memref<64x1000000xf32, #tpu.memory_space<hbm>> -> memref<64x128xf32, #tpu.memory_space<hbm>>
      %dma_wait3A_1210 = arith.constant 0 : i32
      %dma_wait3A_1211 = arith.constant 0 : i32
      %dma_wait3A_1212 = tpu.memref_slice %arg9[%dma_wait3A_1201, %dma_wait3A_1202, %dma_wait3A_1210, %dma_wait3A_1211] : memref<8x1x64x128xf32, #tpu.memory_space<vmem>> -> memref<1x1x64x128xf32, #tpu.memory_space<vmem>>
      %dma_wait3A_1213 = tpu.memref_squeeze %dma_wait3A_1212 : memref<1x1x64x128xf32, #tpu.memory_space<vmem>> -> memref<64x128xf32, #tpu.memory_space<vmem>>
      %dma_wait3A_1214 = arith.constant 0 : i32
      %dma_wait3A_1215 = arith.constant 0 : i32
      %dma_wait3A_1216 = tpu.memref_slice %arg4[%dma_wait3A_1214, %dma_wait3A_1215] : memref<64x1000000xf32, #tpu.memory_space<hbm>> -> memref<64x128xf32, #tpu.memory_space<hbm>>
      tpu.wait_dma2 semaphore(%arg17 : memref<!tpu.dma_semaphore, #tpu.memory_space<semaphore_mem>>) src(%dma_wait3A_1216 : memref<64x128xf32, #tpu.memory_space<hbm>>) dst(%dma_wait3A_1213 : memref<64x128xf32, #tpu.memory_space<vmem>>)
      %slice3A_1217 = vector.extract_strided_slice %and3A_201 {offsets = [12], sizes = [1], strides = [1]} : vector<16xi32> to vector<1xi32>
      %squeeze3A_1218 = vector.extract %slice3A_1217[0] : i32 from vector<1xi32>
      %broadcast_in_dim3A_1219 = vector.broadcast %squeeze3A_1218 : i32 to vector<16xi32>
      %broadcast_in_dim3A_1220 = arith.constant 4 : i32
      %broadcast_in_dim3A_1221 = vector.broadcast %broadcast_in_dim3A_1220 : i32 to vector<16xi32>
      %broadcast_in_dim3A_1222 = arith.constant 0 : i32
      %broadcast_in_dim3A_1223 = vector.broadcast %broadcast_in_dim3A_1222 : i32 to vector<16xi32>
      %gather3A_1224 = tpu.vector_load_idx %arg9[%broadcast_in_dim3A_1221, %broadcast_in_dim3A_1223, %add3A_5, %broadcast_in_dim3A_1219] : memref<8x1x64x128xf32, #tpu.memory_space<vmem>>[vector<16xi32>, vector<16xi32>, vector<16xi32>, vector<16xi32>], vector<16xf32>,
      %mul3A_1225 = arith.constant 8 : i32
      %mul3A_1226 = arith.muli %scan3A_191, %mul3A_1225 : i32
      %add3A_1227 = arith.constant 6 : i32
      %add3A_1228 = arith.addi %mul3A_1226, %add3A_1227 : i32
      %swap3A_1229 = arith.index_cast %add3A_1228 : i32 to index
      %swap3A_1230 = arith.constant 0 : index
      %swap3A_1231 = tpu.vector_load %arg11[%swap3A_1229, %swap3A_1230] {strides = array<i32>} : memref<256x128xf32, #tpu.memory_space<vmem>>, vector<16xf32>,
      tpu.vector_store %arg11[%swap3A_1229, %swap3A_1230], %gather3A_1224 {strides = array<i32>} : memref<256x128xf32, #tpu.memory_space<vmem>>, vector<16xf32>,
      %broadcast_in_dim3A_1232 = arith.constant 4 : i32
      %broadcast_in_dim3A_1233 = vector.broadcast %broadcast_in_dim3A_1232 : i32 to vector<16xi32>
      %broadcast_in_dim3A_1234 = arith.constant 0 : i32
      %broadcast_in_dim3A_1235 = vector.broadcast %broadcast_in_dim3A_1234 : i32 to vector<16xi32>
      %gather3A_1236 = tpu.vector_load_idx %arg9[%broadcast_in_dim3A_1233, %broadcast_in_dim3A_1235, %add3A_8, %broadcast_in_dim3A_1219] : memref<8x1x64x128xf32, #tpu.memory_space<vmem>>[vector<16xi32>, vector<16xi32>, vector<16xi32>, vector<16xi32>], vector<16xf32>,
      %mul3A_1237 = arith.constant 8 : i32
      %mul3A_1238 = arith.muli %scan3A_191, %mul3A_1237 : i32
      %add3A_1239 = arith.constant 6 : i32
      %add3A_1240 = arith.addi %mul3A_1238, %add3A_1239 : i32
      %swap3A_1241 = arith.index_cast %add3A_1240 : i32 to index
      %swap3A_1242 = arith.constant 16 : index
      %swap3A_1243 = tpu.vector_load %arg11[%swap3A_1241, %swap3A_1242] {strides = array<i32>} : memref<256x128xf32, #tpu.memory_space<vmem>>, vector<16xf32>,
      tpu.vector_store %arg11[%swap3A_1241, %swap3A_1242], %gather3A_1236 {strides = array<i32>} : memref<256x128xf32, #tpu.memory_space<vmem>>, vector<16xf32>,
      %broadcast_in_dim3A_1244 = arith.constant 4 : i32
      %broadcast_in_dim3A_1245 = vector.broadcast %broadcast_in_dim3A_1244 : i32 to vector<16xi32>
      %broadcast_in_dim3A_1246 = arith.constant 0 : i32
      %broadcast_in_dim3A_1247 = vector.broadcast %broadcast_in_dim3A_1246 : i32 to vector<16xi32>
      %gather3A_1248 = tpu.vector_load_idx %arg9[%broadcast_in_dim3A_1245, %broadcast_in_dim3A_1247, %add3A_11, %broadcast_in_dim3A_1219] : memref<8x1x64x128xf32, #tpu.memory_space<vmem>>[vector<16xi32>, vector<16xi32>, vector<16xi32>, vector<16xi32>], vector<16xf32>,
      %mul3A_1249 = arith.constant 8 : i32
      %mul3A_1250 = arith.muli %scan3A_191, %mul3A_1249 : i32
      %add3A_1251 = arith.constant 6 : i32
      %add3A_1252 = arith.addi %mul3A_1250, %add3A_1251 : i32
      %swap3A_1253 = arith.index_cast %add3A_1252 : i32 to index
      %swap3A_1254 = arith.constant 32 : index
      %swap3A_1255 = tpu.vector_load %arg11[%swap3A_1253, %swap3A_1254] {strides = array<i32>} : memref<256x128xf32, #tpu.memory_space<vmem>>, vector<16xf32>,
      tpu.vector_store %arg11[%swap3A_1253, %swap3A_1254], %gather3A_1248 {strides = array<i32>} : memref<256x128xf32, #tpu.memory_space<vmem>>, vector<16xf32>,
      %broadcast_in_dim3A_1256 = arith.constant 4 : i32
      %broadcast_in_dim3A_1257 = vector.broadcast %broadcast_in_dim3A_1256 : i32 to vector<16xi32>
      %broadcast_in_dim3A_1258 = arith.constant 0 : i32
      %broadcast_in_dim3A_1259 = vector.broadcast %broadcast_in_dim3A_1258 : i32 to vector<16xi32>
      %gather3A_1260 = tpu.vector_load_idx %arg9[%broadcast_in_dim3A_1257, %broadcast_in_dim3A_1259, %add3A_14, %broadcast_in_dim3A_1219] : memref<8x1x64x128xf32, #tpu.memory_space<vmem>>[vector<16xi32>, vector<16xi32>, vector<16xi32>, vector<16xi32>], vector<16xf32>,
      %mul3A_1261 = arith.constant 8 : i32
      %mul3A_1262 = arith.muli %scan3A_191, %mul3A_1261 : i32
      %add3A_1263 = arith.constant 6 : i32
      %add3A_1264 = arith.addi %mul3A_1262, %add3A_1263 : i32
      %swap3A_1265 = arith.index_cast %add3A_1264 : i32 to index
      %swap3A_1266 = arith.constant 48 : index
      %swap3A_1267 = tpu.vector_load %arg11[%swap3A_1265, %swap3A_1266] {strides = array<i32>} : memref<256x128xf32, #tpu.memory_space<vmem>>, vector<16xf32>,
      tpu.vector_store %arg11[%swap3A_1265, %swap3A_1266], %gather3A_1260 {strides = array<i32>} : memref<256x128xf32, #tpu.memory_space<vmem>>, vector<16xf32>,
      %add3A_1268 = arith.constant 1 : i32
      %add3A_1269 = arith.addi %scan3A_191, %add3A_1268 : i32
      %lt3A_1270 = arith.constant 32 : i32
      %lt3A_1271 = arith.cmpi slt, %add3A_1269, %lt3A_1270 : i32
      %convert_element_type3A_1272 = arith.extui %lt3A_1271 : i1 to i32
      %cond3A_1273 = arith.constant 0 : i32
      %cond3A_1274 = arith.cmpi ne, %convert_element_type3A_1272, %cond3A_1273 : i32
      scf.if %cond3A_1274 {
        %add3A_1491 = arith.constant 1 : i32
        %add3A_1492 = arith.addi %scan3A_191, %add3A_1491 : i32
        %mul3A_1493 = arith.constant 16 : i32
        %mul3A_1494 = arith.muli %add3A_1492, %mul3A_1493 : i32
        %get3A_1495 = arith.index_cast %mul3A_1494 : i32 to index
        %get3A_1496 = tpu.vector_load %arg7[%get3A_1495] {strides = array<i32>} : memref<512xi32, #tpu.memory_space<vmem>>, vector<16xi32>,
        %shift_right_logical3A_1497 = arith.constant 7 : i32
        %shift_right_logical3A_1498 = vector.broadcast %shift_right_logical3A_1497 : i32 to vector<16xi32>
        %shift_right_logical3A_1499 = arith.shrui %get3A_1496, %shift_right_logical3A_1498 : vector<16xi32>
        %slice3A_1500 = vector.extract_strided_slice %shift_right_logical3A_1499 {offsets = [4], sizes = [1], strides = [1]} : vector<16xi32> to vector<1xi32>
        %squeeze3A_1501 = vector.extract %slice3A_1500[0] : i32 from vector<1xi32>
        %mul3A_1502 = arith.constant 128 : i32
        %mul3A_1503 = arith.muli %squeeze3A_1501, %mul3A_1502 : i32
        %multiple_of3A_1504 = tpu.assume_multiple %mul3A_1503, 128 : i32
        %dma_start3A_1505 = arith.constant 4 : i32
        %dma_start3A_1506 = arith.constant 0 : i32
        %dma_start3A_1507 = arith.constant 0 : i32
        %dma_start3A_1508 = arith.constant 0 : i32
        %dma_start3A_1509 = tpu.memref_slice %arg9[%dma_start3A_1505, %dma_start3A_1506, %dma_start3A_1507, %dma_start3A_1508] : memref<8x1x64x128xf32, #tpu.memory_space<vmem>> -> memref<1x1x64x128xf32, #tpu.memory_space<vmem>>
        %dma_start3A_1510 = tpu.memref_squeeze %dma_start3A_1509 : memref<1x1x64x128xf32, #tpu.memory_space<vmem>> -> memref<64x128xf32, #tpu.memory_space<vmem>>
        %dma_start3A_1511 = arith.constant 0 : i32
        %dma_start3A_1512 = tpu.memref_slice %arg4[%dma_start3A_1511, %multiple_of3A_1504] : memref<64x1000000xf32, #tpu.memory_space<hbm>> -> memref<64x128xf32, #tpu.memory_space<hbm>>
        %dma_start3A_1513 = arith.constant 0 : i32
        %dma_start3A_1514 = arith.constant 0 : i32
        %dma_start3A_1515 = tpu.memref_slice %arg9[%dma_start3A_1505, %dma_start3A_1506, %dma_start3A_1513, %dma_start3A_1514] : memref<8x1x64x128xf32, #tpu.memory_space<vmem>> -> memref<1x1x64x128xf32, #tpu.memory_space<vmem>>
        %dma_start3A_1516 = tpu.memref_squeeze %dma_start3A_1515 : memref<1x1x64x128xf32, #tpu.memory_space<vmem>> -> memref<64x128xf32, #tpu.memory_space<vmem>>
        %dma_start3A_1517 = arith.constant 0 : i32
        %dma_start3A_1518 = tpu.memref_slice %arg4[%dma_start3A_1517, %multiple_of3A_1504] : memref<64x1000000xf32, #tpu.memory_space<hbm>> -> memref<64x128xf32, #tpu.memory_space<hbm>>
        tpu.enqueue_dma source(%dma_start3A_1518 : memref<64x128xf32, #tpu.memory_space<hbm>>) target(%dma_start3A_1516 : memref<64x128xf32, #tpu.memory_space<vmem>>) target_semaphore(%arg17 : memref<!tpu.dma_semaphore, #tpu.memory_space<semaphore_mem>>)
      } else {
      }
      %dma_wait3A_1275 = arith.constant 5 : i32
      %dma_wait3A_1276 = arith.constant 0 : i32
      %dma_wait3A_1277 = arith.constant 0 : i32
      %dma_wait3A_1278 = arith.constant 0 : i32
      %dma_wait3A_1279 = tpu.memref_slice %arg9[%dma_wait3A_1275, %dma_wait3A_1276, %dma_wait3A_1277, %dma_wait3A_1278] : memref<8x1x64x128xf32, #tpu.memory_space<vmem>> -> memref<1x1x64x128xf32, #tpu.memory_space<vmem>>
      %dma_wait3A_1280 = tpu.memref_squeeze %dma_wait3A_1279 : memref<1x1x64x128xf32, #tpu.memory_space<vmem>> -> memref<64x128xf32, #tpu.memory_space<vmem>>
      %dma_wait3A_1281 = arith.constant 0 : i32
      %dma_wait3A_1282 = arith.constant 0 : i32
      %dma_wait3A_1283 = tpu.memref_slice %arg4[%dma_wait3A_1281, %dma_wait3A_1282] : memref<64x1000000xf32, #tpu.memory_space<hbm>> -> memref<64x128xf32, #tpu.memory_space<hbm>>
      %dma_wait3A_1284 = arith.constant 0 : i32
      %dma_wait3A_1285 = arith.constant 0 : i32
      %dma_wait3A_1286 = tpu.memref_slice %arg9[%dma_wait3A_1275, %dma_wait3A_1276, %dma_wait3A_1284, %dma_wait3A_1285] : memref<8x1x64x128xf32, #tpu.memory_space<vmem>> -> memref<1x1x64x128xf32, #tpu.memory_space<vmem>>
      %dma_wait3A_1287 = tpu.memref_squeeze %dma_wait3A_1286 : memref<1x1x64x128xf32, #tpu.memory_space<vmem>> -> memref<64x128xf32, #tpu.memory_space<vmem>>
      %dma_wait3A_1288 = arith.constant 0 : i32
      %dma_wait3A_1289 = arith.constant 0 : i32
      %dma_wait3A_1290 = tpu.memref_slice %arg4[%dma_wait3A_1288, %dma_wait3A_1289] : memref<64x1000000xf32, #tpu.memory_space<hbm>> -> memref<64x128xf32, #tpu.memory_space<hbm>>
      tpu.wait_dma2 semaphore(%arg18 : memref<!tpu.dma_semaphore, #tpu.memory_space<semaphore_mem>>) src(%dma_wait3A_1290 : memref<64x128xf32, #tpu.memory_space<hbm>>) dst(%dma_wait3A_1287 : memref<64x128xf32, #tpu.memory_space<vmem>>)
      %slice3A_1291 = vector.extract_strided_slice %and3A_201 {offsets = [13], sizes = [1], strides = [1]} : vector<16xi32> to vector<1xi32>
      %squeeze3A_1292 = vector.extract %slice3A_1291[0] : i32 from vector<1xi32>
      %broadcast_in_dim3A_1293 = vector.broadcast %squeeze3A_1292 : i32 to vector<16xi32>
      %broadcast_in_dim3A_1294 = arith.constant 5 : i32
      %broadcast_in_dim3A_1295 = vector.broadcast %broadcast_in_dim3A_1294 : i32 to vector<16xi32>
      %broadcast_in_dim3A_1296 = arith.constant 0 : i32
      %broadcast_in_dim3A_1297 = vector.broadcast %broadcast_in_dim3A_1296 : i32 to vector<16xi32>
      %gather3A_1298 = tpu.vector_load_idx %arg9[%broadcast_in_dim3A_1295, %broadcast_in_dim3A_1297, %add3A_5, %broadcast_in_dim3A_1293] : memref<8x1x64x128xf32, #tpu.memory_space<vmem>>[vector<16xi32>, vector<16xi32>, vector<16xi32>, vector<16xi32>], vector<16xf32>,
      %mul3A_1299 = arith.constant 8 : i32
      %mul3A_1300 = arith.muli %scan3A_191, %mul3A_1299 : i32
      %add3A_1301 = arith.constant 6 : i32
      %add3A_1302 = arith.addi %mul3A_1300, %add3A_1301 : i32
      %swap3A_1303 = arith.index_cast %add3A_1302 : i32 to index
      %swap3A_1304 = arith.constant 64 : index
      %swap3A_1305 = tpu.vector_load %arg11[%swap3A_1303, %swap3A_1304] {strides = array<i32>} : memref<256x128xf32, #tpu.memory_space<vmem>>, vector<16xf32>,
      tpu.vector_store %arg11[%swap3A_1303, %swap3A_1304], %gather3A_1298 {strides = array<i32>} : memref<256x128xf32, #tpu.memory_space<vmem>>, vector<16xf32>,
      %broadcast_in_dim3A_1306 = arith.constant 5 : i32
      %broadcast_in_dim3A_1307 = vector.broadcast %broadcast_in_dim3A_1306 : i32 to vector<16xi32>
      %broadcast_in_dim3A_1308 = arith.constant 0 : i32
      %broadcast_in_dim3A_1309 = vector.broadcast %broadcast_in_dim3A_1308 : i32 to vector<16xi32>
      %gather3A_1310 = tpu.vector_load_idx %arg9[%broadcast_in_dim3A_1307, %broadcast_in_dim3A_1309, %add3A_8, %broadcast_in_dim3A_1293] : memref<8x1x64x128xf32, #tpu.memory_space<vmem>>[vector<16xi32>, vector<16xi32>, vector<16xi32>, vector<16xi32>], vector<16xf32>,
      %mul3A_1311 = arith.constant 8 : i32
      %mul3A_1312 = arith.muli %scan3A_191, %mul3A_1311 : i32
      %add3A_1313 = arith.constant 6 : i32
      %add3A_1314 = arith.addi %mul3A_1312, %add3A_1313 : i32
      %swap3A_1315 = arith.index_cast %add3A_1314 : i32 to index
      %swap3A_1316 = arith.constant 80 : index
      %swap3A_1317 = tpu.vector_load %arg11[%swap3A_1315, %swap3A_1316] {strides = array<i32>} : memref<256x128xf32, #tpu.memory_space<vmem>>, vector<16xf32>,
      tpu.vector_store %arg11[%swap3A_1315, %swap3A_1316], %gather3A_1310 {strides = array<i32>} : memref<256x128xf32, #tpu.memory_space<vmem>>, vector<16xf32>,
      %broadcast_in_dim3A_1318 = arith.constant 5 : i32
      %broadcast_in_dim3A_1319 = vector.broadcast %broadcast_in_dim3A_1318 : i32 to vector<16xi32>
      %broadcast_in_dim3A_1320 = arith.constant 0 : i32
      %broadcast_in_dim3A_1321 = vector.broadcast %broadcast_in_dim3A_1320 : i32 to vector<16xi32>
      %gather3A_1322 = tpu.vector_load_idx %arg9[%broadcast_in_dim3A_1319, %broadcast_in_dim3A_1321, %add3A_11, %broadcast_in_dim3A_1293] : memref<8x1x64x128xf32, #tpu.memory_space<vmem>>[vector<16xi32>, vector<16xi32>, vector<16xi32>, vector<16xi32>], vector<16xf32>,
      %mul3A_1323 = arith.constant 8 : i32
      %mul3A_1324 = arith.muli %scan3A_191, %mul3A_1323 : i32
      %add3A_1325 = arith.constant 6 : i32
      %add3A_1326 = arith.addi %mul3A_1324, %add3A_1325 : i32
      %swap3A_1327 = arith.index_cast %add3A_1326 : i32 to index
      %swap3A_1328 = arith.constant 96 : index
      %swap3A_1329 = tpu.vector_load %arg11[%swap3A_1327, %swap3A_1328] {strides = array<i32>} : memref<256x128xf32, #tpu.memory_space<vmem>>, vector<16xf32>,
      tpu.vector_store %arg11[%swap3A_1327, %swap3A_1328], %gather3A_1322 {strides = array<i32>} : memref<256x128xf32, #tpu.memory_space<vmem>>, vector<16xf32>,
      %broadcast_in_dim3A_1330 = arith.constant 5 : i32
      %broadcast_in_dim3A_1331 = vector.broadcast %broadcast_in_dim3A_1330 : i32 to vector<16xi32>
      %broadcast_in_dim3A_1332 = arith.constant 0 : i32
      %broadcast_in_dim3A_1333 = vector.broadcast %broadcast_in_dim3A_1332 : i32 to vector<16xi32>
      %gather3A_1334 = tpu.vector_load_idx %arg9[%broadcast_in_dim3A_1331, %broadcast_in_dim3A_1333, %add3A_14, %broadcast_in_dim3A_1293] : memref<8x1x64x128xf32, #tpu.memory_space<vmem>>[vector<16xi32>, vector<16xi32>, vector<16xi32>, vector<16xi32>], vector<16xf32>,
      %mul3A_1335 = arith.constant 8 : i32
      %mul3A_1336 = arith.muli %scan3A_191, %mul3A_1335 : i32
      %add3A_1337 = arith.constant 6 : i32
      %add3A_1338 = arith.addi %mul3A_1336, %add3A_1337 : i32
      %swap3A_1339 = arith.index_cast %add3A_1338 : i32 to index
      %swap3A_1340 = arith.constant 112 : index
      %swap3A_1341 = tpu.vector_load %arg11[%swap3A_1339, %swap3A_1340] {strides = array<i32>} : memref<256x128xf32, #tpu.memory_space<vmem>>, vector<16xf32>,
      tpu.vector_store %arg11[%swap3A_1339, %swap3A_1340], %gather3A_1334 {strides = array<i32>} : memref<256x128xf32, #tpu.memory_space<vmem>>, vector<16xf32>,
      %add3A_1342 = arith.constant 1 : i32
      %add3A_1343 = arith.addi %scan3A_191, %add3A_1342 : i32
      %lt3A_1344 = arith.constant 32 : i32
      %lt3A_1345 = arith.cmpi slt, %add3A_1343, %lt3A_1344 : i32
      %convert_element_type3A_1346 = arith.extui %lt3A_1345 : i1 to i32
      %cond3A_1347 = arith.constant 0 : i32
      %cond3A_1348 = arith.cmpi ne, %convert_element_type3A_1346, %cond3A_1347 : i32
      scf.if %cond3A_1348 {
        %add3A_1491 = arith.constant 1 : i32
        %add3A_1492 = arith.addi %scan3A_191, %add3A_1491 : i32
        %mul3A_1493 = arith.constant 16 : i32
        %mul3A_1494 = arith.muli %add3A_1492, %mul3A_1493 : i32
        %get3A_1495 = arith.index_cast %mul3A_1494 : i32 to index
        %get3A_1496 = tpu.vector_load %arg7[%get3A_1495] {strides = array<i32>} : memref<512xi32, #tpu.memory_space<vmem>>, vector<16xi32>,
        %shift_right_logical3A_1497 = arith.constant 7 : i32
        %shift_right_logical3A_1498 = vector.broadcast %shift_right_logical3A_1497 : i32 to vector<16xi32>
        %shift_right_logical3A_1499 = arith.shrui %get3A_1496, %shift_right_logical3A_1498 : vector<16xi32>
        %slice3A_1500 = vector.extract_strided_slice %shift_right_logical3A_1499 {offsets = [5], sizes = [1], strides = [1]} : vector<16xi32> to vector<1xi32>
        %squeeze3A_1501 = vector.extract %slice3A_1500[0] : i32 from vector<1xi32>
        %mul3A_1502 = arith.constant 128 : i32
        %mul3A_1503 = arith.muli %squeeze3A_1501, %mul3A_1502 : i32
        %multiple_of3A_1504 = tpu.assume_multiple %mul3A_1503, 128 : i32
        %dma_start3A_1505 = arith.constant 5 : i32
        %dma_start3A_1506 = arith.constant 0 : i32
        %dma_start3A_1507 = arith.constant 0 : i32
        %dma_start3A_1508 = arith.constant 0 : i32
        %dma_start3A_1509 = tpu.memref_slice %arg9[%dma_start3A_1505, %dma_start3A_1506, %dma_start3A_1507, %dma_start3A_1508] : memref<8x1x64x128xf32, #tpu.memory_space<vmem>> -> memref<1x1x64x128xf32, #tpu.memory_space<vmem>>
        %dma_start3A_1510 = tpu.memref_squeeze %dma_start3A_1509 : memref<1x1x64x128xf32, #tpu.memory_space<vmem>> -> memref<64x128xf32, #tpu.memory_space<vmem>>
        %dma_start3A_1511 = arith.constant 0 : i32
        %dma_start3A_1512 = tpu.memref_slice %arg4[%dma_start3A_1511, %multiple_of3A_1504] : memref<64x1000000xf32, #tpu.memory_space<hbm>> -> memref<64x128xf32, #tpu.memory_space<hbm>>
        %dma_start3A_1513 = arith.constant 0 : i32
        %dma_start3A_1514 = arith.constant 0 : i32
        %dma_start3A_1515 = tpu.memref_slice %arg9[%dma_start3A_1505, %dma_start3A_1506, %dma_start3A_1513, %dma_start3A_1514] : memref<8x1x64x128xf32, #tpu.memory_space<vmem>> -> memref<1x1x64x128xf32, #tpu.memory_space<vmem>>
        %dma_start3A_1516 = tpu.memref_squeeze %dma_start3A_1515 : memref<1x1x64x128xf32, #tpu.memory_space<vmem>> -> memref<64x128xf32, #tpu.memory_space<vmem>>
        %dma_start3A_1517 = arith.constant 0 : i32
        %dma_start3A_1518 = tpu.memref_slice %arg4[%dma_start3A_1517, %multiple_of3A_1504] : memref<64x1000000xf32, #tpu.memory_space<hbm>> -> memref<64x128xf32, #tpu.memory_space<hbm>>
        tpu.enqueue_dma source(%dma_start3A_1518 : memref<64x128xf32, #tpu.memory_space<hbm>>) target(%dma_start3A_1516 : memref<64x128xf32, #tpu.memory_space<vmem>>) target_semaphore(%arg18 : memref<!tpu.dma_semaphore, #tpu.memory_space<semaphore_mem>>)
      } else {
      }
      %dma_wait3A_1349 = arith.constant 6 : i32
      %dma_wait3A_1350 = arith.constant 0 : i32
      %dma_wait3A_1351 = arith.constant 0 : i32
      %dma_wait3A_1352 = arith.constant 0 : i32
      %dma_wait3A_1353 = tpu.memref_slice %arg9[%dma_wait3A_1349, %dma_wait3A_1350, %dma_wait3A_1351, %dma_wait3A_1352] : memref<8x1x64x128xf32, #tpu.memory_space<vmem>> -> memref<1x1x64x128xf32, #tpu.memory_space<vmem>>
      %dma_wait3A_1354 = tpu.memref_squeeze %dma_wait3A_1353 : memref<1x1x64x128xf32, #tpu.memory_space<vmem>> -> memref<64x128xf32, #tpu.memory_space<vmem>>
      %dma_wait3A_1355 = arith.constant 0 : i32
      %dma_wait3A_1356 = arith.constant 0 : i32
      %dma_wait3A_1357 = tpu.memref_slice %arg4[%dma_wait3A_1355, %dma_wait3A_1356] : memref<64x1000000xf32, #tpu.memory_space<hbm>> -> memref<64x128xf32, #tpu.memory_space<hbm>>
      %dma_wait3A_1358 = arith.constant 0 : i32
      %dma_wait3A_1359 = arith.constant 0 : i32
      %dma_wait3A_1360 = tpu.memref_slice %arg9[%dma_wait3A_1349, %dma_wait3A_1350, %dma_wait3A_1358, %dma_wait3A_1359] : memref<8x1x64x128xf32, #tpu.memory_space<vmem>> -> memref<1x1x64x128xf32, #tpu.memory_space<vmem>>
      %dma_wait3A_1361 = tpu.memref_squeeze %dma_wait3A_1360 : memref<1x1x64x128xf32, #tpu.memory_space<vmem>> -> memref<64x128xf32, #tpu.memory_space<vmem>>
      %dma_wait3A_1362 = arith.constant 0 : i32
      %dma_wait3A_1363 = arith.constant 0 : i32
      %dma_wait3A_1364 = tpu.memref_slice %arg4[%dma_wait3A_1362, %dma_wait3A_1363] : memref<64x1000000xf32, #tpu.memory_space<hbm>> -> memref<64x128xf32, #tpu.memory_space<hbm>>
      tpu.wait_dma2 semaphore(%arg19 : memref<!tpu.dma_semaphore, #tpu.memory_space<semaphore_mem>>) src(%dma_wait3A_1364 : memref<64x128xf32, #tpu.memory_space<hbm>>) dst(%dma_wait3A_1361 : memref<64x128xf32, #tpu.memory_space<vmem>>)
      %slice3A_1365 = vector.extract_strided_slice %and3A_201 {offsets = [14], sizes = [1], strides = [1]} : vector<16xi32> to vector<1xi32>
      %squeeze3A_1366 = vector.extract %slice3A_1365[0] : i32 from vector<1xi32>
      %broadcast_in_dim3A_1367 = vector.broadcast %squeeze3A_1366 : i32 to vector<16xi32>
      %broadcast_in_dim3A_1368 = arith.constant 6 : i32
      %broadcast_in_dim3A_1369 = vector.broadcast %broadcast_in_dim3A_1368 : i32 to vector<16xi32>
      %broadcast_in_dim3A_1370 = arith.constant 0 : i32
      %broadcast_in_dim3A_1371 = vector.broadcast %broadcast_in_dim3A_1370 : i32 to vector<16xi32>
      %gather3A_1372 = tpu.vector_load_idx %arg9[%broadcast_in_dim3A_1369, %broadcast_in_dim3A_1371, %add3A_5, %broadcast_in_dim3A_1367] : memref<8x1x64x128xf32, #tpu.memory_space<vmem>>[vector<16xi32>, vector<16xi32>, vector<16xi32>, vector<16xi32>], vector<16xf32>,
      %mul3A_1373 = arith.constant 8 : i32
      %mul3A_1374 = arith.muli %scan3A_191, %mul3A_1373 : i32
      %add3A_1375 = arith.constant 7 : i32
      %add3A_1376 = arith.addi %mul3A_1374, %add3A_1375 : i32
      %swap3A_1377 = arith.index_cast %add3A_1376 : i32 to index
      %swap3A_1378 = arith.constant 0 : index
      %swap3A_1379 = tpu.vector_load %arg11[%swap3A_1377, %swap3A_1378] {strides = array<i32>} : memref<256x128xf32, #tpu.memory_space<vmem>>, vector<16xf32>,
      tpu.vector_store %arg11[%swap3A_1377, %swap3A_1378], %gather3A_1372 {strides = array<i32>} : memref<256x128xf32, #tpu.memory_space<vmem>>, vector<16xf32>,
      %broadcast_in_dim3A_1380 = arith.constant 6 : i32
      %broadcast_in_dim3A_1381 = vector.broadcast %broadcast_in_dim3A_1380 : i32 to vector<16xi32>
      %broadcast_in_dim3A_1382 = arith.constant 0 : i32
      %broadcast_in_dim3A_1383 = vector.broadcast %broadcast_in_dim3A_1382 : i32 to vector<16xi32>
      %gather3A_1384 = tpu.vector_load_idx %arg9[%broadcast_in_dim3A_1381, %broadcast_in_dim3A_1383, %add3A_8, %broadcast_in_dim3A_1367] : memref<8x1x64x128xf32, #tpu.memory_space<vmem>>[vector<16xi32>, vector<16xi32>, vector<16xi32>, vector<16xi32>], vector<16xf32>,
      %mul3A_1385 = arith.constant 8 : i32
      %mul3A_1386 = arith.muli %scan3A_191, %mul3A_1385 : i32
      %add3A_1387 = arith.constant 7 : i32
      %add3A_1388 = arith.addi %mul3A_1386, %add3A_1387 : i32
      %swap3A_1389 = arith.index_cast %add3A_1388 : i32 to index
      %swap3A_1390 = arith.constant 16 : index
      %swap3A_1391 = tpu.vector_load %arg11[%swap3A_1389, %swap3A_1390] {strides = array<i32>} : memref<256x128xf32, #tpu.memory_space<vmem>>, vector<16xf32>,
      tpu.vector_store %arg11[%swap3A_1389, %swap3A_1390], %gather3A_1384 {strides = array<i32>} : memref<256x128xf32, #tpu.memory_space<vmem>>, vector<16xf32>,
      %broadcast_in_dim3A_1392 = arith.constant 6 : i32
      %broadcast_in_dim3A_1393 = vector.broadcast %broadcast_in_dim3A_1392 : i32 to vector<16xi32>
      %broadcast_in_dim3A_1394 = arith.constant 0 : i32
      %broadcast_in_dim3A_1395 = vector.broadcast %broadcast_in_dim3A_1394 : i32 to vector<16xi32>
      %gather3A_1396 = tpu.vector_load_idx %arg9[%broadcast_in_dim3A_1393, %broadcast_in_dim3A_1395, %add3A_11, %broadcast_in_dim3A_1367] : memref<8x1x64x128xf32, #tpu.memory_space<vmem>>[vector<16xi32>, vector<16xi32>, vector<16xi32>, vector<16xi32>], vector<16xf32>,
      %mul3A_1397 = arith.constant 8 : i32
      %mul3A_1398 = arith.muli %scan3A_191, %mul3A_1397 : i32
      %add3A_1399 = arith.constant 7 : i32
      %add3A_1400 = arith.addi %mul3A_1398, %add3A_1399 : i32
      %swap3A_1401 = arith.index_cast %add3A_1400 : i32 to index
      %swap3A_1402 = arith.constant 32 : index
      %swap3A_1403 = tpu.vector_load %arg11[%swap3A_1401, %swap3A_1402] {strides = array<i32>} : memref<256x128xf32, #tpu.memory_space<vmem>>, vector<16xf32>,
      tpu.vector_store %arg11[%swap3A_1401, %swap3A_1402], %gather3A_1396 {strides = array<i32>} : memref<256x128xf32, #tpu.memory_space<vmem>>, vector<16xf32>,
      %broadcast_in_dim3A_1404 = arith.constant 6 : i32
      %broadcast_in_dim3A_1405 = vector.broadcast %broadcast_in_dim3A_1404 : i32 to vector<16xi32>
      %broadcast_in_dim3A_1406 = arith.constant 0 : i32
      %broadcast_in_dim3A_1407 = vector.broadcast %broadcast_in_dim3A_1406 : i32 to vector<16xi32>
      %gather3A_1408 = tpu.vector_load_idx %arg9[%broadcast_in_dim3A_1405, %broadcast_in_dim3A_1407, %add3A_14, %broadcast_in_dim3A_1367] : memref<8x1x64x128xf32, #tpu.memory_space<vmem>>[vector<16xi32>, vector<16xi32>, vector<16xi32>, vector<16xi32>], vector<16xf32>,
      %mul3A_1409 = arith.constant 8 : i32
      %mul3A_1410 = arith.muli %scan3A_191, %mul3A_1409 : i32
      %add3A_1411 = arith.constant 7 : i32
      %add3A_1412 = arith.addi %mul3A_1410, %add3A_1411 : i32
      %swap3A_1413 = arith.index_cast %add3A_1412 : i32 to index
      %swap3A_1414 = arith.constant 48 : index
      %swap3A_1415 = tpu.vector_load %arg11[%swap3A_1413, %swap3A_1414] {strides = array<i32>} : memref<256x128xf32, #tpu.memory_space<vmem>>, vector<16xf32>,
      tpu.vector_store %arg11[%swap3A_1413, %swap3A_1414], %gather3A_1408 {strides = array<i32>} : memref<256x128xf32, #tpu.memory_space<vmem>>, vector<16xf32>,
      %add3A_1416 = arith.constant 1 : i32
      %add3A_1417 = arith.addi %scan3A_191, %add3A_1416 : i32
      %lt3A_1418 = arith.constant 32 : i32
      %lt3A_1419 = arith.cmpi slt, %add3A_1417, %lt3A_1418 : i32
      %convert_element_type3A_1420 = arith.extui %lt3A_1419 : i1 to i32
      %cond3A_1421 = arith.constant 0 : i32
      %cond3A_1422 = arith.cmpi ne, %convert_element_type3A_1420, %cond3A_1421 : i32
      scf.if %cond3A_1422 {
        %add3A_1491 = arith.constant 1 : i32
        %add3A_1492 = arith.addi %scan3A_191, %add3A_1491 : i32
        %mul3A_1493 = arith.constant 16 : i32
        %mul3A_1494 = arith.muli %add3A_1492, %mul3A_1493 : i32
        %get3A_1495 = arith.index_cast %mul3A_1494 : i32 to index
        %get3A_1496 = tpu.vector_load %arg7[%get3A_1495] {strides = array<i32>} : memref<512xi32, #tpu.memory_space<vmem>>, vector<16xi32>,
        %shift_right_logical3A_1497 = arith.constant 7 : i32
        %shift_right_logical3A_1498 = vector.broadcast %shift_right_logical3A_1497 : i32 to vector<16xi32>
        %shift_right_logical3A_1499 = arith.shrui %get3A_1496, %shift_right_logical3A_1498 : vector<16xi32>
        %slice3A_1500 = vector.extract_strided_slice %shift_right_logical3A_1499 {offsets = [6], sizes = [1], strides = [1]} : vector<16xi32> to vector<1xi32>
        %squeeze3A_1501 = vector.extract %slice3A_1500[0] : i32 from vector<1xi32>
        %mul3A_1502 = arith.constant 128 : i32
        %mul3A_1503 = arith.muli %squeeze3A_1501, %mul3A_1502 : i32
        %multiple_of3A_1504 = tpu.assume_multiple %mul3A_1503, 128 : i32
        %dma_start3A_1505 = arith.constant 6 : i32
        %dma_start3A_1506 = arith.constant 0 : i32
        %dma_start3A_1507 = arith.constant 0 : i32
        %dma_start3A_1508 = arith.constant 0 : i32
        %dma_start3A_1509 = tpu.memref_slice %arg9[%dma_start3A_1505, %dma_start3A_1506, %dma_start3A_1507, %dma_start3A_1508] : memref<8x1x64x128xf32, #tpu.memory_space<vmem>> -> memref<1x1x64x128xf32, #tpu.memory_space<vmem>>
        %dma_start3A_1510 = tpu.memref_squeeze %dma_start3A_1509 : memref<1x1x64x128xf32, #tpu.memory_space<vmem>> -> memref<64x128xf32, #tpu.memory_space<vmem>>
        %dma_start3A_1511 = arith.constant 0 : i32
        %dma_start3A_1512 = tpu.memref_slice %arg4[%dma_start3A_1511, %multiple_of3A_1504] : memref<64x1000000xf32, #tpu.memory_space<hbm>> -> memref<64x128xf32, #tpu.memory_space<hbm>>
        %dma_start3A_1513 = arith.constant 0 : i32
        %dma_start3A_1514 = arith.constant 0 : i32
        %dma_start3A_1515 = tpu.memref_slice %arg9[%dma_start3A_1505, %dma_start3A_1506, %dma_start3A_1513, %dma_start3A_1514] : memref<8x1x64x128xf32, #tpu.memory_space<vmem>> -> memref<1x1x64x128xf32, #tpu.memory_space<vmem>>
        %dma_start3A_1516 = tpu.memref_squeeze %dma_start3A_1515 : memref<1x1x64x128xf32, #tpu.memory_space<vmem>> -> memref<64x128xf32, #tpu.memory_space<vmem>>
        %dma_start3A_1517 = arith.constant 0 : i32
        %dma_start3A_1518 = tpu.memref_slice %arg4[%dma_start3A_1517, %multiple_of3A_1504] : memref<64x1000000xf32, #tpu.memory_space<hbm>> -> memref<64x128xf32, #tpu.memory_space<hbm>>
        tpu.enqueue_dma source(%dma_start3A_1518 : memref<64x128xf32, #tpu.memory_space<hbm>>) target(%dma_start3A_1516 : memref<64x128xf32, #tpu.memory_space<vmem>>) target_semaphore(%arg19 : memref<!tpu.dma_semaphore, #tpu.memory_space<semaphore_mem>>)
      } else {
      }
      %dma_wait3A_1423 = arith.constant 7 : i32
      %dma_wait3A_1424 = arith.constant 0 : i32
      %dma_wait3A_1425 = arith.constant 0 : i32
      %dma_wait3A_1426 = arith.constant 0 : i32
      %dma_wait3A_1427 = tpu.memref_slice %arg9[%dma_wait3A_1423, %dma_wait3A_1424, %dma_wait3A_1425, %dma_wait3A_1426] : memref<8x1x64x128xf32, #tpu.memory_space<vmem>> -> memref<1x1x64x128xf32, #tpu.memory_space<vmem>>
      %dma_wait3A_1428 = tpu.memref_squeeze %dma_wait3A_1427 : memref<1x1x64x128xf32, #tpu.memory_space<vmem>> -> memref<64x128xf32, #tpu.memory_space<vmem>>
      %dma_wait3A_1429 = arith.constant 0 : i32
      %dma_wait3A_1430 = arith.constant 0 : i32
      %dma_wait3A_1431 = tpu.memref_slice %arg4[%dma_wait3A_1429, %dma_wait3A_1430] : memref<64x1000000xf32, #tpu.memory_space<hbm>> -> memref<64x128xf32, #tpu.memory_space<hbm>>
      %dma_wait3A_1432 = arith.constant 0 : i32
      %dma_wait3A_1433 = arith.constant 0 : i32
      %dma_wait3A_1434 = tpu.memref_slice %arg9[%dma_wait3A_1423, %dma_wait3A_1424, %dma_wait3A_1432, %dma_wait3A_1433] : memref<8x1x64x128xf32, #tpu.memory_space<vmem>> -> memref<1x1x64x128xf32, #tpu.memory_space<vmem>>
      %dma_wait3A_1435 = tpu.memref_squeeze %dma_wait3A_1434 : memref<1x1x64x128xf32, #tpu.memory_space<vmem>> -> memref<64x128xf32, #tpu.memory_space<vmem>>
      %dma_wait3A_1436 = arith.constant 0 : i32
      %dma_wait3A_1437 = arith.constant 0 : i32
      %dma_wait3A_1438 = tpu.memref_slice %arg4[%dma_wait3A_1436, %dma_wait3A_1437] : memref<64x1000000xf32, #tpu.memory_space<hbm>> -> memref<64x128xf32, #tpu.memory_space<hbm>>
      tpu.wait_dma2 semaphore(%arg20 : memref<!tpu.dma_semaphore, #tpu.memory_space<semaphore_mem>>) src(%dma_wait3A_1438 : memref<64x128xf32, #tpu.memory_space<hbm>>) dst(%dma_wait3A_1435 : memref<64x128xf32, #tpu.memory_space<vmem>>)
      %slice3A_1439 = vector.extract_strided_slice %and3A_201 {offsets = [15], sizes = [1], strides = [1]} : vector<16xi32> to vector<1xi32>
      %squeeze3A_1440 = vector.extract %slice3A_1439[0] : i32 from vector<1xi32>
      %broadcast_in_dim3A_1441 = vector.broadcast %squeeze3A_1440 : i32 to vector<16xi32>
      %broadcast_in_dim3A_1442 = arith.constant 7 : i32
      %broadcast_in_dim3A_1443 = vector.broadcast %broadcast_in_dim3A_1442 : i32 to vector<16xi32>
      %broadcast_in_dim3A_1444 = arith.constant 0 : i32
      %broadcast_in_dim3A_1445 = vector.broadcast %broadcast_in_dim3A_1444 : i32 to vector<16xi32>
      %gather3A_1446 = tpu.vector_load_idx %arg9[%broadcast_in_dim3A_1443, %broadcast_in_dim3A_1445, %add3A_5, %broadcast_in_dim3A_1441] : memref<8x1x64x128xf32, #tpu.memory_space<vmem>>[vector<16xi32>, vector<16xi32>, vector<16xi32>, vector<16xi32>], vector<16xf32>,
      %mul3A_1447 = arith.constant 8 : i32
      %mul3A_1448 = arith.muli %scan3A_191, %mul3A_1447 : i32
      %add3A_1449 = arith.constant 7 : i32
      %add3A_1450 = arith.addi %mul3A_1448, %add3A_1449 : i32
      %swap3A_1451 = arith.index_cast %add3A_1450 : i32 to index
      %swap3A_1452 = arith.constant 64 : index
      %swap3A_1453 = tpu.vector_load %arg11[%swap3A_1451, %swap3A_1452] {strides = array<i32>} : memref<256x128xf32, #tpu.memory_space<vmem>>, vector<16xf32>,
      tpu.vector_store %arg11[%swap3A_1451, %swap3A_1452], %gather3A_1446 {strides = array<i32>} : memref<256x128xf32, #tpu.memory_space<vmem>>, vector<16xf32>,
      %broadcast_in_dim3A_1454 = arith.constant 7 : i32
      %broadcast_in_dim3A_1455 = vector.broadcast %broadcast_in_dim3A_1454 : i32 to vector<16xi32>
      %broadcast_in_dim3A_1456 = arith.constant 0 : i32
      %broadcast_in_dim3A_1457 = vector.broadcast %broadcast_in_dim3A_1456 : i32 to vector<16xi32>
      %gather3A_1458 = tpu.vector_load_idx %arg9[%broadcast_in_dim3A_1455, %broadcast_in_dim3A_1457, %add3A_8, %broadcast_in_dim3A_1441] : memref<8x1x64x128xf32, #tpu.memory_space<vmem>>[vector<16xi32>, vector<16xi32>, vector<16xi32>, vector<16xi32>], vector<16xf32>,
      %mul3A_1459 = arith.constant 8 : i32
      %mul3A_1460 = arith.muli %scan3A_191, %mul3A_1459 : i32
      %add3A_1461 = arith.constant 7 : i32
      %add3A_1462 = arith.addi %mul3A_1460, %add3A_1461 : i32
      %swap3A_1463 = arith.index_cast %add3A_1462 : i32 to index
      %swap3A_1464 = arith.constant 80 : index
      %swap3A_1465 = tpu.vector_load %arg11[%swap3A_1463, %swap3A_1464] {strides = array<i32>} : memref<256x128xf32, #tpu.memory_space<vmem>>, vector<16xf32>,
      tpu.vector_store %arg11[%swap3A_1463, %swap3A_1464], %gather3A_1458 {strides = array<i32>} : memref<256x128xf32, #tpu.memory_space<vmem>>, vector<16xf32>,
      %broadcast_in_dim3A_1466 = arith.constant 7 : i32
      %broadcast_in_dim3A_1467 = vector.broadcast %broadcast_in_dim3A_1466 : i32 to vector<16xi32>
      %broadcast_in_dim3A_1468 = arith.constant 0 : i32
      %broadcast_in_dim3A_1469 = vector.broadcast %broadcast_in_dim3A_1468 : i32 to vector<16xi32>
      %gather3A_1470 = tpu.vector_load_idx %arg9[%broadcast_in_dim3A_1467, %broadcast_in_dim3A_1469, %add3A_11, %broadcast_in_dim3A_1441] : memref<8x1x64x128xf32, #tpu.memory_space<vmem>>[vector<16xi32>, vector<16xi32>, vector<16xi32>, vector<16xi32>], vector<16xf32>,
      %mul3A_1471 = arith.constant 8 : i32
      %mul3A_1472 = arith.muli %scan3A_191, %mul3A_1471 : i32
      %add3A_1473 = arith.constant 7 : i32
      %add3A_1474 = arith.addi %mul3A_1472, %add3A_1473 : i32
      %swap3A_1475 = arith.index_cast %add3A_1474 : i32 to index
      %swap3A_1476 = arith.constant 96 : index
      %swap3A_1477 = tpu.vector_load %arg11[%swap3A_1475, %swap3A_1476] {strides = array<i32>} : memref<256x128xf32, #tpu.memory_space<vmem>>, vector<16xf32>,
      tpu.vector_store %arg11[%swap3A_1475, %swap3A_1476], %gather3A_1470 {strides = array<i32>} : memref<256x128xf32, #tpu.memory_space<vmem>>, vector<16xf32>,
      %broadcast_in_dim3A_1478 = arith.constant 7 : i32
      %broadcast_in_dim3A_1479 = vector.broadcast %broadcast_in_dim3A_1478 : i32 to vector<16xi32>
      %broadcast_in_dim3A_1480 = arith.constant 0 : i32
      %broadcast_in_dim3A_1481 = vector.broadcast %broadcast_in_dim3A_1480 : i32 to vector<16xi32>
      %gather3A_1482 = tpu.vector_load_idx %arg9[%broadcast_in_dim3A_1479, %broadcast_in_dim3A_1481, %add3A_14, %broadcast_in_dim3A_1441] : memref<8x1x64x128xf32, #tpu.memory_space<vmem>>[vector<16xi32>, vector<16xi32>, vector<16xi32>, vector<16xi32>], vector<16xf32>,
      %mul3A_1483 = arith.constant 8 : i32
      %mul3A_1484 = arith.muli %scan3A_191, %mul3A_1483 : i32
      %add3A_1485 = arith.constant 7 : i32
      %add3A_1486 = arith.addi %mul3A_1484, %add3A_1485 : i32
      %swap3A_1487 = arith.index_cast %add3A_1486 : i32 to index
      %swap3A_1488 = arith.constant 112 : index
      %swap3A_1489 = tpu.vector_load %arg11[%swap3A_1487, %swap3A_1488] {strides = array<i32>} : memref<256x128xf32, #tpu.memory_space<vmem>>, vector<16xf32>,
      tpu.vector_store %arg11[%swap3A_1487, %swap3A_1488], %gather3A_1482 {strides = array<i32>} : memref<256x128xf32, #tpu.memory_space<vmem>>, vector<16xf32>,
      %scan3A_1490 = arith.constant 0 : i32
      scf.yield %scan3A_1490 : i32
    }
    %scan3A_20 = arith.constant 32 : i32
    %mul3A_21 = arith.constant 0 : i32
    %mul3A_22 = arith.constant 8 : i32
    %mul3A_23 = arith.muli %mul3A_21, %mul3A_22 : i32
    %get3A = arith.index_cast %mul3A_23 : i32 to index
    %get3A_24 = tpu.vector_load %arg8[%get3A] {strides = array<i32>} : memref<528xi32, #tpu.memory_space<vmem>>, vector<16xi32>,
    %shift_right_logical3A = arith.constant 3 : i32
    %shift_right_logical3A_25 = vector.broadcast %shift_right_logical3A : i32 to vector<16xi32>
    %shift_right_logical3A_26 = arith.shrui %get3A_24, %shift_right_logical3A_25 : vector<16xi32>
    %slice3A = vector.extract_strided_slice %shift_right_logical3A_26 {offsets = [0], sizes = [1], strides = [1]} : vector<16xi32> to vector<1xi32>
    %squeeze3A = vector.extract %slice3A[0] : i32 from vector<1xi32>
    %dma_start3A = arith.constant 0 : i32
    %dma_start3A_27 = arith.constant 0 : i32
    %dma_start3A_28 = arith.constant 0 : i32
    %dma_start3A_29 = arith.constant 0 : i32
    %dma_start3A_30 = tpu.memref_slice %arg10[%dma_start3A, %dma_start3A_27, %dma_start3A_28, %dma_start3A_29] : memref<2x8x8x64xf32, #tpu.memory_space<vmem>> -> memref<1x1x8x64xf32, #tpu.memory_space<vmem>>
    %dma_start3A_31 = tpu.memref_squeeze %dma_start3A_30 : memref<1x1x8x64xf32, #tpu.memory_space<vmem>> -> memref<8x64xf32, #tpu.memory_space<vmem>>
    %dma_start3A_32 = arith.constant 0 : i32
    %dma_start3A_33 = arith.constant 0 : i32
    %dma_start3A_34 = tpu.memref_slice %arg5[%squeeze3A, %dma_start3A_32, %dma_start3A_33] : memref<12500x8x64xf32, #tpu.memory_space<hbm>> -> memref<1x8x64xf32, #tpu.memory_space<hbm>>
    %dma_start3A_35 = tpu.memref_squeeze %dma_start3A_34 : memref<1x8x64xf32, #tpu.memory_space<hbm>> -> memref<8x64xf32, #tpu.memory_space<hbm>>
    %dma_start3A_36 = arith.constant 0 : i32
    %dma_start3A_37 = arith.constant 0 : i32
    %dma_start3A_38 = tpu.memref_slice %arg10[%dma_start3A, %dma_start3A_27, %dma_start3A_36, %dma_start3A_37] : memref<2x8x8x64xf32, #tpu.memory_space<vmem>> -> memref<1x1x8x64xf32, #tpu.memory_space<vmem>>
    %dma_start3A_39 = tpu.memref_squeeze %dma_start3A_38 : memref<1x1x8x64xf32, #tpu.memory_space<vmem>> -> memref<8x64xf32, #tpu.memory_space<vmem>>
    %dma_start3A_40 = arith.constant 0 : i32
    %dma_start3A_41 = arith.constant 0 : i32
    %dma_start3A_42 = tpu.memref_slice %arg5[%squeeze3A, %dma_start3A_40, %dma_start3A_41] : memref<12500x8x64xf32, #tpu.memory_space<hbm>> -> memref<1x8x64xf32, #tpu.memory_space<hbm>>
    %dma_start3A_43 = tpu.memref_squeeze %dma_start3A_42 : memref<1x8x64xf32, #tpu.memory_space<hbm>> -> memref<8x64xf32, #tpu.memory_space<hbm>>
    tpu.enqueue_dma source(%dma_start3A_43 : memref<8x64xf32, #tpu.memory_space<hbm>>) target(%dma_start3A_39 : memref<8x64xf32, #tpu.memory_space<vmem>>) target_semaphore(%arg21 : memref<!tpu.dma_semaphore, #tpu.memory_space<semaphore_mem>>)
    %slice3A_44 = vector.extract_strided_slice %shift_right_logical3A_26 {offsets = [1], sizes = [1], strides = [1]} : vector<16xi32> to vector<1xi32>
    %squeeze3A_45 = vector.extract %slice3A_44[0] : i32 from vector<1xi32>
    %dma_start3A_46 = arith.constant 0 : i32
    %dma_start3A_47 = arith.constant 1 : i32
    %dma_start3A_48 = arith.constant 0 : i32
    %dma_start3A_49 = arith.constant 0 : i32
    %dma_start3A_50 = tpu.memref_slice %arg10[%dma_start3A_46, %dma_start3A_47, %dma_start3A_48, %dma_start3A_49] : memref<2x8x8x64xf32, #tpu.memory_space<vmem>> -> memref<1x1x8x64xf32, #tpu.memory_space<vmem>>
    %dma_start3A_51 = tpu.memref_squeeze %dma_start3A_50 : memref<1x1x8x64xf32, #tpu.memory_space<vmem>> -> memref<8x64xf32, #tpu.memory_space<vmem>>
    %dma_start3A_52 = arith.constant 0 : i32
    %dma_start3A_53 = arith.constant 0 : i32
    %dma_start3A_54 = tpu.memref_slice %arg5[%squeeze3A_45, %dma_start3A_52, %dma_start3A_53] : memref<12500x8x64xf32, #tpu.memory_space<hbm>> -> memref<1x8x64xf32, #tpu.memory_space<hbm>>
    %dma_start3A_55 = tpu.memref_squeeze %dma_start3A_54 : memref<1x8x64xf32, #tpu.memory_space<hbm>> -> memref<8x64xf32, #tpu.memory_space<hbm>>
    %dma_start3A_56 = arith.constant 0 : i32
    %dma_start3A_57 = arith.constant 0 : i32
    %dma_start3A_58 = tpu.memref_slice %arg10[%dma_start3A_46, %dma_start3A_47, %dma_start3A_56, %dma_start3A_57] : memref<2x8x8x64xf32, #tpu.memory_space<vmem>> -> memref<1x1x8x64xf32, #tpu.memory_space<vmem>>
    %dma_start3A_59 = tpu.memref_squeeze %dma_start3A_58 : memref<1x1x8x64xf32, #tpu.memory_space<vmem>> -> memref<8x64xf32, #tpu.memory_space<vmem>>
    %dma_start3A_60 = arith.constant 0 : i32
    %dma_start3A_61 = arith.constant 0 : i32
    %dma_start3A_62 = tpu.memref_slice %arg5[%squeeze3A_45, %dma_start3A_60, %dma_start3A_61] : memref<12500x8x64xf32, #tpu.memory_space<hbm>> -> memref<1x8x64xf32, #tpu.memory_space<hbm>>
    %dma_start3A_63 = tpu.memref_squeeze %dma_start3A_62 : memref<1x8x64xf32, #tpu.memory_space<hbm>> -> memref<8x64xf32, #tpu.memory_space<hbm>>
    tpu.enqueue_dma source(%dma_start3A_63 : memref<8x64xf32, #tpu.memory_space<hbm>>) target(%dma_start3A_59 : memref<8x64xf32, #tpu.memory_space<vmem>>) target_semaphore(%arg21 : memref<!tpu.dma_semaphore, #tpu.memory_space<semaphore_mem>>)
    %slice3A_64 = vector.extract_strided_slice %shift_right_logical3A_26 {offsets = [2], sizes = [1], strides = [1]} : vector<16xi32> to vector<1xi32>
    %squeeze3A_65 = vector.extract %slice3A_64[0] : i32 from vector<1xi32>
    %dma_start3A_66 = arith.constant 0 : i32
    %dma_start3A_67 = arith.constant 2 : i32
    %dma_start3A_68 = arith.constant 0 : i32
    %dma_start3A_69 = arith.constant 0 : i32
    %dma_start3A_70 = tpu.memref_slice %arg10[%dma_start3A_66, %dma_start3A_67, %dma_start3A_68, %dma_start3A_69] : memref<2x8x8x64xf32, #tpu.memory_space<vmem>> -> memref<1x1x8x64xf32, #tpu.memory_space<vmem>>
    %dma_start3A_71 = tpu.memref_squeeze %dma_start3A_70 : memref<1x1x8x64xf32, #tpu.memory_space<vmem>> -> memref<8x64xf32, #tpu.memory_space<vmem>>
    %dma_start3A_72 = arith.constant 0 : i32
    %dma_start3A_73 = arith.constant 0 : i32
    %dma_start3A_74 = tpu.memref_slice %arg5[%squeeze3A_65, %dma_start3A_72, %dma_start3A_73] : memref<12500x8x64xf32, #tpu.memory_space<hbm>> -> memref<1x8x64xf32, #tpu.memory_space<hbm>>
    %dma_start3A_75 = tpu.memref_squeeze %dma_start3A_74 : memref<1x8x64xf32, #tpu.memory_space<hbm>> -> memref<8x64xf32, #tpu.memory_space<hbm>>
    %dma_start3A_76 = arith.constant 0 : i32
    %dma_start3A_77 = arith.constant 0 : i32
    %dma_start3A_78 = tpu.memref_slice %arg10[%dma_start3A_66, %dma_start3A_67, %dma_start3A_76, %dma_start3A_77] : memref<2x8x8x64xf32, #tpu.memory_space<vmem>> -> memref<1x1x8x64xf32, #tpu.memory_space<vmem>>
    %dma_start3A_79 = tpu.memref_squeeze %dma_start3A_78 : memref<1x1x8x64xf32, #tpu.memory_space<vmem>> -> memref<8x64xf32, #tpu.memory_space<vmem>>
    %dma_start3A_80 = arith.constant 0 : i32
    %dma_start3A_81 = arith.constant 0 : i32
    %dma_start3A_82 = tpu.memref_slice %arg5[%squeeze3A_65, %dma_start3A_80, %dma_start3A_81] : memref<12500x8x64xf32, #tpu.memory_space<hbm>> -> memref<1x8x64xf32, #tpu.memory_space<hbm>>
    %dma_start3A_83 = tpu.memref_squeeze %dma_start3A_82 : memref<1x8x64xf32, #tpu.memory_space<hbm>> -> memref<8x64xf32, #tpu.memory_space<hbm>>
    tpu.enqueue_dma source(%dma_start3A_83 : memref<8x64xf32, #tpu.memory_space<hbm>>) target(%dma_start3A_79 : memref<8x64xf32, #tpu.memory_space<vmem>>) target_semaphore(%arg21 : memref<!tpu.dma_semaphore, #tpu.memory_space<semaphore_mem>>)
    %slice3A_84 = vector.extract_strided_slice %shift_right_logical3A_26 {offsets = [3], sizes = [1], strides = [1]} : vector<16xi32> to vector<1xi32>
    %squeeze3A_85 = vector.extract %slice3A_84[0] : i32 from vector<1xi32>
    %dma_start3A_86 = arith.constant 0 : i32
    %dma_start3A_87 = arith.constant 3 : i32
    %dma_start3A_88 = arith.constant 0 : i32
    %dma_start3A_89 = arith.constant 0 : i32
    %dma_start3A_90 = tpu.memref_slice %arg10[%dma_start3A_86, %dma_start3A_87, %dma_start3A_88, %dma_start3A_89] : memref<2x8x8x64xf32, #tpu.memory_space<vmem>> -> memref<1x1x8x64xf32, #tpu.memory_space<vmem>>
    %dma_start3A_91 = tpu.memref_squeeze %dma_start3A_90 : memref<1x1x8x64xf32, #tpu.memory_space<vmem>> -> memref<8x64xf32, #tpu.memory_space<vmem>>
    %dma_start3A_92 = arith.constant 0 : i32
    %dma_start3A_93 = arith.constant 0 : i32
    %dma_start3A_94 = tpu.memref_slice %arg5[%squeeze3A_85, %dma_start3A_92, %dma_start3A_93] : memref<12500x8x64xf32, #tpu.memory_space<hbm>> -> memref<1x8x64xf32, #tpu.memory_space<hbm>>
    %dma_start3A_95 = tpu.memref_squeeze %dma_start3A_94 : memref<1x8x64xf32, #tpu.memory_space<hbm>> -> memref<8x64xf32, #tpu.memory_space<hbm>>
    %dma_start3A_96 = arith.constant 0 : i32
    %dma_start3A_97 = arith.constant 0 : i32
    %dma_start3A_98 = tpu.memref_slice %arg10[%dma_start3A_86, %dma_start3A_87, %dma_start3A_96, %dma_start3A_97] : memref<2x8x8x64xf32, #tpu.memory_space<vmem>> -> memref<1x1x8x64xf32, #tpu.memory_space<vmem>>
    %dma_start3A_99 = tpu.memref_squeeze %dma_start3A_98 : memref<1x1x8x64xf32, #tpu.memory_space<vmem>> -> memref<8x64xf32, #tpu.memory_space<vmem>>
    %dma_start3A_100 = arith.constant 0 : i32
    %dma_start3A_101 = arith.constant 0 : i32
    %dma_start3A_102 = tpu.memref_slice %arg5[%squeeze3A_85, %dma_start3A_100, %dma_start3A_101] : memref<12500x8x64xf32, #tpu.memory_space<hbm>> -> memref<1x8x64xf32, #tpu.memory_space<hbm>>
    %dma_start3A_103 = tpu.memref_squeeze %dma_start3A_102 : memref<1x8x64xf32, #tpu.memory_space<hbm>> -> memref<8x64xf32, #tpu.memory_space<hbm>>
    tpu.enqueue_dma source(%dma_start3A_103 : memref<8x64xf32, #tpu.memory_space<hbm>>) target(%dma_start3A_99 : memref<8x64xf32, #tpu.memory_space<vmem>>) target_semaphore(%arg21 : memref<!tpu.dma_semaphore, #tpu.memory_space<semaphore_mem>>)
    %slice3A_104 = vector.extract_strided_slice %shift_right_logical3A_26 {offsets = [4], sizes = [1], strides = [1]} : vector<16xi32> to vector<1xi32>
    %squeeze3A_105 = vector.extract %slice3A_104[0] : i32 from vector<1xi32>
    %dma_start3A_106 = arith.constant 0 : i32
    %dma_start3A_107 = arith.constant 4 : i32
    %dma_start3A_108 = arith.constant 0 : i32
    %dma_start3A_109 = arith.constant 0 : i32
    %dma_start3A_110 = tpu.memref_slice %arg10[%dma_start3A_106, %dma_start3A_107, %dma_start3A_108, %dma_start3A_109] : memref<2x8x8x64xf32, #tpu.memory_space<vmem>> -> memref<1x1x8x64xf32, #tpu.memory_space<vmem>>
    %dma_start3A_111 = tpu.memref_squeeze %dma_start3A_110 : memref<1x1x8x64xf32, #tpu.memory_space<vmem>> -> memref<8x64xf32, #tpu.memory_space<vmem>>
    %dma_start3A_112 = arith.constant 0 : i32
    %dma_start3A_113 = arith.constant 0 : i32
    %dma_start3A_114 = tpu.memref_slice %arg5[%squeeze3A_105, %dma_start3A_112, %dma_start3A_113] : memref<12500x8x64xf32, #tpu.memory_space<hbm>> -> memref<1x8x64xf32, #tpu.memory_space<hbm>>
    %dma_start3A_115 = tpu.memref_squeeze %dma_start3A_114 : memref<1x8x64xf32, #tpu.memory_space<hbm>> -> memref<8x64xf32, #tpu.memory_space<hbm>>
    %dma_start3A_116 = arith.constant 0 : i32
    %dma_start3A_117 = arith.constant 0 : i32
    %dma_start3A_118 = tpu.memref_slice %arg10[%dma_start3A_106, %dma_start3A_107, %dma_start3A_116, %dma_start3A_117] : memref<2x8x8x64xf32, #tpu.memory_space<vmem>> -> memref<1x1x8x64xf32, #tpu.memory_space<vmem>>
    %dma_start3A_119 = tpu.memref_squeeze %dma_start3A_118 : memref<1x1x8x64xf32, #tpu.memory_space<vmem>> -> memref<8x64xf32, #tpu.memory_space<vmem>>
    %dma_start3A_120 = arith.constant 0 : i32
    %dma_start3A_121 = arith.constant 0 : i32
    %dma_start3A_122 = tpu.memref_slice %arg5[%squeeze3A_105, %dma_start3A_120, %dma_start3A_121] : memref<12500x8x64xf32, #tpu.memory_space<hbm>> -> memref<1x8x64xf32, #tpu.memory_space<hbm>>
    %dma_start3A_123 = tpu.memref_squeeze %dma_start3A_122 : memref<1x8x64xf32, #tpu.memory_space<hbm>> -> memref<8x64xf32, #tpu.memory_space<hbm>>
    tpu.enqueue_dma source(%dma_start3A_123 : memref<8x64xf32, #tpu.memory_space<hbm>>) target(%dma_start3A_119 : memref<8x64xf32, #tpu.memory_space<vmem>>) target_semaphore(%arg21 : memref<!tpu.dma_semaphore, #tpu.memory_space<semaphore_mem>>)
    %slice3A_124 = vector.extract_strided_slice %shift_right_logical3A_26 {offsets = [5], sizes = [1], strides = [1]} : vector<16xi32> to vector<1xi32>
    %squeeze3A_125 = vector.extract %slice3A_124[0] : i32 from vector<1xi32>
    %dma_start3A_126 = arith.constant 0 : i32
    %dma_start3A_127 = arith.constant 5 : i32
    %dma_start3A_128 = arith.constant 0 : i32
    %dma_start3A_129 = arith.constant 0 : i32
    %dma_start3A_130 = tpu.memref_slice %arg10[%dma_start3A_126, %dma_start3A_127, %dma_start3A_128, %dma_start3A_129] : memref<2x8x8x64xf32, #tpu.memory_space<vmem>> -> memref<1x1x8x64xf32, #tpu.memory_space<vmem>>
    %dma_start3A_131 = tpu.memref_squeeze %dma_start3A_130 : memref<1x1x8x64xf32, #tpu.memory_space<vmem>> -> memref<8x64xf32, #tpu.memory_space<vmem>>
    %dma_start3A_132 = arith.constant 0 : i32
    %dma_start3A_133 = arith.constant 0 : i32
    %dma_start3A_134 = tpu.memref_slice %arg5[%squeeze3A_125, %dma_start3A_132, %dma_start3A_133] : memref<12500x8x64xf32, #tpu.memory_space<hbm>> -> memref<1x8x64xf32, #tpu.memory_space<hbm>>
    %dma_start3A_135 = tpu.memref_squeeze %dma_start3A_134 : memref<1x8x64xf32, #tpu.memory_space<hbm>> -> memref<8x64xf32, #tpu.memory_space<hbm>>
    %dma_start3A_136 = arith.constant 0 : i32
    %dma_start3A_137 = arith.constant 0 : i32
    %dma_start3A_138 = tpu.memref_slice %arg10[%dma_start3A_126, %dma_start3A_127, %dma_start3A_136, %dma_start3A_137] : memref<2x8x8x64xf32, #tpu.memory_space<vmem>> -> memref<1x1x8x64xf32, #tpu.memory_space<vmem>>
    %dma_start3A_139 = tpu.memref_squeeze %dma_start3A_138 : memref<1x1x8x64xf32, #tpu.memory_space<vmem>> -> memref<8x64xf32, #tpu.memory_space<vmem>>
    %dma_start3A_140 = arith.constant 0 : i32
    %dma_start3A_141 = arith.constant 0 : i32
    %dma_start3A_142 = tpu.memref_slice %arg5[%squeeze3A_125, %dma_start3A_140, %dma_start3A_141] : memref<12500x8x64xf32, #tpu.memory_space<hbm>> -> memref<1x8x64xf32, #tpu.memory_space<hbm>>
    %dma_start3A_143 = tpu.memref_squeeze %dma_start3A_142 : memref<1x8x64xf32, #tpu.memory_space<hbm>> -> memref<8x64xf32, #tpu.memory_space<hbm>>
    tpu.enqueue_dma source(%dma_start3A_143 : memref<8x64xf32, #tpu.memory_space<hbm>>) target(%dma_start3A_139 : memref<8x64xf32, #tpu.memory_space<vmem>>) target_semaphore(%arg21 : memref<!tpu.dma_semaphore, #tpu.memory_space<semaphore_mem>>)
    %slice3A_144 = vector.extract_strided_slice %shift_right_logical3A_26 {offsets = [6], sizes = [1], strides = [1]} : vector<16xi32> to vector<1xi32>
    %squeeze3A_145 = vector.extract %slice3A_144[0] : i32 from vector<1xi32>
    %dma_start3A_146 = arith.constant 0 : i32
    %dma_start3A_147 = arith.constant 6 : i32
    %dma_start3A_148 = arith.constant 0 : i32
    %dma_start3A_149 = arith.constant 0 : i32
    %dma_start3A_150 = tpu.memref_slice %arg10[%dma_start3A_146, %dma_start3A_147, %dma_start3A_148, %dma_start3A_149] : memref<2x8x8x64xf32, #tpu.memory_space<vmem>> -> memref<1x1x8x64xf32, #tpu.memory_space<vmem>>
    %dma_start3A_151 = tpu.memref_squeeze %dma_start3A_150 : memref<1x1x8x64xf32, #tpu.memory_space<vmem>> -> memref<8x64xf32, #tpu.memory_space<vmem>>
    %dma_start3A_152 = arith.constant 0 : i32
    %dma_start3A_153 = arith.constant 0 : i32
    %dma_start3A_154 = tpu.memref_slice %arg5[%squeeze3A_145, %dma_start3A_152, %dma_start3A_153] : memref<12500x8x64xf32, #tpu.memory_space<hbm>> -> memref<1x8x64xf32, #tpu.memory_space<hbm>>
    %dma_start3A_155 = tpu.memref_squeeze %dma_start3A_154 : memref<1x8x64xf32, #tpu.memory_space<hbm>> -> memref<8x64xf32, #tpu.memory_space<hbm>>
    %dma_start3A_156 = arith.constant 0 : i32
    %dma_start3A_157 = arith.constant 0 : i32
    %dma_start3A_158 = tpu.memref_slice %arg10[%dma_start3A_146, %dma_start3A_147, %dma_start3A_156, %dma_start3A_157] : memref<2x8x8x64xf32, #tpu.memory_space<vmem>> -> memref<1x1x8x64xf32, #tpu.memory_space<vmem>>
    %dma_start3A_159 = tpu.memref_squeeze %dma_start3A_158 : memref<1x1x8x64xf32, #tpu.memory_space<vmem>> -> memref<8x64xf32, #tpu.memory_space<vmem>>
    %dma_start3A_160 = arith.constant 0 : i32
    %dma_start3A_161 = arith.constant 0 : i32
    %dma_start3A_162 = tpu.memref_slice %arg5[%squeeze3A_145, %dma_start3A_160, %dma_start3A_161] : memref<12500x8x64xf32, #tpu.memory_space<hbm>> -> memref<1x8x64xf32, #tpu.memory_space<hbm>>
    %dma_start3A_163 = tpu.memref_squeeze %dma_start3A_162 : memref<1x8x64xf32, #tpu.memory_space<hbm>> -> memref<8x64xf32, #tpu.memory_space<hbm>>
    tpu.enqueue_dma source(%dma_start3A_163 : memref<8x64xf32, #tpu.memory_space<hbm>>) target(%dma_start3A_159 : memref<8x64xf32, #tpu.memory_space<vmem>>) target_semaphore(%arg21 : memref<!tpu.dma_semaphore, #tpu.memory_space<semaphore_mem>>)
    %slice3A_164 = vector.extract_strided_slice %shift_right_logical3A_26 {offsets = [7], sizes = [1], strides = [1]} : vector<16xi32> to vector<1xi32>
    %squeeze3A_165 = vector.extract %slice3A_164[0] : i32 from vector<1xi32>
    %dma_start3A_166 = arith.constant 0 : i32
    %dma_start3A_167 = arith.constant 7 : i32
    %dma_start3A_168 = arith.constant 0 : i32
    %dma_start3A_169 = arith.constant 0 : i32
    %dma_start3A_170 = tpu.memref_slice %arg10[%dma_start3A_166, %dma_start3A_167, %dma_start3A_168, %dma_start3A_169] : memref<2x8x8x64xf32, #tpu.memory_space<vmem>> -> memref<1x1x8x64xf32, #tpu.memory_space<vmem>>
    %dma_start3A_171 = tpu.memref_squeeze %dma_start3A_170 : memref<1x1x8x64xf32, #tpu.memory_space<vmem>> -> memref<8x64xf32, #tpu.memory_space<vmem>>
    %dma_start3A_172 = arith.constant 0 : i32
    %dma_start3A_173 = arith.constant 0 : i32
    %dma_start3A_174 = tpu.memref_slice %arg5[%squeeze3A_165, %dma_start3A_172, %dma_start3A_173] : memref<12500x8x64xf32, #tpu.memory_space<hbm>> -> memref<1x8x64xf32, #tpu.memory_space<hbm>>
    %dma_start3A_175 = tpu.memref_squeeze %dma_start3A_174 : memref<1x8x64xf32, #tpu.memory_space<hbm>> -> memref<8x64xf32, #tpu.memory_space<hbm>>
    %dma_start3A_176 = arith.constant 0 : i32
    %dma_start3A_177 = arith.constant 0 : i32
    %dma_start3A_178 = tpu.memref_slice %arg10[%dma_start3A_166, %dma_start3A_167, %dma_start3A_176, %dma_start3A_177] : memref<2x8x8x64xf32, #tpu.memory_space<vmem>> -> memref<1x1x8x64xf32, #tpu.memory_space<vmem>>
    %dma_start3A_179 = tpu.memref_squeeze %dma_start3A_178 : memref<1x1x8x64xf32, #tpu.memory_space<vmem>> -> memref<8x64xf32, #tpu.memory_space<vmem>>
    %dma_start3A_180 = arith.constant 0 : i32
    %dma_start3A_181 = arith.constant 0 : i32
    %dma_start3A_182 = tpu.memref_slice %arg5[%squeeze3A_165, %dma_start3A_180, %dma_start3A_181] : memref<12500x8x64xf32, #tpu.memory_space<hbm>> -> memref<1x8x64xf32, #tpu.memory_space<hbm>>
    %dma_start3A_183 = tpu.memref_squeeze %dma_start3A_182 : memref<1x8x64xf32, #tpu.memory_space<hbm>> -> memref<8x64xf32, #tpu.memory_space<hbm>>
    tpu.enqueue_dma source(%dma_start3A_183 : memref<8x64xf32, #tpu.memory_space<hbm>>) target(%dma_start3A_179 : memref<8x64xf32, #tpu.memory_space<vmem>>) target_semaphore(%arg21 : memref<!tpu.dma_semaphore, #tpu.memory_space<semaphore_mem>>)
    %scan3A_184 = arith.constant 0 : i32
    %scan3A_185 = arith.constant 0 : i32
    %scan3A_186 = arith.constant 32 : i32
    %scan3A_187 = arith.addi %scan3A_185, %scan3A_186 : i32
    %scan3A_188 = arith.constant 1 : i32
    %scan3A_189 = scf.for %scan3A_191 = %scan3A_185 to %scan3A_187 step %scan3A_188 iter_args(%scan3A_192 = %scan3A_184) -> (i32)  : i32 {
      %broadcast_in_dim3A = arith.constant 0.000000e+00 : f32
      %broadcast_in_dim3A_193 = vector.broadcast %broadcast_in_dim3A : f32 to vector<16xf32>
      %broadcast_in_dim3A_194 = arith.constant 0.000000e+00 : f32
      %broadcast_in_dim3A_195 = vector.broadcast %broadcast_in_dim3A_194 : f32 to vector<16xf32>
      %broadcast_in_dim3A_196 = arith.constant 0.000000e+00 : f32
      %broadcast_in_dim3A_197 = vector.broadcast %broadcast_in_dim3A_196 : f32 to vector<16xf32>
      %mul3A_198 = arith.constant 2 : i32
      %mul3A_199 = arith.muli %scan3A_191, %mul3A_198 : i32
      %add3A_200 = arith.constant 0 : i32
      %add3A_201 = arith.addi %mul3A_199, %add3A_200 : i32
      %add3A_202 = arith.constant 1 : i32
      %add3A_203 = arith.addi %add3A_201, %add3A_202 : i32
      %lt3A = arith.constant 64 : i32
      %lt3A_204 = arith.cmpi slt, %add3A_203, %lt3A : i32
      %convert_element_type3A = arith.extui %lt3A_204 : i1 to i32
      %cond3A = arith.constant 0 : i32
      %cond3A_205 = arith.cmpi ne, %convert_element_type3A, %cond3A : i32
      scf.if %cond3A_205 {
        %add3A_1709 = arith.constant 1 : i32
        %add3A_1710 = arith.addi %add3A_201, %add3A_1709 : i32
        %mul3A_1711 = arith.constant 8 : i32
        %mul3A_1712 = arith.muli %add3A_1710, %mul3A_1711 : i32
        %get3A_1713 = arith.index_cast %mul3A_1712 : i32 to index
        %get3A_1714 = tpu.vector_load %arg8[%get3A_1713] {strides = array<i32>} : memref<528xi32, #tpu.memory_space<vmem>>, vector<16xi32>,
        %shift_right_logical3A_1715 = arith.constant 3 : i32
        %shift_right_logical3A_1716 = vector.broadcast %shift_right_logical3A_1715 : i32 to vector<16xi32>
        %shift_right_logical3A_1717 = arith.shrui %get3A_1714, %shift_right_logical3A_1716 : vector<16xi32>
        %slice3A_1718 = vector.extract_strided_slice %shift_right_logical3A_1717 {offsets = [0], sizes = [1], strides = [1]} : vector<16xi32> to vector<1xi32>
        %squeeze3A_1719 = vector.extract %slice3A_1718[0] : i32 from vector<1xi32>
        %dma_start3A_1720 = arith.constant 1 : i32
        %dma_start3A_1721 = arith.constant 0 : i32
        %dma_start3A_1722 = arith.constant 0 : i32
        %dma_start3A_1723 = arith.constant 0 : i32
        %dma_start3A_1724 = tpu.memref_slice %arg10[%dma_start3A_1720, %dma_start3A_1721, %dma_start3A_1722, %dma_start3A_1723] : memref<2x8x8x64xf32, #tpu.memory_space<vmem>> -> memref<1x1x8x64xf32, #tpu.memory_space<vmem>>
        %dma_start3A_1725 = tpu.memref_squeeze %dma_start3A_1724 : memref<1x1x8x64xf32, #tpu.memory_space<vmem>> -> memref<8x64xf32, #tpu.memory_space<vmem>>
        %dma_start3A_1726 = arith.constant 0 : i32
        %dma_start3A_1727 = arith.constant 0 : i32
        %dma_start3A_1728 = tpu.memref_slice %arg5[%squeeze3A_1719, %dma_start3A_1726, %dma_start3A_1727] : memref<12500x8x64xf32, #tpu.memory_space<hbm>> -> memref<1x8x64xf32, #tpu.memory_space<hbm>>
        %dma_start3A_1729 = tpu.memref_squeeze %dma_start3A_1728 : memref<1x8x64xf32, #tpu.memory_space<hbm>> -> memref<8x64xf32, #tpu.memory_space<hbm>>
        %dma_start3A_1730 = arith.constant 0 : i32
        %dma_start3A_1731 = arith.constant 0 : i32
        %dma_start3A_1732 = tpu.memref_slice %arg10[%dma_start3A_1720, %dma_start3A_1721, %dma_start3A_1730, %dma_start3A_1731] : memref<2x8x8x64xf32, #tpu.memory_space<vmem>> -> memref<1x1x8x64xf32, #tpu.memory_space<vmem>>
        %dma_start3A_1733 = tpu.memref_squeeze %dma_start3A_1732 : memref<1x1x8x64xf32, #tpu.memory_space<vmem>> -> memref<8x64xf32, #tpu.memory_space<vmem>>
        %dma_start3A_1734 = arith.constant 0 : i32
        %dma_start3A_1735 = arith.constant 0 : i32
        %dma_start3A_1736 = tpu.memref_slice %arg5[%squeeze3A_1719, %dma_start3A_1734, %dma_start3A_1735] : memref<12500x8x64xf32, #tpu.memory_space<hbm>> -> memref<1x8x64xf32, #tpu.memory_space<hbm>>
        %dma_start3A_1737 = tpu.memref_squeeze %dma_start3A_1736 : memref<1x8x64xf32, #tpu.memory_space<hbm>> -> memref<8x64xf32, #tpu.memory_space<hbm>>
        tpu.enqueue_dma source(%dma_start3A_1737 : memref<8x64xf32, #tpu.memory_space<hbm>>) target(%dma_start3A_1733 : memref<8x64xf32, #tpu.memory_space<vmem>>) target_semaphore(%arg22 : memref<!tpu.dma_semaphore, #tpu.memory_space<semaphore_mem>>)
        %slice3A_1738 = vector.extract_strided_slice %shift_right_logical3A_1717 {offsets = [1], sizes = [1], strides = [1]} : vector<16xi32> to vector<1xi32>
        %squeeze3A_1739 = vector.extract %slice3A_1738[0] : i32 from vector<1xi32>
        %dma_start3A_1740 = arith.constant 1 : i32
        %dma_start3A_1741 = arith.constant 1 : i32
        %dma_start3A_1742 = arith.constant 0 : i32
        %dma_start3A_1743 = arith.constant 0 : i32
        %dma_start3A_1744 = tpu.memref_slice %arg10[%dma_start3A_1740, %dma_start3A_1741, %dma_start3A_1742, %dma_start3A_1743] : memref<2x8x8x64xf32, #tpu.memory_space<vmem>> -> memref<1x1x8x64xf32, #tpu.memory_space<vmem>>
        %dma_start3A_1745 = tpu.memref_squeeze %dma_start3A_1744 : memref<1x1x8x64xf32, #tpu.memory_space<vmem>> -> memref<8x64xf32, #tpu.memory_space<vmem>>
        %dma_start3A_1746 = arith.constant 0 : i32
        %dma_start3A_1747 = arith.constant 0 : i32
        %dma_start3A_1748 = tpu.memref_slice %arg5[%squeeze3A_1739, %dma_start3A_1746, %dma_start3A_1747] : memref<12500x8x64xf32, #tpu.memory_space<hbm>> -> memref<1x8x64xf32, #tpu.memory_space<hbm>>
        %dma_start3A_1749 = tpu.memref_squeeze %dma_start3A_1748 : memref<1x8x64xf32, #tpu.memory_space<hbm>> -> memref<8x64xf32, #tpu.memory_space<hbm>>
        %dma_start3A_1750 = arith.constant 0 : i32
        %dma_start3A_1751 = arith.constant 0 : i32
        %dma_start3A_1752 = tpu.memref_slice %arg10[%dma_start3A_1740, %dma_start3A_1741, %dma_start3A_1750, %dma_start3A_1751] : memref<2x8x8x64xf32, #tpu.memory_space<vmem>> -> memref<1x1x8x64xf32, #tpu.memory_space<vmem>>
        %dma_start3A_1753 = tpu.memref_squeeze %dma_start3A_1752 : memref<1x1x8x64xf32, #tpu.memory_space<vmem>> -> memref<8x64xf32, #tpu.memory_space<vmem>>
        %dma_start3A_1754 = arith.constant 0 : i32
        %dma_start3A_1755 = arith.constant 0 : i32
        %dma_start3A_1756 = tpu.memref_slice %arg5[%squeeze3A_1739, %dma_start3A_1754, %dma_start3A_1755] : memref<12500x8x64xf32, #tpu.memory_space<hbm>> -> memref<1x8x64xf32, #tpu.memory_space<hbm>>
        %dma_start3A_1757 = tpu.memref_squeeze %dma_start3A_1756 : memref<1x8x64xf32, #tpu.memory_space<hbm>> -> memref<8x64xf32, #tpu.memory_space<hbm>>
        tpu.enqueue_dma source(%dma_start3A_1757 : memref<8x64xf32, #tpu.memory_space<hbm>>) target(%dma_start3A_1753 : memref<8x64xf32, #tpu.memory_space<vmem>>) target_semaphore(%arg22 : memref<!tpu.dma_semaphore, #tpu.memory_space<semaphore_mem>>)
        %slice3A_1758 = vector.extract_strided_slice %shift_right_logical3A_1717 {offsets = [2], sizes = [1], strides = [1]} : vector<16xi32> to vector<1xi32>
        %squeeze3A_1759 = vector.extract %slice3A_1758[0] : i32 from vector<1xi32>
        %dma_start3A_1760 = arith.constant 1 : i32
        %dma_start3A_1761 = arith.constant 2 : i32
        %dma_start3A_1762 = arith.constant 0 : i32
        %dma_start3A_1763 = arith.constant 0 : i32
        %dma_start3A_1764 = tpu.memref_slice %arg10[%dma_start3A_1760, %dma_start3A_1761, %dma_start3A_1762, %dma_start3A_1763] : memref<2x8x8x64xf32, #tpu.memory_space<vmem>> -> memref<1x1x8x64xf32, #tpu.memory_space<vmem>>
        %dma_start3A_1765 = tpu.memref_squeeze %dma_start3A_1764 : memref<1x1x8x64xf32, #tpu.memory_space<vmem>> -> memref<8x64xf32, #tpu.memory_space<vmem>>
        %dma_start3A_1766 = arith.constant 0 : i32
        %dma_start3A_1767 = arith.constant 0 : i32
        %dma_start3A_1768 = tpu.memref_slice %arg5[%squeeze3A_1759, %dma_start3A_1766, %dma_start3A_1767] : memref<12500x8x64xf32, #tpu.memory_space<hbm>> -> memref<1x8x64xf32, #tpu.memory_space<hbm>>
        %dma_start3A_1769 = tpu.memref_squeeze %dma_start3A_1768 : memref<1x8x64xf32, #tpu.memory_space<hbm>> -> memref<8x64xf32, #tpu.memory_space<hbm>>
        %dma_start3A_1770 = arith.constant 0 : i32
        %dma_start3A_1771 = arith.constant 0 : i32
        %dma_start3A_1772 = tpu.memref_slice %arg10[%dma_start3A_1760, %dma_start3A_1761, %dma_start3A_1770, %dma_start3A_1771] : memref<2x8x8x64xf32, #tpu.memory_space<vmem>> -> memref<1x1x8x64xf32, #tpu.memory_space<vmem>>
        %dma_start3A_1773 = tpu.memref_squeeze %dma_start3A_1772 : memref<1x1x8x64xf32, #tpu.memory_space<vmem>> -> memref<8x64xf32, #tpu.memory_space<vmem>>
        %dma_start3A_1774 = arith.constant 0 : i32
        %dma_start3A_1775 = arith.constant 0 : i32
        %dma_start3A_1776 = tpu.memref_slice %arg5[%squeeze3A_1759, %dma_start3A_1774, %dma_start3A_1775] : memref<12500x8x64xf32, #tpu.memory_space<hbm>> -> memref<1x8x64xf32, #tpu.memory_space<hbm>>
        %dma_start3A_1777 = tpu.memref_squeeze %dma_start3A_1776 : memref<1x8x64xf32, #tpu.memory_space<hbm>> -> memref<8x64xf32, #tpu.memory_space<hbm>>
        tpu.enqueue_dma source(%dma_start3A_1777 : memref<8x64xf32, #tpu.memory_space<hbm>>) target(%dma_start3A_1773 : memref<8x64xf32, #tpu.memory_space<vmem>>) target_semaphore(%arg22 : memref<!tpu.dma_semaphore, #tpu.memory_space<semaphore_mem>>)
        %slice3A_1778 = vector.extract_strided_slice %shift_right_logical3A_1717 {offsets = [3], sizes = [1], strides = [1]} : vector<16xi32> to vector<1xi32>
        %squeeze3A_1779 = vector.extract %slice3A_1778[0] : i32 from vector<1xi32>
        %dma_start3A_1780 = arith.constant 1 : i32
        %dma_start3A_1781 = arith.constant 3 : i32
        %dma_start3A_1782 = arith.constant 0 : i32
        %dma_start3A_1783 = arith.constant 0 : i32
        %dma_start3A_1784 = tpu.memref_slice %arg10[%dma_start3A_1780, %dma_start3A_1781, %dma_start3A_1782, %dma_start3A_1783] : memref<2x8x8x64xf32, #tpu.memory_space<vmem>> -> memref<1x1x8x64xf32, #tpu.memory_space<vmem>>
        %dma_start3A_1785 = tpu.memref_squeeze %dma_start3A_1784 : memref<1x1x8x64xf32, #tpu.memory_space<vmem>> -> memref<8x64xf32, #tpu.memory_space<vmem>>
        %dma_start3A_1786 = arith.constant 0 : i32
        %dma_start3A_1787 = arith.constant 0 : i32
        %dma_start3A_1788 = tpu.memref_slice %arg5[%squeeze3A_1779, %dma_start3A_1786, %dma_start3A_1787] : memref<12500x8x64xf32, #tpu.memory_space<hbm>> -> memref<1x8x64xf32, #tpu.memory_space<hbm>>
        %dma_start3A_1789 = tpu.memref_squeeze %dma_start3A_1788 : memref<1x8x64xf32, #tpu.memory_space<hbm>> -> memref<8x64xf32, #tpu.memory_space<hbm>>
        %dma_start3A_1790 = arith.constant 0 : i32
        %dma_start3A_1791 = arith.constant 0 : i32
        %dma_start3A_1792 = tpu.memref_slice %arg10[%dma_start3A_1780, %dma_start3A_1781, %dma_start3A_1790, %dma_start3A_1791] : memref<2x8x8x64xf32, #tpu.memory_space<vmem>> -> memref<1x1x8x64xf32, #tpu.memory_space<vmem>>
        %dma_start3A_1793 = tpu.memref_squeeze %dma_start3A_1792 : memref<1x1x8x64xf32, #tpu.memory_space<vmem>> -> memref<8x64xf32, #tpu.memory_space<vmem>>
        %dma_start3A_1794 = arith.constant 0 : i32
        %dma_start3A_1795 = arith.constant 0 : i32
        %dma_start3A_1796 = tpu.memref_slice %arg5[%squeeze3A_1779, %dma_start3A_1794, %dma_start3A_1795] : memref<12500x8x64xf32, #tpu.memory_space<hbm>> -> memref<1x8x64xf32, #tpu.memory_space<hbm>>
        %dma_start3A_1797 = tpu.memref_squeeze %dma_start3A_1796 : memref<1x8x64xf32, #tpu.memory_space<hbm>> -> memref<8x64xf32, #tpu.memory_space<hbm>>
        tpu.enqueue_dma source(%dma_start3A_1797 : memref<8x64xf32, #tpu.memory_space<hbm>>) target(%dma_start3A_1793 : memref<8x64xf32, #tpu.memory_space<vmem>>) target_semaphore(%arg22 : memref<!tpu.dma_semaphore, #tpu.memory_space<semaphore_mem>>)
        %slice3A_1798 = vector.extract_strided_slice %shift_right_logical3A_1717 {offsets = [4], sizes = [1], strides = [1]} : vector<16xi32> to vector<1xi32>
        %squeeze3A_1799 = vector.extract %slice3A_1798[0] : i32 from vector<1xi32>
        %dma_start3A_1800 = arith.constant 1 : i32
        %dma_start3A_1801 = arith.constant 4 : i32
        %dma_start3A_1802 = arith.constant 0 : i32
        %dma_start3A_1803 = arith.constant 0 : i32
        %dma_start3A_1804 = tpu.memref_slice %arg10[%dma_start3A_1800, %dma_start3A_1801, %dma_start3A_1802, %dma_start3A_1803] : memref<2x8x8x64xf32, #tpu.memory_space<vmem>> -> memref<1x1x8x64xf32, #tpu.memory_space<vmem>>
        %dma_start3A_1805 = tpu.memref_squeeze %dma_start3A_1804 : memref<1x1x8x64xf32, #tpu.memory_space<vmem>> -> memref<8x64xf32, #tpu.memory_space<vmem>>
        %dma_start3A_1806 = arith.constant 0 : i32
        %dma_start3A_1807 = arith.constant 0 : i32
        %dma_start3A_1808 = tpu.memref_slice %arg5[%squeeze3A_1799, %dma_start3A_1806, %dma_start3A_1807] : memref<12500x8x64xf32, #tpu.memory_space<hbm>> -> memref<1x8x64xf32, #tpu.memory_space<hbm>>
        %dma_start3A_1809 = tpu.memref_squeeze %dma_start3A_1808 : memref<1x8x64xf32, #tpu.memory_space<hbm>> -> memref<8x64xf32, #tpu.memory_space<hbm>>
        %dma_start3A_1810 = arith.constant 0 : i32
        %dma_start3A_1811 = arith.constant 0 : i32
        %dma_start3A_1812 = tpu.memref_slice %arg10[%dma_start3A_1800, %dma_start3A_1801, %dma_start3A_1810, %dma_start3A_1811] : memref<2x8x8x64xf32, #tpu.memory_space<vmem>> -> memref<1x1x8x64xf32, #tpu.memory_space<vmem>>
        %dma_start3A_1813 = tpu.memref_squeeze %dma_start3A_1812 : memref<1x1x8x64xf32, #tpu.memory_space<vmem>> -> memref<8x64xf32, #tpu.memory_space<vmem>>
        %dma_start3A_1814 = arith.constant 0 : i32
        %dma_start3A_1815 = arith.constant 0 : i32
        %dma_start3A_1816 = tpu.memref_slice %arg5[%squeeze3A_1799, %dma_start3A_1814, %dma_start3A_1815] : memref<12500x8x64xf32, #tpu.memory_space<hbm>> -> memref<1x8x64xf32, #tpu.memory_space<hbm>>
        %dma_start3A_1817 = tpu.memref_squeeze %dma_start3A_1816 : memref<1x8x64xf32, #tpu.memory_space<hbm>> -> memref<8x64xf32, #tpu.memory_space<hbm>>
        tpu.enqueue_dma source(%dma_start3A_1817 : memref<8x64xf32, #tpu.memory_space<hbm>>) target(%dma_start3A_1813 : memref<8x64xf32, #tpu.memory_space<vmem>>) target_semaphore(%arg22 : memref<!tpu.dma_semaphore, #tpu.memory_space<semaphore_mem>>)
        %slice3A_1818 = vector.extract_strided_slice %shift_right_logical3A_1717 {offsets = [5], sizes = [1], strides = [1]} : vector<16xi32> to vector<1xi32>
        %squeeze3A_1819 = vector.extract %slice3A_1818[0] : i32 from vector<1xi32>
        %dma_start3A_1820 = arith.constant 1 : i32
        %dma_start3A_1821 = arith.constant 5 : i32
        %dma_start3A_1822 = arith.constant 0 : i32
        %dma_start3A_1823 = arith.constant 0 : i32
        %dma_start3A_1824 = tpu.memref_slice %arg10[%dma_start3A_1820, %dma_start3A_1821, %dma_start3A_1822, %dma_start3A_1823] : memref<2x8x8x64xf32, #tpu.memory_space<vmem>> -> memref<1x1x8x64xf32, #tpu.memory_space<vmem>>
        %dma_start3A_1825 = tpu.memref_squeeze %dma_start3A_1824 : memref<1x1x8x64xf32, #tpu.memory_space<vmem>> -> memref<8x64xf32, #tpu.memory_space<vmem>>
        %dma_start3A_1826 = arith.constant 0 : i32
        %dma_start3A_1827 = arith.constant 0 : i32
        %dma_start3A_1828 = tpu.memref_slice %arg5[%squeeze3A_1819, %dma_start3A_1826, %dma_start3A_1827] : memref<12500x8x64xf32, #tpu.memory_space<hbm>> -> memref<1x8x64xf32, #tpu.memory_space<hbm>>
        %dma_start3A_1829 = tpu.memref_squeeze %dma_start3A_1828 : memref<1x8x64xf32, #tpu.memory_space<hbm>> -> memref<8x64xf32, #tpu.memory_space<hbm>>
        %dma_start3A_1830 = arith.constant 0 : i32
        %dma_start3A_1831 = arith.constant 0 : i32
        %dma_start3A_1832 = tpu.memref_slice %arg10[%dma_start3A_1820, %dma_start3A_1821, %dma_start3A_1830, %dma_start3A_1831] : memref<2x8x8x64xf32, #tpu.memory_space<vmem>> -> memref<1x1x8x64xf32, #tpu.memory_space<vmem>>
        %dma_start3A_1833 = tpu.memref_squeeze %dma_start3A_1832 : memref<1x1x8x64xf32, #tpu.memory_space<vmem>> -> memref<8x64xf32, #tpu.memory_space<vmem>>
        %dma_start3A_1834 = arith.constant 0 : i32
        %dma_start3A_1835 = arith.constant 0 : i32
        %dma_start3A_1836 = tpu.memref_slice %arg5[%squeeze3A_1819, %dma_start3A_1834, %dma_start3A_1835] : memref<12500x8x64xf32, #tpu.memory_space<hbm>> -> memref<1x8x64xf32, #tpu.memory_space<hbm>>
        %dma_start3A_1837 = tpu.memref_squeeze %dma_start3A_1836 : memref<1x8x64xf32, #tpu.memory_space<hbm>> -> memref<8x64xf32, #tpu.memory_space<hbm>>
        tpu.enqueue_dma source(%dma_start3A_1837 : memref<8x64xf32, #tpu.memory_space<hbm>>) target(%dma_start3A_1833 : memref<8x64xf32, #tpu.memory_space<vmem>>) target_semaphore(%arg22 : memref<!tpu.dma_semaphore, #tpu.memory_space<semaphore_mem>>)
        %slice3A_1838 = vector.extract_strided_slice %shift_right_logical3A_1717 {offsets = [6], sizes = [1], strides = [1]} : vector<16xi32> to vector<1xi32>
        %squeeze3A_1839 = vector.extract %slice3A_1838[0] : i32 from vector<1xi32>
        %dma_start3A_1840 = arith.constant 1 : i32
        %dma_start3A_1841 = arith.constant 6 : i32
        %dma_start3A_1842 = arith.constant 0 : i32
        %dma_start3A_1843 = arith.constant 0 : i32
        %dma_start3A_1844 = tpu.memref_slice %arg10[%dma_start3A_1840, %dma_start3A_1841, %dma_start3A_1842, %dma_start3A_1843] : memref<2x8x8x64xf32, #tpu.memory_space<vmem>> -> memref<1x1x8x64xf32, #tpu.memory_space<vmem>>
        %dma_start3A_1845 = tpu.memref_squeeze %dma_start3A_1844 : memref<1x1x8x64xf32, #tpu.memory_space<vmem>> -> memref<8x64xf32, #tpu.memory_space<vmem>>
        %dma_start3A_1846 = arith.constant 0 : i32
        %dma_start3A_1847 = arith.constant 0 : i32
        %dma_start3A_1848 = tpu.memref_slice %arg5[%squeeze3A_1839, %dma_start3A_1846, %dma_start3A_1847] : memref<12500x8x64xf32, #tpu.memory_space<hbm>> -> memref<1x8x64xf32, #tpu.memory_space<hbm>>
        %dma_start3A_1849 = tpu.memref_squeeze %dma_start3A_1848 : memref<1x8x64xf32, #tpu.memory_space<hbm>> -> memref<8x64xf32, #tpu.memory_space<hbm>>
        %dma_start3A_1850 = arith.constant 0 : i32
        %dma_start3A_1851 = arith.constant 0 : i32
        %dma_start3A_1852 = tpu.memref_slice %arg10[%dma_start3A_1840, %dma_start3A_1841, %dma_start3A_1850, %dma_start3A_1851] : memref<2x8x8x64xf32, #tpu.memory_space<vmem>> -> memref<1x1x8x64xf32, #tpu.memory_space<vmem>>
        %dma_start3A_1853 = tpu.memref_squeeze %dma_start3A_1852 : memref<1x1x8x64xf32, #tpu.memory_space<vmem>> -> memref<8x64xf32, #tpu.memory_space<vmem>>
        %dma_start3A_1854 = arith.constant 0 : i32
        %dma_start3A_1855 = arith.constant 0 : i32
        %dma_start3A_1856 = tpu.memref_slice %arg5[%squeeze3A_1839, %dma_start3A_1854, %dma_start3A_1855] : memref<12500x8x64xf32, #tpu.memory_space<hbm>> -> memref<1x8x64xf32, #tpu.memory_space<hbm>>
        %dma_start3A_1857 = tpu.memref_squeeze %dma_start3A_1856 : memref<1x8x64xf32, #tpu.memory_space<hbm>> -> memref<8x64xf32, #tpu.memory_space<hbm>>
        tpu.enqueue_dma source(%dma_start3A_1857 : memref<8x64xf32, #tpu.memory_space<hbm>>) target(%dma_start3A_1853 : memref<8x64xf32, #tpu.memory_space<vmem>>) target_semaphore(%arg22 : memref<!tpu.dma_semaphore, #tpu.memory_space<semaphore_mem>>)
        %slice3A_1858 = vector.extract_strided_slice %shift_right_logical3A_1717 {offsets = [7], sizes = [1], strides = [1]} : vector<16xi32> to vector<1xi32>
        %squeeze3A_1859 = vector.extract %slice3A_1858[0] : i32 from vector<1xi32>
        %dma_start3A_1860 = arith.constant 1 : i32
        %dma_start3A_1861 = arith.constant 7 : i32
        %dma_start3A_1862 = arith.constant 0 : i32
        %dma_start3A_1863 = arith.constant 0 : i32
        %dma_start3A_1864 = tpu.memref_slice %arg10[%dma_start3A_1860, %dma_start3A_1861, %dma_start3A_1862, %dma_start3A_1863] : memref<2x8x8x64xf32, #tpu.memory_space<vmem>> -> memref<1x1x8x64xf32, #tpu.memory_space<vmem>>
        %dma_start3A_1865 = tpu.memref_squeeze %dma_start3A_1864 : memref<1x1x8x64xf32, #tpu.memory_space<vmem>> -> memref<8x64xf32, #tpu.memory_space<vmem>>
        %dma_start3A_1866 = arith.constant 0 : i32
        %dma_start3A_1867 = arith.constant 0 : i32
        %dma_start3A_1868 = tpu.memref_slice %arg5[%squeeze3A_1859, %dma_start3A_1866, %dma_start3A_1867] : memref<12500x8x64xf32, #tpu.memory_space<hbm>> -> memref<1x8x64xf32, #tpu.memory_space<hbm>>
        %dma_start3A_1869 = tpu.memref_squeeze %dma_start3A_1868 : memref<1x8x64xf32, #tpu.memory_space<hbm>> -> memref<8x64xf32, #tpu.memory_space<hbm>>
        %dma_start3A_1870 = arith.constant 0 : i32
        %dma_start3A_1871 = arith.constant 0 : i32
        %dma_start3A_1872 = tpu.memref_slice %arg10[%dma_start3A_1860, %dma_start3A_1861, %dma_start3A_1870, %dma_start3A_1871] : memref<2x8x8x64xf32, #tpu.memory_space<vmem>> -> memref<1x1x8x64xf32, #tpu.memory_space<vmem>>
        %dma_start3A_1873 = tpu.memref_squeeze %dma_start3A_1872 : memref<1x1x8x64xf32, #tpu.memory_space<vmem>> -> memref<8x64xf32, #tpu.memory_space<vmem>>
        %dma_start3A_1874 = arith.constant 0 : i32
        %dma_start3A_1875 = arith.constant 0 : i32
        %dma_start3A_1876 = tpu.memref_slice %arg5[%squeeze3A_1859, %dma_start3A_1874, %dma_start3A_1875] : memref<12500x8x64xf32, #tpu.memory_space<hbm>> -> memref<1x8x64xf32, #tpu.memory_space<hbm>>
        %dma_start3A_1877 = tpu.memref_squeeze %dma_start3A_1876 : memref<1x8x64xf32, #tpu.memory_space<hbm>> -> memref<8x64xf32, #tpu.memory_space<hbm>>
        tpu.enqueue_dma source(%dma_start3A_1877 : memref<8x64xf32, #tpu.memory_space<hbm>>) target(%dma_start3A_1873 : memref<8x64xf32, #tpu.memory_space<vmem>>) target_semaphore(%arg22 : memref<!tpu.dma_semaphore, #tpu.memory_space<semaphore_mem>>)
      } else {
      }
      %dma_wait3A = arith.constant 0 : i32
      %dma_wait3A_206 = arith.constant 0 : i32
      %dma_wait3A_207 = arith.constant 0 : i32
      %dma_wait3A_208 = arith.constant 0 : i32
      %dma_wait3A_209 = tpu.memref_slice %arg10[%dma_wait3A, %dma_wait3A_206, %dma_wait3A_207, %dma_wait3A_208] : memref<2x8x8x64xf32, #tpu.memory_space<vmem>> -> memref<1x8x8x64xf32, #tpu.memory_space<vmem>>
      %dma_wait3A_210 = tpu.memref_squeeze %dma_wait3A_209 : memref<1x8x8x64xf32, #tpu.memory_space<vmem>> -> memref<8x8x64xf32, #tpu.memory_space<vmem>>
      %dma_wait3A_211 = arith.constant 0 : i32
      %dma_wait3A_212 = arith.constant 0 : i32
      %dma_wait3A_213 = arith.constant 0 : i32
      %dma_wait3A_214 = tpu.memref_slice %arg5[%dma_wait3A_211, %dma_wait3A_212, %dma_wait3A_213] : memref<12500x8x64xf32, #tpu.memory_space<hbm>> -> memref<8x8x64xf32, #tpu.memory_space<hbm>>
      %dma_wait3A_215 = arith.constant 0 : i32
      %dma_wait3A_216 = arith.constant 0 : i32
      %dma_wait3A_217 = arith.constant 0 : i32
      %dma_wait3A_218 = tpu.memref_slice %arg10[%dma_wait3A, %dma_wait3A_215, %dma_wait3A_216, %dma_wait3A_217] : memref<2x8x8x64xf32, #tpu.memory_space<vmem>> -> memref<1x8x8x64xf32, #tpu.memory_space<vmem>>
      %dma_wait3A_219 = tpu.memref_squeeze %dma_wait3A_218 : memref<1x8x8x64xf32, #tpu.memory_space<vmem>> -> memref<8x8x64xf32, #tpu.memory_space<vmem>>
      %dma_wait3A_220 = arith.constant 0 : i32
      %dma_wait3A_221 = arith.constant 0 : i32
      %dma_wait3A_222 = arith.constant 0 : i32
      %dma_wait3A_223 = tpu.memref_slice %arg5[%dma_wait3A_220, %dma_wait3A_221, %dma_wait3A_222] : memref<12500x8x64xf32, #tpu.memory_space<hbm>> -> memref<8x8x64xf32, #tpu.memory_space<hbm>>
      tpu.wait_dma2 semaphore(%arg21 : memref<!tpu.dma_semaphore, #tpu.memory_space<semaphore_mem>>) src(%dma_wait3A_223 : memref<8x8x64xf32, #tpu.memory_space<hbm>>) dst(%dma_wait3A_219 : memref<8x8x64xf32, #tpu.memory_space<vmem>>)
      %mul3A_224 = arith.constant 8 : i32
      %mul3A_225 = arith.muli %add3A_201, %mul3A_224 : i32
      %get3A_226 = arith.index_cast %mul3A_225 : i32 to index
      %get3A_227 = tpu.vector_load %arg8[%get3A_226] {strides = array<i32>} : memref<528xi32, #tpu.memory_space<vmem>>, vector<16xi32>,
      %and3A = arith.constant 7 : i32
      %and3A_228 = vector.broadcast %and3A : i32 to vector<16xi32>
      %and3A_229 = arith.andi %get3A_227, %and3A_228 : vector<16xi32>
      %slice3A_230 = vector.extract_strided_slice %and3A_229 {offsets = [0], sizes = [1], strides = [1]} : vector<16xi32> to vector<1xi32>
      %squeeze3A_231 = vector.extract %slice3A_230[0] : i32 from vector<1xi32>
      %mul3A_232 = arith.constant 4 : i32
      %mul3A_233 = arith.muli %add3A_201, %mul3A_232 : i32
      %add3A_234 = arith.constant 0 : i32
      %add3A_235 = arith.addi %mul3A_233, %add3A_234 : i32
      %get3A_236 = arith.index_cast %add3A_235 : i32 to index
      %get3A_237 = arith.constant 0 : index
      %get3A_238 = tpu.vector_load %arg11[%get3A_236, %get3A_237] {strides = array<i32>} : memref<256x128xf32, #tpu.memory_space<vmem>>, vector<16xf32>,
      %get3A_239 = arith.index_cast %add3A_235 : i32 to index
      %get3A_240 = arith.constant 16 : index
      %get3A_241 = tpu.vector_load %arg11[%get3A_239, %get3A_240] {strides = array<i32>} : memref<256x128xf32, #tpu.memory_space<vmem>>, vector<16xf32>,
      %get3A_242 = arith.index_cast %add3A_235 : i32 to index
      %get3A_243 = arith.constant 32 : index
      %get3A_244 = tpu.vector_load %arg11[%get3A_242, %get3A_243] {strides = array<i32>} : memref<256x128xf32, #tpu.memory_space<vmem>>, vector<16xf32>,
      %get3A_245 = arith.index_cast %add3A_235 : i32 to index
      %get3A_246 = arith.constant 48 : index
      %get3A_247 = tpu.vector_load %arg11[%get3A_245, %get3A_246] {strides = array<i32>} : memref<256x128xf32, #tpu.memory_space<vmem>>, vector<16xf32>,
      %get3A_248 = arith.constant 0 : i32
      %get3A_249 = arith.constant 0 : i32
      %get3A_250 = arith.index_cast %get3A_248 : i32 to index
      %get3A_251 = arith.index_cast %get3A_249 : i32 to index
      %get3A_252 = arith.index_cast %squeeze3A_231 : i32 to index
      %get3A_253 = arith.constant 0 : index
      %get3A_254 = tpu.vector_load %arg10[%get3A_250, %get3A_251, %get3A_252, %get3A_253] {strides = array<i32>} : memref<2x8x8x64xf32, #tpu.memory_space<vmem>>, vector<16xf32>,
      %get3A_255 = arith.constant 0 : i32
      %get3A_256 = arith.constant 0 : i32
      %get3A_257 = arith.index_cast %get3A_255 : i32 to index
      %get3A_258 = arith.index_cast %get3A_256 : i32 to index
      %get3A_259 = arith.index_cast %squeeze3A_231 : i32 to index
      %get3A_260 = arith.constant 16 : index
      %get3A_261 = tpu.vector_load %arg10[%get3A_257, %get3A_258, %get3A_259, %get3A_260] {strides = array<i32>} : memref<2x8x8x64xf32, #tpu.memory_space<vmem>>, vector<16xf32>,
      %get3A_262 = arith.constant 0 : i32
      %get3A_263 = arith.constant 0 : i32
      %get3A_264 = arith.index_cast %get3A_262 : i32 to index
      %get3A_265 = arith.index_cast %get3A_263 : i32 to index
      %get3A_266 = arith.index_cast %squeeze3A_231 : i32 to index
      %get3A_267 = arith.constant 32 : index
      %get3A_268 = tpu.vector_load %arg10[%get3A_264, %get3A_265, %get3A_266, %get3A_267] {strides = array<i32>} : memref<2x8x8x64xf32, #tpu.memory_space<vmem>>, vector<16xf32>,
      %get3A_269 = arith.constant 0 : i32
      %get3A_270 = arith.constant 0 : i32
      %get3A_271 = arith.index_cast %get3A_269 : i32 to index
      %get3A_272 = arith.index_cast %get3A_270 : i32 to index
      %get3A_273 = arith.index_cast %squeeze3A_231 : i32 to index
      %get3A_274 = arith.constant 48 : index
      %get3A_275 = tpu.vector_load %arg10[%get3A_271, %get3A_272, %get3A_273, %get3A_274] {strides = array<i32>} : memref<2x8x8x64xf32, #tpu.memory_space<vmem>>, vector<16xf32>,
      %mul3A_276 = arith.mulf %get3A_238, %get3A_254 : vector<16xf32>
      %mul3A_277 = arith.mulf %get3A_238, %get3A_238 : vector<16xf32>
      %mul3A_278 = arith.mulf %get3A_254, %get3A_254 : vector<16xf32>
      %mul3A_279 = arith.mulf %get3A_241, %get3A_261 : vector<16xf32>
      %add3A_280 = arith.addf %mul3A_276, %mul3A_279 : vector<16xf32>
      %mul3A_281 = arith.mulf %get3A_241, %get3A_241 : vector<16xf32>
      %add3A_282 = arith.addf %mul3A_277, %mul3A_281 : vector<16xf32>
      %mul3A_283 = arith.mulf %get3A_261, %get3A_261 : vector<16xf32>
      %add3A_284 = arith.addf %mul3A_278, %mul3A_283 : vector<16xf32>
      %mul3A_285 = arith.mulf %get3A_244, %get3A_268 : vector<16xf32>
      %add3A_286 = arith.addf %add3A_280, %mul3A_285 : vector<16xf32>
      %mul3A_287 = arith.mulf %get3A_244, %get3A_244 : vector<16xf32>
      %add3A_288 = arith.addf %add3A_282, %mul3A_287 : vector<16xf32>
      %mul3A_289 = arith.mulf %get3A_268, %get3A_268 : vector<16xf32>
      %add3A_290 = arith.addf %add3A_284, %mul3A_289 : vector<16xf32>
      %mul3A_291 = arith.mulf %get3A_247, %get3A_275 : vector<16xf32>
      %add3A_292 = arith.addf %add3A_286, %mul3A_291 : vector<16xf32>
      %mul3A_293 = arith.mulf %get3A_247, %get3A_247 : vector<16xf32>
      %add3A_294 = arith.addf %add3A_288, %mul3A_293 : vector<16xf32>
      %mul3A_295 = arith.mulf %get3A_275, %get3A_275 : vector<16xf32>
      %add3A_296 = arith.addf %add3A_290, %mul3A_295 : vector<16xf32>
      %eq3A = arith.constant 0 : i32
      %eq3A_297 = vector.broadcast %eq3A : i32 to vector<16xi32>
      %eq3A_298 = arith.cmpi eq, %iota3A, %eq3A_297 : vector<16xi32>
      %reduce_sum3A = arith.constant true
      %reduce_sum3A_299 = vector.broadcast %reduce_sum3A : i1 to vector<16xi1>
      %reduce_sum3A_300 = tpu.scan <sum>, %add3A_292 masked %reduce_sum3A_299 : vector<16xf32>, vector<16xi1> -> vector<16xf32>
      %reduce_sum3A_301 = vector.extract %reduce_sum3A_300[15] : f32 from vector<16xf32>
      %broadcast_in_dim3A_302 = vector.broadcast %reduce_sum3A_301 : f32 to vector<16xf32>
      %select_n3A = arith.select %eq3A_298, %broadcast_in_dim3A_302, %broadcast_in_dim3A_193 : vector<16xi1>, vector<16xf32>
      %reduce_sum3A_303 = arith.constant true
      %reduce_sum3A_304 = vector.broadcast %reduce_sum3A_303 : i1 to vector<16xi1>
      %reduce_sum3A_305 = tpu.scan <sum>, %add3A_294 masked %reduce_sum3A_304 : vector<16xf32>, vector<16xi1> -> vector<16xf32>
      %reduce_sum3A_306 = vector.extract %reduce_sum3A_305[15] : f32 from vector<16xf32>
      %broadcast_in_dim3A_307 = vector.broadcast %reduce_sum3A_306 : f32 to vector<16xf32>
      %select_n3A_308 = arith.select %eq3A_298, %broadcast_in_dim3A_307, %broadcast_in_dim3A_195 : vector<16xi1>, vector<16xf32>
      %reduce_sum3A_309 = arith.constant true
      %reduce_sum3A_310 = vector.broadcast %reduce_sum3A_309 : i1 to vector<16xi1>
      %reduce_sum3A_311 = tpu.scan <sum>, %add3A_296 masked %reduce_sum3A_310 : vector<16xf32>, vector<16xi1> -> vector<16xf32>
      %reduce_sum3A_312 = vector.extract %reduce_sum3A_311[15] : f32 from vector<16xf32>
      %broadcast_in_dim3A_313 = vector.broadcast %reduce_sum3A_312 : f32 to vector<16xf32>
      %select_n3A_314 = arith.select %eq3A_298, %broadcast_in_dim3A_313, %broadcast_in_dim3A_197 : vector<16xi1>, vector<16xf32>
      %slice3A_315 = vector.extract_strided_slice %and3A_229 {offsets = [1], sizes = [1], strides = [1]} : vector<16xi32> to vector<1xi32>
      %squeeze3A_316 = vector.extract %slice3A_315[0] : i32 from vector<1xi32>
      %mul3A_317 = arith.constant 4 : i32
      %mul3A_318 = arith.muli %add3A_201, %mul3A_317 : i32
      %add3A_319 = arith.constant 0 : i32
      %add3A_320 = arith.addi %mul3A_318, %add3A_319 : i32
      %get3A_321 = arith.index_cast %add3A_320 : i32 to index
      %get3A_322 = arith.constant 64 : index
      %get3A_323 = tpu.vector_load %arg11[%get3A_321, %get3A_322] {strides = array<i32>} : memref<256x128xf32, #tpu.memory_space<vmem>>, vector<16xf32>,
      %get3A_324 = arith.index_cast %add3A_320 : i32 to index
      %get3A_325 = arith.constant 80 : index
      %get3A_326 = tpu.vector_load %arg11[%get3A_324, %get3A_325] {strides = array<i32>} : memref<256x128xf32, #tpu.memory_space<vmem>>, vector<16xf32>,
      %get3A_327 = arith.index_cast %add3A_320 : i32 to index
      %get3A_328 = arith.constant 96 : index
      %get3A_329 = tpu.vector_load %arg11[%get3A_327, %get3A_328] {strides = array<i32>} : memref<256x128xf32, #tpu.memory_space<vmem>>, vector<16xf32>,
      %get3A_330 = arith.index_cast %add3A_320 : i32 to index
      %get3A_331 = arith.constant 112 : index
      %get3A_332 = tpu.vector_load %arg11[%get3A_330, %get3A_331] {strides = array<i32>} : memref<256x128xf32, #tpu.memory_space<vmem>>, vector<16xf32>,
      %get3A_333 = arith.constant 0 : i32
      %get3A_334 = arith.constant 1 : i32
      %get3A_335 = arith.index_cast %get3A_333 : i32 to index
      %get3A_336 = arith.index_cast %get3A_334 : i32 to index
      %get3A_337 = arith.index_cast %squeeze3A_316 : i32 to index
      %get3A_338 = arith.constant 0 : index
      %get3A_339 = tpu.vector_load %arg10[%get3A_335, %get3A_336, %get3A_337, %get3A_338] {strides = array<i32>} : memref<2x8x8x64xf32, #tpu.memory_space<vmem>>, vector<16xf32>,
      %get3A_340 = arith.constant 0 : i32
      %get3A_341 = arith.constant 1 : i32
      %get3A_342 = arith.index_cast %get3A_340 : i32 to index
      %get3A_343 = arith.index_cast %get3A_341 : i32 to index
      %get3A_344 = arith.index_cast %squeeze3A_316 : i32 to index
      %get3A_345 = arith.constant 16 : index
      %get3A_346 = tpu.vector_load %arg10[%get3A_342, %get3A_343, %get3A_344, %get3A_345] {strides = array<i32>} : memref<2x8x8x64xf32, #tpu.memory_space<vmem>>, vector<16xf32>,
      %get3A_347 = arith.constant 0 : i32
      %get3A_348 = arith.constant 1 : i32
      %get3A_349 = arith.index_cast %get3A_347 : i32 to index
      %get3A_350 = arith.index_cast %get3A_348 : i32 to index
      %get3A_351 = arith.index_cast %squeeze3A_316 : i32 to index
      %get3A_352 = arith.constant 32 : index
      %get3A_353 = tpu.vector_load %arg10[%get3A_349, %get3A_350, %get3A_351, %get3A_352] {strides = array<i32>} : memref<2x8x8x64xf32, #tpu.memory_space<vmem>>, vector<16xf32>,
      %get3A_354 = arith.constant 0 : i32
      %get3A_355 = arith.constant 1 : i32
      %get3A_356 = arith.index_cast %get3A_354 : i32 to index
      %get3A_357 = arith.index_cast %get3A_355 : i32 to index
      %get3A_358 = arith.index_cast %squeeze3A_316 : i32 to index
      %get3A_359 = arith.constant 48 : index
      %get3A_360 = tpu.vector_load %arg10[%get3A_356, %get3A_357, %get3A_358, %get3A_359] {strides = array<i32>} : memref<2x8x8x64xf32, #tpu.memory_space<vmem>>, vector<16xf32>,
      %mul3A_361 = arith.mulf %get3A_323, %get3A_339 : vector<16xf32>
      %mul3A_362 = arith.mulf %get3A_323, %get3A_323 : vector<16xf32>
      %mul3A_363 = arith.mulf %get3A_339, %get3A_339 : vector<16xf32>
      %mul3A_364 = arith.mulf %get3A_326, %get3A_346 : vector<16xf32>
      %add3A_365 = arith.addf %mul3A_361, %mul3A_364 : vector<16xf32>
      %mul3A_366 = arith.mulf %get3A_326, %get3A_326 : vector<16xf32>
      %add3A_367 = arith.addf %mul3A_362, %mul3A_366 : vector<16xf32>
      %mul3A_368 = arith.mulf %get3A_346, %get3A_346 : vector<16xf32>
      %add3A_369 = arith.addf %mul3A_363, %mul3A_368 : vector<16xf32>
      %mul3A_370 = arith.mulf %get3A_329, %get3A_353 : vector<16xf32>
      %add3A_371 = arith.addf %add3A_365, %mul3A_370 : vector<16xf32>
      %mul3A_372 = arith.mulf %get3A_329, %get3A_329 : vector<16xf32>
      %add3A_373 = arith.addf %add3A_367, %mul3A_372 : vector<16xf32>
      %mul3A_374 = arith.mulf %get3A_353, %get3A_353 : vector<16xf32>
      %add3A_375 = arith.addf %add3A_369, %mul3A_374 : vector<16xf32>
      %mul3A_376 = arith.mulf %get3A_332, %get3A_360 : vector<16xf32>
      %add3A_377 = arith.addf %add3A_371, %mul3A_376 : vector<16xf32>
      %mul3A_378 = arith.mulf %get3A_332, %get3A_332 : vector<16xf32>
      %add3A_379 = arith.addf %add3A_373, %mul3A_378 : vector<16xf32>
      %mul3A_380 = arith.mulf %get3A_360, %get3A_360 : vector<16xf32>
      %add3A_381 = arith.addf %add3A_375, %mul3A_380 : vector<16xf32>
      %eq3A_382 = arith.constant 1 : i32
      %eq3A_383 = vector.broadcast %eq3A_382 : i32 to vector<16xi32>
      %eq3A_384 = arith.cmpi eq, %iota3A, %eq3A_383 : vector<16xi32>
      %reduce_sum3A_385 = arith.constant true
      %reduce_sum3A_386 = vector.broadcast %reduce_sum3A_385 : i1 to vector<16xi1>
      %reduce_sum3A_387 = tpu.scan <sum>, %add3A_377 masked %reduce_sum3A_386 : vector<16xf32>, vector<16xi1> -> vector<16xf32>
      %reduce_sum3A_388 = vector.extract %reduce_sum3A_387[15] : f32 from vector<16xf32>
      %broadcast_in_dim3A_389 = vector.broadcast %reduce_sum3A_388 : f32 to vector<16xf32>
      %select_n3A_390 = arith.select %eq3A_384, %broadcast_in_dim3A_389, %select_n3A : vector<16xi1>, vector<16xf32>
      %reduce_sum3A_391 = arith.constant true
      %reduce_sum3A_392 = vector.broadcast %reduce_sum3A_391 : i1 to vector<16xi1>
      %reduce_sum3A_393 = tpu.scan <sum>, %add3A_379 masked %reduce_sum3A_392 : vector<16xf32>, vector<16xi1> -> vector<16xf32>
      %reduce_sum3A_394 = vector.extract %reduce_sum3A_393[15] : f32 from vector<16xf32>
      %broadcast_in_dim3A_395 = vector.broadcast %reduce_sum3A_394 : f32 to vector<16xf32>
      %select_n3A_396 = arith.select %eq3A_384, %broadcast_in_dim3A_395, %select_n3A_308 : vector<16xi1>, vector<16xf32>
      %reduce_sum3A_397 = arith.constant true
      %reduce_sum3A_398 = vector.broadcast %reduce_sum3A_397 : i1 to vector<16xi1>
      %reduce_sum3A_399 = tpu.scan <sum>, %add3A_381 masked %reduce_sum3A_398 : vector<16xf32>, vector<16xi1> -> vector<16xf32>
      %reduce_sum3A_400 = vector.extract %reduce_sum3A_399[15] : f32 from vector<16xf32>
      %broadcast_in_dim3A_401 = vector.broadcast %reduce_sum3A_400 : f32 to vector<16xf32>
      %select_n3A_402 = arith.select %eq3A_384, %broadcast_in_dim3A_401, %select_n3A_314 : vector<16xi1>, vector<16xf32>
      %slice3A_403 = vector.extract_strided_slice %and3A_229 {offsets = [2], sizes = [1], strides = [1]} : vector<16xi32> to vector<1xi32>
      %squeeze3A_404 = vector.extract %slice3A_403[0] : i32 from vector<1xi32>
      %mul3A_405 = arith.constant 4 : i32
      %mul3A_406 = arith.muli %add3A_201, %mul3A_405 : i32
      %add3A_407 = arith.constant 1 : i32
      %add3A_408 = arith.addi %mul3A_406, %add3A_407 : i32
      %get3A_409 = arith.index_cast %add3A_408 : i32 to index
      %get3A_410 = arith.constant 0 : index
      %get3A_411 = tpu.vector_load %arg11[%get3A_409, %get3A_410] {strides = array<i32>} : memref<256x128xf32, #tpu.memory_space<vmem>>, vector<16xf32>,
      %get3A_412 = arith.index_cast %add3A_408 : i32 to index
      %get3A_413 = arith.constant 16 : index
      %get3A_414 = tpu.vector_load %arg11[%get3A_412, %get3A_413] {strides = array<i32>} : memref<256x128xf32, #tpu.memory_space<vmem>>, vector<16xf32>,
      %get3A_415 = arith.index_cast %add3A_408 : i32 to index
      %get3A_416 = arith.constant 32 : index
      %get3A_417 = tpu.vector_load %arg11[%get3A_415, %get3A_416] {strides = array<i32>} : memref<256x128xf32, #tpu.memory_space<vmem>>, vector<16xf32>,
      %get3A_418 = arith.index_cast %add3A_408 : i32 to index
      %get3A_419 = arith.constant 48 : index
      %get3A_420 = tpu.vector_load %arg11[%get3A_418, %get3A_419] {strides = array<i32>} : memref<256x128xf32, #tpu.memory_space<vmem>>, vector<16xf32>,
      %get3A_421 = arith.constant 0 : i32
      %get3A_422 = arith.constant 2 : i32
      %get3A_423 = arith.index_cast %get3A_421 : i32 to index
      %get3A_424 = arith.index_cast %get3A_422 : i32 to index
      %get3A_425 = arith.index_cast %squeeze3A_404 : i32 to index
      %get3A_426 = arith.constant 0 : index
      %get3A_427 = tpu.vector_load %arg10[%get3A_423, %get3A_424, %get3A_425, %get3A_426] {strides = array<i32>} : memref<2x8x8x64xf32, #tpu.memory_space<vmem>>, vector<16xf32>,
      %get3A_428 = arith.constant 0 : i32
      %get3A_429 = arith.constant 2 : i32
      %get3A_430 = arith.index_cast %get3A_428 : i32 to index
      %get3A_431 = arith.index_cast %get3A_429 : i32 to index
      %get3A_432 = arith.index_cast %squeeze3A_404 : i32 to index
      %get3A_433 = arith.constant 16 : index
      %get3A_434 = tpu.vector_load %arg10[%get3A_430, %get3A_431, %get3A_432, %get3A_433] {strides = array<i32>} : memref<2x8x8x64xf32, #tpu.memory_space<vmem>>, vector<16xf32>,
      %get3A_435 = arith.constant 0 : i32
      %get3A_436 = arith.constant 2 : i32
      %get3A_437 = arith.index_cast %get3A_435 : i32 to index
      %get3A_438 = arith.index_cast %get3A_436 : i32 to index
      %get3A_439 = arith.index_cast %squeeze3A_404 : i32 to index
      %get3A_440 = arith.constant 32 : index
      %get3A_441 = tpu.vector_load %arg10[%get3A_437, %get3A_438, %get3A_439, %get3A_440] {strides = array<i32>} : memref<2x8x8x64xf32, #tpu.memory_space<vmem>>, vector<16xf32>,
      %get3A_442 = arith.constant 0 : i32
      %get3A_443 = arith.constant 2 : i32
      %get3A_444 = arith.index_cast %get3A_442 : i32 to index
      %get3A_445 = arith.index_cast %get3A_443 : i32 to index
      %get3A_446 = arith.index_cast %squeeze3A_404 : i32 to index
      %get3A_447 = arith.constant 48 : index
      %get3A_448 = tpu.vector_load %arg10[%get3A_444, %get3A_445, %get3A_446, %get3A_447] {strides = array<i32>} : memref<2x8x8x64xf32, #tpu.memory_space<vmem>>, vector<16xf32>,
      %mul3A_449 = arith.mulf %get3A_411, %get3A_427 : vector<16xf32>
      %mul3A_450 = arith.mulf %get3A_411, %get3A_411 : vector<16xf32>
      %mul3A_451 = arith.mulf %get3A_427, %get3A_427 : vector<16xf32>
      %mul3A_452 = arith.mulf %get3A_414, %get3A_434 : vector<16xf32>
      %add3A_453 = arith.addf %mul3A_449, %mul3A_452 : vector<16xf32>
      %mul3A_454 = arith.mulf %get3A_414, %get3A_414 : vector<16xf32>
      %add3A_455 = arith.addf %mul3A_450, %mul3A_454 : vector<16xf32>
      %mul3A_456 = arith.mulf %get3A_434, %get3A_434 : vector<16xf32>
      %add3A_457 = arith.addf %mul3A_451, %mul3A_456 : vector<16xf32>
      %mul3A_458 = arith.mulf %get3A_417, %get3A_441 : vector<16xf32>
      %add3A_459 = arith.addf %add3A_453, %mul3A_458 : vector<16xf32>
      %mul3A_460 = arith.mulf %get3A_417, %get3A_417 : vector<16xf32>
      %add3A_461 = arith.addf %add3A_455, %mul3A_460 : vector<16xf32>
      %mul3A_462 = arith.mulf %get3A_441, %get3A_441 : vector<16xf32>
      %add3A_463 = arith.addf %add3A_457, %mul3A_462 : vector<16xf32>
      %mul3A_464 = arith.mulf %get3A_420, %get3A_448 : vector<16xf32>
      %add3A_465 = arith.addf %add3A_459, %mul3A_464 : vector<16xf32>
      %mul3A_466 = arith.mulf %get3A_420, %get3A_420 : vector<16xf32>
      %add3A_467 = arith.addf %add3A_461, %mul3A_466 : vector<16xf32>
      %mul3A_468 = arith.mulf %get3A_448, %get3A_448 : vector<16xf32>
      %add3A_469 = arith.addf %add3A_463, %mul3A_468 : vector<16xf32>
      %eq3A_470 = arith.constant 2 : i32
      %eq3A_471 = vector.broadcast %eq3A_470 : i32 to vector<16xi32>
      %eq3A_472 = arith.cmpi eq, %iota3A, %eq3A_471 : vector<16xi32>
      %reduce_sum3A_473 = arith.constant true
      %reduce_sum3A_474 = vector.broadcast %reduce_sum3A_473 : i1 to vector<16xi1>
      %reduce_sum3A_475 = tpu.scan <sum>, %add3A_465 masked %reduce_sum3A_474 : vector<16xf32>, vector<16xi1> -> vector<16xf32>
      %reduce_sum3A_476 = vector.extract %reduce_sum3A_475[15] : f32 from vector<16xf32>
      %broadcast_in_dim3A_477 = vector.broadcast %reduce_sum3A_476 : f32 to vector<16xf32>
      %select_n3A_478 = arith.select %eq3A_472, %broadcast_in_dim3A_477, %select_n3A_390 : vector<16xi1>, vector<16xf32>
      %reduce_sum3A_479 = arith.constant true
      %reduce_sum3A_480 = vector.broadcast %reduce_sum3A_479 : i1 to vector<16xi1>
      %reduce_sum3A_481 = tpu.scan <sum>, %add3A_467 masked %reduce_sum3A_480 : vector<16xf32>, vector<16xi1> -> vector<16xf32>
      %reduce_sum3A_482 = vector.extract %reduce_sum3A_481[15] : f32 from vector<16xf32>
      %broadcast_in_dim3A_483 = vector.broadcast %reduce_sum3A_482 : f32 to vector<16xf32>
      %select_n3A_484 = arith.select %eq3A_472, %broadcast_in_dim3A_483, %select_n3A_396 : vector<16xi1>, vector<16xf32>
      %reduce_sum3A_485 = arith.constant true
      %reduce_sum3A_486 = vector.broadcast %reduce_sum3A_485 : i1 to vector<16xi1>
      %reduce_sum3A_487 = tpu.scan <sum>, %add3A_469 masked %reduce_sum3A_486 : vector<16xf32>, vector<16xi1> -> vector<16xf32>
      %reduce_sum3A_488 = vector.extract %reduce_sum3A_487[15] : f32 from vector<16xf32>
      %broadcast_in_dim3A_489 = vector.broadcast %reduce_sum3A_488 : f32 to vector<16xf32>
      %select_n3A_490 = arith.select %eq3A_472, %broadcast_in_dim3A_489, %select_n3A_402 : vector<16xi1>, vector<16xf32>
      %slice3A_491 = vector.extract_strided_slice %and3A_229 {offsets = [3], sizes = [1], strides = [1]} : vector<16xi32> to vector<1xi32>
      %squeeze3A_492 = vector.extract %slice3A_491[0] : i32 from vector<1xi32>
      %mul3A_493 = arith.constant 4 : i32
      %mul3A_494 = arith.muli %add3A_201, %mul3A_493 : i32
      %add3A_495 = arith.constant 1 : i32
      %add3A_496 = arith.addi %mul3A_494, %add3A_495 : i32
      %get3A_497 = arith.index_cast %add3A_496 : i32 to index
      %get3A_498 = arith.constant 64 : index
      %get3A_499 = tpu.vector_load %arg11[%get3A_497, %get3A_498] {strides = array<i32>} : memref<256x128xf32, #tpu.memory_space<vmem>>, vector<16xf32>,
      %get3A_500 = arith.index_cast %add3A_496 : i32 to index
      %get3A_501 = arith.constant 80 : index
      %get3A_502 = tpu.vector_load %arg11[%get3A_500, %get3A_501] {strides = array<i32>} : memref<256x128xf32, #tpu.memory_space<vmem>>, vector<16xf32>,
      %get3A_503 = arith.index_cast %add3A_496 : i32 to index
      %get3A_504 = arith.constant 96 : index
      %get3A_505 = tpu.vector_load %arg11[%get3A_503, %get3A_504] {strides = array<i32>} : memref<256x128xf32, #tpu.memory_space<vmem>>, vector<16xf32>,
      %get3A_506 = arith.index_cast %add3A_496 : i32 to index
      %get3A_507 = arith.constant 112 : index
      %get3A_508 = tpu.vector_load %arg11[%get3A_506, %get3A_507] {strides = array<i32>} : memref<256x128xf32, #tpu.memory_space<vmem>>, vector<16xf32>,
      %get3A_509 = arith.constant 0 : i32
      %get3A_510 = arith.constant 3 : i32
      %get3A_511 = arith.index_cast %get3A_509 : i32 to index
      %get3A_512 = arith.index_cast %get3A_510 : i32 to index
      %get3A_513 = arith.index_cast %squeeze3A_492 : i32 to index
      %get3A_514 = arith.constant 0 : index
      %get3A_515 = tpu.vector_load %arg10[%get3A_511, %get3A_512, %get3A_513, %get3A_514] {strides = array<i32>} : memref<2x8x8x64xf32, #tpu.memory_space<vmem>>, vector<16xf32>,
      %get3A_516 = arith.constant 0 : i32
      %get3A_517 = arith.constant 3 : i32
      %get3A_518 = arith.index_cast %get3A_516 : i32 to index
      %get3A_519 = arith.index_cast %get3A_517 : i32 to index
      %get3A_520 = arith.index_cast %squeeze3A_492 : i32 to index
      %get3A_521 = arith.constant 16 : index
      %get3A_522 = tpu.vector_load %arg10[%get3A_518, %get3A_519, %get3A_520, %get3A_521] {strides = array<i32>} : memref<2x8x8x64xf32, #tpu.memory_space<vmem>>, vector<16xf32>,
      %get3A_523 = arith.constant 0 : i32
      %get3A_524 = arith.constant 3 : i32
      %get3A_525 = arith.index_cast %get3A_523 : i32 to index
      %get3A_526 = arith.index_cast %get3A_524 : i32 to index
      %get3A_527 = arith.index_cast %squeeze3A_492 : i32 to index
      %get3A_528 = arith.constant 32 : index
      %get3A_529 = tpu.vector_load %arg10[%get3A_525, %get3A_526, %get3A_527, %get3A_528] {strides = array<i32>} : memref<2x8x8x64xf32, #tpu.memory_space<vmem>>, vector<16xf32>,
      %get3A_530 = arith.constant 0 : i32
      %get3A_531 = arith.constant 3 : i32
      %get3A_532 = arith.index_cast %get3A_530 : i32 to index
      %get3A_533 = arith.index_cast %get3A_531 : i32 to index
      %get3A_534 = arith.index_cast %squeeze3A_492 : i32 to index
      %get3A_535 = arith.constant 48 : index
      %get3A_536 = tpu.vector_load %arg10[%get3A_532, %get3A_533, %get3A_534, %get3A_535] {strides = array<i32>} : memref<2x8x8x64xf32, #tpu.memory_space<vmem>>, vector<16xf32>,
      %mul3A_537 = arith.mulf %get3A_499, %get3A_515 : vector<16xf32>
      %mul3A_538 = arith.mulf %get3A_499, %get3A_499 : vector<16xf32>
      %mul3A_539 = arith.mulf %get3A_515, %get3A_515 : vector<16xf32>
      %mul3A_540 = arith.mulf %get3A_502, %get3A_522 : vector<16xf32>
      %add3A_541 = arith.addf %mul3A_537, %mul3A_540 : vector<16xf32>
      %mul3A_542 = arith.mulf %get3A_502, %get3A_502 : vector<16xf32>
      %add3A_543 = arith.addf %mul3A_538, %mul3A_542 : vector<16xf32>
      %mul3A_544 = arith.mulf %get3A_522, %get3A_522 : vector<16xf32>
      %add3A_545 = arith.addf %mul3A_539, %mul3A_544 : vector<16xf32>
      %mul3A_546 = arith.mulf %get3A_505, %get3A_529 : vector<16xf32>
      %add3A_547 = arith.addf %add3A_541, %mul3A_546 : vector<16xf32>
      %mul3A_548 = arith.mulf %get3A_505, %get3A_505 : vector<16xf32>
      %add3A_549 = arith.addf %add3A_543, %mul3A_548 : vector<16xf32>
      %mul3A_550 = arith.mulf %get3A_529, %get3A_529 : vector<16xf32>
      %add3A_551 = arith.addf %add3A_545, %mul3A_550 : vector<16xf32>
      %mul3A_552 = arith.mulf %get3A_508, %get3A_536 : vector<16xf32>
      %add3A_553 = arith.addf %add3A_547, %mul3A_552 : vector<16xf32>
      %mul3A_554 = arith.mulf %get3A_508, %get3A_508 : vector<16xf32>
      %add3A_555 = arith.addf %add3A_549, %mul3A_554 : vector<16xf32>
      %mul3A_556 = arith.mulf %get3A_536, %get3A_536 : vector<16xf32>
      %add3A_557 = arith.addf %add3A_551, %mul3A_556 : vector<16xf32>
      %eq3A_558 = arith.constant 3 : i32
      %eq3A_559 = vector.broadcast %eq3A_558 : i32 to vector<16xi32>
      %eq3A_560 = arith.cmpi eq, %iota3A, %eq3A_559 : vector<16xi32>
      %reduce_sum3A_561 = arith.constant true
      %reduce_sum3A_562 = vector.broadcast %reduce_sum3A_561 : i1 to vector<16xi1>
      %reduce_sum3A_563 = tpu.scan <sum>, %add3A_553 masked %reduce_sum3A_562 : vector<16xf32>, vector<16xi1> -> vector<16xf32>
      %reduce_sum3A_564 = vector.extract %reduce_sum3A_563[15] : f32 from vector<16xf32>
      %broadcast_in_dim3A_565 = vector.broadcast %reduce_sum3A_564 : f32 to vector<16xf32>
      %select_n3A_566 = arith.select %eq3A_560, %broadcast_in_dim3A_565, %select_n3A_478 : vector<16xi1>, vector<16xf32>
      %reduce_sum3A_567 = arith.constant true
      %reduce_sum3A_568 = vector.broadcast %reduce_sum3A_567 : i1 to vector<16xi1>
      %reduce_sum3A_569 = tpu.scan <sum>, %add3A_555 masked %reduce_sum3A_568 : vector<16xf32>, vector<16xi1> -> vector<16xf32>
      %reduce_sum3A_570 = vector.extract %reduce_sum3A_569[15] : f32 from vector<16xf32>
      %broadcast_in_dim3A_571 = vector.broadcast %reduce_sum3A_570 : f32 to vector<16xf32>
      %select_n3A_572 = arith.select %eq3A_560, %broadcast_in_dim3A_571, %select_n3A_484 : vector<16xi1>, vector<16xf32>
      %reduce_sum3A_573 = arith.constant true
      %reduce_sum3A_574 = vector.broadcast %reduce_sum3A_573 : i1 to vector<16xi1>
      %reduce_sum3A_575 = tpu.scan <sum>, %add3A_557 masked %reduce_sum3A_574 : vector<16xf32>, vector<16xi1> -> vector<16xf32>
      %reduce_sum3A_576 = vector.extract %reduce_sum3A_575[15] : f32 from vector<16xf32>
      %broadcast_in_dim3A_577 = vector.broadcast %reduce_sum3A_576 : f32 to vector<16xf32>
      %select_n3A_578 = arith.select %eq3A_560, %broadcast_in_dim3A_577, %select_n3A_490 : vector<16xi1>, vector<16xf32>
      %slice3A_579 = vector.extract_strided_slice %and3A_229 {offsets = [4], sizes = [1], strides = [1]} : vector<16xi32> to vector<1xi32>
      %squeeze3A_580 = vector.extract %slice3A_579[0] : i32 from vector<1xi32>
      %mul3A_581 = arith.constant 4 : i32
      %mul3A_582 = arith.muli %add3A_201, %mul3A_581 : i32
      %add3A_583 = arith.constant 2 : i32
      %add3A_584 = arith.addi %mul3A_582, %add3A_583 : i32
      %get3A_585 = arith.index_cast %add3A_584 : i32 to index
      %get3A_586 = arith.constant 0 : index
      %get3A_587 = tpu.vector_load %arg11[%get3A_585, %get3A_586] {strides = array<i32>} : memref<256x128xf32, #tpu.memory_space<vmem>>, vector<16xf32>,
      %get3A_588 = arith.index_cast %add3A_584 : i32 to index
      %get3A_589 = arith.constant 16 : index
      %get3A_590 = tpu.vector_load %arg11[%get3A_588, %get3A_589] {strides = array<i32>} : memref<256x128xf32, #tpu.memory_space<vmem>>, vector<16xf32>,
      %get3A_591 = arith.index_cast %add3A_584 : i32 to index
      %get3A_592 = arith.constant 32 : index
      %get3A_593 = tpu.vector_load %arg11[%get3A_591, %get3A_592] {strides = array<i32>} : memref<256x128xf32, #tpu.memory_space<vmem>>, vector<16xf32>,
      %get3A_594 = arith.index_cast %add3A_584 : i32 to index
      %get3A_595 = arith.constant 48 : index
      %get3A_596 = tpu.vector_load %arg11[%get3A_594, %get3A_595] {strides = array<i32>} : memref<256x128xf32, #tpu.memory_space<vmem>>, vector<16xf32>,
      %get3A_597 = arith.constant 0 : i32
      %get3A_598 = arith.constant 4 : i32
      %get3A_599 = arith.index_cast %get3A_597 : i32 to index
      %get3A_600 = arith.index_cast %get3A_598 : i32 to index
      %get3A_601 = arith.index_cast %squeeze3A_580 : i32 to index
      %get3A_602 = arith.constant 0 : index
      %get3A_603 = tpu.vector_load %arg10[%get3A_599, %get3A_600, %get3A_601, %get3A_602] {strides = array<i32>} : memref<2x8x8x64xf32, #tpu.memory_space<vmem>>, vector<16xf32>,
      %get3A_604 = arith.constant 0 : i32
      %get3A_605 = arith.constant 4 : i32
      %get3A_606 = arith.index_cast %get3A_604 : i32 to index
      %get3A_607 = arith.index_cast %get3A_605 : i32 to index
      %get3A_608 = arith.index_cast %squeeze3A_580 : i32 to index
      %get3A_609 = arith.constant 16 : index
      %get3A_610 = tpu.vector_load %arg10[%get3A_606, %get3A_607, %get3A_608, %get3A_609] {strides = array<i32>} : memref<2x8x8x64xf32, #tpu.memory_space<vmem>>, vector<16xf32>,
      %get3A_611 = arith.constant 0 : i32
      %get3A_612 = arith.constant 4 : i32
      %get3A_613 = arith.index_cast %get3A_611 : i32 to index
      %get3A_614 = arith.index_cast %get3A_612 : i32 to index
      %get3A_615 = arith.index_cast %squeeze3A_580 : i32 to index
      %get3A_616 = arith.constant 32 : index
      %get3A_617 = tpu.vector_load %arg10[%get3A_613, %get3A_614, %get3A_615, %get3A_616] {strides = array<i32>} : memref<2x8x8x64xf32, #tpu.memory_space<vmem>>, vector<16xf32>,
      %get3A_618 = arith.constant 0 : i32
      %get3A_619 = arith.constant 4 : i32
      %get3A_620 = arith.index_cast %get3A_618 : i32 to index
      %get3A_621 = arith.index_cast %get3A_619 : i32 to index
      %get3A_622 = arith.index_cast %squeeze3A_580 : i32 to index
      %get3A_623 = arith.constant 48 : index
      %get3A_624 = tpu.vector_load %arg10[%get3A_620, %get3A_621, %get3A_622, %get3A_623] {strides = array<i32>} : memref<2x8x8x64xf32, #tpu.memory_space<vmem>>, vector<16xf32>,
      %mul3A_625 = arith.mulf %get3A_587, %get3A_603 : vector<16xf32>
      %mul3A_626 = arith.mulf %get3A_587, %get3A_587 : vector<16xf32>
      %mul3A_627 = arith.mulf %get3A_603, %get3A_603 : vector<16xf32>
      %mul3A_628 = arith.mulf %get3A_590, %get3A_610 : vector<16xf32>
      %add3A_629 = arith.addf %mul3A_625, %mul3A_628 : vector<16xf32>
      %mul3A_630 = arith.mulf %get3A_590, %get3A_590 : vector<16xf32>
      %add3A_631 = arith.addf %mul3A_626, %mul3A_630 : vector<16xf32>
      %mul3A_632 = arith.mulf %get3A_610, %get3A_610 : vector<16xf32>
      %add3A_633 = arith.addf %mul3A_627, %mul3A_632 : vector<16xf32>
      %mul3A_634 = arith.mulf %get3A_593, %get3A_617 : vector<16xf32>
      %add3A_635 = arith.addf %add3A_629, %mul3A_634 : vector<16xf32>
      %mul3A_636 = arith.mulf %get3A_593, %get3A_593 : vector<16xf32>
      %add3A_637 = arith.addf %add3A_631, %mul3A_636 : vector<16xf32>
      %mul3A_638 = arith.mulf %get3A_617, %get3A_617 : vector<16xf32>
      %add3A_639 = arith.addf %add3A_633, %mul3A_638 : vector<16xf32>
      %mul3A_640 = arith.mulf %get3A_596, %get3A_624 : vector<16xf32>
      %add3A_641 = arith.addf %add3A_635, %mul3A_640 : vector<16xf32>
      %mul3A_642 = arith.mulf %get3A_596, %get3A_596 : vector<16xf32>
      %add3A_643 = arith.addf %add3A_637, %mul3A_642 : vector<16xf32>
      %mul3A_644 = arith.mulf %get3A_624, %get3A_624 : vector<16xf32>
      %add3A_645 = arith.addf %add3A_639, %mul3A_644 : vector<16xf32>
      %eq3A_646 = arith.constant 4 : i32
      %eq3A_647 = vector.broadcast %eq3A_646 : i32 to vector<16xi32>
      %eq3A_648 = arith.cmpi eq, %iota3A, %eq3A_647 : vector<16xi32>
      %reduce_sum3A_649 = arith.constant true
      %reduce_sum3A_650 = vector.broadcast %reduce_sum3A_649 : i1 to vector<16xi1>
      %reduce_sum3A_651 = tpu.scan <sum>, %add3A_641 masked %reduce_sum3A_650 : vector<16xf32>, vector<16xi1> -> vector<16xf32>
      %reduce_sum3A_652 = vector.extract %reduce_sum3A_651[15] : f32 from vector<16xf32>
      %broadcast_in_dim3A_653 = vector.broadcast %reduce_sum3A_652 : f32 to vector<16xf32>
      %select_n3A_654 = arith.select %eq3A_648, %broadcast_in_dim3A_653, %select_n3A_566 : vector<16xi1>, vector<16xf32>
      %reduce_sum3A_655 = arith.constant true
      %reduce_sum3A_656 = vector.broadcast %reduce_sum3A_655 : i1 to vector<16xi1>
      %reduce_sum3A_657 = tpu.scan <sum>, %add3A_643 masked %reduce_sum3A_656 : vector<16xf32>, vector<16xi1> -> vector<16xf32>
      %reduce_sum3A_658 = vector.extract %reduce_sum3A_657[15] : f32 from vector<16xf32>
      %broadcast_in_dim3A_659 = vector.broadcast %reduce_sum3A_658 : f32 to vector<16xf32>
      %select_n3A_660 = arith.select %eq3A_648, %broadcast_in_dim3A_659, %select_n3A_572 : vector<16xi1>, vector<16xf32>
      %reduce_sum3A_661 = arith.constant true
      %reduce_sum3A_662 = vector.broadcast %reduce_sum3A_661 : i1 to vector<16xi1>
      %reduce_sum3A_663 = tpu.scan <sum>, %add3A_645 masked %reduce_sum3A_662 : vector<16xf32>, vector<16xi1> -> vector<16xf32>
      %reduce_sum3A_664 = vector.extract %reduce_sum3A_663[15] : f32 from vector<16xf32>
      %broadcast_in_dim3A_665 = vector.broadcast %reduce_sum3A_664 : f32 to vector<16xf32>
      %select_n3A_666 = arith.select %eq3A_648, %broadcast_in_dim3A_665, %select_n3A_578 : vector<16xi1>, vector<16xf32>
      %slice3A_667 = vector.extract_strided_slice %and3A_229 {offsets = [5], sizes = [1], strides = [1]} : vector<16xi32> to vector<1xi32>
      %squeeze3A_668 = vector.extract %slice3A_667[0] : i32 from vector<1xi32>
      %mul3A_669 = arith.constant 4 : i32
      %mul3A_670 = arith.muli %add3A_201, %mul3A_669 : i32
      %add3A_671 = arith.constant 2 : i32
      %add3A_672 = arith.addi %mul3A_670, %add3A_671 : i32
      %get3A_673 = arith.index_cast %add3A_672 : i32 to index
      %get3A_674 = arith.constant 64 : index
      %get3A_675 = tpu.vector_load %arg11[%get3A_673, %get3A_674] {strides = array<i32>} : memref<256x128xf32, #tpu.memory_space<vmem>>, vector<16xf32>,
      %get3A_676 = arith.index_cast %add3A_672 : i32 to index
      %get3A_677 = arith.constant 80 : index
      %get3A_678 = tpu.vector_load %arg11[%get3A_676, %get3A_677] {strides = array<i32>} : memref<256x128xf32, #tpu.memory_space<vmem>>, vector<16xf32>,
      %get3A_679 = arith.index_cast %add3A_672 : i32 to index
      %get3A_680 = arith.constant 96 : index
      %get3A_681 = tpu.vector_load %arg11[%get3A_679, %get3A_680] {strides = array<i32>} : memref<256x128xf32, #tpu.memory_space<vmem>>, vector<16xf32>,
      %get3A_682 = arith.index_cast %add3A_672 : i32 to index
      %get3A_683 = arith.constant 112 : index
      %get3A_684 = tpu.vector_load %arg11[%get3A_682, %get3A_683] {strides = array<i32>} : memref<256x128xf32, #tpu.memory_space<vmem>>, vector<16xf32>,
      %get3A_685 = arith.constant 0 : i32
      %get3A_686 = arith.constant 5 : i32
      %get3A_687 = arith.index_cast %get3A_685 : i32 to index
      %get3A_688 = arith.index_cast %get3A_686 : i32 to index
      %get3A_689 = arith.index_cast %squeeze3A_668 : i32 to index
      %get3A_690 = arith.constant 0 : index
      %get3A_691 = tpu.vector_load %arg10[%get3A_687, %get3A_688, %get3A_689, %get3A_690] {strides = array<i32>} : memref<2x8x8x64xf32, #tpu.memory_space<vmem>>, vector<16xf32>,
      %get3A_692 = arith.constant 0 : i32
      %get3A_693 = arith.constant 5 : i32
      %get3A_694 = arith.index_cast %get3A_692 : i32 to index
      %get3A_695 = arith.index_cast %get3A_693 : i32 to index
      %get3A_696 = arith.index_cast %squeeze3A_668 : i32 to index
      %get3A_697 = arith.constant 16 : index
      %get3A_698 = tpu.vector_load %arg10[%get3A_694, %get3A_695, %get3A_696, %get3A_697] {strides = array<i32>} : memref<2x8x8x64xf32, #tpu.memory_space<vmem>>, vector<16xf32>,
      %get3A_699 = arith.constant 0 : i32
      %get3A_700 = arith.constant 5 : i32
      %get3A_701 = arith.index_cast %get3A_699 : i32 to index
      %get3A_702 = arith.index_cast %get3A_700 : i32 to index
      %get3A_703 = arith.index_cast %squeeze3A_668 : i32 to index
      %get3A_704 = arith.constant 32 : index
      %get3A_705 = tpu.vector_load %arg10[%get3A_701, %get3A_702, %get3A_703, %get3A_704] {strides = array<i32>} : memref<2x8x8x64xf32, #tpu.memory_space<vmem>>, vector<16xf32>,
      %get3A_706 = arith.constant 0 : i32
      %get3A_707 = arith.constant 5 : i32
      %get3A_708 = arith.index_cast %get3A_706 : i32 to index
      %get3A_709 = arith.index_cast %get3A_707 : i32 to index
      %get3A_710 = arith.index_cast %squeeze3A_668 : i32 to index
      %get3A_711 = arith.constant 48 : index
      %get3A_712 = tpu.vector_load %arg10[%get3A_708, %get3A_709, %get3A_710, %get3A_711] {strides = array<i32>} : memref<2x8x8x64xf32, #tpu.memory_space<vmem>>, vector<16xf32>,
      %mul3A_713 = arith.mulf %get3A_675, %get3A_691 : vector<16xf32>
      %mul3A_714 = arith.mulf %get3A_675, %get3A_675 : vector<16xf32>
      %mul3A_715 = arith.mulf %get3A_691, %get3A_691 : vector<16xf32>
      %mul3A_716 = arith.mulf %get3A_678, %get3A_698 : vector<16xf32>
      %add3A_717 = arith.addf %mul3A_713, %mul3A_716 : vector<16xf32>
      %mul3A_718 = arith.mulf %get3A_678, %get3A_678 : vector<16xf32>
      %add3A_719 = arith.addf %mul3A_714, %mul3A_718 : vector<16xf32>
      %mul3A_720 = arith.mulf %get3A_698, %get3A_698 : vector<16xf32>
      %add3A_721 = arith.addf %mul3A_715, %mul3A_720 : vector<16xf32>
      %mul3A_722 = arith.mulf %get3A_681, %get3A_705 : vector<16xf32>
      %add3A_723 = arith.addf %add3A_717, %mul3A_722 : vector<16xf32>
      %mul3A_724 = arith.mulf %get3A_681, %get3A_681 : vector<16xf32>
      %add3A_725 = arith.addf %add3A_719, %mul3A_724 : vector<16xf32>
      %mul3A_726 = arith.mulf %get3A_705, %get3A_705 : vector<16xf32>
      %add3A_727 = arith.addf %add3A_721, %mul3A_726 : vector<16xf32>
      %mul3A_728 = arith.mulf %get3A_684, %get3A_712 : vector<16xf32>
      %add3A_729 = arith.addf %add3A_723, %mul3A_728 : vector<16xf32>
      %mul3A_730 = arith.mulf %get3A_684, %get3A_684 : vector<16xf32>
      %add3A_731 = arith.addf %add3A_725, %mul3A_730 : vector<16xf32>
      %mul3A_732 = arith.mulf %get3A_712, %get3A_712 : vector<16xf32>
      %add3A_733 = arith.addf %add3A_727, %mul3A_732 : vector<16xf32>
      %eq3A_734 = arith.constant 5 : i32
      %eq3A_735 = vector.broadcast %eq3A_734 : i32 to vector<16xi32>
      %eq3A_736 = arith.cmpi eq, %iota3A, %eq3A_735 : vector<16xi32>
      %reduce_sum3A_737 = arith.constant true
      %reduce_sum3A_738 = vector.broadcast %reduce_sum3A_737 : i1 to vector<16xi1>
      %reduce_sum3A_739 = tpu.scan <sum>, %add3A_729 masked %reduce_sum3A_738 : vector<16xf32>, vector<16xi1> -> vector<16xf32>
      %reduce_sum3A_740 = vector.extract %reduce_sum3A_739[15] : f32 from vector<16xf32>
      %broadcast_in_dim3A_741 = vector.broadcast %reduce_sum3A_740 : f32 to vector<16xf32>
      %select_n3A_742 = arith.select %eq3A_736, %broadcast_in_dim3A_741, %select_n3A_654 : vector<16xi1>, vector<16xf32>
      %reduce_sum3A_743 = arith.constant true
      %reduce_sum3A_744 = vector.broadcast %reduce_sum3A_743 : i1 to vector<16xi1>
      %reduce_sum3A_745 = tpu.scan <sum>, %add3A_731 masked %reduce_sum3A_744 : vector<16xf32>, vector<16xi1> -> vector<16xf32>
      %reduce_sum3A_746 = vector.extract %reduce_sum3A_745[15] : f32 from vector<16xf32>
      %broadcast_in_dim3A_747 = vector.broadcast %reduce_sum3A_746 : f32 to vector<16xf32>
      %select_n3A_748 = arith.select %eq3A_736, %broadcast_in_dim3A_747, %select_n3A_660 : vector<16xi1>, vector<16xf32>
      %reduce_sum3A_749 = arith.constant true
      %reduce_sum3A_750 = vector.broadcast %reduce_sum3A_749 : i1 to vector<16xi1>
      %reduce_sum3A_751 = tpu.scan <sum>, %add3A_733 masked %reduce_sum3A_750 : vector<16xf32>, vector<16xi1> -> vector<16xf32>
      %reduce_sum3A_752 = vector.extract %reduce_sum3A_751[15] : f32 from vector<16xf32>
      %broadcast_in_dim3A_753 = vector.broadcast %reduce_sum3A_752 : f32 to vector<16xf32>
      %select_n3A_754 = arith.select %eq3A_736, %broadcast_in_dim3A_753, %select_n3A_666 : vector<16xi1>, vector<16xf32>
      %slice3A_755 = vector.extract_strided_slice %and3A_229 {offsets = [6], sizes = [1], strides = [1]} : vector<16xi32> to vector<1xi32>
      %squeeze3A_756 = vector.extract %slice3A_755[0] : i32 from vector<1xi32>
      %mul3A_757 = arith.constant 4 : i32
      %mul3A_758 = arith.muli %add3A_201, %mul3A_757 : i32
      %add3A_759 = arith.constant 3 : i32
      %add3A_760 = arith.addi %mul3A_758, %add3A_759 : i32
      %get3A_761 = arith.index_cast %add3A_760 : i32 to index
      %get3A_762 = arith.constant 0 : index
      %get3A_763 = tpu.vector_load %arg11[%get3A_761, %get3A_762] {strides = array<i32>} : memref<256x128xf32, #tpu.memory_space<vmem>>, vector<16xf32>,
      %get3A_764 = arith.index_cast %add3A_760 : i32 to index
      %get3A_765 = arith.constant 16 : index
      %get3A_766 = tpu.vector_load %arg11[%get3A_764, %get3A_765] {strides = array<i32>} : memref<256x128xf32, #tpu.memory_space<vmem>>, vector<16xf32>,
      %get3A_767 = arith.index_cast %add3A_760 : i32 to index
      %get3A_768 = arith.constant 32 : index
      %get3A_769 = tpu.vector_load %arg11[%get3A_767, %get3A_768] {strides = array<i32>} : memref<256x128xf32, #tpu.memory_space<vmem>>, vector<16xf32>,
      %get3A_770 = arith.index_cast %add3A_760 : i32 to index
      %get3A_771 = arith.constant 48 : index
      %get3A_772 = tpu.vector_load %arg11[%get3A_770, %get3A_771] {strides = array<i32>} : memref<256x128xf32, #tpu.memory_space<vmem>>, vector<16xf32>,
      %get3A_773 = arith.constant 0 : i32
      %get3A_774 = arith.constant 6 : i32
      %get3A_775 = arith.index_cast %get3A_773 : i32 to index
      %get3A_776 = arith.index_cast %get3A_774 : i32 to index
      %get3A_777 = arith.index_cast %squeeze3A_756 : i32 to index
      %get3A_778 = arith.constant 0 : index
      %get3A_779 = tpu.vector_load %arg10[%get3A_775, %get3A_776, %get3A_777, %get3A_778] {strides = array<i32>} : memref<2x8x8x64xf32, #tpu.memory_space<vmem>>, vector<16xf32>,
      %get3A_780 = arith.constant 0 : i32
      %get3A_781 = arith.constant 6 : i32
      %get3A_782 = arith.index_cast %get3A_780 : i32 to index
      %get3A_783 = arith.index_cast %get3A_781 : i32 to index
      %get3A_784 = arith.index_cast %squeeze3A_756 : i32 to index
      %get3A_785 = arith.constant 16 : index
      %get3A_786 = tpu.vector_load %arg10[%get3A_782, %get3A_783, %get3A_784, %get3A_785] {strides = array<i32>} : memref<2x8x8x64xf32, #tpu.memory_space<vmem>>, vector<16xf32>,
      %get3A_787 = arith.constant 0 : i32
      %get3A_788 = arith.constant 6 : i32
      %get3A_789 = arith.index_cast %get3A_787 : i32 to index
      %get3A_790 = arith.index_cast %get3A_788 : i32 to index
      %get3A_791 = arith.index_cast %squeeze3A_756 : i32 to index
      %get3A_792 = arith.constant 32 : index
      %get3A_793 = tpu.vector_load %arg10[%get3A_789, %get3A_790, %get3A_791, %get3A_792] {strides = array<i32>} : memref<2x8x8x64xf32, #tpu.memory_space<vmem>>, vector<16xf32>,
      %get3A_794 = arith.constant 0 : i32
      %get3A_795 = arith.constant 6 : i32
      %get3A_796 = arith.index_cast %get3A_794 : i32 to index
      %get3A_797 = arith.index_cast %get3A_795 : i32 to index
      %get3A_798 = arith.index_cast %squeeze3A_756 : i32 to index
      %get3A_799 = arith.constant 48 : index
      %get3A_800 = tpu.vector_load %arg10[%get3A_796, %get3A_797, %get3A_798, %get3A_799] {strides = array<i32>} : memref<2x8x8x64xf32, #tpu.memory_space<vmem>>, vector<16xf32>,
      %mul3A_801 = arith.mulf %get3A_763, %get3A_779 : vector<16xf32>
      %mul3A_802 = arith.mulf %get3A_763, %get3A_763 : vector<16xf32>
      %mul3A_803 = arith.mulf %get3A_779, %get3A_779 : vector<16xf32>
      %mul3A_804 = arith.mulf %get3A_766, %get3A_786 : vector<16xf32>
      %add3A_805 = arith.addf %mul3A_801, %mul3A_804 : vector<16xf32>
      %mul3A_806 = arith.mulf %get3A_766, %get3A_766 : vector<16xf32>
      %add3A_807 = arith.addf %mul3A_802, %mul3A_806 : vector<16xf32>
      %mul3A_808 = arith.mulf %get3A_786, %get3A_786 : vector<16xf32>
      %add3A_809 = arith.addf %mul3A_803, %mul3A_808 : vector<16xf32>
      %mul3A_810 = arith.mulf %get3A_769, %get3A_793 : vector<16xf32>
      %add3A_811 = arith.addf %add3A_805, %mul3A_810 : vector<16xf32>
      %mul3A_812 = arith.mulf %get3A_769, %get3A_769 : vector<16xf32>
      %add3A_813 = arith.addf %add3A_807, %mul3A_812 : vector<16xf32>
      %mul3A_814 = arith.mulf %get3A_793, %get3A_793 : vector<16xf32>
      %add3A_815 = arith.addf %add3A_809, %mul3A_814 : vector<16xf32>
      %mul3A_816 = arith.mulf %get3A_772, %get3A_800 : vector<16xf32>
      %add3A_817 = arith.addf %add3A_811, %mul3A_816 : vector<16xf32>
      %mul3A_818 = arith.mulf %get3A_772, %get3A_772 : vector<16xf32>
      %add3A_819 = arith.addf %add3A_813, %mul3A_818 : vector<16xf32>
      %mul3A_820 = arith.mulf %get3A_800, %get3A_800 : vector<16xf32>
      %add3A_821 = arith.addf %add3A_815, %mul3A_820 : vector<16xf32>
      %eq3A_822 = arith.constant 6 : i32
      %eq3A_823 = vector.broadcast %eq3A_822 : i32 to vector<16xi32>
      %eq3A_824 = arith.cmpi eq, %iota3A, %eq3A_823 : vector<16xi32>
      %reduce_sum3A_825 = arith.constant true
      %reduce_sum3A_826 = vector.broadcast %reduce_sum3A_825 : i1 to vector<16xi1>
      %reduce_sum3A_827 = tpu.scan <sum>, %add3A_817 masked %reduce_sum3A_826 : vector<16xf32>, vector<16xi1> -> vector<16xf32>
      %reduce_sum3A_828 = vector.extract %reduce_sum3A_827[15] : f32 from vector<16xf32>
      %broadcast_in_dim3A_829 = vector.broadcast %reduce_sum3A_828 : f32 to vector<16xf32>
      %select_n3A_830 = arith.select %eq3A_824, %broadcast_in_dim3A_829, %select_n3A_742 : vector<16xi1>, vector<16xf32>
      %reduce_sum3A_831 = arith.constant true
      %reduce_sum3A_832 = vector.broadcast %reduce_sum3A_831 : i1 to vector<16xi1>
      %reduce_sum3A_833 = tpu.scan <sum>, %add3A_819 masked %reduce_sum3A_832 : vector<16xf32>, vector<16xi1> -> vector<16xf32>
      %reduce_sum3A_834 = vector.extract %reduce_sum3A_833[15] : f32 from vector<16xf32>
      %broadcast_in_dim3A_835 = vector.broadcast %reduce_sum3A_834 : f32 to vector<16xf32>
      %select_n3A_836 = arith.select %eq3A_824, %broadcast_in_dim3A_835, %select_n3A_748 : vector<16xi1>, vector<16xf32>
      %reduce_sum3A_837 = arith.constant true
      %reduce_sum3A_838 = vector.broadcast %reduce_sum3A_837 : i1 to vector<16xi1>
      %reduce_sum3A_839 = tpu.scan <sum>, %add3A_821 masked %reduce_sum3A_838 : vector<16xf32>, vector<16xi1> -> vector<16xf32>
      %reduce_sum3A_840 = vector.extract %reduce_sum3A_839[15] : f32 from vector<16xf32>
      %broadcast_in_dim3A_841 = vector.broadcast %reduce_sum3A_840 : f32 to vector<16xf32>
      %select_n3A_842 = arith.select %eq3A_824, %broadcast_in_dim3A_841, %select_n3A_754 : vector<16xi1>, vector<16xf32>
      %slice3A_843 = vector.extract_strided_slice %and3A_229 {offsets = [7], sizes = [1], strides = [1]} : vector<16xi32> to vector<1xi32>
      %squeeze3A_844 = vector.extract %slice3A_843[0] : i32 from vector<1xi32>
      %mul3A_845 = arith.constant 4 : i32
      %mul3A_846 = arith.muli %add3A_201, %mul3A_845 : i32
      %add3A_847 = arith.constant 3 : i32
      %add3A_848 = arith.addi %mul3A_846, %add3A_847 : i32
      %get3A_849 = arith.index_cast %add3A_848 : i32 to index
      %get3A_850 = arith.constant 64 : index
      %get3A_851 = tpu.vector_load %arg11[%get3A_849, %get3A_850] {strides = array<i32>} : memref<256x128xf32, #tpu.memory_space<vmem>>, vector<16xf32>,
      %get3A_852 = arith.index_cast %add3A_848 : i32 to index
      %get3A_853 = arith.constant 80 : index
      %get3A_854 = tpu.vector_load %arg11[%get3A_852, %get3A_853] {strides = array<i32>} : memref<256x128xf32, #tpu.memory_space<vmem>>, vector<16xf32>,
      %get3A_855 = arith.index_cast %add3A_848 : i32 to index
      %get3A_856 = arith.constant 96 : index
      %get3A_857 = tpu.vector_load %arg11[%get3A_855, %get3A_856] {strides = array<i32>} : memref<256x128xf32, #tpu.memory_space<vmem>>, vector<16xf32>,
      %get3A_858 = arith.index_cast %add3A_848 : i32 to index
      %get3A_859 = arith.constant 112 : index
      %get3A_860 = tpu.vector_load %arg11[%get3A_858, %get3A_859] {strides = array<i32>} : memref<256x128xf32, #tpu.memory_space<vmem>>, vector<16xf32>,
      %get3A_861 = arith.constant 0 : i32
      %get3A_862 = arith.constant 7 : i32
      %get3A_863 = arith.index_cast %get3A_861 : i32 to index
      %get3A_864 = arith.index_cast %get3A_862 : i32 to index
      %get3A_865 = arith.index_cast %squeeze3A_844 : i32 to index
      %get3A_866 = arith.constant 0 : index
      %get3A_867 = tpu.vector_load %arg10[%get3A_863, %get3A_864, %get3A_865, %get3A_866] {strides = array<i32>} : memref<2x8x8x64xf32, #tpu.memory_space<vmem>>, vector<16xf32>,
      %get3A_868 = arith.constant 0 : i32
      %get3A_869 = arith.constant 7 : i32
      %get3A_870 = arith.index_cast %get3A_868 : i32 to index
      %get3A_871 = arith.index_cast %get3A_869 : i32 to index
      %get3A_872 = arith.index_cast %squeeze3A_844 : i32 to index
      %get3A_873 = arith.constant 16 : index
      %get3A_874 = tpu.vector_load %arg10[%get3A_870, %get3A_871, %get3A_872, %get3A_873] {strides = array<i32>} : memref<2x8x8x64xf32, #tpu.memory_space<vmem>>, vector<16xf32>,
      %get3A_875 = arith.constant 0 : i32
      %get3A_876 = arith.constant 7 : i32
      %get3A_877 = arith.index_cast %get3A_875 : i32 to index
      %get3A_878 = arith.index_cast %get3A_876 : i32 to index
      %get3A_879 = arith.index_cast %squeeze3A_844 : i32 to index
      %get3A_880 = arith.constant 32 : index
      %get3A_881 = tpu.vector_load %arg10[%get3A_877, %get3A_878, %get3A_879, %get3A_880] {strides = array<i32>} : memref<2x8x8x64xf32, #tpu.memory_space<vmem>>, vector<16xf32>,
      %get3A_882 = arith.constant 0 : i32
      %get3A_883 = arith.constant 7 : i32
      %get3A_884 = arith.index_cast %get3A_882 : i32 to index
      %get3A_885 = arith.index_cast %get3A_883 : i32 to index
      %get3A_886 = arith.index_cast %squeeze3A_844 : i32 to index
      %get3A_887 = arith.constant 48 : index
      %get3A_888 = tpu.vector_load %arg10[%get3A_884, %get3A_885, %get3A_886, %get3A_887] {strides = array<i32>} : memref<2x8x8x64xf32, #tpu.memory_space<vmem>>, vector<16xf32>,
      %mul3A_889 = arith.mulf %get3A_851, %get3A_867 : vector<16xf32>
      %mul3A_890 = arith.mulf %get3A_851, %get3A_851 : vector<16xf32>
      %mul3A_891 = arith.mulf %get3A_867, %get3A_867 : vector<16xf32>
      %mul3A_892 = arith.mulf %get3A_854, %get3A_874 : vector<16xf32>
      %add3A_893 = arith.addf %mul3A_889, %mul3A_892 : vector<16xf32>
      %mul3A_894 = arith.mulf %get3A_854, %get3A_854 : vector<16xf32>
      %add3A_895 = arith.addf %mul3A_890, %mul3A_894 : vector<16xf32>
      %mul3A_896 = arith.mulf %get3A_874, %get3A_874 : vector<16xf32>
      %add3A_897 = arith.addf %mul3A_891, %mul3A_896 : vector<16xf32>
      %mul3A_898 = arith.mulf %get3A_857, %get3A_881 : vector<16xf32>
      %add3A_899 = arith.addf %add3A_893, %mul3A_898 : vector<16xf32>
      %mul3A_900 = arith.mulf %get3A_857, %get3A_857 : vector<16xf32>
      %add3A_901 = arith.addf %add3A_895, %mul3A_900 : vector<16xf32>
      %mul3A_902 = arith.mulf %get3A_881, %get3A_881 : vector<16xf32>
      %add3A_903 = arith.addf %add3A_897, %mul3A_902 : vector<16xf32>
      %mul3A_904 = arith.mulf %get3A_860, %get3A_888 : vector<16xf32>
      %add3A_905 = arith.addf %add3A_899, %mul3A_904 : vector<16xf32>
      %mul3A_906 = arith.mulf %get3A_860, %get3A_860 : vector<16xf32>
      %add3A_907 = arith.addf %add3A_901, %mul3A_906 : vector<16xf32>
      %mul3A_908 = arith.mulf %get3A_888, %get3A_888 : vector<16xf32>
      %add3A_909 = arith.addf %add3A_903, %mul3A_908 : vector<16xf32>
      %eq3A_910 = arith.constant 7 : i32
      %eq3A_911 = vector.broadcast %eq3A_910 : i32 to vector<16xi32>
      %eq3A_912 = arith.cmpi eq, %iota3A, %eq3A_911 : vector<16xi32>
      %reduce_sum3A_913 = arith.constant true
      %reduce_sum3A_914 = vector.broadcast %reduce_sum3A_913 : i1 to vector<16xi1>
      %reduce_sum3A_915 = tpu.scan <sum>, %add3A_905 masked %reduce_sum3A_914 : vector<16xf32>, vector<16xi1> -> vector<16xf32>
      %reduce_sum3A_916 = vector.extract %reduce_sum3A_915[15] : f32 from vector<16xf32>
      %broadcast_in_dim3A_917 = vector.broadcast %reduce_sum3A_916 : f32 to vector<16xf32>
      %select_n3A_918 = arith.select %eq3A_912, %broadcast_in_dim3A_917, %select_n3A_830 : vector<16xi1>, vector<16xf32>
      %reduce_sum3A_919 = arith.constant true
      %reduce_sum3A_920 = vector.broadcast %reduce_sum3A_919 : i1 to vector<16xi1>
      %reduce_sum3A_921 = tpu.scan <sum>, %add3A_907 masked %reduce_sum3A_920 : vector<16xf32>, vector<16xi1> -> vector<16xf32>
      %reduce_sum3A_922 = vector.extract %reduce_sum3A_921[15] : f32 from vector<16xf32>
      %broadcast_in_dim3A_923 = vector.broadcast %reduce_sum3A_922 : f32 to vector<16xf32>
      %select_n3A_924 = arith.select %eq3A_912, %broadcast_in_dim3A_923, %select_n3A_836 : vector<16xi1>, vector<16xf32>
      %reduce_sum3A_925 = arith.constant true
      %reduce_sum3A_926 = vector.broadcast %reduce_sum3A_925 : i1 to vector<16xi1>
      %reduce_sum3A_927 = tpu.scan <sum>, %add3A_909 masked %reduce_sum3A_926 : vector<16xf32>, vector<16xi1> -> vector<16xf32>
      %reduce_sum3A_928 = vector.extract %reduce_sum3A_927[15] : f32 from vector<16xf32>
      %broadcast_in_dim3A_929 = vector.broadcast %reduce_sum3A_928 : f32 to vector<16xf32>
      %select_n3A_930 = arith.select %eq3A_912, %broadcast_in_dim3A_929, %select_n3A_842 : vector<16xi1>, vector<16xf32>
      %mul3A_931 = arith.constant 2 : i32
      %mul3A_932 = arith.muli %scan3A_191, %mul3A_931 : i32
      %add3A_933 = arith.constant 1 : i32
      %add3A_934 = arith.addi %mul3A_932, %add3A_933 : i32
      %add3A_935 = arith.constant 1 : i32
      %add3A_936 = arith.addi %add3A_934, %add3A_935 : i32
      %lt3A_937 = arith.constant 64 : i32
      %lt3A_938 = arith.cmpi slt, %add3A_936, %lt3A_937 : i32
      %convert_element_type3A_939 = arith.extui %lt3A_938 : i1 to i32
      %cond3A_940 = arith.constant 0 : i32
      %cond3A_941 = arith.cmpi ne, %convert_element_type3A_939, %cond3A_940 : i32
      scf.if %cond3A_941 {
        %add3A_1709 = arith.constant 1 : i32
        %add3A_1710 = arith.addi %add3A_934, %add3A_1709 : i32
        %mul3A_1711 = arith.constant 8 : i32
        %mul3A_1712 = arith.muli %add3A_1710, %mul3A_1711 : i32
        %get3A_1713 = arith.index_cast %mul3A_1712 : i32 to index
        %get3A_1714 = tpu.vector_load %arg8[%get3A_1713] {strides = array<i32>} : memref<528xi32, #tpu.memory_space<vmem>>, vector<16xi32>,
        %shift_right_logical3A_1715 = arith.constant 3 : i32
        %shift_right_logical3A_1716 = vector.broadcast %shift_right_logical3A_1715 : i32 to vector<16xi32>
        %shift_right_logical3A_1717 = arith.shrui %get3A_1714, %shift_right_logical3A_1716 : vector<16xi32>
        %slice3A_1718 = vector.extract_strided_slice %shift_right_logical3A_1717 {offsets = [0], sizes = [1], strides = [1]} : vector<16xi32> to vector<1xi32>
        %squeeze3A_1719 = vector.extract %slice3A_1718[0] : i32 from vector<1xi32>
        %dma_start3A_1720 = arith.constant 0 : i32
        %dma_start3A_1721 = arith.constant 0 : i32
        %dma_start3A_1722 = arith.constant 0 : i32
        %dma_start3A_1723 = arith.constant 0 : i32
        %dma_start3A_1724 = tpu.memref_slice %arg10[%dma_start3A_1720, %dma_start3A_1721, %dma_start3A_1722, %dma_start3A_1723] : memref<2x8x8x64xf32, #tpu.memory_space<vmem>> -> memref<1x1x8x64xf32, #tpu.memory_space<vmem>>
        %dma_start3A_1725 = tpu.memref_squeeze %dma_start3A_1724 : memref<1x1x8x64xf32, #tpu.memory_space<vmem>> -> memref<8x64xf32, #tpu.memory_space<vmem>>
        %dma_start3A_1726 = arith.constant 0 : i32
        %dma_start3A_1727 = arith.constant 0 : i32
        %dma_start3A_1728 = tpu.memref_slice %arg5[%squeeze3A_1719, %dma_start3A_1726, %dma_start3A_1727] : memref<12500x8x64xf32, #tpu.memory_space<hbm>> -> memref<1x8x64xf32, #tpu.memory_space<hbm>>
        %dma_start3A_1729 = tpu.memref_squeeze %dma_start3A_1728 : memref<1x8x64xf32, #tpu.memory_space<hbm>> -> memref<8x64xf32, #tpu.memory_space<hbm>>
        %dma_start3A_1730 = arith.constant 0 : i32
        %dma_start3A_1731 = arith.constant 0 : i32
        %dma_start3A_1732 = tpu.memref_slice %arg10[%dma_start3A_1720, %dma_start3A_1721, %dma_start3A_1730, %dma_start3A_1731] : memref<2x8x8x64xf32, #tpu.memory_space<vmem>> -> memref<1x1x8x64xf32, #tpu.memory_space<vmem>>
        %dma_start3A_1733 = tpu.memref_squeeze %dma_start3A_1732 : memref<1x1x8x64xf32, #tpu.memory_space<vmem>> -> memref<8x64xf32, #tpu.memory_space<vmem>>
        %dma_start3A_1734 = arith.constant 0 : i32
        %dma_start3A_1735 = arith.constant 0 : i32
        %dma_start3A_1736 = tpu.memref_slice %arg5[%squeeze3A_1719, %dma_start3A_1734, %dma_start3A_1735] : memref<12500x8x64xf32, #tpu.memory_space<hbm>> -> memref<1x8x64xf32, #tpu.memory_space<hbm>>
        %dma_start3A_1737 = tpu.memref_squeeze %dma_start3A_1736 : memref<1x8x64xf32, #tpu.memory_space<hbm>> -> memref<8x64xf32, #tpu.memory_space<hbm>>
        tpu.enqueue_dma source(%dma_start3A_1737 : memref<8x64xf32, #tpu.memory_space<hbm>>) target(%dma_start3A_1733 : memref<8x64xf32, #tpu.memory_space<vmem>>) target_semaphore(%arg21 : memref<!tpu.dma_semaphore, #tpu.memory_space<semaphore_mem>>)
        %slice3A_1738 = vector.extract_strided_slice %shift_right_logical3A_1717 {offsets = [1], sizes = [1], strides = [1]} : vector<16xi32> to vector<1xi32>
        %squeeze3A_1739 = vector.extract %slice3A_1738[0] : i32 from vector<1xi32>
        %dma_start3A_1740 = arith.constant 0 : i32
        %dma_start3A_1741 = arith.constant 1 : i32
        %dma_start3A_1742 = arith.constant 0 : i32
        %dma_start3A_1743 = arith.constant 0 : i32
        %dma_start3A_1744 = tpu.memref_slice %arg10[%dma_start3A_1740, %dma_start3A_1741, %dma_start3A_1742, %dma_start3A_1743] : memref<2x8x8x64xf32, #tpu.memory_space<vmem>> -> memref<1x1x8x64xf32, #tpu.memory_space<vmem>>
        %dma_start3A_1745 = tpu.memref_squeeze %dma_start3A_1744 : memref<1x1x8x64xf32, #tpu.memory_space<vmem>> -> memref<8x64xf32, #tpu.memory_space<vmem>>
        %dma_start3A_1746 = arith.constant 0 : i32
        %dma_start3A_1747 = arith.constant 0 : i32
        %dma_start3A_1748 = tpu.memref_slice %arg5[%squeeze3A_1739, %dma_start3A_1746, %dma_start3A_1747] : memref<12500x8x64xf32, #tpu.memory_space<hbm>> -> memref<1x8x64xf32, #tpu.memory_space<hbm>>
        %dma_start3A_1749 = tpu.memref_squeeze %dma_start3A_1748 : memref<1x8x64xf32, #tpu.memory_space<hbm>> -> memref<8x64xf32, #tpu.memory_space<hbm>>
        %dma_start3A_1750 = arith.constant 0 : i32
        %dma_start3A_1751 = arith.constant 0 : i32
        %dma_start3A_1752 = tpu.memref_slice %arg10[%dma_start3A_1740, %dma_start3A_1741, %dma_start3A_1750, %dma_start3A_1751] : memref<2x8x8x64xf32, #tpu.memory_space<vmem>> -> memref<1x1x8x64xf32, #tpu.memory_space<vmem>>
        %dma_start3A_1753 = tpu.memref_squeeze %dma_start3A_1752 : memref<1x1x8x64xf32, #tpu.memory_space<vmem>> -> memref<8x64xf32, #tpu.memory_space<vmem>>
        %dma_start3A_1754 = arith.constant 0 : i32
        %dma_start3A_1755 = arith.constant 0 : i32
        %dma_start3A_1756 = tpu.memref_slice %arg5[%squeeze3A_1739, %dma_start3A_1754, %dma_start3A_1755] : memref<12500x8x64xf32, #tpu.memory_space<hbm>> -> memref<1x8x64xf32, #tpu.memory_space<hbm>>
        %dma_start3A_1757 = tpu.memref_squeeze %dma_start3A_1756 : memref<1x8x64xf32, #tpu.memory_space<hbm>> -> memref<8x64xf32, #tpu.memory_space<hbm>>
        tpu.enqueue_dma source(%dma_start3A_1757 : memref<8x64xf32, #tpu.memory_space<hbm>>) target(%dma_start3A_1753 : memref<8x64xf32, #tpu.memory_space<vmem>>) target_semaphore(%arg21 : memref<!tpu.dma_semaphore, #tpu.memory_space<semaphore_mem>>)
        %slice3A_1758 = vector.extract_strided_slice %shift_right_logical3A_1717 {offsets = [2], sizes = [1], strides = [1]} : vector<16xi32> to vector<1xi32>
        %squeeze3A_1759 = vector.extract %slice3A_1758[0] : i32 from vector<1xi32>
        %dma_start3A_1760 = arith.constant 0 : i32
        %dma_start3A_1761 = arith.constant 2 : i32
        %dma_start3A_1762 = arith.constant 0 : i32
        %dma_start3A_1763 = arith.constant 0 : i32
        %dma_start3A_1764 = tpu.memref_slice %arg10[%dma_start3A_1760, %dma_start3A_1761, %dma_start3A_1762, %dma_start3A_1763] : memref<2x8x8x64xf32, #tpu.memory_space<vmem>> -> memref<1x1x8x64xf32, #tpu.memory_space<vmem>>
        %dma_start3A_1765 = tpu.memref_squeeze %dma_start3A_1764 : memref<1x1x8x64xf32, #tpu.memory_space<vmem>> -> memref<8x64xf32, #tpu.memory_space<vmem>>
        %dma_start3A_1766 = arith.constant 0 : i32
        %dma_start3A_1767 = arith.constant 0 : i32
        %dma_start3A_1768 = tpu.memref_slice %arg5[%squeeze3A_1759, %dma_start3A_1766, %dma_start3A_1767] : memref<12500x8x64xf32, #tpu.memory_space<hbm>> -> memref<1x8x64xf32, #tpu.memory_space<hbm>>
        %dma_start3A_1769 = tpu.memref_squeeze %dma_start3A_1768 : memref<1x8x64xf32, #tpu.memory_space<hbm>> -> memref<8x64xf32, #tpu.memory_space<hbm>>
        %dma_start3A_1770 = arith.constant 0 : i32
        %dma_start3A_1771 = arith.constant 0 : i32
        %dma_start3A_1772 = tpu.memref_slice %arg10[%dma_start3A_1760, %dma_start3A_1761, %dma_start3A_1770, %dma_start3A_1771] : memref<2x8x8x64xf32, #tpu.memory_space<vmem>> -> memref<1x1x8x64xf32, #tpu.memory_space<vmem>>
        %dma_start3A_1773 = tpu.memref_squeeze %dma_start3A_1772 : memref<1x1x8x64xf32, #tpu.memory_space<vmem>> -> memref<8x64xf32, #tpu.memory_space<vmem>>
        %dma_start3A_1774 = arith.constant 0 : i32
        %dma_start3A_1775 = arith.constant 0 : i32
        %dma_start3A_1776 = tpu.memref_slice %arg5[%squeeze3A_1759, %dma_start3A_1774, %dma_start3A_1775] : memref<12500x8x64xf32, #tpu.memory_space<hbm>> -> memref<1x8x64xf32, #tpu.memory_space<hbm>>
        %dma_start3A_1777 = tpu.memref_squeeze %dma_start3A_1776 : memref<1x8x64xf32, #tpu.memory_space<hbm>> -> memref<8x64xf32, #tpu.memory_space<hbm>>
        tpu.enqueue_dma source(%dma_start3A_1777 : memref<8x64xf32, #tpu.memory_space<hbm>>) target(%dma_start3A_1773 : memref<8x64xf32, #tpu.memory_space<vmem>>) target_semaphore(%arg21 : memref<!tpu.dma_semaphore, #tpu.memory_space<semaphore_mem>>)
        %slice3A_1778 = vector.extract_strided_slice %shift_right_logical3A_1717 {offsets = [3], sizes = [1], strides = [1]} : vector<16xi32> to vector<1xi32>
        %squeeze3A_1779 = vector.extract %slice3A_1778[0] : i32 from vector<1xi32>
        %dma_start3A_1780 = arith.constant 0 : i32
        %dma_start3A_1781 = arith.constant 3 : i32
        %dma_start3A_1782 = arith.constant 0 : i32
        %dma_start3A_1783 = arith.constant 0 : i32
        %dma_start3A_1784 = tpu.memref_slice %arg10[%dma_start3A_1780, %dma_start3A_1781, %dma_start3A_1782, %dma_start3A_1783] : memref<2x8x8x64xf32, #tpu.memory_space<vmem>> -> memref<1x1x8x64xf32, #tpu.memory_space<vmem>>
        %dma_start3A_1785 = tpu.memref_squeeze %dma_start3A_1784 : memref<1x1x8x64xf32, #tpu.memory_space<vmem>> -> memref<8x64xf32, #tpu.memory_space<vmem>>
        %dma_start3A_1786 = arith.constant 0 : i32
        %dma_start3A_1787 = arith.constant 0 : i32
        %dma_start3A_1788 = tpu.memref_slice %arg5[%squeeze3A_1779, %dma_start3A_1786, %dma_start3A_1787] : memref<12500x8x64xf32, #tpu.memory_space<hbm>> -> memref<1x8x64xf32, #tpu.memory_space<hbm>>
        %dma_start3A_1789 = tpu.memref_squeeze %dma_start3A_1788 : memref<1x8x64xf32, #tpu.memory_space<hbm>> -> memref<8x64xf32, #tpu.memory_space<hbm>>
        %dma_start3A_1790 = arith.constant 0 : i32
        %dma_start3A_1791 = arith.constant 0 : i32
        %dma_start3A_1792 = tpu.memref_slice %arg10[%dma_start3A_1780, %dma_start3A_1781, %dma_start3A_1790, %dma_start3A_1791] : memref<2x8x8x64xf32, #tpu.memory_space<vmem>> -> memref<1x1x8x64xf32, #tpu.memory_space<vmem>>
        %dma_start3A_1793 = tpu.memref_squeeze %dma_start3A_1792 : memref<1x1x8x64xf32, #tpu.memory_space<vmem>> -> memref<8x64xf32, #tpu.memory_space<vmem>>
        %dma_start3A_1794 = arith.constant 0 : i32
        %dma_start3A_1795 = arith.constant 0 : i32
        %dma_start3A_1796 = tpu.memref_slice %arg5[%squeeze3A_1779, %dma_start3A_1794, %dma_start3A_1795] : memref<12500x8x64xf32, #tpu.memory_space<hbm>> -> memref<1x8x64xf32, #tpu.memory_space<hbm>>
        %dma_start3A_1797 = tpu.memref_squeeze %dma_start3A_1796 : memref<1x8x64xf32, #tpu.memory_space<hbm>> -> memref<8x64xf32, #tpu.memory_space<hbm>>
        tpu.enqueue_dma source(%dma_start3A_1797 : memref<8x64xf32, #tpu.memory_space<hbm>>) target(%dma_start3A_1793 : memref<8x64xf32, #tpu.memory_space<vmem>>) target_semaphore(%arg21 : memref<!tpu.dma_semaphore, #tpu.memory_space<semaphore_mem>>)
        %slice3A_1798 = vector.extract_strided_slice %shift_right_logical3A_1717 {offsets = [4], sizes = [1], strides = [1]} : vector<16xi32> to vector<1xi32>
        %squeeze3A_1799 = vector.extract %slice3A_1798[0] : i32 from vector<1xi32>
        %dma_start3A_1800 = arith.constant 0 : i32
        %dma_start3A_1801 = arith.constant 4 : i32
        %dma_start3A_1802 = arith.constant 0 : i32
        %dma_start3A_1803 = arith.constant 0 : i32
        %dma_start3A_1804 = tpu.memref_slice %arg10[%dma_start3A_1800, %dma_start3A_1801, %dma_start3A_1802, %dma_start3A_1803] : memref<2x8x8x64xf32, #tpu.memory_space<vmem>> -> memref<1x1x8x64xf32, #tpu.memory_space<vmem>>
        %dma_start3A_1805 = tpu.memref_squeeze %dma_start3A_1804 : memref<1x1x8x64xf32, #tpu.memory_space<vmem>> -> memref<8x64xf32, #tpu.memory_space<vmem>>
        %dma_start3A_1806 = arith.constant 0 : i32
        %dma_start3A_1807 = arith.constant 0 : i32
        %dma_start3A_1808 = tpu.memref_slice %arg5[%squeeze3A_1799, %dma_start3A_1806, %dma_start3A_1807] : memref<12500x8x64xf32, #tpu.memory_space<hbm>> -> memref<1x8x64xf32, #tpu.memory_space<hbm>>
        %dma_start3A_1809 = tpu.memref_squeeze %dma_start3A_1808 : memref<1x8x64xf32, #tpu.memory_space<hbm>> -> memref<8x64xf32, #tpu.memory_space<hbm>>
        %dma_start3A_1810 = arith.constant 0 : i32
        %dma_start3A_1811 = arith.constant 0 : i32
        %dma_start3A_1812 = tpu.memref_slice %arg10[%dma_start3A_1800, %dma_start3A_1801, %dma_start3A_1810, %dma_start3A_1811] : memref<2x8x8x64xf32, #tpu.memory_space<vmem>> -> memref<1x1x8x64xf32, #tpu.memory_space<vmem>>
        %dma_start3A_1813 = tpu.memref_squeeze %dma_start3A_1812 : memref<1x1x8x64xf32, #tpu.memory_space<vmem>> -> memref<8x64xf32, #tpu.memory_space<vmem>>
        %dma_start3A_1814 = arith.constant 0 : i32
        %dma_start3A_1815 = arith.constant 0 : i32
        %dma_start3A_1816 = tpu.memref_slice %arg5[%squeeze3A_1799, %dma_start3A_1814, %dma_start3A_1815] : memref<12500x8x64xf32, #tpu.memory_space<hbm>> -> memref<1x8x64xf32, #tpu.memory_space<hbm>>
        %dma_start3A_1817 = tpu.memref_squeeze %dma_start3A_1816 : memref<1x8x64xf32, #tpu.memory_space<hbm>> -> memref<8x64xf32, #tpu.memory_space<hbm>>
        tpu.enqueue_dma source(%dma_start3A_1817 : memref<8x64xf32, #tpu.memory_space<hbm>>) target(%dma_start3A_1813 : memref<8x64xf32, #tpu.memory_space<vmem>>) target_semaphore(%arg21 : memref<!tpu.dma_semaphore, #tpu.memory_space<semaphore_mem>>)
        %slice3A_1818 = vector.extract_strided_slice %shift_right_logical3A_1717 {offsets = [5], sizes = [1], strides = [1]} : vector<16xi32> to vector<1xi32>
        %squeeze3A_1819 = vector.extract %slice3A_1818[0] : i32 from vector<1xi32>
        %dma_start3A_1820 = arith.constant 0 : i32
        %dma_start3A_1821 = arith.constant 5 : i32
        %dma_start3A_1822 = arith.constant 0 : i32
        %dma_start3A_1823 = arith.constant 0 : i32
        %dma_start3A_1824 = tpu.memref_slice %arg10[%dma_start3A_1820, %dma_start3A_1821, %dma_start3A_1822, %dma_start3A_1823] : memref<2x8x8x64xf32, #tpu.memory_space<vmem>> -> memref<1x1x8x64xf32, #tpu.memory_space<vmem>>
        %dma_start3A_1825 = tpu.memref_squeeze %dma_start3A_1824 : memref<1x1x8x64xf32, #tpu.memory_space<vmem>> -> memref<8x64xf32, #tpu.memory_space<vmem>>
        %dma_start3A_1826 = arith.constant 0 : i32
        %dma_start3A_1827 = arith.constant 0 : i32
        %dma_start3A_1828 = tpu.memref_slice %arg5[%squeeze3A_1819, %dma_start3A_1826, %dma_start3A_1827] : memref<12500x8x64xf32, #tpu.memory_space<hbm>> -> memref<1x8x64xf32, #tpu.memory_space<hbm>>
        %dma_start3A_1829 = tpu.memref_squeeze %dma_start3A_1828 : memref<1x8x64xf32, #tpu.memory_space<hbm>> -> memref<8x64xf32, #tpu.memory_space<hbm>>
        %dma_start3A_1830 = arith.constant 0 : i32
        %dma_start3A_1831 = arith.constant 0 : i32
        %dma_start3A_1832 = tpu.memref_slice %arg10[%dma_start3A_1820, %dma_start3A_1821, %dma_start3A_1830, %dma_start3A_1831] : memref<2x8x8x64xf32, #tpu.memory_space<vmem>> -> memref<1x1x8x64xf32, #tpu.memory_space<vmem>>
        %dma_start3A_1833 = tpu.memref_squeeze %dma_start3A_1832 : memref<1x1x8x64xf32, #tpu.memory_space<vmem>> -> memref<8x64xf32, #tpu.memory_space<vmem>>
        %dma_start3A_1834 = arith.constant 0 : i32
        %dma_start3A_1835 = arith.constant 0 : i32
        %dma_start3A_1836 = tpu.memref_slice %arg5[%squeeze3A_1819, %dma_start3A_1834, %dma_start3A_1835] : memref<12500x8x64xf32, #tpu.memory_space<hbm>> -> memref<1x8x64xf32, #tpu.memory_space<hbm>>
        %dma_start3A_1837 = tpu.memref_squeeze %dma_start3A_1836 : memref<1x8x64xf32, #tpu.memory_space<hbm>> -> memref<8x64xf32, #tpu.memory_space<hbm>>
        tpu.enqueue_dma source(%dma_start3A_1837 : memref<8x64xf32, #tpu.memory_space<hbm>>) target(%dma_start3A_1833 : memref<8x64xf32, #tpu.memory_space<vmem>>) target_semaphore(%arg21 : memref<!tpu.dma_semaphore, #tpu.memory_space<semaphore_mem>>)
        %slice3A_1838 = vector.extract_strided_slice %shift_right_logical3A_1717 {offsets = [6], sizes = [1], strides = [1]} : vector<16xi32> to vector<1xi32>
        %squeeze3A_1839 = vector.extract %slice3A_1838[0] : i32 from vector<1xi32>
        %dma_start3A_1840 = arith.constant 0 : i32
        %dma_start3A_1841 = arith.constant 6 : i32
        %dma_start3A_1842 = arith.constant 0 : i32
        %dma_start3A_1843 = arith.constant 0 : i32
        %dma_start3A_1844 = tpu.memref_slice %arg10[%dma_start3A_1840, %dma_start3A_1841, %dma_start3A_1842, %dma_start3A_1843] : memref<2x8x8x64xf32, #tpu.memory_space<vmem>> -> memref<1x1x8x64xf32, #tpu.memory_space<vmem>>
        %dma_start3A_1845 = tpu.memref_squeeze %dma_start3A_1844 : memref<1x1x8x64xf32, #tpu.memory_space<vmem>> -> memref<8x64xf32, #tpu.memory_space<vmem>>
        %dma_start3A_1846 = arith.constant 0 : i32
        %dma_start3A_1847 = arith.constant 0 : i32
        %dma_start3A_1848 = tpu.memref_slice %arg5[%squeeze3A_1839, %dma_start3A_1846, %dma_start3A_1847] : memref<12500x8x64xf32, #tpu.memory_space<hbm>> -> memref<1x8x64xf32, #tpu.memory_space<hbm>>
        %dma_start3A_1849 = tpu.memref_squeeze %dma_start3A_1848 : memref<1x8x64xf32, #tpu.memory_space<hbm>> -> memref<8x64xf32, #tpu.memory_space<hbm>>
        %dma_start3A_1850 = arith.constant 0 : i32
        %dma_start3A_1851 = arith.constant 0 : i32
        %dma_start3A_1852 = tpu.memref_slice %arg10[%dma_start3A_1840, %dma_start3A_1841, %dma_start3A_1850, %dma_start3A_1851] : memref<2x8x8x64xf32, #tpu.memory_space<vmem>> -> memref<1x1x8x64xf32, #tpu.memory_space<vmem>>
        %dma_start3A_1853 = tpu.memref_squeeze %dma_start3A_1852 : memref<1x1x8x64xf32, #tpu.memory_space<vmem>> -> memref<8x64xf32, #tpu.memory_space<vmem>>
        %dma_start3A_1854 = arith.constant 0 : i32
        %dma_start3A_1855 = arith.constant 0 : i32
        %dma_start3A_1856 = tpu.memref_slice %arg5[%squeeze3A_1839, %dma_start3A_1854, %dma_start3A_1855] : memref<12500x8x64xf32, #tpu.memory_space<hbm>> -> memref<1x8x64xf32, #tpu.memory_space<hbm>>
        %dma_start3A_1857 = tpu.memref_squeeze %dma_start3A_1856 : memref<1x8x64xf32, #tpu.memory_space<hbm>> -> memref<8x64xf32, #tpu.memory_space<hbm>>
        tpu.enqueue_dma source(%dma_start3A_1857 : memref<8x64xf32, #tpu.memory_space<hbm>>) target(%dma_start3A_1853 : memref<8x64xf32, #tpu.memory_space<vmem>>) target_semaphore(%arg21 : memref<!tpu.dma_semaphore, #tpu.memory_space<semaphore_mem>>)
        %slice3A_1858 = vector.extract_strided_slice %shift_right_logical3A_1717 {offsets = [7], sizes = [1], strides = [1]} : vector<16xi32> to vector<1xi32>
        %squeeze3A_1859 = vector.extract %slice3A_1858[0] : i32 from vector<1xi32>
        %dma_start3A_1860 = arith.constant 0 : i32
        %dma_start3A_1861 = arith.constant 7 : i32
        %dma_start3A_1862 = arith.constant 0 : i32
        %dma_start3A_1863 = arith.constant 0 : i32
        %dma_start3A_1864 = tpu.memref_slice %arg10[%dma_start3A_1860, %dma_start3A_1861, %dma_start3A_1862, %dma_start3A_1863] : memref<2x8x8x64xf32, #tpu.memory_space<vmem>> -> memref<1x1x8x64xf32, #tpu.memory_space<vmem>>
        %dma_start3A_1865 = tpu.memref_squeeze %dma_start3A_1864 : memref<1x1x8x64xf32, #tpu.memory_space<vmem>> -> memref<8x64xf32, #tpu.memory_space<vmem>>
        %dma_start3A_1866 = arith.constant 0 : i32
        %dma_start3A_1867 = arith.constant 0 : i32
        %dma_start3A_1868 = tpu.memref_slice %arg5[%squeeze3A_1859, %dma_start3A_1866, %dma_start3A_1867] : memref<12500x8x64xf32, #tpu.memory_space<hbm>> -> memref<1x8x64xf32, #tpu.memory_space<hbm>>
        %dma_start3A_1869 = tpu.memref_squeeze %dma_start3A_1868 : memref<1x8x64xf32, #tpu.memory_space<hbm>> -> memref<8x64xf32, #tpu.memory_space<hbm>>
        %dma_start3A_1870 = arith.constant 0 : i32
        %dma_start3A_1871 = arith.constant 0 : i32
        %dma_start3A_1872 = tpu.memref_slice %arg10[%dma_start3A_1860, %dma_start3A_1861, %dma_start3A_1870, %dma_start3A_1871] : memref<2x8x8x64xf32, #tpu.memory_space<vmem>> -> memref<1x1x8x64xf32, #tpu.memory_space<vmem>>
        %dma_start3A_1873 = tpu.memref_squeeze %dma_start3A_1872 : memref<1x1x8x64xf32, #tpu.memory_space<vmem>> -> memref<8x64xf32, #tpu.memory_space<vmem>>
        %dma_start3A_1874 = arith.constant 0 : i32
        %dma_start3A_1875 = arith.constant 0 : i32
        %dma_start3A_1876 = tpu.memref_slice %arg5[%squeeze3A_1859, %dma_start3A_1874, %dma_start3A_1875] : memref<12500x8x64xf32, #tpu.memory_space<hbm>> -> memref<1x8x64xf32, #tpu.memory_space<hbm>>
        %dma_start3A_1877 = tpu.memref_squeeze %dma_start3A_1876 : memref<1x8x64xf32, #tpu.memory_space<hbm>> -> memref<8x64xf32, #tpu.memory_space<hbm>>
        tpu.enqueue_dma source(%dma_start3A_1877 : memref<8x64xf32, #tpu.memory_space<hbm>>) target(%dma_start3A_1873 : memref<8x64xf32, #tpu.memory_space<vmem>>) target_semaphore(%arg21 : memref<!tpu.dma_semaphore, #tpu.memory_space<semaphore_mem>>)
      } else {
      }
      %dma_wait3A_942 = arith.constant 1 : i32
      %dma_wait3A_943 = arith.constant 0 : i32
      %dma_wait3A_944 = arith.constant 0 : i32
      %dma_wait3A_945 = arith.constant 0 : i32
      %dma_wait3A_946 = tpu.memref_slice %arg10[%dma_wait3A_942, %dma_wait3A_943, %dma_wait3A_944, %dma_wait3A_945] : memref<2x8x8x64xf32, #tpu.memory_space<vmem>> -> memref<1x8x8x64xf32, #tpu.memory_space<vmem>>
      %dma_wait3A_947 = tpu.memref_squeeze %dma_wait3A_946 : memref<1x8x8x64xf32, #tpu.memory_space<vmem>> -> memref<8x8x64xf32, #tpu.memory_space<vmem>>
      %dma_wait3A_948 = arith.constant 0 : i32
      %dma_wait3A_949 = arith.constant 0 : i32
      %dma_wait3A_950 = arith.constant 0 : i32
      %dma_wait3A_951 = tpu.memref_slice %arg5[%dma_wait3A_948, %dma_wait3A_949, %dma_wait3A_950] : memref<12500x8x64xf32, #tpu.memory_space<hbm>> -> memref<8x8x64xf32, #tpu.memory_space<hbm>>
      %dma_wait3A_952 = arith.constant 0 : i32
      %dma_wait3A_953 = arith.constant 0 : i32
      %dma_wait3A_954 = arith.constant 0 : i32
      %dma_wait3A_955 = tpu.memref_slice %arg10[%dma_wait3A_942, %dma_wait3A_952, %dma_wait3A_953, %dma_wait3A_954] : memref<2x8x8x64xf32, #tpu.memory_space<vmem>> -> memref<1x8x8x64xf32, #tpu.memory_space<vmem>>
      %dma_wait3A_956 = tpu.memref_squeeze %dma_wait3A_955 : memref<1x8x8x64xf32, #tpu.memory_space<vmem>> -> memref<8x8x64xf32, #tpu.memory_space<vmem>>
      %dma_wait3A_957 = arith.constant 0 : i32
      %dma_wait3A_958 = arith.constant 0 : i32
      %dma_wait3A_959 = arith.constant 0 : i32
      %dma_wait3A_960 = tpu.memref_slice %arg5[%dma_wait3A_957, %dma_wait3A_958, %dma_wait3A_959] : memref<12500x8x64xf32, #tpu.memory_space<hbm>> -> memref<8x8x64xf32, #tpu.memory_space<hbm>>
      tpu.wait_dma2 semaphore(%arg22 : memref<!tpu.dma_semaphore, #tpu.memory_space<semaphore_mem>>) src(%dma_wait3A_960 : memref<8x8x64xf32, #tpu.memory_space<hbm>>) dst(%dma_wait3A_956 : memref<8x8x64xf32, #tpu.memory_space<vmem>>)
      %mul3A_961 = arith.constant 8 : i32
      %mul3A_962 = arith.muli %add3A_934, %mul3A_961 : i32
      %get3A_963 = arith.index_cast %mul3A_962 : i32 to index
      %get3A_964 = tpu.vector_load %arg8[%get3A_963] {strides = array<i32>} : memref<528xi32, #tpu.memory_space<vmem>>, vector<16xi32>,
      %and3A_965 = arith.constant 7 : i32
      %and3A_966 = vector.broadcast %and3A_965 : i32 to vector<16xi32>
      %and3A_967 = arith.andi %get3A_964, %and3A_966 : vector<16xi32>
      %slice3A_968 = vector.extract_strided_slice %and3A_967 {offsets = [0], sizes = [1], strides = [1]} : vector<16xi32> to vector<1xi32>
      %squeeze3A_969 = vector.extract %slice3A_968[0] : i32 from vector<1xi32>
      %mul3A_970 = arith.constant 4 : i32
      %mul3A_971 = arith.muli %add3A_934, %mul3A_970 : i32
      %add3A_972 = arith.constant 0 : i32
      %add3A_973 = arith.addi %mul3A_971, %add3A_972 : i32
      %get3A_974 = arith.index_cast %add3A_973 : i32 to index
      %get3A_975 = arith.constant 0 : index
      %get3A_976 = tpu.vector_load %arg11[%get3A_974, %get3A_975] {strides = array<i32>} : memref<256x128xf32, #tpu.memory_space<vmem>>, vector<16xf32>,
      %get3A_977 = arith.index_cast %add3A_973 : i32 to index
      %get3A_978 = arith.constant 16 : index
      %get3A_979 = tpu.vector_load %arg11[%get3A_977, %get3A_978] {strides = array<i32>} : memref<256x128xf32, #tpu.memory_space<vmem>>, vector<16xf32>,
      %get3A_980 = arith.index_cast %add3A_973 : i32 to index
      %get3A_981 = arith.constant 32 : index
      %get3A_982 = tpu.vector_load %arg11[%get3A_980, %get3A_981] {strides = array<i32>} : memref<256x128xf32, #tpu.memory_space<vmem>>, vector<16xf32>,
      %get3A_983 = arith.index_cast %add3A_973 : i32 to index
      %get3A_984 = arith.constant 48 : index
      %get3A_985 = tpu.vector_load %arg11[%get3A_983, %get3A_984] {strides = array<i32>} : memref<256x128xf32, #tpu.memory_space<vmem>>, vector<16xf32>,
      %get3A_986 = arith.constant 1 : i32
      %get3A_987 = arith.constant 0 : i32
      %get3A_988 = arith.index_cast %get3A_986 : i32 to index
      %get3A_989 = arith.index_cast %get3A_987 : i32 to index
      %get3A_990 = arith.index_cast %squeeze3A_969 : i32 to index
      %get3A_991 = arith.constant 0 : index
      %get3A_992 = tpu.vector_load %arg10[%get3A_988, %get3A_989, %get3A_990, %get3A_991] {strides = array<i32>} : memref<2x8x8x64xf32, #tpu.memory_space<vmem>>, vector<16xf32>,
      %get3A_993 = arith.constant 1 : i32
      %get3A_994 = arith.constant 0 : i32
      %get3A_995 = arith.index_cast %get3A_993 : i32 to index
      %get3A_996 = arith.index_cast %get3A_994 : i32 to index
      %get3A_997 = arith.index_cast %squeeze3A_969 : i32 to index
      %get3A_998 = arith.constant 16 : index
      %get3A_999 = tpu.vector_load %arg10[%get3A_995, %get3A_996, %get3A_997, %get3A_998] {strides = array<i32>} : memref<2x8x8x64xf32, #tpu.memory_space<vmem>>, vector<16xf32>,
      %get3A_1000 = arith.constant 1 : i32
      %get3A_1001 = arith.constant 0 : i32
      %get3A_1002 = arith.index_cast %get3A_1000 : i32 to index
      %get3A_1003 = arith.index_cast %get3A_1001 : i32 to index
      %get3A_1004 = arith.index_cast %squeeze3A_969 : i32 to index
      %get3A_1005 = arith.constant 32 : index
      %get3A_1006 = tpu.vector_load %arg10[%get3A_1002, %get3A_1003, %get3A_1004, %get3A_1005] {strides = array<i32>} : memref<2x8x8x64xf32, #tpu.memory_space<vmem>>, vector<16xf32>,
      %get3A_1007 = arith.constant 1 : i32
      %get3A_1008 = arith.constant 0 : i32
      %get3A_1009 = arith.index_cast %get3A_1007 : i32 to index
      %get3A_1010 = arith.index_cast %get3A_1008 : i32 to index
      %get3A_1011 = arith.index_cast %squeeze3A_969 : i32 to index
      %get3A_1012 = arith.constant 48 : index
      %get3A_1013 = tpu.vector_load %arg10[%get3A_1009, %get3A_1010, %get3A_1011, %get3A_1012] {strides = array<i32>} : memref<2x8x8x64xf32, #tpu.memory_space<vmem>>, vector<16xf32>,
      %mul3A_1014 = arith.mulf %get3A_976, %get3A_992 : vector<16xf32>
      %mul3A_1015 = arith.mulf %get3A_976, %get3A_976 : vector<16xf32>
      %mul3A_1016 = arith.mulf %get3A_992, %get3A_992 : vector<16xf32>
      %mul3A_1017 = arith.mulf %get3A_979, %get3A_999 : vector<16xf32>
      %add3A_1018 = arith.addf %mul3A_1014, %mul3A_1017 : vector<16xf32>
      %mul3A_1019 = arith.mulf %get3A_979, %get3A_979 : vector<16xf32>
      %add3A_1020 = arith.addf %mul3A_1015, %mul3A_1019 : vector<16xf32>
      %mul3A_1021 = arith.mulf %get3A_999, %get3A_999 : vector<16xf32>
      %add3A_1022 = arith.addf %mul3A_1016, %mul3A_1021 : vector<16xf32>
      %mul3A_1023 = arith.mulf %get3A_982, %get3A_1006 : vector<16xf32>
      %add3A_1024 = arith.addf %add3A_1018, %mul3A_1023 : vector<16xf32>
      %mul3A_1025 = arith.mulf %get3A_982, %get3A_982 : vector<16xf32>
      %add3A_1026 = arith.addf %add3A_1020, %mul3A_1025 : vector<16xf32>
      %mul3A_1027 = arith.mulf %get3A_1006, %get3A_1006 : vector<16xf32>
      %add3A_1028 = arith.addf %add3A_1022, %mul3A_1027 : vector<16xf32>
      %mul3A_1029 = arith.mulf %get3A_985, %get3A_1013 : vector<16xf32>
      %add3A_1030 = arith.addf %add3A_1024, %mul3A_1029 : vector<16xf32>
      %mul3A_1031 = arith.mulf %get3A_985, %get3A_985 : vector<16xf32>
      %add3A_1032 = arith.addf %add3A_1026, %mul3A_1031 : vector<16xf32>
      %mul3A_1033 = arith.mulf %get3A_1013, %get3A_1013 : vector<16xf32>
      %add3A_1034 = arith.addf %add3A_1028, %mul3A_1033 : vector<16xf32>
      %eq3A_1035 = arith.constant 8 : i32
      %eq3A_1036 = vector.broadcast %eq3A_1035 : i32 to vector<16xi32>
      %eq3A_1037 = arith.cmpi eq, %iota3A, %eq3A_1036 : vector<16xi32>
      %reduce_sum3A_1038 = arith.constant true
      %reduce_sum3A_1039 = vector.broadcast %reduce_sum3A_1038 : i1 to vector<16xi1>
      %reduce_sum3A_1040 = tpu.scan <sum>, %add3A_1030 masked %reduce_sum3A_1039 : vector<16xf32>, vector<16xi1> -> vector<16xf32>
      %reduce_sum3A_1041 = vector.extract %reduce_sum3A_1040[15] : f32 from vector<16xf32>
      %broadcast_in_dim3A_1042 = vector.broadcast %reduce_sum3A_1041 : f32 to vector<16xf32>
      %select_n3A_1043 = arith.select %eq3A_1037, %broadcast_in_dim3A_1042, %select_n3A_918 : vector<16xi1>, vector<16xf32>
      %reduce_sum3A_1044 = arith.constant true
      %reduce_sum3A_1045 = vector.broadcast %reduce_sum3A_1044 : i1 to vector<16xi1>
      %reduce_sum3A_1046 = tpu.scan <sum>, %add3A_1032 masked %reduce_sum3A_1045 : vector<16xf32>, vector<16xi1> -> vector<16xf32>
      %reduce_sum3A_1047 = vector.extract %reduce_sum3A_1046[15] : f32 from vector<16xf32>
      %broadcast_in_dim3A_1048 = vector.broadcast %reduce_sum3A_1047 : f32 to vector<16xf32>
      %select_n3A_1049 = arith.select %eq3A_1037, %broadcast_in_dim3A_1048, %select_n3A_924 : vector<16xi1>, vector<16xf32>
      %reduce_sum3A_1050 = arith.constant true
      %reduce_sum3A_1051 = vector.broadcast %reduce_sum3A_1050 : i1 to vector<16xi1>
      %reduce_sum3A_1052 = tpu.scan <sum>, %add3A_1034 masked %reduce_sum3A_1051 : vector<16xf32>, vector<16xi1> -> vector<16xf32>
      %reduce_sum3A_1053 = vector.extract %reduce_sum3A_1052[15] : f32 from vector<16xf32>
      %broadcast_in_dim3A_1054 = vector.broadcast %reduce_sum3A_1053 : f32 to vector<16xf32>
      %select_n3A_1055 = arith.select %eq3A_1037, %broadcast_in_dim3A_1054, %select_n3A_930 : vector<16xi1>, vector<16xf32>
      %slice3A_1056 = vector.extract_strided_slice %and3A_967 {offsets = [1], sizes = [1], strides = [1]} : vector<16xi32> to vector<1xi32>
      %squeeze3A_1057 = vector.extract %slice3A_1056[0] : i32 from vector<1xi32>
      %mul3A_1058 = arith.constant 4 : i32
      %mul3A_1059 = arith.muli %add3A_934, %mul3A_1058 : i32
      %add3A_1060 = arith.constant 0 : i32
      %add3A_1061 = arith.addi %mul3A_1059, %add3A_1060 : i32
      %get3A_1062 = arith.index_cast %add3A_1061 : i32 to index
      %get3A_1063 = arith.constant 64 : index
      %get3A_1064 = tpu.vector_load %arg11[%get3A_1062, %get3A_1063] {strides = array<i32>} : memref<256x128xf32, #tpu.memory_space<vmem>>, vector<16xf32>,
      %get3A_1065 = arith.index_cast %add3A_1061 : i32 to index
      %get3A_1066 = arith.constant 80 : index
      %get3A_1067 = tpu.vector_load %arg11[%get3A_1065, %get3A_1066] {strides = array<i32>} : memref<256x128xf32, #tpu.memory_space<vmem>>, vector<16xf32>,
      %get3A_1068 = arith.index_cast %add3A_1061 : i32 to index
      %get3A_1069 = arith.constant 96 : index
      %get3A_1070 = tpu.vector_load %arg11[%get3A_1068, %get3A_1069] {strides = array<i32>} : memref<256x128xf32, #tpu.memory_space<vmem>>, vector<16xf32>,
      %get3A_1071 = arith.index_cast %add3A_1061 : i32 to index
      %get3A_1072 = arith.constant 112 : index
      %get3A_1073 = tpu.vector_load %arg11[%get3A_1071, %get3A_1072] {strides = array<i32>} : memref<256x128xf32, #tpu.memory_space<vmem>>, vector<16xf32>,
      %get3A_1074 = arith.constant 1 : i32
      %get3A_1075 = arith.constant 1 : i32
      %get3A_1076 = arith.index_cast %get3A_1074 : i32 to index
      %get3A_1077 = arith.index_cast %get3A_1075 : i32 to index
      %get3A_1078 = arith.index_cast %squeeze3A_1057 : i32 to index
      %get3A_1079 = arith.constant 0 : index
      %get3A_1080 = tpu.vector_load %arg10[%get3A_1076, %get3A_1077, %get3A_1078, %get3A_1079] {strides = array<i32>} : memref<2x8x8x64xf32, #tpu.memory_space<vmem>>, vector<16xf32>,
      %get3A_1081 = arith.constant 1 : i32
      %get3A_1082 = arith.constant 1 : i32
      %get3A_1083 = arith.index_cast %get3A_1081 : i32 to index
      %get3A_1084 = arith.index_cast %get3A_1082 : i32 to index
      %get3A_1085 = arith.index_cast %squeeze3A_1057 : i32 to index
      %get3A_1086 = arith.constant 16 : index
      %get3A_1087 = tpu.vector_load %arg10[%get3A_1083, %get3A_1084, %get3A_1085, %get3A_1086] {strides = array<i32>} : memref<2x8x8x64xf32, #tpu.memory_space<vmem>>, vector<16xf32>,
      %get3A_1088 = arith.constant 1 : i32
      %get3A_1089 = arith.constant 1 : i32
      %get3A_1090 = arith.index_cast %get3A_1088 : i32 to index
      %get3A_1091 = arith.index_cast %get3A_1089 : i32 to index
      %get3A_1092 = arith.index_cast %squeeze3A_1057 : i32 to index
      %get3A_1093 = arith.constant 32 : index
      %get3A_1094 = tpu.vector_load %arg10[%get3A_1090, %get3A_1091, %get3A_1092, %get3A_1093] {strides = array<i32>} : memref<2x8x8x64xf32, #tpu.memory_space<vmem>>, vector<16xf32>,
      %get3A_1095 = arith.constant 1 : i32
      %get3A_1096 = arith.constant 1 : i32
      %get3A_1097 = arith.index_cast %get3A_1095 : i32 to index
      %get3A_1098 = arith.index_cast %get3A_1096 : i32 to index
      %get3A_1099 = arith.index_cast %squeeze3A_1057 : i32 to index
      %get3A_1100 = arith.constant 48 : index
      %get3A_1101 = tpu.vector_load %arg10[%get3A_1097, %get3A_1098, %get3A_1099, %get3A_1100] {strides = array<i32>} : memref<2x8x8x64xf32, #tpu.memory_space<vmem>>, vector<16xf32>,
      %mul3A_1102 = arith.mulf %get3A_1064, %get3A_1080 : vector<16xf32>
      %mul3A_1103 = arith.mulf %get3A_1064, %get3A_1064 : vector<16xf32>
      %mul3A_1104 = arith.mulf %get3A_1080, %get3A_1080 : vector<16xf32>
      %mul3A_1105 = arith.mulf %get3A_1067, %get3A_1087 : vector<16xf32>
      %add3A_1106 = arith.addf %mul3A_1102, %mul3A_1105 : vector<16xf32>
      %mul3A_1107 = arith.mulf %get3A_1067, %get3A_1067 : vector<16xf32>
      %add3A_1108 = arith.addf %mul3A_1103, %mul3A_1107 : vector<16xf32>
      %mul3A_1109 = arith.mulf %get3A_1087, %get3A_1087 : vector<16xf32>
      %add3A_1110 = arith.addf %mul3A_1104, %mul3A_1109 : vector<16xf32>
      %mul3A_1111 = arith.mulf %get3A_1070, %get3A_1094 : vector<16xf32>
      %add3A_1112 = arith.addf %add3A_1106, %mul3A_1111 : vector<16xf32>
      %mul3A_1113 = arith.mulf %get3A_1070, %get3A_1070 : vector<16xf32>
      %add3A_1114 = arith.addf %add3A_1108, %mul3A_1113 : vector<16xf32>
      %mul3A_1115 = arith.mulf %get3A_1094, %get3A_1094 : vector<16xf32>
      %add3A_1116 = arith.addf %add3A_1110, %mul3A_1115 : vector<16xf32>
      %mul3A_1117 = arith.mulf %get3A_1073, %get3A_1101 : vector<16xf32>
      %add3A_1118 = arith.addf %add3A_1112, %mul3A_1117 : vector<16xf32>
      %mul3A_1119 = arith.mulf %get3A_1073, %get3A_1073 : vector<16xf32>
      %add3A_1120 = arith.addf %add3A_1114, %mul3A_1119 : vector<16xf32>
      %mul3A_1121 = arith.mulf %get3A_1101, %get3A_1101 : vector<16xf32>
      %add3A_1122 = arith.addf %add3A_1116, %mul3A_1121 : vector<16xf32>
      %eq3A_1123 = arith.constant 9 : i32
      %eq3A_1124 = vector.broadcast %eq3A_1123 : i32 to vector<16xi32>
      %eq3A_1125 = arith.cmpi eq, %iota3A, %eq3A_1124 : vector<16xi32>
      %reduce_sum3A_1126 = arith.constant true
      %reduce_sum3A_1127 = vector.broadcast %reduce_sum3A_1126 : i1 to vector<16xi1>
      %reduce_sum3A_1128 = tpu.scan <sum>, %add3A_1118 masked %reduce_sum3A_1127 : vector<16xf32>, vector<16xi1> -> vector<16xf32>
      %reduce_sum3A_1129 = vector.extract %reduce_sum3A_1128[15] : f32 from vector<16xf32>
      %broadcast_in_dim3A_1130 = vector.broadcast %reduce_sum3A_1129 : f32 to vector<16xf32>
      %select_n3A_1131 = arith.select %eq3A_1125, %broadcast_in_dim3A_1130, %select_n3A_1043 : vector<16xi1>, vector<16xf32>
      %reduce_sum3A_1132 = arith.constant true
      %reduce_sum3A_1133 = vector.broadcast %reduce_sum3A_1132 : i1 to vector<16xi1>
      %reduce_sum3A_1134 = tpu.scan <sum>, %add3A_1120 masked %reduce_sum3A_1133 : vector<16xf32>, vector<16xi1> -> vector<16xf32>
      %reduce_sum3A_1135 = vector.extract %reduce_sum3A_1134[15] : f32 from vector<16xf32>
      %broadcast_in_dim3A_1136 = vector.broadcast %reduce_sum3A_1135 : f32 to vector<16xf32>
      %select_n3A_1137 = arith.select %eq3A_1125, %broadcast_in_dim3A_1136, %select_n3A_1049 : vector<16xi1>, vector<16xf32>
      %reduce_sum3A_1138 = arith.constant true
      %reduce_sum3A_1139 = vector.broadcast %reduce_sum3A_1138 : i1 to vector<16xi1>
      %reduce_sum3A_1140 = tpu.scan <sum>, %add3A_1122 masked %reduce_sum3A_1139 : vector<16xf32>, vector<16xi1> -> vector<16xf32>
      %reduce_sum3A_1141 = vector.extract %reduce_sum3A_1140[15] : f32 from vector<16xf32>
      %broadcast_in_dim3A_1142 = vector.broadcast %reduce_sum3A_1141 : f32 to vector<16xf32>
      %select_n3A_1143 = arith.select %eq3A_1125, %broadcast_in_dim3A_1142, %select_n3A_1055 : vector<16xi1>, vector<16xf32>
      %slice3A_1144 = vector.extract_strided_slice %and3A_967 {offsets = [2], sizes = [1], strides = [1]} : vector<16xi32> to vector<1xi32>
      %squeeze3A_1145 = vector.extract %slice3A_1144[0] : i32 from vector<1xi32>
      %mul3A_1146 = arith.constant 4 : i32
      %mul3A_1147 = arith.muli %add3A_934, %mul3A_1146 : i32
      %add3A_1148 = arith.constant 1 : i32
      %add3A_1149 = arith.addi %mul3A_1147, %add3A_1148 : i32
      %get3A_1150 = arith.index_cast %add3A_1149 : i32 to index
      %get3A_1151 = arith.constant 0 : index
      %get3A_1152 = tpu.vector_load %arg11[%get3A_1150, %get3A_1151] {strides = array<i32>} : memref<256x128xf32, #tpu.memory_space<vmem>>, vector<16xf32>,
      %get3A_1153 = arith.index_cast %add3A_1149 : i32 to index
      %get3A_1154 = arith.constant 16 : index
      %get3A_1155 = tpu.vector_load %arg11[%get3A_1153, %get3A_1154] {strides = array<i32>} : memref<256x128xf32, #tpu.memory_space<vmem>>, vector<16xf32>,
      %get3A_1156 = arith.index_cast %add3A_1149 : i32 to index
      %get3A_1157 = arith.constant 32 : index
      %get3A_1158 = tpu.vector_load %arg11[%get3A_1156, %get3A_1157] {strides = array<i32>} : memref<256x128xf32, #tpu.memory_space<vmem>>, vector<16xf32>,
      %get3A_1159 = arith.index_cast %add3A_1149 : i32 to index
      %get3A_1160 = arith.constant 48 : index
      %get3A_1161 = tpu.vector_load %arg11[%get3A_1159, %get3A_1160] {strides = array<i32>} : memref<256x128xf32, #tpu.memory_space<vmem>>, vector<16xf32>,
      %get3A_1162 = arith.constant 1 : i32
      %get3A_1163 = arith.constant 2 : i32
      %get3A_1164 = arith.index_cast %get3A_1162 : i32 to index
      %get3A_1165 = arith.index_cast %get3A_1163 : i32 to index
      %get3A_1166 = arith.index_cast %squeeze3A_1145 : i32 to index
      %get3A_1167 = arith.constant 0 : index
      %get3A_1168 = tpu.vector_load %arg10[%get3A_1164, %get3A_1165, %get3A_1166, %get3A_1167] {strides = array<i32>} : memref<2x8x8x64xf32, #tpu.memory_space<vmem>>, vector<16xf32>,
      %get3A_1169 = arith.constant 1 : i32
      %get3A_1170 = arith.constant 2 : i32
      %get3A_1171 = arith.index_cast %get3A_1169 : i32 to index
      %get3A_1172 = arith.index_cast %get3A_1170 : i32 to index
      %get3A_1173 = arith.index_cast %squeeze3A_1145 : i32 to index
      %get3A_1174 = arith.constant 16 : index
      %get3A_1175 = tpu.vector_load %arg10[%get3A_1171, %get3A_1172, %get3A_1173, %get3A_1174] {strides = array<i32>} : memref<2x8x8x64xf32, #tpu.memory_space<vmem>>, vector<16xf32>,
      %get3A_1176 = arith.constant 1 : i32
      %get3A_1177 = arith.constant 2 : i32
      %get3A_1178 = arith.index_cast %get3A_1176 : i32 to index
      %get3A_1179 = arith.index_cast %get3A_1177 : i32 to index
      %get3A_1180 = arith.index_cast %squeeze3A_1145 : i32 to index
      %get3A_1181 = arith.constant 32 : index
      %get3A_1182 = tpu.vector_load %arg10[%get3A_1178, %get3A_1179, %get3A_1180, %get3A_1181] {strides = array<i32>} : memref<2x8x8x64xf32, #tpu.memory_space<vmem>>, vector<16xf32>,
      %get3A_1183 = arith.constant 1 : i32
      %get3A_1184 = arith.constant 2 : i32
      %get3A_1185 = arith.index_cast %get3A_1183 : i32 to index
      %get3A_1186 = arith.index_cast %get3A_1184 : i32 to index
      %get3A_1187 = arith.index_cast %squeeze3A_1145 : i32 to index
      %get3A_1188 = arith.constant 48 : index
      %get3A_1189 = tpu.vector_load %arg10[%get3A_1185, %get3A_1186, %get3A_1187, %get3A_1188] {strides = array<i32>} : memref<2x8x8x64xf32, #tpu.memory_space<vmem>>, vector<16xf32>,
      %mul3A_1190 = arith.mulf %get3A_1152, %get3A_1168 : vector<16xf32>
      %mul3A_1191 = arith.mulf %get3A_1152, %get3A_1152 : vector<16xf32>
      %mul3A_1192 = arith.mulf %get3A_1168, %get3A_1168 : vector<16xf32>
      %mul3A_1193 = arith.mulf %get3A_1155, %get3A_1175 : vector<16xf32>
      %add3A_1194 = arith.addf %mul3A_1190, %mul3A_1193 : vector<16xf32>
      %mul3A_1195 = arith.mulf %get3A_1155, %get3A_1155 : vector<16xf32>
      %add3A_1196 = arith.addf %mul3A_1191, %mul3A_1195 : vector<16xf32>
      %mul3A_1197 = arith.mulf %get3A_1175, %get3A_1175 : vector<16xf32>
      %add3A_1198 = arith.addf %mul3A_1192, %mul3A_1197 : vector<16xf32>
      %mul3A_1199 = arith.mulf %get3A_1158, %get3A_1182 : vector<16xf32>
      %add3A_1200 = arith.addf %add3A_1194, %mul3A_1199 : vector<16xf32>
      %mul3A_1201 = arith.mulf %get3A_1158, %get3A_1158 : vector<16xf32>
      %add3A_1202 = arith.addf %add3A_1196, %mul3A_1201 : vector<16xf32>
      %mul3A_1203 = arith.mulf %get3A_1182, %get3A_1182 : vector<16xf32>
      %add3A_1204 = arith.addf %add3A_1198, %mul3A_1203 : vector<16xf32>
      %mul3A_1205 = arith.mulf %get3A_1161, %get3A_1189 : vector<16xf32>
      %add3A_1206 = arith.addf %add3A_1200, %mul3A_1205 : vector<16xf32>
      %mul3A_1207 = arith.mulf %get3A_1161, %get3A_1161 : vector<16xf32>
      %add3A_1208 = arith.addf %add3A_1202, %mul3A_1207 : vector<16xf32>
      %mul3A_1209 = arith.mulf %get3A_1189, %get3A_1189 : vector<16xf32>
      %add3A_1210 = arith.addf %add3A_1204, %mul3A_1209 : vector<16xf32>
      %eq3A_1211 = arith.constant 10 : i32
      %eq3A_1212 = vector.broadcast %eq3A_1211 : i32 to vector<16xi32>
      %eq3A_1213 = arith.cmpi eq, %iota3A, %eq3A_1212 : vector<16xi32>
      %reduce_sum3A_1214 = arith.constant true
      %reduce_sum3A_1215 = vector.broadcast %reduce_sum3A_1214 : i1 to vector<16xi1>
      %reduce_sum3A_1216 = tpu.scan <sum>, %add3A_1206 masked %reduce_sum3A_1215 : vector<16xf32>, vector<16xi1> -> vector<16xf32>
      %reduce_sum3A_1217 = vector.extract %reduce_sum3A_1216[15] : f32 from vector<16xf32>
      %broadcast_in_dim3A_1218 = vector.broadcast %reduce_sum3A_1217 : f32 to vector<16xf32>
      %select_n3A_1219 = arith.select %eq3A_1213, %broadcast_in_dim3A_1218, %select_n3A_1131 : vector<16xi1>, vector<16xf32>
      %reduce_sum3A_1220 = arith.constant true
      %reduce_sum3A_1221 = vector.broadcast %reduce_sum3A_1220 : i1 to vector<16xi1>
      %reduce_sum3A_1222 = tpu.scan <sum>, %add3A_1208 masked %reduce_sum3A_1221 : vector<16xf32>, vector<16xi1> -> vector<16xf32>
      %reduce_sum3A_1223 = vector.extract %reduce_sum3A_1222[15] : f32 from vector<16xf32>
      %broadcast_in_dim3A_1224 = vector.broadcast %reduce_sum3A_1223 : f32 to vector<16xf32>
      %select_n3A_1225 = arith.select %eq3A_1213, %broadcast_in_dim3A_1224, %select_n3A_1137 : vector<16xi1>, vector<16xf32>
      %reduce_sum3A_1226 = arith.constant true
      %reduce_sum3A_1227 = vector.broadcast %reduce_sum3A_1226 : i1 to vector<16xi1>
      %reduce_sum3A_1228 = tpu.scan <sum>, %add3A_1210 masked %reduce_sum3A_1227 : vector<16xf32>, vector<16xi1> -> vector<16xf32>
      %reduce_sum3A_1229 = vector.extract %reduce_sum3A_1228[15] : f32 from vector<16xf32>
      %broadcast_in_dim3A_1230 = vector.broadcast %reduce_sum3A_1229 : f32 to vector<16xf32>
      %select_n3A_1231 = arith.select %eq3A_1213, %broadcast_in_dim3A_1230, %select_n3A_1143 : vector<16xi1>, vector<16xf32>
      %slice3A_1232 = vector.extract_strided_slice %and3A_967 {offsets = [3], sizes = [1], strides = [1]} : vector<16xi32> to vector<1xi32>
      %squeeze3A_1233 = vector.extract %slice3A_1232[0] : i32 from vector<1xi32>
      %mul3A_1234 = arith.constant 4 : i32
      %mul3A_1235 = arith.muli %add3A_934, %mul3A_1234 : i32
      %add3A_1236 = arith.constant 1 : i32
      %add3A_1237 = arith.addi %mul3A_1235, %add3A_1236 : i32
      %get3A_1238 = arith.index_cast %add3A_1237 : i32 to index
      %get3A_1239 = arith.constant 64 : index
      %get3A_1240 = tpu.vector_load %arg11[%get3A_1238, %get3A_1239] {strides = array<i32>} : memref<256x128xf32, #tpu.memory_space<vmem>>, vector<16xf32>,
      %get3A_1241 = arith.index_cast %add3A_1237 : i32 to index
      %get3A_1242 = arith.constant 80 : index
      %get3A_1243 = tpu.vector_load %arg11[%get3A_1241, %get3A_1242] {strides = array<i32>} : memref<256x128xf32, #tpu.memory_space<vmem>>, vector<16xf32>,
      %get3A_1244 = arith.index_cast %add3A_1237 : i32 to index
      %get3A_1245 = arith.constant 96 : index
      %get3A_1246 = tpu.vector_load %arg11[%get3A_1244, %get3A_1245] {strides = array<i32>} : memref<256x128xf32, #tpu.memory_space<vmem>>, vector<16xf32>,
      %get3A_1247 = arith.index_cast %add3A_1237 : i32 to index
      %get3A_1248 = arith.constant 112 : index
      %get3A_1249 = tpu.vector_load %arg11[%get3A_1247, %get3A_1248] {strides = array<i32>} : memref<256x128xf32, #tpu.memory_space<vmem>>, vector<16xf32>,
      %get3A_1250 = arith.constant 1 : i32
      %get3A_1251 = arith.constant 3 : i32
      %get3A_1252 = arith.index_cast %get3A_1250 : i32 to index
      %get3A_1253 = arith.index_cast %get3A_1251 : i32 to index
      %get3A_1254 = arith.index_cast %squeeze3A_1233 : i32 to index
      %get3A_1255 = arith.constant 0 : index
      %get3A_1256 = tpu.vector_load %arg10[%get3A_1252, %get3A_1253, %get3A_1254, %get3A_1255] {strides = array<i32>} : memref<2x8x8x64xf32, #tpu.memory_space<vmem>>, vector<16xf32>,
      %get3A_1257 = arith.constant 1 : i32
      %get3A_1258 = arith.constant 3 : i32
      %get3A_1259 = arith.index_cast %get3A_1257 : i32 to index
      %get3A_1260 = arith.index_cast %get3A_1258 : i32 to index
      %get3A_1261 = arith.index_cast %squeeze3A_1233 : i32 to index
      %get3A_1262 = arith.constant 16 : index
      %get3A_1263 = tpu.vector_load %arg10[%get3A_1259, %get3A_1260, %get3A_1261, %get3A_1262] {strides = array<i32>} : memref<2x8x8x64xf32, #tpu.memory_space<vmem>>, vector<16xf32>,
      %get3A_1264 = arith.constant 1 : i32
      %get3A_1265 = arith.constant 3 : i32
      %get3A_1266 = arith.index_cast %get3A_1264 : i32 to index
      %get3A_1267 = arith.index_cast %get3A_1265 : i32 to index
      %get3A_1268 = arith.index_cast %squeeze3A_1233 : i32 to index
      %get3A_1269 = arith.constant 32 : index
      %get3A_1270 = tpu.vector_load %arg10[%get3A_1266, %get3A_1267, %get3A_1268, %get3A_1269] {strides = array<i32>} : memref<2x8x8x64xf32, #tpu.memory_space<vmem>>, vector<16xf32>,
      %get3A_1271 = arith.constant 1 : i32
      %get3A_1272 = arith.constant 3 : i32
      %get3A_1273 = arith.index_cast %get3A_1271 : i32 to index
      %get3A_1274 = arith.index_cast %get3A_1272 : i32 to index
      %get3A_1275 = arith.index_cast %squeeze3A_1233 : i32 to index
      %get3A_1276 = arith.constant 48 : index
      %get3A_1277 = tpu.vector_load %arg10[%get3A_1273, %get3A_1274, %get3A_1275, %get3A_1276] {strides = array<i32>} : memref<2x8x8x64xf32, #tpu.memory_space<vmem>>, vector<16xf32>,
      %mul3A_1278 = arith.mulf %get3A_1240, %get3A_1256 : vector<16xf32>
      %mul3A_1279 = arith.mulf %get3A_1240, %get3A_1240 : vector<16xf32>
      %mul3A_1280 = arith.mulf %get3A_1256, %get3A_1256 : vector<16xf32>
      %mul3A_1281 = arith.mulf %get3A_1243, %get3A_1263 : vector<16xf32>
      %add3A_1282 = arith.addf %mul3A_1278, %mul3A_1281 : vector<16xf32>
      %mul3A_1283 = arith.mulf %get3A_1243, %get3A_1243 : vector<16xf32>
      %add3A_1284 = arith.addf %mul3A_1279, %mul3A_1283 : vector<16xf32>
      %mul3A_1285 = arith.mulf %get3A_1263, %get3A_1263 : vector<16xf32>
      %add3A_1286 = arith.addf %mul3A_1280, %mul3A_1285 : vector<16xf32>
      %mul3A_1287 = arith.mulf %get3A_1246, %get3A_1270 : vector<16xf32>
      %add3A_1288 = arith.addf %add3A_1282, %mul3A_1287 : vector<16xf32>
      %mul3A_1289 = arith.mulf %get3A_1246, %get3A_1246 : vector<16xf32>
      %add3A_1290 = arith.addf %add3A_1284, %mul3A_1289 : vector<16xf32>
      %mul3A_1291 = arith.mulf %get3A_1270, %get3A_1270 : vector<16xf32>
      %add3A_1292 = arith.addf %add3A_1286, %mul3A_1291 : vector<16xf32>
      %mul3A_1293 = arith.mulf %get3A_1249, %get3A_1277 : vector<16xf32>
      %add3A_1294 = arith.addf %add3A_1288, %mul3A_1293 : vector<16xf32>
      %mul3A_1295 = arith.mulf %get3A_1249, %get3A_1249 : vector<16xf32>
      %add3A_1296 = arith.addf %add3A_1290, %mul3A_1295 : vector<16xf32>
      %mul3A_1297 = arith.mulf %get3A_1277, %get3A_1277 : vector<16xf32>
      %add3A_1298 = arith.addf %add3A_1292, %mul3A_1297 : vector<16xf32>
      %eq3A_1299 = arith.constant 11 : i32
      %eq3A_1300 = vector.broadcast %eq3A_1299 : i32 to vector<16xi32>
      %eq3A_1301 = arith.cmpi eq, %iota3A, %eq3A_1300 : vector<16xi32>
      %reduce_sum3A_1302 = arith.constant true
      %reduce_sum3A_1303 = vector.broadcast %reduce_sum3A_1302 : i1 to vector<16xi1>
      %reduce_sum3A_1304 = tpu.scan <sum>, %add3A_1294 masked %reduce_sum3A_1303 : vector<16xf32>, vector<16xi1> -> vector<16xf32>
      %reduce_sum3A_1305 = vector.extract %reduce_sum3A_1304[15] : f32 from vector<16xf32>
      %broadcast_in_dim3A_1306 = vector.broadcast %reduce_sum3A_1305 : f32 to vector<16xf32>
      %select_n3A_1307 = arith.select %eq3A_1301, %broadcast_in_dim3A_1306, %select_n3A_1219 : vector<16xi1>, vector<16xf32>
      %reduce_sum3A_1308 = arith.constant true
      %reduce_sum3A_1309 = vector.broadcast %reduce_sum3A_1308 : i1 to vector<16xi1>
      %reduce_sum3A_1310 = tpu.scan <sum>, %add3A_1296 masked %reduce_sum3A_1309 : vector<16xf32>, vector<16xi1> -> vector<16xf32>
      %reduce_sum3A_1311 = vector.extract %reduce_sum3A_1310[15] : f32 from vector<16xf32>
      %broadcast_in_dim3A_1312 = vector.broadcast %reduce_sum3A_1311 : f32 to vector<16xf32>
      %select_n3A_1313 = arith.select %eq3A_1301, %broadcast_in_dim3A_1312, %select_n3A_1225 : vector<16xi1>, vector<16xf32>
      %reduce_sum3A_1314 = arith.constant true
      %reduce_sum3A_1315 = vector.broadcast %reduce_sum3A_1314 : i1 to vector<16xi1>
      %reduce_sum3A_1316 = tpu.scan <sum>, %add3A_1298 masked %reduce_sum3A_1315 : vector<16xf32>, vector<16xi1> -> vector<16xf32>
      %reduce_sum3A_1317 = vector.extract %reduce_sum3A_1316[15] : f32 from vector<16xf32>
      %broadcast_in_dim3A_1318 = vector.broadcast %reduce_sum3A_1317 : f32 to vector<16xf32>
      %select_n3A_1319 = arith.select %eq3A_1301, %broadcast_in_dim3A_1318, %select_n3A_1231 : vector<16xi1>, vector<16xf32>
      %slice3A_1320 = vector.extract_strided_slice %and3A_967 {offsets = [4], sizes = [1], strides = [1]} : vector<16xi32> to vector<1xi32>
      %squeeze3A_1321 = vector.extract %slice3A_1320[0] : i32 from vector<1xi32>
      %mul3A_1322 = arith.constant 4 : i32
      %mul3A_1323 = arith.muli %add3A_934, %mul3A_1322 : i32
      %add3A_1324 = arith.constant 2 : i32
      %add3A_1325 = arith.addi %mul3A_1323, %add3A_1324 : i32
      %get3A_1326 = arith.index_cast %add3A_1325 : i32 to index
      %get3A_1327 = arith.constant 0 : index
      %get3A_1328 = tpu.vector_load %arg11[%get3A_1326, %get3A_1327] {strides = array<i32>} : memref<256x128xf32, #tpu.memory_space<vmem>>, vector<16xf32>,
      %get3A_1329 = arith.index_cast %add3A_1325 : i32 to index
      %get3A_1330 = arith.constant 16 : index
      %get3A_1331 = tpu.vector_load %arg11[%get3A_1329, %get3A_1330] {strides = array<i32>} : memref<256x128xf32, #tpu.memory_space<vmem>>, vector<16xf32>,
      %get3A_1332 = arith.index_cast %add3A_1325 : i32 to index
      %get3A_1333 = arith.constant 32 : index
      %get3A_1334 = tpu.vector_load %arg11[%get3A_1332, %get3A_1333] {strides = array<i32>} : memref<256x128xf32, #tpu.memory_space<vmem>>, vector<16xf32>,
      %get3A_1335 = arith.index_cast %add3A_1325 : i32 to index
      %get3A_1336 = arith.constant 48 : index
      %get3A_1337 = tpu.vector_load %arg11[%get3A_1335, %get3A_1336] {strides = array<i32>} : memref<256x128xf32, #tpu.memory_space<vmem>>, vector<16xf32>,
      %get3A_1338 = arith.constant 1 : i32
      %get3A_1339 = arith.constant 4 : i32
      %get3A_1340 = arith.index_cast %get3A_1338 : i32 to index
      %get3A_1341 = arith.index_cast %get3A_1339 : i32 to index
      %get3A_1342 = arith.index_cast %squeeze3A_1321 : i32 to index
      %get3A_1343 = arith.constant 0 : index
      %get3A_1344 = tpu.vector_load %arg10[%get3A_1340, %get3A_1341, %get3A_1342, %get3A_1343] {strides = array<i32>} : memref<2x8x8x64xf32, #tpu.memory_space<vmem>>, vector<16xf32>,
      %get3A_1345 = arith.constant 1 : i32
      %get3A_1346 = arith.constant 4 : i32
      %get3A_1347 = arith.index_cast %get3A_1345 : i32 to index
      %get3A_1348 = arith.index_cast %get3A_1346 : i32 to index
      %get3A_1349 = arith.index_cast %squeeze3A_1321 : i32 to index
      %get3A_1350 = arith.constant 16 : index
      %get3A_1351 = tpu.vector_load %arg10[%get3A_1347, %get3A_1348, %get3A_1349, %get3A_1350] {strides = array<i32>} : memref<2x8x8x64xf32, #tpu.memory_space<vmem>>, vector<16xf32>,
      %get3A_1352 = arith.constant 1 : i32
      %get3A_1353 = arith.constant 4 : i32
      %get3A_1354 = arith.index_cast %get3A_1352 : i32 to index
      %get3A_1355 = arith.index_cast %get3A_1353 : i32 to index
      %get3A_1356 = arith.index_cast %squeeze3A_1321 : i32 to index
      %get3A_1357 = arith.constant 32 : index
      %get3A_1358 = tpu.vector_load %arg10[%get3A_1354, %get3A_1355, %get3A_1356, %get3A_1357] {strides = array<i32>} : memref<2x8x8x64xf32, #tpu.memory_space<vmem>>, vector<16xf32>,
      %get3A_1359 = arith.constant 1 : i32
      %get3A_1360 = arith.constant 4 : i32
      %get3A_1361 = arith.index_cast %get3A_1359 : i32 to index
      %get3A_1362 = arith.index_cast %get3A_1360 : i32 to index
      %get3A_1363 = arith.index_cast %squeeze3A_1321 : i32 to index
      %get3A_1364 = arith.constant 48 : index
      %get3A_1365 = tpu.vector_load %arg10[%get3A_1361, %get3A_1362, %get3A_1363, %get3A_1364] {strides = array<i32>} : memref<2x8x8x64xf32, #tpu.memory_space<vmem>>, vector<16xf32>,
      %mul3A_1366 = arith.mulf %get3A_1328, %get3A_1344 : vector<16xf32>
      %mul3A_1367 = arith.mulf %get3A_1328, %get3A_1328 : vector<16xf32>
      %mul3A_1368 = arith.mulf %get3A_1344, %get3A_1344 : vector<16xf32>
      %mul3A_1369 = arith.mulf %get3A_1331, %get3A_1351 : vector<16xf32>
      %add3A_1370 = arith.addf %mul3A_1366, %mul3A_1369 : vector<16xf32>
      %mul3A_1371 = arith.mulf %get3A_1331, %get3A_1331 : vector<16xf32>
      %add3A_1372 = arith.addf %mul3A_1367, %mul3A_1371 : vector<16xf32>
      %mul3A_1373 = arith.mulf %get3A_1351, %get3A_1351 : vector<16xf32>
      %add3A_1374 = arith.addf %mul3A_1368, %mul3A_1373 : vector<16xf32>
      %mul3A_1375 = arith.mulf %get3A_1334, %get3A_1358 : vector<16xf32>
      %add3A_1376 = arith.addf %add3A_1370, %mul3A_1375 : vector<16xf32>
      %mul3A_1377 = arith.mulf %get3A_1334, %get3A_1334 : vector<16xf32>
      %add3A_1378 = arith.addf %add3A_1372, %mul3A_1377 : vector<16xf32>
      %mul3A_1379 = arith.mulf %get3A_1358, %get3A_1358 : vector<16xf32>
      %add3A_1380 = arith.addf %add3A_1374, %mul3A_1379 : vector<16xf32>
      %mul3A_1381 = arith.mulf %get3A_1337, %get3A_1365 : vector<16xf32>
      %add3A_1382 = arith.addf %add3A_1376, %mul3A_1381 : vector<16xf32>
      %mul3A_1383 = arith.mulf %get3A_1337, %get3A_1337 : vector<16xf32>
      %add3A_1384 = arith.addf %add3A_1378, %mul3A_1383 : vector<16xf32>
      %mul3A_1385 = arith.mulf %get3A_1365, %get3A_1365 : vector<16xf32>
      %add3A_1386 = arith.addf %add3A_1380, %mul3A_1385 : vector<16xf32>
      %eq3A_1387 = arith.constant 12 : i32
      %eq3A_1388 = vector.broadcast %eq3A_1387 : i32 to vector<16xi32>
      %eq3A_1389 = arith.cmpi eq, %iota3A, %eq3A_1388 : vector<16xi32>
      %reduce_sum3A_1390 = arith.constant true
      %reduce_sum3A_1391 = vector.broadcast %reduce_sum3A_1390 : i1 to vector<16xi1>
      %reduce_sum3A_1392 = tpu.scan <sum>, %add3A_1382 masked %reduce_sum3A_1391 : vector<16xf32>, vector<16xi1> -> vector<16xf32>
      %reduce_sum3A_1393 = vector.extract %reduce_sum3A_1392[15] : f32 from vector<16xf32>
      %broadcast_in_dim3A_1394 = vector.broadcast %reduce_sum3A_1393 : f32 to vector<16xf32>
      %select_n3A_1395 = arith.select %eq3A_1389, %broadcast_in_dim3A_1394, %select_n3A_1307 : vector<16xi1>, vector<16xf32>
      %reduce_sum3A_1396 = arith.constant true
      %reduce_sum3A_1397 = vector.broadcast %reduce_sum3A_1396 : i1 to vector<16xi1>
      %reduce_sum3A_1398 = tpu.scan <sum>, %add3A_1384 masked %reduce_sum3A_1397 : vector<16xf32>, vector<16xi1> -> vector<16xf32>
      %reduce_sum3A_1399 = vector.extract %reduce_sum3A_1398[15] : f32 from vector<16xf32>
      %broadcast_in_dim3A_1400 = vector.broadcast %reduce_sum3A_1399 : f32 to vector<16xf32>
      %select_n3A_1401 = arith.select %eq3A_1389, %broadcast_in_dim3A_1400, %select_n3A_1313 : vector<16xi1>, vector<16xf32>
      %reduce_sum3A_1402 = arith.constant true
      %reduce_sum3A_1403 = vector.broadcast %reduce_sum3A_1402 : i1 to vector<16xi1>
      %reduce_sum3A_1404 = tpu.scan <sum>, %add3A_1386 masked %reduce_sum3A_1403 : vector<16xf32>, vector<16xi1> -> vector<16xf32>
      %reduce_sum3A_1405 = vector.extract %reduce_sum3A_1404[15] : f32 from vector<16xf32>
      %broadcast_in_dim3A_1406 = vector.broadcast %reduce_sum3A_1405 : f32 to vector<16xf32>
      %select_n3A_1407 = arith.select %eq3A_1389, %broadcast_in_dim3A_1406, %select_n3A_1319 : vector<16xi1>, vector<16xf32>
      %slice3A_1408 = vector.extract_strided_slice %and3A_967 {offsets = [5], sizes = [1], strides = [1]} : vector<16xi32> to vector<1xi32>
      %squeeze3A_1409 = vector.extract %slice3A_1408[0] : i32 from vector<1xi32>
      %mul3A_1410 = arith.constant 4 : i32
      %mul3A_1411 = arith.muli %add3A_934, %mul3A_1410 : i32
      %add3A_1412 = arith.constant 2 : i32
      %add3A_1413 = arith.addi %mul3A_1411, %add3A_1412 : i32
      %get3A_1414 = arith.index_cast %add3A_1413 : i32 to index
      %get3A_1415 = arith.constant 64 : index
      %get3A_1416 = tpu.vector_load %arg11[%get3A_1414, %get3A_1415] {strides = array<i32>} : memref<256x128xf32, #tpu.memory_space<vmem>>, vector<16xf32>,
      %get3A_1417 = arith.index_cast %add3A_1413 : i32 to index
      %get3A_1418 = arith.constant 80 : index
      %get3A_1419 = tpu.vector_load %arg11[%get3A_1417, %get3A_1418] {strides = array<i32>} : memref<256x128xf32, #tpu.memory_space<vmem>>, vector<16xf32>,
      %get3A_1420 = arith.index_cast %add3A_1413 : i32 to index
      %get3A_1421 = arith.constant 96 : index
      %get3A_1422 = tpu.vector_load %arg11[%get3A_1420, %get3A_1421] {strides = array<i32>} : memref<256x128xf32, #tpu.memory_space<vmem>>, vector<16xf32>,
      %get3A_1423 = arith.index_cast %add3A_1413 : i32 to index
      %get3A_1424 = arith.constant 112 : index
      %get3A_1425 = tpu.vector_load %arg11[%get3A_1423, %get3A_1424] {strides = array<i32>} : memref<256x128xf32, #tpu.memory_space<vmem>>, vector<16xf32>,
      %get3A_1426 = arith.constant 1 : i32
      %get3A_1427 = arith.constant 5 : i32
      %get3A_1428 = arith.index_cast %get3A_1426 : i32 to index
      %get3A_1429 = arith.index_cast %get3A_1427 : i32 to index
      %get3A_1430 = arith.index_cast %squeeze3A_1409 : i32 to index
      %get3A_1431 = arith.constant 0 : index
      %get3A_1432 = tpu.vector_load %arg10[%get3A_1428, %get3A_1429, %get3A_1430, %get3A_1431] {strides = array<i32>} : memref<2x8x8x64xf32, #tpu.memory_space<vmem>>, vector<16xf32>,
      %get3A_1433 = arith.constant 1 : i32
      %get3A_1434 = arith.constant 5 : i32
      %get3A_1435 = arith.index_cast %get3A_1433 : i32 to index
      %get3A_1436 = arith.index_cast %get3A_1434 : i32 to index
      %get3A_1437 = arith.index_cast %squeeze3A_1409 : i32 to index
      %get3A_1438 = arith.constant 16 : index
      %get3A_1439 = tpu.vector_load %arg10[%get3A_1435, %get3A_1436, %get3A_1437, %get3A_1438] {strides = array<i32>} : memref<2x8x8x64xf32, #tpu.memory_space<vmem>>, vector<16xf32>,
      %get3A_1440 = arith.constant 1 : i32
      %get3A_1441 = arith.constant 5 : i32
      %get3A_1442 = arith.index_cast %get3A_1440 : i32 to index
      %get3A_1443 = arith.index_cast %get3A_1441 : i32 to index
      %get3A_1444 = arith.index_cast %squeeze3A_1409 : i32 to index
      %get3A_1445 = arith.constant 32 : index
      %get3A_1446 = tpu.vector_load %arg10[%get3A_1442, %get3A_1443, %get3A_1444, %get3A_1445] {strides = array<i32>} : memref<2x8x8x64xf32, #tpu.memory_space<vmem>>, vector<16xf32>,
      %get3A_1447 = arith.constant 1 : i32
      %get3A_1448 = arith.constant 5 : i32
      %get3A_1449 = arith.index_cast %get3A_1447 : i32 to index
      %get3A_1450 = arith.index_cast %get3A_1448 : i32 to index
      %get3A_1451 = arith.index_cast %squeeze3A_1409 : i32 to index
      %get3A_1452 = arith.constant 48 : index
      %get3A_1453 = tpu.vector_load %arg10[%get3A_1449, %get3A_1450, %get3A_1451, %get3A_1452] {strides = array<i32>} : memref<2x8x8x64xf32, #tpu.memory_space<vmem>>, vector<16xf32>,
      %mul3A_1454 = arith.mulf %get3A_1416, %get3A_1432 : vector<16xf32>
      %mul3A_1455 = arith.mulf %get3A_1416, %get3A_1416 : vector<16xf32>
      %mul3A_1456 = arith.mulf %get3A_1432, %get3A_1432 : vector<16xf32>
      %mul3A_1457 = arith.mulf %get3A_1419, %get3A_1439 : vector<16xf32>
      %add3A_1458 = arith.addf %mul3A_1454, %mul3A_1457 : vector<16xf32>
      %mul3A_1459 = arith.mulf %get3A_1419, %get3A_1419 : vector<16xf32>
      %add3A_1460 = arith.addf %mul3A_1455, %mul3A_1459 : vector<16xf32>
      %mul3A_1461 = arith.mulf %get3A_1439, %get3A_1439 : vector<16xf32>
      %add3A_1462 = arith.addf %mul3A_1456, %mul3A_1461 : vector<16xf32>
      %mul3A_1463 = arith.mulf %get3A_1422, %get3A_1446 : vector<16xf32>
      %add3A_1464 = arith.addf %add3A_1458, %mul3A_1463 : vector<16xf32>
      %mul3A_1465 = arith.mulf %get3A_1422, %get3A_1422 : vector<16xf32>
      %add3A_1466 = arith.addf %add3A_1460, %mul3A_1465 : vector<16xf32>
      %mul3A_1467 = arith.mulf %get3A_1446, %get3A_1446 : vector<16xf32>
      %add3A_1468 = arith.addf %add3A_1462, %mul3A_1467 : vector<16xf32>
      %mul3A_1469 = arith.mulf %get3A_1425, %get3A_1453 : vector<16xf32>
      %add3A_1470 = arith.addf %add3A_1464, %mul3A_1469 : vector<16xf32>
      %mul3A_1471 = arith.mulf %get3A_1425, %get3A_1425 : vector<16xf32>
      %add3A_1472 = arith.addf %add3A_1466, %mul3A_1471 : vector<16xf32>
      %mul3A_1473 = arith.mulf %get3A_1453, %get3A_1453 : vector<16xf32>
      %add3A_1474 = arith.addf %add3A_1468, %mul3A_1473 : vector<16xf32>
      %eq3A_1475 = arith.constant 13 : i32
      %eq3A_1476 = vector.broadcast %eq3A_1475 : i32 to vector<16xi32>
      %eq3A_1477 = arith.cmpi eq, %iota3A, %eq3A_1476 : vector<16xi32>
      %reduce_sum3A_1478 = arith.constant true
      %reduce_sum3A_1479 = vector.broadcast %reduce_sum3A_1478 : i1 to vector<16xi1>
      %reduce_sum3A_1480 = tpu.scan <sum>, %add3A_1470 masked %reduce_sum3A_1479 : vector<16xf32>, vector<16xi1> -> vector<16xf32>
      %reduce_sum3A_1481 = vector.extract %reduce_sum3A_1480[15] : f32 from vector<16xf32>
      %broadcast_in_dim3A_1482 = vector.broadcast %reduce_sum3A_1481 : f32 to vector<16xf32>
      %select_n3A_1483 = arith.select %eq3A_1477, %broadcast_in_dim3A_1482, %select_n3A_1395 : vector<16xi1>, vector<16xf32>
      %reduce_sum3A_1484 = arith.constant true
      %reduce_sum3A_1485 = vector.broadcast %reduce_sum3A_1484 : i1 to vector<16xi1>
      %reduce_sum3A_1486 = tpu.scan <sum>, %add3A_1472 masked %reduce_sum3A_1485 : vector<16xf32>, vector<16xi1> -> vector<16xf32>
      %reduce_sum3A_1487 = vector.extract %reduce_sum3A_1486[15] : f32 from vector<16xf32>
      %broadcast_in_dim3A_1488 = vector.broadcast %reduce_sum3A_1487 : f32 to vector<16xf32>
      %select_n3A_1489 = arith.select %eq3A_1477, %broadcast_in_dim3A_1488, %select_n3A_1401 : vector<16xi1>, vector<16xf32>
      %reduce_sum3A_1490 = arith.constant true
      %reduce_sum3A_1491 = vector.broadcast %reduce_sum3A_1490 : i1 to vector<16xi1>
      %reduce_sum3A_1492 = tpu.scan <sum>, %add3A_1474 masked %reduce_sum3A_1491 : vector<16xf32>, vector<16xi1> -> vector<16xf32>
      %reduce_sum3A_1493 = vector.extract %reduce_sum3A_1492[15] : f32 from vector<16xf32>
      %broadcast_in_dim3A_1494 = vector.broadcast %reduce_sum3A_1493 : f32 to vector<16xf32>
      %select_n3A_1495 = arith.select %eq3A_1477, %broadcast_in_dim3A_1494, %select_n3A_1407 : vector<16xi1>, vector<16xf32>
      %slice3A_1496 = vector.extract_strided_slice %and3A_967 {offsets = [6], sizes = [1], strides = [1]} : vector<16xi32> to vector<1xi32>
      %squeeze3A_1497 = vector.extract %slice3A_1496[0] : i32 from vector<1xi32>
      %mul3A_1498 = arith.constant 4 : i32
      %mul3A_1499 = arith.muli %add3A_934, %mul3A_1498 : i32
      %add3A_1500 = arith.constant 3 : i32
      %add3A_1501 = arith.addi %mul3A_1499, %add3A_1500 : i32
      %get3A_1502 = arith.index_cast %add3A_1501 : i32 to index
      %get3A_1503 = arith.constant 0 : index
      %get3A_1504 = tpu.vector_load %arg11[%get3A_1502, %get3A_1503] {strides = array<i32>} : memref<256x128xf32, #tpu.memory_space<vmem>>, vector<16xf32>,
      %get3A_1505 = arith.index_cast %add3A_1501 : i32 to index
      %get3A_1506 = arith.constant 16 : index
      %get3A_1507 = tpu.vector_load %arg11[%get3A_1505, %get3A_1506] {strides = array<i32>} : memref<256x128xf32, #tpu.memory_space<vmem>>, vector<16xf32>,
      %get3A_1508 = arith.index_cast %add3A_1501 : i32 to index
      %get3A_1509 = arith.constant 32 : index
      %get3A_1510 = tpu.vector_load %arg11[%get3A_1508, %get3A_1509] {strides = array<i32>} : memref<256x128xf32, #tpu.memory_space<vmem>>, vector<16xf32>,
      %get3A_1511 = arith.index_cast %add3A_1501 : i32 to index
      %get3A_1512 = arith.constant 48 : index
      %get3A_1513 = tpu.vector_load %arg11[%get3A_1511, %get3A_1512] {strides = array<i32>} : memref<256x128xf32, #tpu.memory_space<vmem>>, vector<16xf32>,
      %get3A_1514 = arith.constant 1 : i32
      %get3A_1515 = arith.constant 6 : i32
      %get3A_1516 = arith.index_cast %get3A_1514 : i32 to index
      %get3A_1517 = arith.index_cast %get3A_1515 : i32 to index
      %get3A_1518 = arith.index_cast %squeeze3A_1497 : i32 to index
      %get3A_1519 = arith.constant 0 : index
      %get3A_1520 = tpu.vector_load %arg10[%get3A_1516, %get3A_1517, %get3A_1518, %get3A_1519] {strides = array<i32>} : memref<2x8x8x64xf32, #tpu.memory_space<vmem>>, vector<16xf32>,
      %get3A_1521 = arith.constant 1 : i32
      %get3A_1522 = arith.constant 6 : i32
      %get3A_1523 = arith.index_cast %get3A_1521 : i32 to index
      %get3A_1524 = arith.index_cast %get3A_1522 : i32 to index
      %get3A_1525 = arith.index_cast %squeeze3A_1497 : i32 to index
      %get3A_1526 = arith.constant 16 : index
      %get3A_1527 = tpu.vector_load %arg10[%get3A_1523, %get3A_1524, %get3A_1525, %get3A_1526] {strides = array<i32>} : memref<2x8x8x64xf32, #tpu.memory_space<vmem>>, vector<16xf32>,
      %get3A_1528 = arith.constant 1 : i32
      %get3A_1529 = arith.constant 6 : i32
      %get3A_1530 = arith.index_cast %get3A_1528 : i32 to index
      %get3A_1531 = arith.index_cast %get3A_1529 : i32 to index
      %get3A_1532 = arith.index_cast %squeeze3A_1497 : i32 to index
      %get3A_1533 = arith.constant 32 : index
      %get3A_1534 = tpu.vector_load %arg10[%get3A_1530, %get3A_1531, %get3A_1532, %get3A_1533] {strides = array<i32>} : memref<2x8x8x64xf32, #tpu.memory_space<vmem>>, vector<16xf32>,
      %get3A_1535 = arith.constant 1 : i32
      %get3A_1536 = arith.constant 6 : i32
      %get3A_1537 = arith.index_cast %get3A_1535 : i32 to index
      %get3A_1538 = arith.index_cast %get3A_1536 : i32 to index
      %get3A_1539 = arith.index_cast %squeeze3A_1497 : i32 to index
      %get3A_1540 = arith.constant 48 : index
      %get3A_1541 = tpu.vector_load %arg10[%get3A_1537, %get3A_1538, %get3A_1539, %get3A_1540] {strides = array<i32>} : memref<2x8x8x64xf32, #tpu.memory_space<vmem>>, vector<16xf32>,
      %mul3A_1542 = arith.mulf %get3A_1504, %get3A_1520 : vector<16xf32>
      %mul3A_1543 = arith.mulf %get3A_1504, %get3A_1504 : vector<16xf32>
      %mul3A_1544 = arith.mulf %get3A_1520, %get3A_1520 : vector<16xf32>
      %mul3A_1545 = arith.mulf %get3A_1507, %get3A_1527 : vector<16xf32>
      %add3A_1546 = arith.addf %mul3A_1542, %mul3A_1545 : vector<16xf32>
      %mul3A_1547 = arith.mulf %get3A_1507, %get3A_1507 : vector<16xf32>
      %add3A_1548 = arith.addf %mul3A_1543, %mul3A_1547 : vector<16xf32>
      %mul3A_1549 = arith.mulf %get3A_1527, %get3A_1527 : vector<16xf32>
      %add3A_1550 = arith.addf %mul3A_1544, %mul3A_1549 : vector<16xf32>
      %mul3A_1551 = arith.mulf %get3A_1510, %get3A_1534 : vector<16xf32>
      %add3A_1552 = arith.addf %add3A_1546, %mul3A_1551 : vector<16xf32>
      %mul3A_1553 = arith.mulf %get3A_1510, %get3A_1510 : vector<16xf32>
      %add3A_1554 = arith.addf %add3A_1548, %mul3A_1553 : vector<16xf32>
      %mul3A_1555 = arith.mulf %get3A_1534, %get3A_1534 : vector<16xf32>
      %add3A_1556 = arith.addf %add3A_1550, %mul3A_1555 : vector<16xf32>
      %mul3A_1557 = arith.mulf %get3A_1513, %get3A_1541 : vector<16xf32>
      %add3A_1558 = arith.addf %add3A_1552, %mul3A_1557 : vector<16xf32>
      %mul3A_1559 = arith.mulf %get3A_1513, %get3A_1513 : vector<16xf32>
      %add3A_1560 = arith.addf %add3A_1554, %mul3A_1559 : vector<16xf32>
      %mul3A_1561 = arith.mulf %get3A_1541, %get3A_1541 : vector<16xf32>
      %add3A_1562 = arith.addf %add3A_1556, %mul3A_1561 : vector<16xf32>
      %eq3A_1563 = arith.constant 14 : i32
      %eq3A_1564 = vector.broadcast %eq3A_1563 : i32 to vector<16xi32>
      %eq3A_1565 = arith.cmpi eq, %iota3A, %eq3A_1564 : vector<16xi32>
      %reduce_sum3A_1566 = arith.constant true
      %reduce_sum3A_1567 = vector.broadcast %reduce_sum3A_1566 : i1 to vector<16xi1>
      %reduce_sum3A_1568 = tpu.scan <sum>, %add3A_1558 masked %reduce_sum3A_1567 : vector<16xf32>, vector<16xi1> -> vector<16xf32>
      %reduce_sum3A_1569 = vector.extract %reduce_sum3A_1568[15] : f32 from vector<16xf32>
      %broadcast_in_dim3A_1570 = vector.broadcast %reduce_sum3A_1569 : f32 to vector<16xf32>
      %select_n3A_1571 = arith.select %eq3A_1565, %broadcast_in_dim3A_1570, %select_n3A_1483 : vector<16xi1>, vector<16xf32>
      %reduce_sum3A_1572 = arith.constant true
      %reduce_sum3A_1573 = vector.broadcast %reduce_sum3A_1572 : i1 to vector<16xi1>
      %reduce_sum3A_1574 = tpu.scan <sum>, %add3A_1560 masked %reduce_sum3A_1573 : vector<16xf32>, vector<16xi1> -> vector<16xf32>
      %reduce_sum3A_1575 = vector.extract %reduce_sum3A_1574[15] : f32 from vector<16xf32>
      %broadcast_in_dim3A_1576 = vector.broadcast %reduce_sum3A_1575 : f32 to vector<16xf32>
      %select_n3A_1577 = arith.select %eq3A_1565, %broadcast_in_dim3A_1576, %select_n3A_1489 : vector<16xi1>, vector<16xf32>
      %reduce_sum3A_1578 = arith.constant true
      %reduce_sum3A_1579 = vector.broadcast %reduce_sum3A_1578 : i1 to vector<16xi1>
      %reduce_sum3A_1580 = tpu.scan <sum>, %add3A_1562 masked %reduce_sum3A_1579 : vector<16xf32>, vector<16xi1> -> vector<16xf32>
      %reduce_sum3A_1581 = vector.extract %reduce_sum3A_1580[15] : f32 from vector<16xf32>
      %broadcast_in_dim3A_1582 = vector.broadcast %reduce_sum3A_1581 : f32 to vector<16xf32>
      %select_n3A_1583 = arith.select %eq3A_1565, %broadcast_in_dim3A_1582, %select_n3A_1495 : vector<16xi1>, vector<16xf32>
      %slice3A_1584 = vector.extract_strided_slice %and3A_967 {offsets = [7], sizes = [1], strides = [1]} : vector<16xi32> to vector<1xi32>
      %squeeze3A_1585 = vector.extract %slice3A_1584[0] : i32 from vector<1xi32>
      %mul3A_1586 = arith.constant 4 : i32
      %mul3A_1587 = arith.muli %add3A_934, %mul3A_1586 : i32
      %add3A_1588 = arith.constant 3 : i32
      %add3A_1589 = arith.addi %mul3A_1587, %add3A_1588 : i32
      %get3A_1590 = arith.index_cast %add3A_1589 : i32 to index
      %get3A_1591 = arith.constant 64 : index
      %get3A_1592 = tpu.vector_load %arg11[%get3A_1590, %get3A_1591] {strides = array<i32>} : memref<256x128xf32, #tpu.memory_space<vmem>>, vector<16xf32>,
      %get3A_1593 = arith.index_cast %add3A_1589 : i32 to index
      %get3A_1594 = arith.constant 80 : index
      %get3A_1595 = tpu.vector_load %arg11[%get3A_1593, %get3A_1594] {strides = array<i32>} : memref<256x128xf32, #tpu.memory_space<vmem>>, vector<16xf32>,
      %get3A_1596 = arith.index_cast %add3A_1589 : i32 to index
      %get3A_1597 = arith.constant 96 : index
      %get3A_1598 = tpu.vector_load %arg11[%get3A_1596, %get3A_1597] {strides = array<i32>} : memref<256x128xf32, #tpu.memory_space<vmem>>, vector<16xf32>,
      %get3A_1599 = arith.index_cast %add3A_1589 : i32 to index
      %get3A_1600 = arith.constant 112 : index
      %get3A_1601 = tpu.vector_load %arg11[%get3A_1599, %get3A_1600] {strides = array<i32>} : memref<256x128xf32, #tpu.memory_space<vmem>>, vector<16xf32>,
      %get3A_1602 = arith.constant 1 : i32
      %get3A_1603 = arith.constant 7 : i32
      %get3A_1604 = arith.index_cast %get3A_1602 : i32 to index
      %get3A_1605 = arith.index_cast %get3A_1603 : i32 to index
      %get3A_1606 = arith.index_cast %squeeze3A_1585 : i32 to index
      %get3A_1607 = arith.constant 0 : index
      %get3A_1608 = tpu.vector_load %arg10[%get3A_1604, %get3A_1605, %get3A_1606, %get3A_1607] {strides = array<i32>} : memref<2x8x8x64xf32, #tpu.memory_space<vmem>>, vector<16xf32>,
      %get3A_1609 = arith.constant 1 : i32
      %get3A_1610 = arith.constant 7 : i32
      %get3A_1611 = arith.index_cast %get3A_1609 : i32 to index
      %get3A_1612 = arith.index_cast %get3A_1610 : i32 to index
      %get3A_1613 = arith.index_cast %squeeze3A_1585 : i32 to index
      %get3A_1614 = arith.constant 16 : index
      %get3A_1615 = tpu.vector_load %arg10[%get3A_1611, %get3A_1612, %get3A_1613, %get3A_1614] {strides = array<i32>} : memref<2x8x8x64xf32, #tpu.memory_space<vmem>>, vector<16xf32>,
      %get3A_1616 = arith.constant 1 : i32
      %get3A_1617 = arith.constant 7 : i32
      %get3A_1618 = arith.index_cast %get3A_1616 : i32 to index
      %get3A_1619 = arith.index_cast %get3A_1617 : i32 to index
      %get3A_1620 = arith.index_cast %squeeze3A_1585 : i32 to index
      %get3A_1621 = arith.constant 32 : index
      %get3A_1622 = tpu.vector_load %arg10[%get3A_1618, %get3A_1619, %get3A_1620, %get3A_1621] {strides = array<i32>} : memref<2x8x8x64xf32, #tpu.memory_space<vmem>>, vector<16xf32>,
      %get3A_1623 = arith.constant 1 : i32
      %get3A_1624 = arith.constant 7 : i32
      %get3A_1625 = arith.index_cast %get3A_1623 : i32 to index
      %get3A_1626 = arith.index_cast %get3A_1624 : i32 to index
      %get3A_1627 = arith.index_cast %squeeze3A_1585 : i32 to index
      %get3A_1628 = arith.constant 48 : index
      %get3A_1629 = tpu.vector_load %arg10[%get3A_1625, %get3A_1626, %get3A_1627, %get3A_1628] {strides = array<i32>} : memref<2x8x8x64xf32, #tpu.memory_space<vmem>>, vector<16xf32>,
      %mul3A_1630 = arith.mulf %get3A_1592, %get3A_1608 : vector<16xf32>
      %mul3A_1631 = arith.mulf %get3A_1592, %get3A_1592 : vector<16xf32>
      %mul3A_1632 = arith.mulf %get3A_1608, %get3A_1608 : vector<16xf32>
      %mul3A_1633 = arith.mulf %get3A_1595, %get3A_1615 : vector<16xf32>
      %add3A_1634 = arith.addf %mul3A_1630, %mul3A_1633 : vector<16xf32>
      %mul3A_1635 = arith.mulf %get3A_1595, %get3A_1595 : vector<16xf32>
      %add3A_1636 = arith.addf %mul3A_1631, %mul3A_1635 : vector<16xf32>
      %mul3A_1637 = arith.mulf %get3A_1615, %get3A_1615 : vector<16xf32>
      %add3A_1638 = arith.addf %mul3A_1632, %mul3A_1637 : vector<16xf32>
      %mul3A_1639 = arith.mulf %get3A_1598, %get3A_1622 : vector<16xf32>
      %add3A_1640 = arith.addf %add3A_1634, %mul3A_1639 : vector<16xf32>
      %mul3A_1641 = arith.mulf %get3A_1598, %get3A_1598 : vector<16xf32>
      %add3A_1642 = arith.addf %add3A_1636, %mul3A_1641 : vector<16xf32>
      %mul3A_1643 = arith.mulf %get3A_1622, %get3A_1622 : vector<16xf32>
      %add3A_1644 = arith.addf %add3A_1638, %mul3A_1643 : vector<16xf32>
      %mul3A_1645 = arith.mulf %get3A_1601, %get3A_1629 : vector<16xf32>
      %add3A_1646 = arith.addf %add3A_1640, %mul3A_1645 : vector<16xf32>
      %mul3A_1647 = arith.mulf %get3A_1601, %get3A_1601 : vector<16xf32>
      %add3A_1648 = arith.addf %add3A_1642, %mul3A_1647 : vector<16xf32>
      %mul3A_1649 = arith.mulf %get3A_1629, %get3A_1629 : vector<16xf32>
      %add3A_1650 = arith.addf %add3A_1644, %mul3A_1649 : vector<16xf32>
      %eq3A_1651 = arith.constant 15 : i32
      %eq3A_1652 = vector.broadcast %eq3A_1651 : i32 to vector<16xi32>
      %eq3A_1653 = arith.cmpi eq, %iota3A, %eq3A_1652 : vector<16xi32>
      %reduce_sum3A_1654 = arith.constant true
      %reduce_sum3A_1655 = vector.broadcast %reduce_sum3A_1654 : i1 to vector<16xi1>
      %reduce_sum3A_1656 = tpu.scan <sum>, %add3A_1646 masked %reduce_sum3A_1655 : vector<16xf32>, vector<16xi1> -> vector<16xf32>
      %reduce_sum3A_1657 = vector.extract %reduce_sum3A_1656[15] : f32 from vector<16xf32>
      %broadcast_in_dim3A_1658 = vector.broadcast %reduce_sum3A_1657 : f32 to vector<16xf32>
      %select_n3A_1659 = arith.select %eq3A_1653, %broadcast_in_dim3A_1658, %select_n3A_1571 : vector<16xi1>, vector<16xf32>
      %reduce_sum3A_1660 = arith.constant true
      %reduce_sum3A_1661 = vector.broadcast %reduce_sum3A_1660 : i1 to vector<16xi1>
      %reduce_sum3A_1662 = tpu.scan <sum>, %add3A_1648 masked %reduce_sum3A_1661 : vector<16xf32>, vector<16xi1> -> vector<16xf32>
      %reduce_sum3A_1663 = vector.extract %reduce_sum3A_1662[15] : f32 from vector<16xf32>
      %broadcast_in_dim3A_1664 = vector.broadcast %reduce_sum3A_1663 : f32 to vector<16xf32>
      %select_n3A_1665 = arith.select %eq3A_1653, %broadcast_in_dim3A_1664, %select_n3A_1577 : vector<16xi1>, vector<16xf32>
      %reduce_sum3A_1666 = arith.constant true
      %reduce_sum3A_1667 = vector.broadcast %reduce_sum3A_1666 : i1 to vector<16xi1>
      %reduce_sum3A_1668 = tpu.scan <sum>, %add3A_1650 masked %reduce_sum3A_1667 : vector<16xf32>, vector<16xi1> -> vector<16xf32>
      %reduce_sum3A_1669 = vector.extract %reduce_sum3A_1668[15] : f32 from vector<16xf32>
      %broadcast_in_dim3A_1670 = vector.broadcast %reduce_sum3A_1669 : f32 to vector<16xf32>
      %select_n3A_1671 = arith.select %eq3A_1653, %broadcast_in_dim3A_1670, %select_n3A_1583 : vector<16xi1>, vector<16xf32>
      %max3A = arith.constant 9.99999996E-13 : f32
      %max3A_1672 = vector.broadcast %max3A : f32 to vector<16xf32>
      %max3A_1673 = arith.maximumf %select_n3A_1665, %max3A_1672 : vector<16xf32>
      %max3A_1674 = arith.constant 9.99999996E-13 : f32
      %max3A_1675 = vector.broadcast %max3A_1674 : f32 to vector<16xf32>
      %max3A_1676 = arith.maximumf %select_n3A_1671, %max3A_1675 : vector<16xf32>
      %mul3A_1677 = arith.mulf %max3A_1673, %max3A_1676 : vector<16xf32>
      %bitcast_convert_type3A = tpu.bitcast %mul3A_1677 : vector<16xf32> -> vector<16xi32>
      %shift_right_arithmetic3A = arith.constant 1 : i32
      %shift_right_arithmetic3A_1678 = vector.broadcast %shift_right_arithmetic3A : i32 to vector<16xi32>
      %shift_right_arithmetic3A_1679 = arith.shrsi %bitcast_convert_type3A, %shift_right_arithmetic3A_1678 : vector<16xi32>
      %sub3A = arith.constant 1597463007 : i32
      %sub3A_1680 = vector.broadcast %sub3A : i32 to vector<16xi32>
      %sub3A_1681 = arith.subi %sub3A_1680, %shift_right_arithmetic3A_1679 : vector<16xi32>
      %bitcast_convert_type3A_1682 = tpu.bitcast %sub3A_1681 : vector<16xi32> -> vector<16xf32>
      %mul3A_1683 = arith.constant 5.000000e-01 : f32
      %mul3A_1684 = vector.broadcast %mul3A_1683 : f32 to vector<16xf32>
      %mul3A_1685 = arith.mulf %mul3A_1677, %mul3A_1684 : vector<16xf32>
      %mul3A_1686 = arith.mulf %mul3A_1685, %bitcast_convert_type3A_1682 : vector<16xf32>
      %mul3A_1687 = arith.mulf %mul3A_1686, %bitcast_convert_type3A_1682 : vector<16xf32>
      %sub3A_1688 = arith.constant 1.500000e+00 : f32
      %sub3A_1689 = vector.broadcast %sub3A_1688 : f32 to vector<16xf32>
      %sub3A_1690 = arith.subf %sub3A_1689, %mul3A_1687 : vector<16xf32>
      %mul3A_1691 = arith.mulf %bitcast_convert_type3A_1682, %sub3A_1690 : vector<16xf32>
      %mul3A_1692 = arith.mulf %mul3A_1685, %mul3A_1691 : vector<16xf32>
      %mul3A_1693 = arith.mulf %mul3A_1692, %mul3A_1691 : vector<16xf32>
      %sub3A_1694 = arith.constant 1.500000e+00 : f32
      %sub3A_1695 = vector.broadcast %sub3A_1694 : f32 to vector<16xf32>
      %sub3A_1696 = arith.subf %sub3A_1695, %mul3A_1693 : vector<16xf32>
      %mul3A_1697 = arith.mulf %mul3A_1691, %sub3A_1696 : vector<16xf32>
      %mul3A_1698 = arith.mulf %mul3A_1685, %mul3A_1697 : vector<16xf32>
      %mul3A_1699 = arith.mulf %mul3A_1698, %mul3A_1697 : vector<16xf32>
      %sub3A_1700 = arith.constant 1.500000e+00 : f32
      %sub3A_1701 = vector.broadcast %sub3A_1700 : f32 to vector<16xf32>
      %sub3A_1702 = arith.subf %sub3A_1701, %mul3A_1699 : vector<16xf32>
      %mul3A_1703 = arith.mulf %mul3A_1697, %sub3A_1702 : vector<16xf32>
      %mul3A_1704 = arith.mulf %select_n3A_1659, %mul3A_1703 : vector<16xf32>
      %mul3A_1705 = arith.constant 16 : i32
      %mul3A_1706 = arith.muli %scan3A_191, %mul3A_1705 : i32
      %swap3A = arith.index_cast %mul3A_1706 : i32 to index
      %swap3A_1707 = tpu.vector_load %arg12[%swap3A] {strides = array<i32>} : memref<512xf32, #tpu.memory_space<vmem>>, vector<16xf32>,
      tpu.vector_store %arg12[%swap3A], %mul3A_1704 {strides = array<i32>} : memref<512xf32, #tpu.memory_space<vmem>>, vector<16xf32>,
      %scan3A_1708 = arith.constant 0 : i32
      scf.yield %scan3A_1708 : i32
    }
    %scan3A_190 = arith.constant 32 : i32
    "tpu.region"() ({
      %run_scoped3A = tpu.sem_alloc : memref<!tpu.dma_semaphore, #tpu.memory_space<semaphore_mem>>
      %dma_start3A_191 = tpu.memref_slice %arg6[%mul3A_2] : memref<16384xf32, #tpu.memory_space<hbm>> -> memref<512xf32, #tpu.memory_space<hbm>>
      %dma_start3A_192 = tpu.memref_slice %arg6[%mul3A_2] : memref<16384xf32, #tpu.memory_space<hbm>> -> memref<512xf32, #tpu.memory_space<hbm>>
      tpu.enqueue_dma source(%arg12 : memref<512xf32, #tpu.memory_space<vmem>>) target(%dma_start3A_192 : memref<512xf32, #tpu.memory_space<hbm>>) target_semaphore(%run_scoped3A : memref<!tpu.dma_semaphore, #tpu.memory_space<semaphore_mem>>)
      %dma_wait3A = tpu.memref_slice %arg6[%mul3A_2] : memref<16384xf32, #tpu.memory_space<hbm>> -> memref<512xf32, #tpu.memory_space<hbm>>
      %dma_wait3A_193 = tpu.memref_slice %arg6[%mul3A_2] : memref<16384xf32, #tpu.memory_space<hbm>> -> memref<512xf32, #tpu.memory_space<hbm>>
      tpu.wait_dma2 semaphore(%run_scoped3A : memref<!tpu.dma_semaphore, #tpu.memory_space<semaphore_mem>>) src(%arg12 : memref<512xf32, #tpu.memory_space<vmem>>) dst(%dma_wait3A_193 : memref<512xf32, #tpu.memory_space<hbm>>)
      tpu.yield
    }) : () -> ()
    return
  }
}

</mosaic_0001>

<sc_bundles>
// kernel: kernel.3.cloned.1.call-start
scs
__scs_entry_jumppad:
0x0: {  	(pc) =	sbr.rel $0x88, $3  }
0x1: {  	(tag) =	ssettag $0x0;
	lr =	simm.s32 $0x1  }
0x2: {  	[smem:$0x3F9D] =	sst lr;
	_ =	strace $0xD0000000  }
0x3: {  	_ = 	snop  }
0x4: {  	_ = 	snop  }
0x5: {  	_ = 	snop  }
0x6: {  	_ = 	snop  }
0x7: {  	_ = 	snop  }
__scs_overlays_trampoline_lowered:
0x8: {  	[smem:$0x3FAC] =	sst s0  }
0x9: {  	[smem:$0x3FAD] =	sst s1  }
0xa: {  	[smem:$0x3FAE] =	sst s2  }
0xb: {  	[smem:$0x3FAF] =	sst s3  }
0xc: {  	[smem:$0x3FB0] =	sst s4  }
0xd: {  	[smem:$0x3FB1] =	sst s5  }
0xe: {  	[smem:$0x3FB2] =	sst s6  }
0xf: {  	[smem:$0x3FB3] =	sst s7  }
0x10: {  	[smem:$0x3FB4] =	sst s8  }
0x11: {  	[smem:$0x3FB5] =	sst s9;
	s0 =	simm.s32 @!p0 $0x0  }
0x12: {  	s1 =	sld [smem:$0x3F9B];
	s0 =	simm.s32 @p0 $0x1  }
0x13: {  	[smem:$0x3FB6] =	sst s0;
	s0 =	simm.s32 @!p1 $0x0  }
0x14: {  	s2 =	sld [smem:$0x3F9A];
	s0 =	simm.s32 @p1 $0x1  }
0x15: {  	[smem:$0x3FB7] =	sst s0;
	s0 =	simm.s32 @!p2 $0x0  }
0x16: {  	s3 =	sld [smem:$0x3FDB];
	s0 =	simm.s32 @p2 $0x1  }
0x17: {  	s4 =	simm.s32 $0x1BF5;
	[smem:$0x3FB9] =	sst s0  }
0x18: {  	s0 =	sld [smem:$0x3F9C];
	_ =	swait.ge [sflag:s4], $0x0  }
0x19: {  	s7 =	sld [smem:$0x3F9D]  }
0x1a: {  	s8 =	sadd.s32 $0xFFFFE003, lr  }
0x1b: {  	s9 =	sadd.s32 $0xFFFFFEF7, lr;
	s5 =	simm.s32 $0xFFFFFFFF;
	p2 =	slt.u32 s8, $0xFFFFF086  }
0x1c: {  	p1 =	slt.u32 s9, $0xF7A;
	s5 =	simm.s32 @!p2 $0x0  }
0x1d: {  	s5 =	simm.s32 @p1 $0x1;
	p0 =	seq.s32 s7, s2  }
0x1e: {  	s7 =	smul.u32 @!p0 $0xF7A, s2;
	p2 =	seq.s32 @!p0 s5, $0x0  }
0x1f: {  	s9 =	smul.u32 $0xF7A, s1;
	s8 =	simm.s32 @!p0 $0x1BF5;
	p2 =	por !p2, p0  }
0x20: {  	[sflag:s8] =	ssyncset.s32 @!p0 $0xFFFFF086;
	s6 =	sadd.s32 @!p0 s3, s7;
	s7 =	simm.s32 @!p0 $0x108  }
0x21: {  	s3 =	sadd.s32 s3, s9;
	s6 =	sadd.s32 @!p0 $0x88, s6;
	s7 =	simm.s32 @p2 $0x1082  }
0x22: {  	[simem:s7], [sflag:s8] =	dma.local @!p0 [hbm:s6], $0xF7A  }
0x23: {  	s9 =	sor.u32 $0xD0000000, s2;
	s6 =	simm.s32 $0x108;
	_ =	swait.ge @!p0 [sflag:s8], $0x0  }
0x24: {  	s3 =	sadd.s32 $0x88, s3;
	s6 =	simm.s32 @!p1 $0x1082;
	[sflag:s4] =	ssyncset.s32 $0xFFFFF086  }
0x25: {  	[simem:s6], [sflag:s4] =	dma.local [hbm:s3], $0xF7A  }
0x26: {  	[smem:$0x3F9D] =	sst s1;
	(tag) =	ssettag s2;
	_ =	strace s9  }
0x27: {  	s1 =	sld [smem:$0x3FAD]  }
0x28: {  	s2 =	sld [smem:$0x3FAE]  }
0x29: {  	s4 =	sld [smem:$0x3FB0]  }
0x2a: {  	p0 =	seq.s32 s5, $0x0;
	s5 =	sld [smem:$0x3FB1]  }
0x2b: {  	s6 =	sld [smem:$0x3FB2]  }
0x2c: {  	s7 =	sld [smem:$0x3FB3]  }
0x2d: {  	s3 =	simm.s32 $0x108;
	s8 =	sld [smem:$0x3FB4]  }
0x2e: {  	s3 =	simm.s32 @!p0 $0x1082;
	s9 =	sld [smem:$0x3FB5]  }
0x2f: {  	lr =	sadd.s32 s0, s3;
	s0 =	sld [smem:$0x3FAC]  }
0x30: {  	s3 =	sld [smem:$0x3FAF]  }
0x31: {  	[smem:$0x3FB8] =	sst s10  }
0x32: {  	s10 =	sld [smem:$0x3FB6];
	_ =	sdelay $0x3  }
0x33: {  	p0 =	seq.s32 s10, $0x1;
	s10 =	sld [smem:$0x3FB8];
	_ =	sdelay $0x3  }
0x34: {  	[smem:$0x3FB8] =	sst s10  }
0x35: {  	s10 =	sld [smem:$0x3FB7];
	_ =	sdelay $0x3  }
0x36: {  	p1 =	seq.s32 s10, $0x1;
	s10 =	sld [smem:$0x3FB8];
	_ =	sdelay $0x3  }
0x37: {  	[smem:$0x3FB8] =	sst s10  }
0x38: {  	s10 =	sld [smem:$0x3FB9]  }
0x39: {  	_ = 	snop;
	(pc) =	sbr.ind lr, $3  }
0x3a: {  	_ = 	snop  }
0x3b: {  	_ = 	snop  }
0x3c: {  	p2 =	seq.s32 s10, $0x1;
	s10 =	sld [smem:$0x3FB8]  }
0x3d: {  	_ =	shalt  }
0x3e: {  	_ =	shalt  }
0x3f: {  	_ =	shalt  }
0x40: {  	_ =	shalt  }
0x41: {  	_ =	shalt  }
0x42: {  	_ =	shalt  }
0x43: {  	_ =	shalt  }
0x44: {  	_ =	shalt  }
0x45: {  	_ =	shalt  }
0x46: {  	_ =	shalt  }
0x47: {  	_ =	shalt  }
0x48: {  	_ =	shalt  }
0x49: {  	_ =	shalt  }
0x4a: {  	_ =	shalt  }
0x4b: {  	_ =	shalt  }
0x4c: {  	_ =	shalt  }
0x4d: {  	_ =	shalt  }
0x4e: {  	_ =	shalt  }
0x4f: {  	_ =	shalt  }
0x50: {  	_ =	shalt  }
0x51: {  	_ =	shalt  }
0x52: {  	_ =	shalt  }
0x53: {  	_ =	shalt  }
0x54: {  	_ =	shalt  }
0x55: {  	_ =	shalt  }
0x56: {  	_ =	shalt  }
0x57: {  	_ =	shalt  }
0x58: {  	_ =	shalt  }
0x59: {  	_ =	shalt  }
0x5a: {  	_ =	shalt  }
0x5b: {  	_ =	shalt  }
0x5c: {  	_ =	shalt  }
0x5d: {  	_ =	shalt  }
0x5e: {  	_ =	shalt  }
0x5f: {  	_ =	shalt  }
0x60: {  	_ =	shalt  }
0x61: {  	_ =	shalt  }
0x62: {  	_ =	shalt  }
0x63: {  	_ =	shalt  }
0x64: {  	_ =	shalt  }
0x65: {  	_ =	shalt  }
0x66: {  	_ =	shalt  }
0x67: {  	_ =	shalt  }
0x68: {  	_ =	shalt  }
0x69: {  	_ =	shalt  }
0x6a: {  	_ =	shalt  }
0x6b: {  	_ =	shalt  }
0x6c: {  	_ =	shalt  }
0x6d: {  	_ =	shalt  }
0x6e: {  	_ =	shalt  }
0x6f: {  	_ =	shalt  }
0x70: {  	_ =	shalt  }
0x71: {  	_ =	shalt  }
0x72: {  	_ =	shalt  }
0x73: {  	_ =	shalt  }
0x74: {  	_ =	shalt  }
0x75: {  	_ =	shalt  }
0x76: {  	_ =	shalt  }
0x77: {  	_ =	shalt  }
0x78: {  	_ =	shalt  }
0x79: {  	_ =	shalt  }
0x7a: {  	_ =	shalt  }
0x7b: {  	_ =	shalt  }
0x7c: {  	_ =	shalt  }
0x7d: {  	_ =	shalt  }
0x7e: {  	_ =	shalt  }
0x7f: {  	_ =	shalt  }
0x80: {  	_ =	shalt  }
0x81: {  	_ =	shalt  }
0x82: {  	_ =	shalt  }
0x83: {  	_ =	shalt  }
0x84: {  	_ =	shalt  }
0x85: {  	_ =	shalt  }
0x86: {  	_ =	shalt  }
0x87: {  	_ =	shalt  }
.Lfunc_end0:
.L_simem_size_0:
called_computation_lowered:
.L_overlay_start_0:
0x88: {  	s2 =	sld [smem:$0x3FD9]  }
0x89: {  	s3 =	sld [smem:$0x3FFE];
	_ =	sdelay $0x1  }
0x8a: {  	s1 =	srdreg.scid  }
0x8b: {  	s0 =	sand.u32 $0x1, s1  }
0x8c: {  	s17 =	sshll.u32 s0, $0xA;
	s2 =	sadd.s32 s3, s2  }
0x8d: {  	s2 =	sadd.s32 s2, s17  }
0x8e: {  	[smem:$0x3FC4] =	sst s2  }
0x8f: {  	_ = 	snop  }
0x90: {  	s2 =	sld [smem:$0x3FC9]  }
0x91: {  	s18 =	sld [smem:$0x3FC8]  }
0x92: {  	s4 =	sld [smem:$0x3FC7]  }
0x93: {  	s5 =	sld [smem:$0x3FD0];
	(tm) =	ssettm $0x1  }
0x94: {  	s6 =	sld [smem:$0x3FFB];
	_ =	sdelay $0x3  }
0x95: {  	_ =	strace s6  }
0x96: {  	s6 =	sld [smem:$0x3FFC];
	_ =	sdelay $0x3  }
0x97: {  	_ =	strace s6  }
0x98: {  	s6 =	sld [smem:$0x3FFD];
	_ =	sdelay $0x3  }
0x99: {  	_ =	strace s6  }
0x9a: {  	_ =	strace $0x8FFFFFFF  }
0x9b: {  	s19 =	sld [smem:$0x3FDB];
	_ =	sdelay $0x1  }
0x9c: {  	s7 =	simm.s32 $_scs_section_size  }
0x9d: {  	s8 =	simm.s32 $_size__tile_overlayer_lowered;
	s9 =	simm.s32 $_tile_overlayer_lowered  }
0x9e: {  	s22 =	simm.s32 $0x1BFF;
	s21 =	sshll.u32 s9, $0x1;
	s6 =	sadd.s32 s7, s19  }
0x9f: {  	s10 =	simm.s32 $0x0;
	s20 =	sshll.u32 s8, $0x1;
	s8 =	sadd.s32 s21, s6  }
0xa0: {  	[timem:s10], [sflag:s22] =	dma.local [hbm:s8], s20  }
0xa1: {  	_ =	swait.ge [sflag:s22], s20  }
0xa2: {  	s7 =	ssub.s32 $0x0, s20;
	[sflag:s22] =	ssyncset.done $0x0  }
0xa3: {  	[sflag:s22] =	ssyncadd.s32 s7;
	_ =	sdelay $0x1  }
0xa4: {  	s23 =	simm.s32 $0x1B8B  }
0xa5: {  	_ =	swait.ge [sflag:s23], $0x1  }
0xa6: {  	[sflag:s23] =	ssyncset.done $0x0  }
0xa7: {  	s25 =	simm.s32 $0x1B8E;
	s24 =	sld [smem:$0x3FFE];
	[sflag:s23] =	ssyncadd.s32 $0xFFFFFFFF  }
0xa8: {  	s26 =	simm.s32 $execute0_lowered;
	[smem:$0x3FD2] =	sst s25  }
0xa9: {  	s8 =	sshll.u32 s26, $0x1;
	_ =	strace $0x80000046;
	[dreg:$0x1] =	wrdreg $0xFFFFFFFF  }
0xaa: {  	s28 =	simm.s32 $_size_execute0_lowered;
	s6 =	sadd.s32 s6, s8;
	[dreg:$0x0] =	wrdreg $0x0  }
0xab: {  	s8 =	sshll.u32 s28, $0x1;
	[dreg:$0x2] =	wrdreg s6  }
0xac: {  	[dreg:$0x3] =	wrdreg s8  }
0xad: {  	[dreg:$0x4] =	wrdreg $0xC0  }
0xae: {  	_ =	task [dreg:s10], $0x5FFFF  }
0xaf: {  	[dreg:$0x1] =	wrdreg $0xFFFFFFFF  }
0xb0: {  	[dreg:$0x0] =	wrdreg $0x60  }
0xb1: {  	[dreg:$0x2] =	wrdreg s2  }
0xb2: {  	[dreg:$0x3] =	wrdreg s18  }
0xb3: {  	[dreg:$0x4] =	wrdreg s4  }
0xb4: {  	[dreg:$0x5] =	wrdreg s24  }
0xb5: {  	[dreg:$0x6] =	wrdreg s5  }
0xb6: {  	[dreg:$0x7] =	wrdreg $0x9  }
0xb7: {  	_ =	task.clear_ibuf [dreg:s10], $0x8FFFF;
	_ =	strace $0x90000046  }
0xb8: {  	s29 =	simm.s32 $0x9;
	_ =	strace $0x80000048  }
0xb9: {  	_ =	swait.ge [sflag:s29], $0x1  }
0xba: {  	[sflag:s29] =	ssyncadd.s32 $0xFFFFFFFF  }
0xbb: {  	_ =	strace $0x90000048  }
0xbc: {  	_ =	sfence  }
0xbd: {  	s30 =	sld [smem:$0x0];
	_ =	sdelay $0x2  }
0xbe: {  	s31 =	sshll.u32 s1, $0xD;
	s1 =	sshrl.u32 s1, $0x2  }
0xbf: {  	s3 =	sand.u32 $0x4000, s31;
	s1 =	sadd.s32 s1, s30  }
0xc0: {  	s0 =	sor.u32 s3, s0;
	s1 =	sshll.u32 s1, $0x11  }
0xc1: {  	s0 =	sor.u32 s1, s0  }
0xc2: {  	s0 =	sadd.s32 $0x8F2B, s0  }
0xc3: {  	[sflag:s0] =	ssyncadd.remote.s32 $0x1  }
0xc4: {  	_ =	sfence.sel $0xFFFF  }
0xc5: {  	[dreg:$0x0] =	wrdreg $0xFFFFFFFF;
	(pc) =	sbr.abs _section_cstart, $3  }
0xc6: {  	[dreg:$0x1] =	wrdreg $0xFFFFFFFF  }
0xc7: {  	_ =	task.clear_ibuf [dreg:s10], $0x2FFFF;
	_ =	strace $0x9FFFFFFF  }
0xc8: {  	(tm) =	ssettm $0x7FFFFFFF  }
0xc9: {  	_ =	shalt  }
tec
execute0_lowered:
.L_overlay_start_1:
0x0: {  	(tag) =	ssettag $0x1  }
0x1: {  	s0 =	rddreg [dreg:$0x0]  }
0x2: {  	s2 =	rddreg [dreg:$0x1]  }
0x3: {  	s1 =	rddreg [dreg:$0x2]  }
0x4: {  	s4 =	rddreg [dreg:$0x3]  }
0x5: {  	s7 =	rddreg [dreg:$0x4];
	s3 =	simm.s32 $0x0;
	s5 =	srdreg.scid  }
0x6: {  	s8 =	stileid.u32;
	s17 =	simm.s32 $0x2480;
	s11 =	simm.s32 $0x400  }
0x7: {  	s18 =	simm.s32 $0x4480;
	s12 =	simm.s32 $0x7A1400;
	s19 =	simm.s32 $0x6480  }
0x8: {  	s13 =	simm.s32 $0xE480;
	s20 =	simm.s32 $0x8480;
	[smem:$0x7FF] =	sst s3  }
0x9: {  	v0 =	vlaneseq.u32;
	s14 =	simm.s32 $0x1;
	_ =	strace $0x80000047;
	[dreg:$0x6] =	wrdreg s17  }
0xa: {  	s21 =	simm.s32 $0xA480;
	s15 =	simm.s32 $0x480;
	vm0 =	vmmov $0x1;
	v0 =	vmul.u32 $0x80, v0;
	[dreg:$0x7] =	wrdreg s18  }
0xb: {  	s22 =	simm.s32 $0xC480;
	s16 =	simm.s32 $0x2;
	vm1 =	vmmov $0x3;
	vm2 =	vmmov $0x7;
	vm3 =	vmmov $0xf;
	[dreg:$0x8] =	wrdreg s19  }
0xc: {  	s23 =	simm.s32 $0x12480;
	s24 =	simm.s32 $0x12880;
	vm4 =	vmmov $0x1f;
	vm5 =	vmmov $0x3f;
	[dreg:$0x9] =	wrdreg s20;
	v1 =	vor.u32 $0x800, v0;
	[tilespmem:$0x1FF20] =	vst v0  }
0xd: {  	s25 =	simm.s32 $0x12C80;
	s26 =	simm.s32 $0x13080;
	vm6 =	vmmov $0x7f;
	vm7 =	vcmask $0x2320;
	[dreg:$0xa] =	wrdreg s21;
	v2 =	vor.u32 $0x1000, v0;
	[tilespmem:$0x1FF30] =	vst v1  }
0xe: {  	s28 =	simm.s32 $0x13480;
	s29 =	simm.s32 $0x13880;
	vm8 =	vmmov $0x1ff;
	vm9 =	vmmov $0x3ff;
	[dreg:$0xb] =	wrdreg s22;
	v3 =	vor.u32 $0x1800, v0;
	[tilespmem:$0x1FF40] =	vst v2  }
0xf: {  	s30 =	simm.s32 $0x13C80;
	s31 =	simm.s32 $0x14080;
	vm10 =	vmmov $0x7ff;
	vm11 =	vmmov $0xfff;
	[dreg:$0xc] =	wrdreg s23;
	v4 =	vor.u32 $0x2000, v0;
	[tilespmem:$0x1FF50] =	vst v3  }
0x10: {  	vm12 =	vmmov $0x1fff;
	vm13 =	vmmov $0x3fff;
	s10 =	simm.s32 $0x1C480;
	s5 =	sand.u32 $0x1, s5;
	[dreg:$0xd] =	wrdreg s24;
	v5 =	vor.u32 $0x2800, v0;
	[tilespmem:$0x1FF60] =	vst v4  }
0x11: {  	vm14 =	vmmov $0x7fff;
	s8 =	sshll.u32 s8, $0x7;
	s4 =	sadd.s32 $0x400, s4;
	[dreg:$0xe] =	wrdreg s25;
	v6 =	vor.u32 $0x3000, v0;
	v7 =	vor.u32 $0x3800, v0;
	[tilespmem:$0x1FF70] =	vst v5  }
0x12: {  	s6 =	ssub.s32 $0x2, s5;
	s5 =	sshll.u32 s5, $0x6;
	[dreg:$0xf] =	wrdreg s26;
	v8 =	vor.u32 $0x4000, v0;
	v9 =	vor.u32 $0x4800, v0;
	v10 =	vor.u32 $0x5000, v0;
	[tilespmem:$0x1FF80] =	vst v6  }
0x13: {  	s17 =	simm.s32 $0x3;
	s18 =	simm.s32 $0x4;
	[dreg:$0x10] =	wrdreg s28;
	v11 =	vor.u32 $0x5800, v0;
	v12 =	vor.u32 $0x6000, v0;
	v13 =	vor.u32 $0x6800, v0;
	[tilespmem:$0x1FF90] =	vst v7  }
0x14: {  	s19 =	simm.s32 $0x5;
	s20 =	simm.s32 $0x6;
	[dreg:$0x11] =	wrdreg s29;
	v14 =	vor.u32 $0x7000, v0;
	v15 =	vor.u32 $0x7800, v0;
	v16 =	vor.u32 $0x8000, v0;
	[tilespmem:$0x1FFA0] =	vst v8  }
0x15: {  	s21 =	simm.s32 $0x7;
	s22 =	simm.s32 $0x8;
	[dreg:$0x12] =	wrdreg s30;
	v17 =	vor.u32 $0x8800, v0;
	v18 =	vor.u32 $0x9000, v0;
	v19 =	vor.u32 $0x9800, v0;
	[tilespmem:$0x1FFB0] =	vst v9  }
0x16: {  	[dreg:$0x13] =	wrdreg s31;
	s9 =	sshrl.u32 s6, $0x1;
	s8 =	sor.u32 s5, s8;
	v20 =	vor.u32 $0xA000, v0;
	v21 =	vor.u32 $0xA800, v0;
	v22 =	vor.u32 $0xB000, v0;
	[tilespmem:$0x1FFC0] =	vst v10  }
0x17: {  	s23 =	simm.s32 $0x0;
	v23 =	vor.u32 $0xB800, v0;
	v24 =	vor.u32 $0xC000, v0;
	v25 =	vor.u32 $0xC800, v0;
	s9 =	ssub.s32 s6, s9;
	s5 =	sadd.s32 s0, s8;
	[tilespmem:$0x1FFD0] =	vst v11  }
0x18: {  	v26 =	vor.u32 $0xD000, v0;
	v27 =	vor.u32 $0xD800, v0;
	v28 =	vor.u32 $0xE000, v0;
	s6 =	sadd.s32 s2, s8;
	s7 =	sadd.s32 s7, s8;
	s0 =	simm.s32 $0x9;
	[tilespmem:$0x1FFE0] =	vst v12  }
0x19: {  	v29 =	vor.u32 $0xE800, v0;
	v30 =	vor.u32 $0xF000, v0;
	v31 =	vor.u32 $0xF800, v0;
	s2 =	simm.s32 $0xA;
	[tilespmem:$0x1FFF0] =	vst v13;
	s8 =	smax.u32 s9, $0x1;
	s9 =	simm.s32 $0xB  }
.LBB2_1:
0x1a: {  	[tilespmem:s3], [sflag:$0xB] =	stream.linear.gather [hbm4b:s5+s3], $0x200, $0x38;
	[tilespmem:$0x1C680] =	vst v63  }
0x1b: {  	_ =	swait.ge [sflag:s9], $0x200  }
0x1c: {  	[sflag:s9] =	ssyncset.done $0x0  }
0x1d: {  	s24 =	simm.s32 $0x200;
	[sflag:s9] =	ssyncadd.s32 $0xFFFFFE00  }
0x1e: {  	[tilespmem:s24], [sflag:$0xB] =	stream.linear.gather [hbm4b:s6+s3], $0x200, $0x38;
	[tilespmem:$0x1C680] =	vst v63  }
0x1f: {  	_ =	swait.ge [sflag:s9], $0x200  }
0x20: {  	[sflag:s9] =	ssyncset.done $0x0  }
0x21: {  	s25 =	simm.s32 $0x0;
	s24 =	simm.s32 $0x14680;
	[sflag:s9] =	ssyncadd.s32 $0xFFFFFE00  }
.LBB2_2:
0x22: {  	s26 =	sshra.s32 s25, $0x2  }
0x23: {  	v32 =	vld [tilespmem:s26+$0x0];
	_ =	sdelay $0x4  }
0x24: {  	p0 =	sne.s32 s25, $0x0;
	v33 =	vshrl.u32 v32, $0x7  }
0x25: {  	v34 =	vshll.u32 @!p0 v33, $0x7  }
0x26: {  	(v2sf) =	vpush @!p0 v34, $0x0;
	_ =	sdelay $0x3  }
0x27: {  	(v2sf) =	vpush @!p0 v34, $0x1;
	_ =	sdelay $0x3  }
0x28: {  	(v2sf) =	vpush @!p0 v34, $0x2;
	_ =	sdelay $0x1  }
0x29: {  	(v2sf) =	vpush @!p0 v34, $0x3;
	_ =	sdelay $0x2  }
0x2a: {  	(v2sf) =	vpush @!p0 v34, $0x4;
	_ =	sdelay $0x1  }
0x2b: {  	s26 =	spop @!p0 (v2sf)  }
0x2c: {  	s28 =	simm.s32 @!p0 $0x400;
	s26 =	sand.u32 @!p0 $0x1FFFFF80, s26  }
0x2d: {  	s29 =	simm.s32 @!p0 $0x7A1400;
	s30 =	simm.s32 @!p0 $0x480;
	s26 =	sadd.s32 @!p0 s1, s26  }
0x2e: {  	(v2sf) =	vpush @!p0 v34, $0x5;
	[tilespmem:s30], [sflag:$0x1] =	stream.strided.gather @!p0 [hbm4b:s26+s28], $0x2000, s29, s28, $0x38;
	[tilespmem:$0x1C680] =	vst v63  }
0x2f: {  	s26 =	spop @!p0 (v2sf)  }
0x30: {  	(v2sf) =	vpush @!p0 v34, $0x6;
	s26 =	sand.u32 @!p0 $0x1FFFFF80, s26  }
0x31: {  	s30 =	simm.s32 @!p0 $0x2480;
	s26 =	sadd.s32 @!p0 s1, s26  }
0x32: {  	[tilespmem:s30], [sflag:$0x2] =	stream.strided.gather @!p0 [hbm4b:s26+s28], $0x2000, s29, s28, $0x38;
	[tilespmem:$0x1C680] =	vst v63  }
0x33: {  	s26 =	spop @!p0 (v2sf)  }
0x34: {  	v33 =	vshll.u32 v33, $0x7;
	s26 =	sand.u32 @!p0 $0x1FFFFF80, s26  }
0x35: {  	s31 =	simm.s32 @!p0 $0x4480;
	(v2sf) =	vpush v33, $0x7;
	s30 =	spop @!p0 (v2sf);
	s26 =	sadd.s32 @!p0 s1, s26  }
0x36: {  	[tilespmem:s31], [sflag:$0x3] =	stream.strided.gather @!p0 [hbm4b:s26+s28], $0x2000, s29, s28, $0x38;
	[tilespmem:$0x1C680] =	vst v63  }
0x37: {  	s26 =	sand.u32 @!p0 $0x1FFFFF80, s30  }
0x38: {  	s30 =	spop @!p0 (v2sf);
	s31 =	simm.s32 @!p0 $0x6480;
	s26 =	sadd.s32 @!p0 s1, s26  }
0x39: {  	[tilespmem:s31], [sflag:$0x4] =	stream.strided.gather @!p0 [hbm4b:s26+s28], $0x2000, s29, s28, $0x38;
	[tilespmem:$0x1C680] =	vst v63  }
0x3a: {  	s26 =	sand.u32 @!p0 $0x1FFFFF80, s30  }
0x3b: {  	s31 =	simm.s32 @!p0 $0x8480;
	s26 =	sadd.s32 @!p0 s1, s26  }
0x3c: {  	[tilespmem:s31], [sflag:$0x5] =	stream.strided.gather @!p0 [hbm4b:s26+s28], $0x2000, s29, s28, $0x38;
	[tilespmem:$0x1C680] =	vst v63  }
0x3d: {  	s30 =	spop @!p0 (v2sf)  }
0x3e: {  	s26 =	sand.u32 @!p0 $0x1FFFFF80, s30  }
0x3f: {  	s31 =	simm.s32 @!p0 $0xA480;
	s26 =	sadd.s32 @!p0 s1, s26;
	s30 =	spop @!p0 (v2sf)  }
0x40: {  	[tilespmem:s31], [sflag:$0x6] =	stream.strided.gather @!p0 [hbm4b:s26+s28], $0x2000, s29, s28, $0x38;
	[tilespmem:$0x1C680] =	vst v63  }
0x41: {  	s26 =	sand.u32 @!p0 $0x1FFFFF80, s30  }
0x42: {  	s30 =	simm.s32 @!p0 $0xC480;
	s26 =	sadd.s32 @!p0 s1, s26  }
0x43: {  	v32 =	vand.u32 $0x7F, v32;
	[tilespmem:s30], [sflag:$0x7] =	stream.strided.gather @!p0 [hbm4b:s26+s28], $0x2000, s29, s28, $0x38;
	[tilespmem:$0x1C680] =	vst v63  }
0x44: {  	v54 =	vbroadcast v32, $0x0;
	s29 =	spop (v2sf)  }
0x45: {  	s26 =	sand.u32 $0x1FFFFF80, s29  }
0x46: {  	v35 =	vor.u32 v0, v54;
	s26 =	sadd.s32 s1, s26  }
0x47: {  	[tilespmem:s13], [sflag:$0x8] =	stream.strided.gather [hbm4b:s26+s11], $0x2000, s12, s11, $0x38;
	[tilespmem:$0x1C680] =	vst v63  }
0x48: {  	_ =	swait.ge [sflag:s14], $0x2000  }
0x49: {  	[sflag:s14] =	ssyncset.done $0x0  }
0x4a: {  	[sflag:s14] =	ssyncadd.s32 $0xFFFFE000  }
0x4b: {  	v35 =	vld.idx.msk [tilespmem:v35+s15+$0x0], $0xffff  }
0x4c: {  	v36 =	vor.u32 v1, v54;
	_ =	sdelay $0x3  }
0x4d: {  	[tilespmem:s24+$0xFFFFFE00] =	vst v35  }
0x4e: {  	(v2sf) =	vpush v33, $0x8;
	v35 =	vld.idx.msk [tilespmem:v36+s15+$0x0], $0xffff  }
0x4f: {  	v55 =	vor.u32 v2, v54;
	_ =	sdelay $0x3  }
0x50: {  	[tilespmem:s24+$0xFFFFFE10] =	vst v35  }
0x51: {  	v35 =	vld.idx.msk [tilespmem:v55+s15+$0x0], $0xffff  }
0x52: {  	v34 =	vor.u32 v3, v54;
	_ =	sdelay $0x3  }
0x53: {  	[tilespmem:s24+$0xFFFFFE20] =	vst v35  }
0x54: {  	v34 =	vld.idx.msk [tilespmem:v34+s15+$0x0], $0xffff;
	_ =	sdelay $0x2  }
0x55: {  	v56 =	vbroadcast v32, $0x1;
	s30 =	spop (v2sf)  }
0x56: {  	s26 =	sand.u32 $0x1FFFFF80, s30  }
0x57: {  	v57 =	vor.u32 v4, v56;
	s26 =	sadd.s32 s1, s26;
	[tilespmem:s24+$0xFFFFFE30] =	vst v34  }
0x58: {  	[tilespmem:s15], [sflag:$0x1] =	stream.strided.gather [hbm4b:s26+s11], $0x2000, s12, s11, $0x38;
	[tilespmem:$0x1C680] =	vst v63  }
0x59: {  	_ =	swait.ge [sflag:s16], $0x2000  }
0x5a: {  	[sflag:s16] =	ssyncset.done $0x0  }
0x5b: {  	[sflag:s16] =	ssyncadd.s32 $0xFFFFE000  }
0x5c: {  	v34 =	vld.idx.msk [tilespmem:v57+s15+$0x0], $0xffff  }
0x5d: {  	v58 =	vor.u32 v5, v56;
	_ =	sdelay $0x3  }
0x5e: {  	[tilespmem:s24+$0xFFFFFE40] =	vst v34  }
0x5f: {  	(v2sf) =	vpush v33, $0x9;
	v34 =	vld.idx.msk [tilespmem:v58+s15+$0x0], $0xffff  }
0x60: {  	v59 =	vor.u32 v6, v56;
	_ =	sdelay $0x3  }
0x61: {  	[tilespmem:s24+$0xFFFFFE50] =	vst v34  }
0x62: {  	v34 =	vld.idx.msk [tilespmem:v59+s15+$0x0], $0xffff  }
0x63: {  	v35 =	vor.u32 v7, v56;
	_ =	sdelay $0x3  }
0x64: {  	[tilespmem:s24+$0xFFFFFE60] =	vst v34  }
0x65: {  	v34 =	vld.idx.msk [tilespmem:v35+s15+$0x0], $0xffff;
	_ =	sdelay $0x2  }
0x66: {  	v60 =	vbroadcast v32, $0x2;
	s31 =	spop (v2sf)  }
0x67: {  	s26 =	sand.u32 $0x1FFFFF80, s31  }
0x68: {  	v61 =	vor.u32 v8, v60;
	s29 =	rddreg [dreg:$0x6];
	s26 =	sadd.s32 s1, s26;
	[tilespmem:s24+$0xFFFFFE70] =	vst v34  }
0x69: {  	[tilespmem:s29], [sflag:$0x2] =	stream.strided.gather [hbm4b:s26+s11], $0x2000, s12, s11, $0x38;
	[tilespmem:$0x1C680] =	vst v63  }
0x6a: {  	_ =	swait.ge [sflag:s17], $0x2000  }
0x6b: {  	[sflag:s17] =	ssyncset.done $0x0  }
0x6c: {  	[sflag:s17] =	ssyncadd.s32 $0xFFFFE000  }
0x6d: {  	v34 =	vld.idx.msk [tilespmem:v61+s15+$0x0], $0xffff  }
0x6e: {  	v62 =	vor.u32 v9, v60;
	_ =	sdelay $0x3  }
0x6f: {  	[tilespmem:s24+$0xFFFFFE80] =	vst v34  }
0x70: {  	(v2sf) =	vpush v33, $0xA;
	v34 =	vld.idx.msk [tilespmem:v62+s15+$0x0], $0xffff  }
0x71: {  	v63 =	vor.u32 v10, v60;
	_ =	sdelay $0x3  }
0x72: {  	[tilespmem:s24+$0xFFFFFE90] =	vst v34  }
0x73: {  	v34 =	vld.idx.msk [tilespmem:v63+s15+$0x0], $0xffff  }
0x74: {  	v35 =	vor.u32 v11, v60;
	_ =	sdelay $0x3  }
0x75: {  	[tilespmem:s24+$0xFFFFFEA0] =	vst v34  }
0x76: {  	v34 =	vld.idx.msk [tilespmem:v35+s15+$0x0], $0xffff;
	_ =	sdelay $0x2  }
0x77: {  	v40 =	vbroadcast v32, $0x3;
	s30 =	spop (v2sf)  }
0x78: {  	s26 =	sand.u32 $0x1FFFFF80, s30  }
0x79: {  	v41 =	vor.u32 v12, v40;
	s31 =	rddreg [dreg:$0x7];
	s26 =	sadd.s32 s1, s26;
	[tilespmem:s24+$0xFFFFFEB0] =	vst v34  }
0x7a: {  	[tilespmem:s31], [sflag:$0x3] =	stream.strided.gather [hbm4b:s26+s11], $0x2000, s12, s11, $0x38;
	[tilespmem:$0x1C680] =	vst v63  }
0x7b: {  	_ =	swait.ge [sflag:s18], $0x2000  }
0x7c: {  	[sflag:s18] =	ssyncset.done $0x0  }
0x7d: {  	[sflag:s18] =	ssyncadd.s32 $0xFFFFE000  }
0x7e: {  	v34 =	vld.idx.msk [tilespmem:v41+s15+$0x0], $0xffff  }
0x7f: {  	v42 =	vor.u32 v13, v40;
	_ =	sdelay $0x3  }
0x80: {  	[tilespmem:s24+$0xFFFFFEC0] =	vst v34  }
0x81: {  	(v2sf) =	vpush v33, $0xB;
	v34 =	vld.idx.msk [tilespmem:v42+s15+$0x0], $0xffff  }
0x82: {  	v43 =	vor.u32 v14, v40;
	_ =	sdelay $0x3  }
0x83: {  	[tilespmem:s24+$0xFFFFFED0] =	vst v34  }
0x84: {  	v34 =	vld.idx.msk [tilespmem:v43+s15+$0x0], $0xffff  }
0x85: {  	v35 =	vor.u32 v15, v40;
	_ =	sdelay $0x3  }
0x86: {  	[tilespmem:s24+$0xFFFFFEE0] =	vst v34  }
0x87: {  	v34 =	vld.idx.msk [tilespmem:v35+s15+$0x0], $0xffff;
	_ =	sdelay $0x2  }
0x88: {  	v44 =	vbroadcast v32, $0x4;
	s29 =	spop (v2sf)  }
0x89: {  	s26 =	sand.u32 $0x1FFFFF80, s29  }
0x8a: {  	v45 =	vor.u32 v16, v44;
	s30 =	rddreg [dreg:$0x8];
	s26 =	sadd.s32 s1, s26;
	[tilespmem:s24+$0xFFFFFEF0] =	vst v34  }
0x8b: {  	[tilespmem:s30], [sflag:$0x4] =	stream.strided.gather [hbm4b:s26+s11], $0x2000, s12, s11, $0x38;
	[tilespmem:$0x1C680] =	vst v63  }
0x8c: {  	_ =	swait.ge [sflag:s19], $0x2000  }
0x8d: {  	[sflag:s19] =	ssyncset.done $0x0  }
0x8e: {  	[sflag:s19] =	ssyncadd.s32 $0xFFFFE000  }
0x8f: {  	v34 =	vld.idx.msk [tilespmem:v45+s15+$0x0], $0xffff  }
0x90: {  	v46 =	vor.u32 v17, v44;
	_ =	sdelay $0x3  }
0x91: {  	[tilespmem:s24+$0xFFFFFF00] =	vst v34  }
0x92: {  	(v2sf) =	vpush v33, $0xC;
	v34 =	vld.idx.msk [tilespmem:v46+s15+$0x0], $0xffff  }
0x93: {  	v47 =	vor.u32 v18, v44;
	_ =	sdelay $0x3  }
0x94: {  	[tilespmem:s24+$0xFFFFFF10] =	vst v34  }
0x95: {  	v34 =	vld.idx.msk [tilespmem:v47+s15+$0x0], $0xffff  }
0x96: {  	v35 =	vor.u32 v19, v44;
	_ =	sdelay $0x3  }
0x97: {  	[tilespmem:s24+$0xFFFFFF20] =	vst v34  }
0x98: {  	v34 =	vld.idx.msk [tilespmem:v35+s15+$0x0], $0xffff;
	_ =	sdelay $0x2  }
0x99: {  	v48 =	vbroadcast v32, $0x5;
	s31 =	spop (v2sf)  }
0x9a: {  	s26 =	sand.u32 $0x1FFFFF80, s31  }
0x9b: {  	v49 =	vor.u32 v20, v48;
	s29 =	rddreg [dreg:$0x9];
	s26 =	sadd.s32 s1, s26;
	[tilespmem:s24+$0xFFFFFF30] =	vst v34  }
0x9c: {  	[tilespmem:s29], [sflag:$0x5] =	stream.strided.gather [hbm4b:s26+s11], $0x2000, s12, s11, $0x38;
	[tilespmem:$0x1C680] =	vst v63  }
0x9d: {  	_ =	swait.ge [sflag:s20], $0x2000  }
0x9e: {  	[sflag:s20] =	ssyncset.done $0x0  }
0x9f: {  	[sflag:s20] =	ssyncadd.s32 $0xFFFFE000  }
0xa0: {  	v34 =	vld.idx.msk [tilespmem:v49+s15+$0x0], $0xffff  }
0xa1: {  	v50 =	vor.u32 v21, v48;
	_ =	sdelay $0x3  }
0xa2: {  	[tilespmem:s24+$0xFFFFFF40] =	vst v34  }
0xa3: {  	(v2sf) =	vpush v33, $0xD;
	v34 =	vld.idx.msk [tilespmem:v50+s15+$0x0], $0xffff  }
0xa4: {  	v51 =	vor.u32 v22, v48;
	_ =	sdelay $0x3  }
0xa5: {  	[tilespmem:s24+$0xFFFFFF50] =	vst v34  }
0xa6: {  	v34 =	vld.idx.msk [tilespmem:v51+s15+$0x0], $0xffff  }
0xa7: {  	v35 =	vor.u32 v23, v48;
	_ =	sdelay $0x3  }
0xa8: {  	[tilespmem:s24+$0xFFFFFF60] =	vst v34  }
0xa9: {  	v34 =	vld.idx.msk [tilespmem:v35+s15+$0x0], $0xffff;
	_ =	sdelay $0x2  }
0xaa: {  	v52 =	vbroadcast v32, $0x6;
	s30 =	spop (v2sf)  }
0xab: {  	s26 =	sand.u32 $0x1FFFFF80, s30  }
0xac: {  	v53 =	vor.u32 v24, v52;
	s31 =	rddreg [dreg:$0xa];
	s26 =	sadd.s32 s1, s26;
	[tilespmem:s24+$0xFFFFFF70] =	vst v34  }
0xad: {  	[tilespmem:s31], [sflag:$0x6] =	stream.strided.gather [hbm4b:s26+s11], $0x2000, s12, s11, $0x38;
	[tilespmem:$0x1C680] =	vst v63  }
0xae: {  	_ =	swait.ge [sflag:s21], $0x2000  }
0xaf: {  	[sflag:s21] =	ssyncset.done $0x0  }
0xb0: {  	[sflag:s21] =	ssyncadd.s32 $0xFFFFE000  }
0xb1: {  	v34 =	vld.idx.msk [tilespmem:v53+s15+$0x0], $0xffff  }
0xb2: {  	v54 =	vor.u32 v25, v52;
	_ =	sdelay $0x3  }
0xb3: {  	[tilespmem:s24+$0xFFFFFF80] =	vst v34  }
0xb4: {  	(v2sf) =	vpush v33, $0xE;
	v34 =	vld.idx.msk [tilespmem:v54+s15+$0x0], $0xffff  }
0xb5: {  	v55 =	vor.u32 v26, v52;
	_ =	sdelay $0x3  }
0xb6: {  	[tilespmem:s24+$0xFFFFFF90] =	vst v34  }
0xb7: {  	v34 =	vld.idx.msk [tilespmem:v55+s15+$0x0], $0xffff  }
0xb8: {  	v35 =	vor.u32 v27, v52;
	_ =	sdelay $0x3  }
0xb9: {  	[tilespmem:s24+$0xFFFFFFA0] =	vst v34  }
0xba: {  	v34 =	vld.idx.msk [tilespmem:v35+s15+$0x0], $0xffff;
	_ =	sdelay $0x2  }
0xbb: {  	v56 =	vbroadcast v32, $0x7;
	s29 =	spop (v2sf)  }
0xbc: {  	s26 =	sand.u32 $0x1FFFFF80, s29  }
0xbd: {  	v57 =	vor.u32 v28, v56;
	s30 =	rddreg [dreg:$0xb];
	s26 =	sadd.s32 s1, s26;
	[tilespmem:s24+$0xFFFFFFB0] =	vst v34  }
0xbe: {  	[tilespmem:s30], [sflag:$0x7] =	stream.strided.gather [hbm4b:s26+s11], $0x2000, s12, s11, $0x38;
	[tilespmem:$0x1C680] =	vst v63  }
0xbf: {  	_ =	swait.ge [sflag:s22], $0x2000  }
0xc0: {  	[sflag:s22] =	ssyncset.done $0x0  }
0xc1: {  	[sflag:s22] =	ssyncadd.s32 $0xFFFFE000  }
0xc2: {  	v34 =	vld.idx.msk [tilespmem:v57+s15+$0x0], $0xffff  }
0xc3: {  	v58 =	vor.u32 v29, v56;
	_ =	sdelay $0x3  }
0xc4: {  	[tilespmem:s24+$0xFFFFFFC0] =	vst v34  }
0xc5: {  	(v2sf) =	vpush v33, $0xF;
	v34 =	vld.idx.msk [tilespmem:v58+s15+$0x0], $0xffff  }
0xc6: {  	v59 =	vor.u32 v30, v56;
	_ =	sdelay $0x3  }
0xc7: {  	[tilespmem:s24+$0xFFFFFFD0] =	vst v34  }
0xc8: {  	v33 =	vld.idx.msk [tilespmem:v59+s15+$0x0], $0xffff  }
0xc9: {  	v60 =	vor.u32 v31, v56;
	_ =	sdelay $0x3  }
0xca: {  	[tilespmem:s24+$0xFFFFFFE0] =	vst v33  }
0xcb: {  	v33 =	vld.idx.msk [tilespmem:v60+s15+$0x0], $0xffff;
	_ =	sdelay $0x2  }
0xcc: {  	v61 =	vbroadcast v32, $0x8;
	s31 =	spop (v2sf)  }
0xcd: {  	s26 =	sand.u32 $0x1FFFFF80, s31  }
0xce: {  	v62 =	vor.u32 v0, v61;
	s26 =	sadd.s32 s1, s26;
	[tilespmem:s24+$0xFFFFFFF0] =	vst v33  }
0xcf: {  	[tilespmem:s13], [sflag:$0x8] =	stream.strided.gather [hbm4b:s26+s11], $0x2000, s12, s11, $0x38;
	[tilespmem:$0x1C680] =	vst v63  }
0xd0: {  	_ =	swait.ge [sflag:s14], $0x2000  }
0xd1: {  	[sflag:s14] =	ssyncset.done $0x0  }
0xd2: {  	[sflag:s14] =	ssyncadd.s32 $0xFFFFE000  }
0xd3: {  	v33 =	vld.idx.msk [tilespmem:v62+s15+$0x0], $0xffff  }
0xd4: {  	v63 =	vor.u32 v1, v61;
	_ =	sdelay $0x3  }
0xd5: {  	[tilespmem:s24+$0x0] =	vst v33  }
0xd6: {  	v33 =	vld.idx.msk [tilespmem:v63+s15+$0x0], $0xffff  }
0xd7: {  	v36 =	vor.u32 v2, v61;
	_ =	sdelay $0x3  }
0xd8: {  	[tilespmem:s24+$0x10] =	vst v33  }
0xd9: {  	v33 =	vld.idx.msk [tilespmem:v36+s15+$0x0], $0xffff  }
0xda: {  	v34 =	vor.u32 v3, v61;
	_ =	sdelay $0x3  }
0xdb: {  	[tilespmem:s24+$0x20] =	vst v33  }
0xdc: {  	v33 =	vld.idx.msk [tilespmem:v34+s15+$0x0], $0xffff;
	_ =	sdelay $0x3  }
0xdd: {  	p0 =	seq.s32 s25, $0x7C0  }
0xde: {  	s28 =	sshra.s32 @!p0 s25, $0x2;
	[tilespmem:s24+$0x30] =	vst v33  }
0xdf: {  	v33 =	vld @!p0 [tilespmem:s28+$0x10];
	_ =	sdelay $0x4  }
0xe0: {  	(v2sf) =	vpush @!p0 v33, $0x0;
	_ =	sdelay $0xe  }
0xe1: {  	v37 =	vbroadcast v32, $0x9;
	s26 =	spop @!p0 (v2sf)  }
0xe2: {  	s29 =	simm.s32 @!p0 $0x7A1400;
	s26 =	sand.u32 @!p0 $0xFFFFF80, s26  }
0xe3: {  	v38 =	vor.u32 v4, v37;
	s31 =	simm.s32 @!p0 $0x480;
	s30 =	sadd.s32 @!p0 s1, s26;
	s26 =	simm.s32 @!p0 $0x400  }
0xe4: {  	[tilespmem:s31], [sflag:$0x1] =	stream.strided.gather @!p0 [hbm4b:s30+s26], $0x2000, s29, s26, $0x38;
	[tilespmem:$0x1C680] =	vst v63  }
0xe5: {  	_ =	swait.ge [sflag:s16], $0x2000  }
0xe6: {  	[sflag:s16] =	ssyncset.done $0x0  }
0xe7: {  	[sflag:s16] =	ssyncadd.s32 $0xFFFFE000  }
0xe8: {  	v34 =	vld.idx.msk [tilespmem:v38+s15+$0x0], $0xffff  }
0xe9: {  	v39 =	vor.u32 v5, v37;
	_ =	sdelay $0x3  }
0xea: {  	[tilespmem:s24+$0x40] =	vst v34  }
0xeb: {  	v34 =	vld.idx.msk [tilespmem:v39+s15+$0x0], $0xffff  }
0xec: {  	v40 =	vor.u32 v6, v37;
	_ =	sdelay $0x3  }
0xed: {  	[tilespmem:s24+$0x50] =	vst v34  }
0xee: {  	v34 =	vld.idx.msk [tilespmem:v40+s15+$0x0], $0xffff  }
0xef: {  	v33 =	vor.u32 v7, v37;
	_ =	sdelay $0x3  }
0xf0: {  	[tilespmem:s24+$0x60] =	vst v34  }
0xf1: {  	v33 =	vld.idx.msk [tilespmem:v33+s15+$0x0], $0xffff;
	_ =	sdelay $0x4  }
0xf2: {  	[tilespmem:s24+$0x70] =	vst v33  }
0xf3: {  	v33 =	vld @!p0 [tilespmem:s28+$0x10];
	_ =	sdelay $0x4  }
0xf4: {  	(v2sf) =	vpush @!p0 v33, $0x1;
	_ =	sdelay $0xe  }
0xf5: {  	v41 =	vbroadcast v32, $0xA;
	s30 =	spop @!p0 (v2sf)  }
0xf6: {  	s30 =	sand.u32 @!p0 $0xFFFFF80, s30  }
0xf7: {  	v42 =	vor.u32 v8, v41;
	s31 =	simm.s32 @!p0 $0x2480;
	s30 =	sadd.s32 @!p0 s1, s30  }
0xf8: {  	[tilespmem:s31], [sflag:$0x2] =	stream.strided.gather @!p0 [hbm4b:s30+s26], $0x2000, s29, s26, $0x38;
	[tilespmem:$0x1C680] =	vst v63  }
0xf9: {  	_ =	swait.ge [sflag:s17], $0x2000  }
0xfa: {  	[sflag:s17] =	ssyncset.done $0x0  }
0xfb: {  	[sflag:s17] =	ssyncadd.s32 $0xFFFFE000  }
0xfc: {  	v34 =	vld.idx.msk [tilespmem:v42+s15+$0x0], $0xffff  }
0xfd: {  	v43 =	vor.u32 v9, v41;
	_ =	sdelay $0x3  }
0xfe: {  	[tilespmem:s24+$0x80] =	vst v34  }
0xff: {  	v34 =	vld.idx.msk [tilespmem:v43+s15+$0x0], $0xffff  }
0x100: {  	v44 =	vor.u32 v10, v41;
	_ =	sdelay $0x3  }
0x101: {  	[tilespmem:s24+$0x90] =	vst v34  }
0x102: {  	v34 =	vld.idx.msk [tilespmem:v44+s15+$0x0], $0xffff  }
0x103: {  	v33 =	vor.u32 v11, v41;
	_ =	sdelay $0x3  }
0x104: {  	[tilespmem:s24+$0xA0] =	vst v34  }
0x105: {  	v33 =	vld.idx.msk [tilespmem:v33+s15+$0x0], $0xffff;
	_ =	sdelay $0x4  }
0x106: {  	[tilespmem:s24+$0xB0] =	vst v33  }
0x107: {  	v33 =	vld @!p0 [tilespmem:s28+$0x10];
	_ =	sdelay $0x4  }
0x108: {  	(v2sf) =	vpush @!p0 v33, $0x2;
	_ =	sdelay $0xe  }
0x109: {  	v45 =	vbroadcast v32, $0xB;
	s30 =	spop @!p0 (v2sf)  }
0x10a: {  	s30 =	sand.u32 @!p0 $0xFFFFF80, s30  }
0x10b: {  	v46 =	vor.u32 v12, v45;
	s31 =	simm.s32 @!p0 $0x4480;
	s30 =	sadd.s32 @!p0 s1, s30  }
0x10c: {  	[tilespmem:s31], [sflag:$0x3] =	stream.strided.gather @!p0 [hbm4b:s30+s26], $0x2000, s29, s26, $0x38;
	[tilespmem:$0x1C680] =	vst v63  }
0x10d: {  	_ =	swait.ge [sflag:s18], $0x2000  }
0x10e: {  	[sflag:s18] =	ssyncset.done $0x0  }
0x10f: {  	[sflag:s18] =	ssyncadd.s32 $0xFFFFE000  }
0x110: {  	v34 =	vld.idx.msk [tilespmem:v46+s15+$0x0], $0xffff  }
0x111: {  	v47 =	vor.u32 v13, v45;
	_ =	sdelay $0x3  }
0x112: {  	[tilespmem:s24+$0xC0] =	vst v34  }
0x113: {  	v34 =	vld.idx.msk [tilespmem:v47+s15+$0x0], $0xffff  }
0x114: {  	v48 =	vor.u32 v14, v45;
	_ =	sdelay $0x3  }
0x115: {  	[tilespmem:s24+$0xD0] =	vst v34  }
0x116: {  	v34 =	vld.idx.msk [tilespmem:v48+s15+$0x0], $0xffff  }
0x117: {  	v33 =	vor.u32 v15, v45;
	_ =	sdelay $0x3  }
0x118: {  	[tilespmem:s24+$0xE0] =	vst v34  }
0x119: {  	v33 =	vld.idx.msk [tilespmem:v33+s15+$0x0], $0xffff;
	_ =	sdelay $0x4  }
0x11a: {  	[tilespmem:s24+$0xF0] =	vst v33  }
0x11b: {  	v33 =	vld @!p0 [tilespmem:s28+$0x10];
	_ =	sdelay $0x4  }
0x11c: {  	(v2sf) =	vpush @!p0 v33, $0x3;
	_ =	sdelay $0xe  }
0x11d: {  	v49 =	vbroadcast v32, $0xC;
	s30 =	spop @!p0 (v2sf)  }
0x11e: {  	s30 =	sand.u32 @!p0 $0xFFFFF80, s30  }
0x11f: {  	v50 =	vor.u32 v16, v49;
	s31 =	simm.s32 @!p0 $0x6480;
	s30 =	sadd.s32 @!p0 s1, s30  }
0x120: {  	[tilespmem:s31], [sflag:$0x4] =	stream.strided.gather @!p0 [hbm4b:s30+s26], $0x2000, s29, s26, $0x38;
	[tilespmem:$0x1C680] =	vst v63  }
0x121: {  	_ =	swait.ge [sflag:s19], $0x2000  }
0x122: {  	[sflag:s19] =	ssyncset.done $0x0  }
0x123: {  	[sflag:s19] =	ssyncadd.s32 $0xFFFFE000  }
0x124: {  	v34 =	vld.idx.msk [tilespmem:v50+s15+$0x0], $0xffff  }
0x125: {  	v51 =	vor.u32 v17, v49;
	_ =	sdelay $0x3  }
0x126: {  	[tilespmem:s24+$0x100] =	vst v34  }
0x127: {  	v34 =	vld.idx.msk [tilespmem:v51+s15+$0x0], $0xffff  }
0x128: {  	v52 =	vor.u32 v18, v49;
	_ =	sdelay $0x3  }
0x129: {  	[tilespmem:s24+$0x110] =	vst v34  }
0x12a: {  	v34 =	vld.idx.msk [tilespmem:v52+s15+$0x0], $0xffff  }
0x12b: {  	v33 =	vor.u32 v19, v49;
	_ =	sdelay $0x3  }
0x12c: {  	[tilespmem:s24+$0x120] =	vst v34  }
0x12d: {  	v33 =	vld.idx.msk [tilespmem:v33+s15+$0x0], $0xffff;
	_ =	sdelay $0x4  }
0x12e: {  	[tilespmem:s24+$0x130] =	vst v33  }
0x12f: {  	v33 =	vld @!p0 [tilespmem:s28+$0x10];
	_ =	sdelay $0x4  }
0x130: {  	(v2sf) =	vpush @!p0 v33, $0x4;
	_ =	sdelay $0xe  }
0x131: {  	v53 =	vbroadcast v32, $0xD;
	s30 =	spop @!p0 (v2sf)  }
0x132: {  	s30 =	sand.u32 @!p0 $0xFFFFF80, s30  }
0x133: {  	v54 =	vor.u32 v20, v53;
	s31 =	simm.s32 @!p0 $0x8480;
	s30 =	sadd.s32 @!p0 s1, s30  }
0x134: {  	[tilespmem:s31], [sflag:$0x5] =	stream.strided.gather @!p0 [hbm4b:s30+s26], $0x2000, s29, s26, $0x38;
	[tilespmem:$0x1C680] =	vst v63  }
0x135: {  	_ =	swait.ge [sflag:s20], $0x2000  }
0x136: {  	[sflag:s20] =	ssyncset.done $0x0  }
0x137: {  	[sflag:s20] =	ssyncadd.s32 $0xFFFFE000  }
0x138: {  	v34 =	vld.idx.msk [tilespmem:v54+s15+$0x0], $0xffff  }
0x139: {  	v55 =	vor.u32 v21, v53;
	_ =	sdelay $0x3  }
0x13a: {  	[tilespmem:s24+$0x140] =	vst v34  }
0x13b: {  	v34 =	vld.idx.msk [tilespmem:v55+s15+$0x0], $0xffff  }
0x13c: {  	v56 =	vor.u32 v22, v53;
	_ =	sdelay $0x3  }
0x13d: {  	[tilespmem:s24+$0x150] =	vst v34  }
0x13e: {  	v34 =	vld.idx.msk [tilespmem:v56+s15+$0x0], $0xffff  }
0x13f: {  	v33 =	vor.u32 v23, v53;
	_ =	sdelay $0x3  }
0x140: {  	[tilespmem:s24+$0x160] =	vst v34  }
0x141: {  	v33 =	vld.idx.msk [tilespmem:v33+s15+$0x0], $0xffff;
	_ =	sdelay $0x4  }
0x142: {  	[tilespmem:s24+$0x170] =	vst v33  }
0x143: {  	v33 =	vld @!p0 [tilespmem:s28+$0x10];
	_ =	sdelay $0x4  }
0x144: {  	(v2sf) =	vpush @!p0 v33, $0x5;
	_ =	sdelay $0xe  }
0x145: {  	v57 =	vbroadcast v32, $0xE;
	s30 =	spop @!p0 (v2sf)  }
0x146: {  	s30 =	sand.u32 @!p0 $0xFFFFF80, s30  }
0x147: {  	v58 =	vor.u32 v24, v57;
	s31 =	simm.s32 @!p0 $0xA480;
	s30 =	sadd.s32 @!p0 s1, s30  }
0x148: {  	[tilespmem:s31], [sflag:$0x6] =	stream.strided.gather @!p0 [hbm4b:s30+s26], $0x2000, s29, s26, $0x38;
	[tilespmem:$0x1C680] =	vst v63  }
0x149: {  	_ =	swait.ge [sflag:s21], $0x2000  }
0x14a: {  	[sflag:s21] =	ssyncset.done $0x0  }
0x14b: {  	[sflag:s21] =	ssyncadd.s32 $0xFFFFE000  }
0x14c: {  	v34 =	vld.idx.msk [tilespmem:v58+s15+$0x0], $0xffff  }
0x14d: {  	v59 =	vor.u32 v25, v57;
	_ =	sdelay $0x3  }
0x14e: {  	[tilespmem:s24+$0x180] =	vst v34  }
0x14f: {  	v34 =	vld.idx.msk [tilespmem:v59+s15+$0x0], $0xffff  }
0x150: {  	v60 =	vor.u32 v26, v57;
	_ =	sdelay $0x3  }
0x151: {  	[tilespmem:s24+$0x190] =	vst v34  }
0x152: {  	v34 =	vld.idx.msk [tilespmem:v60+s15+$0x0], $0xffff  }
0x153: {  	v33 =	vor.u32 v27, v57;
	_ =	sdelay $0x3  }
0x154: {  	[tilespmem:s24+$0x1A0] =	vst v34  }
0x155: {  	v33 =	vld.idx.msk [tilespmem:v33+s15+$0x0], $0xffff;
	_ =	sdelay $0x4  }
0x156: {  	[tilespmem:s24+$0x1B0] =	vst v33  }
0x157: {  	v33 =	vld @!p0 [tilespmem:s28+$0x10];
	_ =	sdelay $0x4  }
0x158: {  	(v2sf) =	vpush @!p0 v33, $0x6;
	_ =	sdelay $0xe  }
0x159: {  	v32 =	vbroadcast v32, $0xF;
	s28 =	spop @!p0 (v2sf)  }
0x15a: {  	s28 =	sand.u32 @!p0 $0xFFFFF80, s28  }
0x15b: {  	v61 =	vor.u32 v28, v32;
	s30 =	simm.s32 @!p0 $0xC480;
	s28 =	sadd.s32 @!p0 s1, s28  }
0x15c: {  	[tilespmem:s30], [sflag:$0x7] =	stream.strided.gather @!p0 [hbm4b:s28+s26], $0x2000, s29, s26, $0x38;
	[tilespmem:$0x1C680] =	vst v63  }
0x15d: {  	_ =	swait.ge [sflag:s22], $0x2000  }
0x15e: {  	[sflag:s22] =	ssyncset.done $0x0  }
0x15f: {  	[sflag:s22] =	ssyncadd.s32 $0xFFFFE000  }
0x160: {  	v33 =	vld.idx.msk [tilespmem:v61+s15+$0x0], $0xffff  }
0x161: {  	v62 =	vor.u32 v29, v32;
	_ =	sdelay $0x3  }
0x162: {  	[tilespmem:s24+$0x1C0] =	vst v33  }
0x163: {  	v33 =	vld.idx.msk [tilespmem:v62+s15+$0x0], $0xffff  }
0x164: {  	v63 =	vor.u32 v30, v32;
	_ =	sdelay $0x3  }
0x165: {  	[tilespmem:s24+$0x1D0] =	vst v33  }
0x166: {  	v33 =	vld.idx.msk [tilespmem:v63+s15+$0x0], $0xffff  }
0x167: {  	v32 =	vor.u32 v31, v32;
	_ =	sdelay $0x3  }
0x168: {  	s25 =	sadd.s32 $0x40, s25;
	[tilespmem:s24+$0x1E0] =	vst v33  }
0x169: {  	p0 =	sne.s32 s25, $0x800;
	v32 =	vld.idx.msk [tilespmem:v32+s15+$0x0], $0xffff  }
.Ltmp0:
0x16a: {  	_ = 	snop;
	(pc) =	sbr.rel @p0 .LBB2_2-.Ltmp0, $2  }
0x16b: {  	_ =	sdelay $0x2  }
0x16c: {  	[tilespmem:s24+$0x1F0] =	vst v32;
	s24 =	sadd.s32 $0x400, s24  }
0x16d: {  	v32 =	vld [tilespmem:$0x200];
	_ =	sdelay $0x4  }
0x16e: {  	v32 =	vshrl.u32 v32, $0x3  }
0x16f: {  	v32 =	vshll.u32 v32, $0x7  }
0x170: {  	(v2sf) =	vpush v32, $0x0;
	_ =	sdelay $0x1  }
0x171: {  	(v2sf) =	vpush v32, $0x1;
	_ =	sdelay $0x1  }
0x172: {  	(v2sf) =	vpush v32, $0x2;
	_ =	sdelay $0x2  }
0x173: {  	(v2sf) =	vpush v32, $0x3;
	_ =	sdelay $0x7  }
0x174: {  	s24 =	spop (v2sf);
	(v2sf) =	vpush v32, $0x4;
	_ =	sdelay $0x1  }
0x175: {  	s30 =	spop (v2sf);
	(v2sf) =	vpush v32, $0x5  }
0x176: {  	s26 =	simm.s32 $0x10480;
	s24 =	sand.u32 $0x1FFFFF80, s24  }
0x177: {  	s25 =	sadd.s32 s4, s24;
	s24 =	simm.s32 $0x0;
	s28 =	spop (v2sf)  }
0x178: {  	(v2sf) =	vpush v32, $0x6;
	[tilespmem:s26], [sflag:$0x9] =	stream.linear.gather [hbm4b:s25+s24], $0x400, $0x38;
	[tilespmem:$0x1C680] =	vst v63  }
0x179: {  	s25 =	sand.u32 $0x1FFFFF80, s30  }
0x17a: {  	s31 =	simm.s32 $0x10880;
	s30 =	spop (v2sf);
	s25 =	sadd.s32 s4, s25  }
0x17b: {  	(v2sf) =	vpush v32, $0x7;
	[tilespmem:s31], [sflag:$0x9] =	stream.linear.gather [hbm4b:s25+s24], $0x400, $0x38;
	[tilespmem:$0x1C680] =	vst v63  }
0x17c: {  	s25 =	sand.u32 $0x1FFFFF80, s28  }
0x17d: {  	s29 =	simm.s32 $0x10C80;
	s25 =	sadd.s32 s4, s25  }
0x17e: {  	[tilespmem:s29], [sflag:$0x9] =	stream.linear.gather [hbm4b:s25+s24], $0x400, $0x38;
	[tilespmem:$0x1C680] =	vst v63  }
0x17f: {  	s25 =	sand.u32 $0x1FFFFF80, s30  }
0x180: {  	s31 =	simm.s32 $0x11080;
	s25 =	sadd.s32 s4, s25  }
0x181: {  	[tilespmem:s31], [sflag:$0x9] =	stream.linear.gather [hbm4b:s25+s24], $0x400, $0x38;
	[tilespmem:$0x1C680] =	vst v63  }
0x182: {  	s28 =	spop (v2sf)  }
0x183: {  	s25 =	sand.u32 $0x1FFFFF80, s28  }
0x184: {  	s29 =	simm.s32 $0x11480;
	s30 =	spop (v2sf);
	s25 =	sadd.s32 s4, s25  }
0x185: {  	[tilespmem:s29], [sflag:$0x9] =	stream.linear.gather [hbm4b:s25+s24], $0x400, $0x38;
	[tilespmem:$0x1C680] =	vst v63  }
0x186: {  	s25 =	sand.u32 $0x1FFFFF80, s30  }
0x187: {  	s31 =	simm.s32 $0x11880;
	s28 =	spop (v2sf);
	s25 =	sadd.s32 s4, s25  }
0x188: {  	[tilespmem:s31], [sflag:$0x9] =	stream.linear.gather [hbm4b:s25+s24], $0x400, $0x38;
	[tilespmem:$0x1C680] =	vst v63  }
0x189: {  	s25 =	sand.u32 $0x1FFFFF80, s28  }
0x18a: {  	s29 =	simm.s32 $0x11C80;
	s30 =	spop (v2sf);
	s25 =	sadd.s32 s4, s25  }
0x18b: {  	[tilespmem:s29], [sflag:$0x9] =	stream.linear.gather [hbm4b:s25+s24], $0x400, $0x38;
	[tilespmem:$0x1C680] =	vst v63  }
0x18c: {  	s25 =	sand.u32 $0x1FFFFF80, s30  }
0x18d: {  	s31 =	simm.s32 $0x12080;
	s25 =	sadd.s32 s4, s25  }
0x18e: {  	[tilespmem:s31], [sflag:$0x9] =	stream.linear.gather [hbm4b:s25+s24], $0x400, $0x38;
	[tilespmem:$0x1C680] =	vst v63  }
0x18f: {  	s25 =	simm.s32 $0x14680  }
.LBB2_4:
0x190: {  	s26 =	sshra.s32 s24, $0x2  }
0x191: {  	v32 =	vld [tilespmem:s26+$0x208];
	_ =	sdelay $0x4  }
0x192: {  	v32 =	vshrl.u32 v32, $0x3  }
0x193: {  	v32 =	vshll.u32 v32, $0x7  }
0x194: {  	(v2sf) =	vpush v32, $0x0;
	_ =	sdelay $0x1  }
0x195: {  	(v2sf) =	vpush v32, $0x1;
	_ =	sdelay $0x2  }
0x196: {  	(v2sf) =	vpush v32, $0x2;
	_ =	sdelay $0x2  }
0x197: {  	(v2sf) =	vpush v32, $0x3;
	_ =	sdelay $0x6  }
0x198: {  	s28 =	spop (v2sf);
	(v2sf) =	vpush v32, $0x4;
	_ =	sdelay $0x1  }
0x199: {  	s28 =	sand.u32 $0x1FFFFF80, s28;
	s30 =	spop (v2sf);
	(v2sf) =	vpush v32, $0x5  }
0x19a: {  	s29 =	rddreg [dreg:$0xc];
	s28 =	sadd.s32 s4, s28  }
0x19b: {  	[tilespmem:s29], [sflag:$0xA] =	stream.linear.gather [hbm4b:s28+s3], $0x400, $0x38;
	[tilespmem:$0x1C680] =	vst v63  }
0x19c: {  	s28 =	sand.u32 $0x1FFFFF80, s30;
	s30 =	spop (v2sf);
	(v2sf) =	vpush v32, $0x6  }
0x19d: {  	s31 =	rddreg [dreg:$0xd];
	s28 =	sadd.s32 s4, s28  }
0x19e: {  	[tilespmem:s31], [sflag:$0xA] =	stream.linear.gather [hbm4b:s28+s3], $0x400, $0x38;
	[tilespmem:$0x1C680] =	vst v63  }
0x19f: {  	s28 =	sand.u32 $0x1FFFFF80, s30;
	s30 =	spop (v2sf);
	(v2sf) =	vpush v32, $0x7;
	_ =	sdelay $0x1  }
0x1a0: {  	s31 =	rddreg [dreg:$0xe];
	s28 =	sadd.s32 s4, s28  }
0x1a1: {  	[tilespmem:s31], [sflag:$0xA] =	stream.linear.gather [hbm4b:s28+s3], $0x400, $0x38;
	[tilespmem:$0x1C680] =	vst v63  }
0x1a2: {  	s28 =	sand.u32 $0x1FFFFF80, s30  }
0x1a3: {  	s31 =	rddreg [dreg:$0xf];
	s28 =	sadd.s32 s4, s28  }
0x1a4: {  	[tilespmem:s31], [sflag:$0xA] =	stream.linear.gather [hbm4b:s28+s3], $0x400, $0x38;
	[tilespmem:$0x1C680] =	vst v63  }
0x1a5: {  	s30 =	spop (v2sf)  }
0x1a6: {  	s28 =	sand.u32 $0x1FFFFF80, s30  }
0x1a7: {  	s31 =	rddreg [dreg:$0x10];
	s30 =	spop (v2sf);
	s28 =	sadd.s32 s4, s28  }
0x1a8: {  	[tilespmem:s31], [sflag:$0xA] =	stream.linear.gather [hbm4b:s28+s3], $0x400, $0x38;
	[tilespmem:$0x1C680] =	vst v63  }
0x1a9: {  	s28 =	sand.u32 $0x1FFFFF80, s30  }
0x1aa: {  	s31 =	rddreg [dreg:$0x11];
	s30 =	spop (v2sf);
	s28 =	sadd.s32 s4, s28  }
0x1ab: {  	[tilespmem:s31], [sflag:$0xA] =	stream.linear.gather [hbm4b:s28+s3], $0x400, $0x38;
	[tilespmem:$0x1C680] =	vst v63  }
0x1ac: {  	s28 =	sand.u32 $0x1FFFFF80, s30  }
0x1ad: {  	s31 =	rddreg [dreg:$0x12];
	s30 =	spop (v2sf);
	s28 =	sadd.s32 s4, s28  }
0x1ae: {  	[tilespmem:s31], [sflag:$0xA] =	stream.linear.gather [hbm4b:s28+s3], $0x400, $0x38;
	[tilespmem:$0x1C680] =	vst v63  }
0x1af: {  	s28 =	sand.u32 $0x1FFFFF80, s30  }
0x1b0: {  	s31 =	rddreg [dreg:$0x13];
	s28 =	sadd.s32 s4, s28  }
0x1b1: {  	[tilespmem:s31], [sflag:$0xA] =	stream.linear.gather [hbm4b:s28+s3], $0x400, $0x38;
	[tilespmem:$0x1C680] =	vst v63  }
0x1b2: {  	_ =	swait.ge [sflag:s0], $0x2000  }
0x1b3: {  	[sflag:s0] =	ssyncset.done $0x0  }
0x1b4: {  	[sflag:s0] =	ssyncadd.s32 $0xFFFFE000  }
0x1b5: {  	v6 =	vld [tilespmem:s26+$0x200];
	_ =	sdelay $0x4  }
0x1b6: {  	v32 =	vand.u32 $0x7, v6  }
0x1b7: {  	v32 =	vshll.u32 v32, $0x7  }
0x1b8: {  	(v2sf) =	vpush v32, $0x1;
	_ =	sdelay $0x1  }
0x1b9: {  	(v2sf) =	vpush v32, $0x0;
	_ =	sdelay $0x1  }
0x1ba: {  	v33 =	vld [tilespmem:s25+$0xFFFFFE00]  }
0x1bb: {  	v34 =	vld [tilespmem:s25+$0xFFFFFE10]  }
0x1bc: {  	v35 =	vld [tilespmem:s25+$0xFFFFFE20]  }
0x1bd: {  	v36 =	vld [tilespmem:s25+$0xFFFFFE30]  }
0x1be: {  	v41 =	vld [tilespmem:s25+$0xFFFFFE40]  }
0x1bf: {  	v42 =	vld [tilespmem:s25+$0xFFFFFE50]  }
0x1c0: {  	v43 =	vld [tilespmem:s25+$0xFFFFFE60]  }
0x1c1: {  	v44 =	vld [tilespmem:s25+$0xFFFFFE70]  }
0x1c2: {  	v49 =	vld [tilespmem:s25+$0xFFFFFE80]  }
0x1c3: {  	v50 =	vld [tilespmem:s25+$0xFFFFFE90]  }
0x1c4: {  	v52 =	vld [tilespmem:s25+$0xFFFFFEA0]  }
0x1c5: {  	v54 =	vld [tilespmem:s25+$0xFFFFFEB0];
	s30 =	spop (v2sf);
	(v2sf) =	vpush v32, $0x3  }
0x1c6: {  	v45 =	vld [tilespmem:s30+$0x10880]  }
0x1c7: {  	s31 =	spop (v2sf);
	(v2sf) =	vpush v32, $0x2;
	v46 =	vld [tilespmem:s30+$0x10890]  }
0x1c8: {  	v37 =	vld [tilespmem:s31+$0x10480]  }
0x1c9: {  	v38 =	vld [tilespmem:s31+$0x10490]  }
0x1ca: {  	v57 =	vld [tilespmem:s25+$0xFFFFFED0]  }
0x1cb: {  	v63 =	vmul.f32 v42, v42;
	v4 =	vmul.f32 v43, v43;
	v39 =	vld [tilespmem:s31+$0x104A0]  }
0x1cc: {  	v40 =	vld [tilespmem:s31+$0x104B0];
	v61 =	vmul.f32 v45, v41;
	v62 =	vmul.f32 v46, v42  }
0x1cd: {  	v58 =	vld [tilespmem:s25+$0xFFFFFEE0];
	v51 =	vmul.f32 v37, v33;
	v37 =	vmul.f32 v37, v37  }
0x1ce: {  	v48 =	vld [tilespmem:s30+$0x108B0];
	v53 =	vmul.f32 v38, v34;
	v38 =	vmul.f32 v38, v38  }
0x1cf: {  	v59 =	vld [tilespmem:s25+$0xFFFFFF00];
	(v2sf) =	vpush v32, $0x5;
	v33 =	vmul.f32 v33, v33;
	v34 =	vmul.f32 v34, v34  }
0x1d0: {  	v47 =	vld [tilespmem:s30+$0x108A0];
	v7 =	vmul.f32 v39, v35;
	v39 =	vmul.f32 v39, v39;
	v8 =	vadd.f32 v38, v37  }
0x1d1: {  	v0 =	vmul.f32 v46, v46;
	v46 =	vld [tilespmem:s25+$0xFFFFFEF0];
	v10 =	vmul.f32 v40, v36;
	v51 =	vadd.f32 v53, v51  }
0x1d2: {  	v60 =	vmul.f32 v40, v40;
	v40 =	vld [tilespmem:s25+$0xFFFFFEC0];
	v33 =	vadd.f32 v34, v33;
	v34 =	vadd.f32 v39, v8  }
0x1d3: {  	v6 =	vmul.f32 v48, v44;
	v9 =	vadd.f32 v7, v51;
	v7 =	vmul.f32 v44, v44;
	v44 =	vld [tilespmem:s25+$0xFFFFFF20]  }
0x1d4: {  	v41 =	vmul.f32 v41, v41;
	v45 =	vmul.f32 v45, v45;
	v34 =	vadd.f32 v60, v34;
	v60 =	vld [tilespmem:s25+$0xFFFFFF10];
	s30 =	spop (v2sf)  }
0x1d5: {  	v2 =	vmul.f32 v47, v43;
	v35 =	vmul.f32 v35, v35;
	v1 =	vadd.f32 v62, v61;
	v51 =	vld [tilespmem:s30+$0x11080]  }
0x1d6: {  	v5 =	vmul.f32 v47, v47;
	v3 =	vadd.f32 v0, v45;
	(v2sf) =	vpush v32, $0x4;
	s31 =	spop (v2sf);
	v43 =	vld [tilespmem:s30+$0x11090]  }
0x1d7: {  	v11 =	vmul.f32 v36, v36;
	v36 =	vadd.f32 v2, v1;
	v33 =	vadd.f32 v35, v33;
	v55 =	vld [tilespmem:s31+$0x10C80]  }
0x1d8: {  	v35 =	vadd.f32 v63, v41;
	v8 =	vmul.f32 v48, v48;
	v39 =	vadd.f32 v5, v3;
	v56 =	vld [tilespmem:s31+$0x10C90]  }
0x1d9: {  	v3 =	vmul.f32 v54, v54;
	v36 =	vadd.f32 v6, v36;
	v6 =	vmul.f32 v57, v57;
	v47 =	vld [tilespmem:s30+$0x110A0]  }
0x1da: {  	v38 =	vadd.f32 v10, v9;
	v35 =	vadd.f32 v4, v35;
	v37 =	vld [tilespmem:s31+$0x10CA0];
	v4 =	vmul.f32 v51, v40  }
0x1db: {  	v33 =	vadd.f32 v11, v33;
	v48 =	vld [tilespmem:s30+$0x110B0];
	v5 =	vmul.f32 v43, v57;
	v40 =	vmul.f32 v40, v40  }
0x1dc: {  	(v2sf) =	vpush v32, $0x7;
	v53 =	vld [tilespmem:s31+$0x10CB0];
	v9 =	vmul.f32 v55, v49;
	v49 =	vmul.f32 v49, v49  }
0x1dd: {  	v42 =	vadd.f32 v7, v35;
	v57 =	vld [tilespmem:s25+$0xFFFFFF40];
	v10 =	vmul.f32 v56, v50;
	v50 =	vmul.f32 v50, v50  }
0x1de: {  	s30 =	spop (v2sf);
	(v2sf) =	vpush v32, $0x6;
	v11 =	vmul.f32 v55, v55;
	v62 =	vmul.f32 v56, v56;
	v55 =	vld [tilespmem:s25+$0xFFFFFF50]  }
0x1df: {  	p0 =	seq.s32 s24, $0x7C0;
	v63 =	vmul.f32 v37, v52;
	v52 =	vmul.f32 v52, v52;
	v61 =	vadd.f32 v50, v49;
	v50 =	vld [tilespmem:s25+$0xFFFFFF30]  }
0x1e0: {  	s29 =	sshra.s32 @!p0 s24, $0x2;
	v51 =	vmul.f32 v51, v51;
	v45 =	vadd.f32 v5, v4;
	v35 =	vadd.f32 v62, v11;
	v62 =	vld [tilespmem:s25+$0xFFFFFF60]  }
0x1e1: {  	v7 =	vmul.f32 v47, v58;
	v41 =	vadd.f32 v10, v9;
	v1 =	vadd.f32 v52, v61;
	v61 =	vld @!p0 [tilespmem:s29+$0x210]  }
0x1e2: {  	v39 =	vadd.f32 v8, v39;
	v37 =	vmul.f32 v37, v37;
	v9 =	vmul.f32 v47, v47;
	v47 =	vld [tilespmem:s25+$0xFFFFFF70]  }
0x1e3: {  	v2 =	vmul.f32 v53, v54;
	v0 =	vadd.f32 v63, v41;
	v41 =	vadd.f32 v7, v45;
	v45 =	vld [tilespmem:s30+$0x11880]  }
0x1e4: {  	v43 =	vmul.f32 v43, v43;
	v35 =	vadd.f32 v37, v35;
	v37 =	vadd.f32 v3, v1;
	v1 =	vld [tilespmem:s30+$0x118B0]  }
0x1e5: {  	v58 =	vmul.f32 v58, v58;
	v53 =	vmul.f32 v53, v53;
	v32 =	vadd.f32 v2, v0;
	v2 =	vld [tilespmem:s25+$0xFFFFFFA0];
	s31 =	spop (v2sf)  }
0x1e6: {  	v40 =	vadd.f32 v6, v40;
	v8 =	vadd.f32 v43, v51;
	v56 =	vld [tilespmem:s31+$0x11480];
	v51 =	vshrl.u32 @!p0 v61, $0x3  }
0x1e7: {  	v10 =	vmul.f32 v48, v46;
	v53 =	vadd.f32 v53, v35;
	v49 =	vld [tilespmem:s31+$0x11490];
	v35 =	vshll.u32 @!p0 v51, $0x7  }
0x1e8: {  	(xrf2) =	vadd.scan.msk.f32 $0xffff, v38;
	v46 =	vmul.f32 v46, v46;
	v40 =	vadd.f32 v58, v40;
	v52 =	vld [tilespmem:s31+$0x114A0];
	(v2sf) =	vpush @!p0 v35, $0x0  }
0x1e9: {  	(xrf2) =	vadd.scan.msk.f32 $0xffff, v33;
	v4 =	vmul.f32 v59, v59;
	v5 =	vmul.f32 v60, v60;
	v54 =	vld [tilespmem:s31+$0x114B0]  }
0x1ea: {  	(xrf2) =	vadd.scan.msk.f32 $0xffff, v34;
	v48 =	vmul.f32 v48, v48;
	v43 =	vadd.f32 v9, v8;
	v40 =	vadd.f32 v46, v40;
	v61 =	vld [tilespmem:s30+$0x11890]  }
0x1eb: {  	(xrf2) =	vadd.scan.msk.f32 $0xffff, v36;
	v41 =	vadd.f32 v10, v41;
	v0 =	vmul.f32 v57, v57;
	v3 =	vmul.f32 v55, v55;
	v51 =	vld [tilespmem:s30+$0x118A0];
	s30 =	spop (v2sf)  }
0x1ec: {  	(xrf2) =	vadd.scan.msk.f32 $0xffff, v42;
	v9 =	vmul.f32 v50, v50;
	v10 =	vmul.f32 v45, v57;
	v42 =	vld [tilespmem:s30+$0x12080];
	(v2sf) =	vpush @!p0 v35, $0x1  }
0x1ed: {  	(xrf2) =	vadd.scan.msk.f32 $0xffff, v39;
	v46 =	vadd.f32 v5, v4;
	v39 =	vld [tilespmem:s30+$0x12090];
	v11 =	vmul.f32 v56, v59;
	v63 =	vmul.f32 v49, v60  }
0x1ee: {  	v43 =	vadd.f32 v48, v43;
	v48 =	vld [tilespmem:s30+$0x120B0];
	v56 =	vmul.f32 v56, v56;
	v49 =	vmul.f32 v49, v49  }
0x1ef: {  	v38 =	vadd.f32 v3, v0;
	(xrf2) =	vadd.scan.msk.f32 $0xffff, v32;
	s31 =	spop (v2sf);
	v60 =	vld [tilespmem:s25+$0xFFFFFF80];
	v6 =	vmul.f32 v52, v44;
	v44 =	vmul.f32 v44, v44  }
0x1f0: {  	(xrf2) =	vadd.scan.msk.f32 $0xffff, v37;
	(v2sf) =	vpush @!p0 v35, $0x2;
	v8 =	vmul.f32 v54, v50;
	v50 =	vmul.f32 v54, v54;
	v54 =	vld [tilespmem:s31+$0x11CA0]  }
0x1f1: {  	v4 =	vmul.f32 v45, v45;
	(xrf2) =	vadd.scan.msk.f32 $0xffff, v53;
	v53 =	vmul.f32 v47, v47;
	v59 =	vld [tilespmem:s31+$0x11CB0];
	v58 =	vadd.f32 v63, v11  }
0x1f2: {  	v52 =	vmul.f32 v52, v52;
	v63 =	vld [tilespmem:s25+$0xFFFFFF90];
	v49 =	vadd.f32 v49, v56;
	v44 =	vadd.f32 v44, v46  }
0x1f3: {  	(v2sf) =	vpush @!p0 v35, $0x3;
	v56 =	vld [tilespmem:s25+$0xFFFFFFB0];
	v11 =	vmul.f32 v61, v55;
	v7 =	vadd.f32 v6, v58  }
0x1f4: {  	v55 =	vld [tilespmem:s25+$0xFFFFFFC0];
	v46 =	vadd.f32 v52, v49;
	v34 =	vadd.f32 v9, v44;
	v6 =	vmul.f32 v61, v61  }
0x1f5: {  	v58 =	vld [tilespmem:s31+$0x11C80];
	v5 =	vadd.f32 v11, v10;
	v9 =	vmul.f32 v51, v51;
	v33 =	vadd.f32 v8, v7  }
0x1f6: {  	v52 =	vld [tilespmem:s31+$0x11C90];
	v7 =	vmul.f32 v51, v62;
	v36 =	vadd.f32 v6, v4;
	v8 =	vmul.f32 v62, v62  }
0x1f7: {  	v49 =	vld [tilespmem:s25+$0xFFFFFFD0];
	v46 =	vadd.f32 v50, v46;
	v50 =	vmul.f32 v1, v47;
	v1 =	vmul.f32 v1, v1;
	s29 =	spop @!p0 (v2sf)  }
0x1f8: {  	v44 =	vld [tilespmem:s25+$0xFFFFFFE0];
	v62 =	vmul.f32 v60, v60;
	v0 =	vmul.f32 v63, v63;
	(v2sf) =	vpush @!p0 v35, $0x4;
	s29 =	sand.u32 @!p0 $0x1FFFFF80, s29  }
0x1f9: {  	s28 =	simm.s32 @!p0 $0x0;
	v47 =	vld [tilespmem:s30+$0x120A0];
	s30 =	simm.s32 @!p0 $0x10480;
	v10 =	vadd.f32 v7, v5;
	v5 =	vmul.f32 v54, v2;
	v2 =	vmul.f32 v2, v2;
	s29 =	sadd.s32 @!p0 s4, s29  }
0x1fa: {  	(xrf2) =	vadd.scan.msk.f32 $0xffff, v41;
	v51 =	vld [tilespmem:s25+$0xFFFFFFF0];
	v36 =	vadd.f32 v9, v36;
	v7 =	vmul.f32 v54, v54;
	v9 =	vmul.f32 v59, v56;
	[tilespmem:s30], [sflag:$0x9] =	stream.linear.gather @!p0 [hbm4b:s29+s28], $0x400, $0x38  }
0x1fb: {  	(xrf2) =	vadd.scan.msk.f32 $0xffff, v40;
	v11 =	vadd.f32 v8, v38;
	v61 =	vmul.f32 v52, v63;
	v52 =	vmul.f32 v52, v52;
	s29 =	spop @!p0 (v2sf)  }
0x1fc: {  	v32, _, _ =	vpop (xrf2);
	(xrf2) =	vadd.scan.msk.f32 $0xffff, v43;
	v57 =	vmul.f32 v58, v60;
	v3 =	vmul.f32 v58, v58;
	(v2sf) =	vpush @!p0 v35, $0x5;
	s29 =	sand.u32 @!p0 $0x1FFFFF80, s29  }
0x1fd: {  	(xrf2) =	vadd.scan.msk.f32 $0xffff, v33;
	v4 =	vadd.f32 v0, v62;
	v58 =	vmul.f32 v55, v55;
	v38 =	vadd.f32 v50, v10;
	s30 =	simm.s32 @!p0 $0x10880;
	s29 =	sadd.s32 @!p0 s4, s29  }
0x1fe: {  	v60 =	vmul.f32 v42, v42;
	v37 =	vadd.f32 v53, v11;
	v50, _, _ =	vpop (xrf2);
	v1 =	vadd.f32 v1, v36;
	[tilespmem:s30], [sflag:$0x9] =	stream.linear.gather @!p0 [hbm4b:s29+s28], $0x400, $0x38;
	[tilespmem:$0x1C680] =	vst v63  }
0x1ff: {  	(xrf2) =	vadd.scan.msk.f32 $0xffff, v34;
	v10 =	vmul.f32 v56, v56;
	v41 =	vadd.f32 v61, v57;
	v6 =	vadd.f32 v52, v3;
	v52, _, _ =	vpop (xrf2);
	s29 =	spop @!p0 (v2sf)  }
0x200: {  	v11 =	vmul.f32 v59, v59;
	v59 =	vmul.f32 v49, v49;
	v33, _, _ =	vpop (xrf2);
	(xrf2) =	vadd.scan.msk.f32 $0xffff, v46;
	(v2sf) =	vpush @!p0 v35, $0x6;
	s29 =	sand.u32 @!p0 $0x1FFFFF80, s29  }
0x201: {  	v56 =	vmul.f32 v42, v55;
	v57 =	vmul.f32 v39, v49;
	v8 =	vadd.f32 v5, v41;
	(xrf2) =	vadd.scan.msk.f32 $0xffff, v38;
	s30 =	simm.s32 @!p0 $0x10C80;
	s29 =	sadd.s32 @!p0 s4, s29  }
0x202: {  	v2 =	vadd.f32 v2, v4;
	v61 =	vmul.f32 v47, v44;
	v62 =	vadd.f32 v59, v58;
	v46, _, _ =	vpop (xrf2);
	[tilespmem:s30], [sflag:$0x9] =	stream.linear.gather @!p0 [hbm4b:s29+s28], $0x400, $0x38;
	[tilespmem:$0x1C680] =	vst v63  }
0x203: {  	v39 =	vmul.f32 v39, v39;
	v36 =	vadd.f32 v9, v8;
	v38 =	vadd.f32 v57, v56;
	v49, _, _ =	vpop (xrf2);
	(xrf2) =	vadd.scan.msk.f32 $0xffff, v37;
	s29 =	spop @!p0 (v2sf)  }
0x204: {  	v3 =	vmul.f32 v44, v44;
	v40 =	vadd.f32 v7, v6;
	v34, _, _ =	vpop (xrf2);
	(xrf2) =	vadd.scan.msk.f32 $0xffff, v1;
	(v2sf) =	vpush @!p0 v35, $0x7;
	s29 =	sand.u32 @!p0 $0x1FFFFF80, s29  }
0x205: {  	v4 =	vmul.f32 v48, v51;
	v2 =	vadd.f32 v10, v2;
	v63 =	vadd.f32 v61, v38;
	(xrf2) =	vadd.scan.msk.f32 $0xffff, v36;
	s30 =	simm.s32 @!p0 $0x11080;
	s29 =	sadd.s32 @!p0 s4, s29  }
0x206: {  	v6 =	vmul.f32 v47, v47;
	v40 =	vadd.f32 v11, v40;
	v37 =	vadd.f32 v39, v60;
	v5, _, _ =	vpop (xrf2);
	[tilespmem:s30], [sflag:$0x9] =	stream.linear.gather @!p0 [hbm4b:s29+s28], $0x400, $0x38;
	[tilespmem:$0x1C680] =	vst v63  }
0x207: {  	v8 =	vmul.f32 v51, v51;
	v1 =	vadd.f32 v3, v62;
	v47, _, _ =	vpop (xrf2);
	(xrf2) =	vadd.scan.msk.f32 $0xffff, v2;
	v7 =	vadd.f32 v4, v63;
	s29 =	spop @!p0 (v2sf)  }
0x208: {  	v9 =	vmul.f32 v48, v48;
	v37 =	vadd.f32 v6, v37;
	v35, _, _ =	vpop (xrf2);
	(xrf2) =	vadd.scan.msk.f32 $0xffff, v40;
	s29 =	sand.u32 @!p0 $0x1FFFFF80, s29  }
0x209: {  	v1 =	vadd.f32 v8, v1;
	v10, _, _ =	vpop (xrf2);
	(xrf2) =	vadd.scan.msk.f32 $0xffff, v7;
	s30 =	simm.s32 @!p0 $0x11480;
	s29 =	sadd.s32 @!p0 s4, s29  }
0x20a: {  	v37 =	vadd.f32 v9, v37;
	v11, _, _ =	vpop (xrf2);
	[tilespmem:s30], [sflag:$0x9] =	stream.linear.gather @!p0 [hbm4b:s29+s28], $0x400, $0x38;
	[tilespmem:$0x1C680] =	vst v63  }
0x20b: {  	v36, _, _ =	vpop (xrf2);
	(xrf2) =	vadd.scan.msk.f32 $0xffff, v1;
	s29 =	spop @!p0 (v2sf)  }
0x20c: {  	v6, _, _ =	vpop (xrf2);
	(xrf2) =	vadd.scan.msk.f32 $0xffff, v37;
	s29 =	sand.u32 @!p0 $0x1FFFFF80, s29  }
0x20d: {  	v51, _, _ =	vpop (xrf2);
	s30 =	simm.s32 @!p0 $0x11880;
	s29 =	sadd.s32 @!p0 s4, s29  }
0x20e: {  	v37, _, _ =	vpop (xrf2);
	[tilespmem:s30], [sflag:$0x9] =	stream.linear.gather @!p0 [hbm4b:s29+s28], $0x400, $0x38;
	[tilespmem:$0x1C680] =	vst v63  }
0x20f: {  	v45, _, _ =	vpop (xrf2);
	s29 =	spop @!p0 (v2sf)  }
0x210: {  	v44, _, _ =	vpop (xrf2);
	s29 =	sand.u32 @!p0 $0x1FFFFF80, s29  }
0x211: {  	v38, _, _ =	vpop (xrf2);
	s30 =	simm.s32 @!p0 $0x11C80;
	s29 =	sadd.s32 @!p0 s4, s29  }
0x212: {  	v43, _, _ =	vpop (xrf2);
	[tilespmem:s30], [sflag:$0x9] =	stream.linear.gather @!p0 [hbm4b:s29+s28], $0x400, $0x38;
	[tilespmem:$0x1C680] =	vst v63  }
0x213: {  	v40, _, _ =	vpop (xrf2);
	s29 =	spop @!p0 (v2sf)  }
0x214: {  	v39, _, _ =	vpop (xrf2);
	s29 =	sand.u32 @!p0 $0x1FFFFF80, s29  }
0x215: {  	v41, _, _ =	vpop (xrf2);
	s30 =	simm.s32 @!p0 $0x12080;
	s29 =	sadd.s32 @!p0 s4, s29  }
0x216: {  	v42, _, _ =	vpop (xrf2);
	[tilespmem:s30], [sflag:$0x9] =	stream.linear.gather @!p0 [hbm4b:s29+s28], $0x400, $0x38;
	[tilespmem:$0x1C680] =	vst v63  }
0x217: {  	_ =	swait.ge [sflag:s2], $0x2000  }
0x218: {  	[sflag:s2] =	ssyncset.done $0x0  }
0x219: {  	[sflag:s2] =	ssyncadd.s32 $0xFFFFE000  }
0x21a: {  	v7 =	vld [tilespmem:s26+$0x208];
	_ =	sdelay $0x4  }
0x21b: {  	v54 =	vand.u32 $0x7, v7  }
0x21c: {  	v54 =	vshll.u32 v54, $0x7  }
0x21d: {  	(v2sf) =	vpush v54, $0x1  }
0x21e: {  	(v2sf) =	vpush v54, $0x0;
	_ =	sdelay $0x9  }
0x21f: {  	v8 =	vld [tilespmem:s25+$0x0]  }
0x220: {  	v9 =	vld [tilespmem:s25+$0x10]  }
0x221: {  	v52 =	vbroadcast v52, $0xF;
	v49 =	vbroadcast v49, $0xF;
	v57 =	vld [tilespmem:s25+$0x20]  }
0x222: {  	v47 =	vbroadcast v47, $0xF;
	v63 =	vld [tilespmem:s25+$0x40]  }
0x223: {  	v49 =	vsel vm0, v52, v49;
	v3 =	vld [tilespmem:s25+$0x50];
	s30 =	spop (v2sf);
	(v2sf) =	vpush v54, $0x3  }
0x224: {  	v47 =	vsel vm1, v49, v47;
	s31 =	spop (v2sf);
	(v2sf) =	vpush v54, $0x2;
	v49 =	vld [tilespmem:s30+$0x12880]  }
0x225: {  	v4 =	vld [tilespmem:s30+$0x12890]  }
0x226: {  	v50 =	vbroadcast v50, $0xF;
	v58 =	vld [tilespmem:s25+$0x30]  }
0x227: {  	v46 =	vbroadcast v46, $0xF;
	v53 =	vbroadcast v5, $0xF;
	v59 =	vld [tilespmem:s31+$0x12480]  }
0x228: {  	v48 =	vbroadcast v10, $0xF;
	v2 =	vbroadcast v11, $0xF;
	v60 =	vld [tilespmem:s31+$0x12490]  }
0x229: {  	v46 =	vsel vm0, v50, v46;
	v1 =	vbroadcast v6, $0xF;
	v51 =	vbroadcast v51, $0xF;
	v50 =	vld [tilespmem:s25+$0x60]  }
0x22a: {  	v52 =	vld [tilespmem:s25+$0x70];
	v6 =	vmul.f32 v49, v63;
	v7 =	vmul.f32 v4, v3  }
0x22b: {  	v46 =	vsel vm1, v46, v53;
	v5 =	vld [tilespmem:s25+$0x80];
	v63 =	vmul.f32 v63, v63;
	v3 =	vmul.f32 v3, v3  }
0x22c: {  	v46 =	vsel vm2, v46, v48;
	v61 =	vld [tilespmem:s31+$0x124A0];
	v49 =	vmul.f32 v49, v49;
	v4 =	vmul.f32 v4, v4  }
0x22d: {  	v2 =	vsel vm2, v47, v2;
	v55 =	vld [tilespmem:s25+$0xA0];
	v10 =	vmul.f32 v59, v8;
	v11 =	vmul.f32 v60, v9  }
0x22e: {  	v46 =	vsel vm3, v46, v1;
	v62 =	vld [tilespmem:s31+$0x124B0];
	v8 =	vmul.f32 v8, v8;
	v9 =	vmul.f32 v9, v9  }
0x22f: {  	v56 =	vld [tilespmem:s30+$0x128A0];
	v59 =	vmul.f32 v59, v59;
	v6 =	vadd.f32 v7, v6;
	v3 =	vadd.f32 v3, v63  }
0x230: {  	v63 =	vld [tilespmem:s25+$0xC0];
	v4 =	vadd.f32 v4, v49;
	v48 =	vadd.f32 v11, v10;
	v10 =	vmul.f32 v60, v60  }
0x231: {  	v60 =	vld [tilespmem:s30+$0x128B0];
	v47 =	vadd.f32 v9, v8;
	v11 =	vmul.f32 v61, v57;
	v57 =	vmul.f32 v57, v57  }
0x232: {  	v9 =	vmul.f32 v61, v61;
	v8 =	vadd.f32 v10, v59;
	v59 =	vld [tilespmem:s25+$0x90];
	s30 =	spop (v2sf);
	(v2sf) =	vpush v54, $0x5  }
0x233: {  	v47 =	vadd.f32 v57, v47;
	v10 =	vmul.f32 v62, v58;
	v57 =	vld [tilespmem:s25+$0xB0];
	s31 =	spop (v2sf);
	(v2sf) =	vpush v54, $0x4  }
0x234: {  	v48 =	vadd.f32 v11, v48;
	v58 =	vmul.f32 v58, v58;
	v11 =	vmul.f32 v62, v62;
	v62 =	vld [tilespmem:s31+$0x12C80]  }
0x235: {  	v1 =	vadd.f32 v9, v8;
	v8 =	vmul.f32 v56, v50;
	v50 =	vmul.f32 v50, v50;
	v0 =	vld [tilespmem:s31+$0x12C90]  }
0x236: {  	v49 =	vmul.f32 v52, v52;
	v53 =	vadd.f32 v10, v48;
	v9 =	vmul.f32 v56, v56;
	v56 =	vld [tilespmem:s25+$0xD0]  }
0x237: {  	v48 =	vadd.f32 v58, v47;
	v10 =	vmul.f32 v60, v52;
	v3 =	vadd.f32 v50, v3;
	v58 =	vld [tilespmem:s31+$0x12CA0]  }
0x238: {  	v52 =	vmul.f32 v60, v60;
	v60 =	vld [tilespmem:s25+$0xF0];
	v1 =	vadd.f32 v11, v1;
	v6 =	vadd.f32 v8, v6  }
0x239: {  	v4 =	vadd.f32 v9, v4;
	v7 =	vld [tilespmem:s31+$0x12CB0];
	v3 =	vadd.f32 v49, v3;
	v49 =	vmul.f32 v59, v59  }
0x23a: {  	v8 =	vld [tilespmem:s30+$0x13080];
	v6 =	vadd.f32 v10, v6;
	v47 =	vmul.f32 v62, v5;
	v61 =	vmul.f32 v0, v59  }
0x23b: {  	v50 =	vld [tilespmem:s25+$0xE0];
	v4 =	vadd.f32 v52, v4;
	v5 =	vmul.f32 v5, v5;
	v62 =	vmul.f32 v62, v62  }
0x23c: {  	v9 =	vld [tilespmem:s30+$0x130A0];
	v0 =	vmul.f32 v0, v0;
	v11 =	vmul.f32 v58, v58;
	v61 =	vadd.f32 v61, v47  }
0x23d: {  	v59 =	vld [tilespmem:s30+$0x13090];
	v5 =	vadd.f32 v49, v5;
	v49 =	vmul.f32 v58, v55;
	v55 =	vmul.f32 v55, v55  }
0x23e: {  	v10 =	vld [tilespmem:s30+$0x130B0];
	v0 =	vadd.f32 v0, v62;
	v47 =	vsel vm3, v2, v51;
	v62 =	vmul.f32 v7, v57  }
0x23f: {  	v52 =	vld [tilespmem:s25+$0x120];
	v7 =	vmul.f32 v7, v7;
	v51 =	vmul.f32 v8, v63;
	v61 =	vadd.f32 v49, v61  }
0x240: {  	v58 =	vld [tilespmem:s25+$0x100];
	v5 =	vadd.f32 v55, v5;
	v0 =	vadd.f32 v11, v0;
	v11 =	vmul.f32 v57, v57  }
0x241: {  	v8 =	vmul.f32 v8, v8;
	v49 =	vld [tilespmem:s25+$0x110];
	v55 =	vmul.f32 v63, v63;
	v2 =	vadd.f32 v62, v61;
	s30 =	spop (v2sf)  }
0x242: {  	v57 =	vld [tilespmem:s25+$0x130];
	v5 =	vadd.f32 v11, v5;
	v11 =	vmul.f32 v59, v59;
	(v2sf) =	vpush v54, $0x7;
	s31 =	spop (v2sf)  }
0x243: {  	(v2sf) =	vpush v54, $0x6;
	v54 =	vmul.f32 v59, v56;
	v56 =	vmul.f32 v56, v56;
	v61 =	vld [tilespmem:s31+$0x13480]  }
0x244: {  	v0 =	vadd.f32 v7, v0;
	v7 =	vadd.f32 v11, v8;
	v8 =	vmul.f32 v9, v9;
	v62 =	vld [tilespmem:s31+$0x13490]  }
0x245: {  	v12 =	vld [tilespmem:s30+$0x138A0];
	v51 =	vadd.f32 v54, v51;
	v55 =	vadd.f32 v56, v55;
	v56 =	vmul.f32 v9, v50  }
0x246: {  	v59 =	vld [tilespmem:s31+$0x134A0];
	v50 =	vmul.f32 v50, v50  }
0x247: {  	v63 =	vld [tilespmem:s31+$0x134B0];
	v7 =	vadd.f32 v8, v7;
	v54 =	vmul.f32 v10, v60;
	v51 =	vadd.f32 v56, v51  }
0x248: {  	v8 =	vmul.f32 v60, v60;
	v9 =	vld [tilespmem:s25+$0x140];
	v10 =	vmul.f32 v10, v10;
	v50 =	vadd.f32 v50, v55  }
0x249: {  	v55 =	vld [tilespmem:s25+$0x150];
	v51 =	vadd.f32 v54, v51;
	v54 =	vmul.f32 v61, v58;
	v60 =	vmul.f32 v62, v49  }
0x24a: {  	v56 =	vld [tilespmem:s25+$0x160];
	v8 =	vadd.f32 v8, v50;
	v50 =	vmul.f32 v58, v58;
	v49 =	vmul.f32 v49, v49  }
0x24b: {  	v58 =	vld [tilespmem:s30+$0x13880];
	v61 =	vmul.f32 v61, v61;
	v54 =	vadd.f32 v60, v54;
	v60 =	vmul.f32 v62, v62  }
0x24c: {  	v62 =	vld [tilespmem:s30+$0x13890];
	v49 =	vadd.f32 v49, v50;
	v50 =	vmul.f32 v59, v52;
	v52 =	vmul.f32 v52, v52  }
0x24d: {  	v7 =	vadd.f32 v10, v7;
	v59 =	vmul.f32 v59, v59;
	v10 =	vadd.f32 v60, v61  }
0x24e: {  	v13 =	vld [tilespmem:s25+$0x1A0];
	(xrf2) =	vadd.scan.msk.f32 $0xffff, v53;
	v50 =	vadd.f32 v50, v54;
	v49 =	vadd.f32 v52, v49;
	v52 =	vmul.f32 v63, v57  }
0x24f: {  	(xrf2) =	vadd.scan.msk.f32 $0xffff, v48;
	v11 =	vld [tilespmem:s25+$0x170];
	v48 =	vmul.f32 v12, v56;
	v10 =	vadd.f32 v59, v10;
	v59 =	vmul.f32 v63, v63  }
0x250: {  	v60 =	vld [tilespmem:s30+$0x138B0];
	v50 =	vadd.f32 v52, v50;
	v52 =	vmul.f32 v58, v9;
	v9 =	vmul.f32 v9, v9  }
0x251: {  	v54 =	vld [tilespmem:s25+$0x180];
	v63 =	vmul.f32 v62, v55;
	v55 =	vmul.f32 v55, v55  }
0x252: {  	v57 =	vmul.f32 v57, v57;
	v61 =	vld [tilespmem:s25+$0x190];
	v53 =	vmul.f32 v58, v58;
	s30 =	spop (v2sf)  }
0x253: {  	v58 =	vmul.f32 v62, v62;
	s31 =	spop (v2sf);
	v9 =	vadd.f32 v55, v9;
	v55 =	vmul.f32 v56, v56;
	v56 =	vld [tilespmem:s25+$0x1B0]  }
0x254: {  	v49 =	vadd.f32 v57, v49;
	v52 =	vadd.f32 v63, v52;
	v57 =	vld [tilespmem:s31+$0x13C80]  }
0x255: {  	(xrf2) =	vadd.scan.msk.f32 $0xffff, v1;
	v12 =	vmul.f32 v12, v12;
	v63 =	vadd.f32 v58, v53;
	v62 =	vld [tilespmem:s31+$0x13C90]  }
0x256: {  	(xrf2) =	vadd.scan.msk.f32 $0xffff, v6;
	v53 =	vld [tilespmem:s31+$0x13CA0];
	v58 =	vadd.f32 v48, v52  }
0x257: {  	(xrf2) =	vadd.scan.msk.f32 $0xffff, v3;
	v9 =	vadd.f32 v55, v9;
	v52 =	vld [tilespmem:s31+$0x13CB0];
	v3 =	vadd.f32 v12, v63;
	v63 =	vmul.f32 v11, v11  }
0x258: {  	(xrf2) =	vadd.scan.msk.f32 $0xffff, v4;
	v1 =	vadd.f32 v59, v10;
	v59 =	vmul.f32 v60, v11;
	v11 =	vmul.f32 v60, v60;
	v12 =	vld [tilespmem:s25+$0x1C0]  }
0x259: {  	(xrf2) =	vadd.scan.msk.f32 $0xffff, v2;
	v55 =	vld [tilespmem:s25+$0x1D0];
	v60 =	vmul.f32 v61, v61;
	v2 =	vadd.f32 v63, v9;
	v9 =	vmul.f32 v54, v54  }
0x25a: {  	v4 =	vadd.f32 v59, v58;
	v58 =	vmul.f32 v57, v54;
	v59 =	vmul.f32 v62, v61;
	v54 =	vld [tilespmem:s30+$0x14080]  }
0x25b: {  	(xrf2) =	vadd.scan.msk.f32 $0xffff, v5;
	v3 =	vadd.f32 v11, v3;
	v61 =	vmul.f32 v57, v57;
	v63 =	vmul.f32 v62, v62;
	v57 =	vld [tilespmem:s30+$0x14090]  }
0x25c: {  	(xrf2) =	vadd.scan.msk.f32 $0xffff, v0;
	v62 =	vmul.f32 v52, v56;
	v11 =	vmul.f32 v52, v52;
	v6 =	vadd.f32 v59, v58  }
0x25d: {  	(xrf2) =	vadd.scan.msk.f32 $0xffff, v51;
	v58 =	vadd.f32 v60, v9;
	v59 =	vmul.f32 v53, v13;
	v60 =	vmul.f32 v13, v13;
	v13 =	vld [tilespmem:s25+$0x1E0]  }
0x25e: {  	v48, _, _ =	vpop (xrf2);
	(xrf2) =	vadd.scan.msk.f32 $0xffff, v8;
	v5 =	vadd.f32 v63, v61;
	v61 =	vmul.f32 v53, v53;
	v9 =	vld [tilespmem:s30+$0x140A0];
	v63 =	vmul.f32 v56, v56  }
0x25f: {  	v51 =	vld [tilespmem:s25+$0x1F0];
	v10, _, _ =	vpop (xrf2);
	(xrf2) =	vadd.scan.msk.f32 $0xffff, v7;
	v6 =	vadd.f32 v59, v6;
	v0 =	vadd.f32 v60, v58;
	v60 =	vmul.f32 v54, v12  }
0x260: {  	v8 =	vld [tilespmem:s30+$0x140B0];
	v52, _, _ =	vpop (xrf2);
	(xrf2) =	vadd.scan.msk.f32 $0xffff, v50;
	v5 =	vadd.f32 v61, v5;
	v61 =	vmul.f32 v57, v55;
	v57 =	vmul.f32 v57, v57  }
0x261: {  	v56, _, _ =	vpop (xrf2);
	(xrf2) =	vadd.scan.msk.f32 $0xffff, v49;
	v6 =	vadd.f32 v62, v6;
	v62 =	vmul.f32 v12, v12;
	v12 =	vmul.f32 v55, v55  }
0x262: {  	v49, _, _ =	vpop (xrf2);
	(xrf2) =	vadd.scan.msk.f32 $0xffff, v1;
	v0 =	vadd.f32 v63, v0;
	v63 =	vmul.f32 v54, v54;
	v50 =	vadd.f32 v61, v60  }
0x263: {  	v54, _, _ =	vpop (xrf2);
	(xrf2) =	vadd.scan.msk.f32 $0xffff, v4;
	v59 =	vmul.f32 v9, v13;
	v58 =	vadd.f32 v12, v62;
	v12 =	vmul.f32 v13, v13  }
0x264: {  	v60 =	vadd.f32 v11, v5;
	v61 =	vmul.f32 v9, v9;
	v13, _, _ =	vpop (xrf2);
	(xrf2) =	vadd.scan.msk.f32 $0xffff, v2;
	v1 =	vadd.f32 v57, v63  }
0x265: {  	v63 =	vmul.f32 v8, v51;
	v9, _, _ =	vpop (xrf2);
	(xrf2) =	vadd.scan.msk.f32 $0xffff, v3;
	v62 =	vadd.f32 v59, v50;
	v50 =	vbroadcast v45, $0xF  }
0x266: {  	v51 =	vmul.f32 v51, v51;
	v57 =	vmul.f32 v8, v8;
	v4 =	vadd.f32 v12, v58;
	v11, _, _ =	vpop (xrf2);
	(xrf2) =	vadd.scan.msk.f32 $0xffff, v6  }
0x267: {  	v1 =	vadd.f32 v61, v1;
	v53 =	vadd.f32 v63, v62;
	v6 =	vsel vm4, v46, v50;
	v12, _, _ =	vpop (xrf2);
	(xrf2) =	vadd.scan.msk.f32 $0xffff, v0  }
0x268: {  	v55 =	vbroadcast v44, $0xF;
	v59 =	vadd.f32 v51, v4;
	v58, _, _ =	vpop (xrf2);
	(xrf2) =	vadd.scan.msk.f32 $0xffff, v60;
	v60 =	vbroadcast v43, $0xF  }
0x269: {  	v44 =	vbroadcast v42, $0xF;
	v45 =	vbroadcast v10, $0xF;
	v1 =	vadd.f32 v57, v1;
	v61, _, _ =	vpop (xrf2);
	(xrf2) =	vadd.scan.msk.f32 $0xffff, v53  }
0x26a: {  	v62 =	vbroadcast v40, $0xF;
	v63 =	vbroadcast v41, $0xF;
	v4 =	vsel vm5, v6, v60;
	v6, _, _ =	vpop (xrf2);
	(xrf2) =	vadd.scan.msk.f32 $0xffff, v59  }
0x26b: {  	v3 =	vsel vm4, v47, v55;
	v46 =	vbroadcast v52, $0xF;
	v52 =	vbroadcast v54, $0xF;
	v47, _, _ =	vpop (xrf2);
	(xrf2) =	vadd.scan.msk.f32 $0xffff, v1  }
0x26c: {  	v54 =	vbroadcast v9, $0xF;
	v55 =	vbroadcast v11, $0xF;
	v0 =	vsel vm5, v3, v62;
	v50, _, _ =	vpop (xrf2)  }
0x26d: {  	v51 =	vbroadcast v49, $0xF;
	v0 =	vsel vm6, v0, v44;
	v2 =	vsel vm6, v4, v63;
	v7, _, _ =	vpop (xrf2)  }
0x26e: {  	v58 =	vbroadcast v58, $0xF;
	v0 =	vsel vm7, v46, v0;
	v2 =	vsel vm7, v45, v2;
	v53, _, _ =	vpop (xrf2)  }
0x26f: {  	v5 =	vbroadcast v61, $0xF;
	v0 =	vsel vm8, v0, v52;
	v2 =	vsel vm8, v2, v51;
	v57, _, _ =	vpop (xrf2)  }
0x270: {  	v0 =	vsel vm9, v0, v55;
	v1 =	vbroadcast v50, $0xF;
	v2 =	vsel vm9, v2, v54;
	v8, _, _ =	vpop (xrf2)  }
0x271: {  	v59 =	vbroadcast v47, $0xF;
	v0 =	vsel vm10, v0, v5;
	v2 =	vsel vm10, v2, v58;
	v60, _, _ =	vpop (xrf2)  }
0x272: {  	v62 =	vbroadcast v53, $0xF;
	v0 =	vsel vm11, v0, v1;
	v63 =	vbroadcast v57, $0xF;
	v61, _, _ =	vpop (xrf2)  }
0x273: {  	v2 =	vsel vm11, v2, v59;
	v41 =	vbroadcast v60, $0xF;
	v40, _, _ =	vpop (xrf2);
	v3 =	vbroadcast v61, $0xF  }
0x274: {  	v2 =	vsel vm12, v2, v62;
	v0 =	vsel vm12, v0, v63;
	v42, _, _ =	vpop (xrf2)  }
0x275: {  	v1 =	vsel vm13, v2, v41;
	v0 =	vsel vm13, v0, v3;
	v43, _, _ =	vpop (xrf2)  }
0x276: {  	v1 =	vsel vm14, v1, v42;
	v0 =	vsel vm14, v0, v43  }
0x277: {  	v1 =	vmax.f32 v1, $9.999999960e-13;
	v0 =	vmax.f32 v0, $9.999999960e-13  }
0x278: {  	v0 =	vmul.f32 v0, v1;
	_ =	sdelay $0x1  }
0x279: {  	v1 =	vshra.s32 v0, $0x1;
	v0 =	vmul.f32 $5.000000000e-01, v0  }
0x27a: {  	v1 =	vsub.s32 $0x5F3759DF, v1  }
0x27b: {  	v44 =	vmul.f32 v1, v0;
	_ =	sdelay $0x1  }
0x27c: {  	v2 =	vmul.f32 v1, v44;
	_ =	sdelay $0x1  }
0x27d: {  	v2 =	vsub.f32 $1.500000000e+00, v2;
	_ =	sdelay $0x1  }
0x27e: {  	v1 =	vmul.f32 v1, v2  }
0x27f: {  	v46 =	vbroadcast v33, $0xF;
	v45 =	vbroadcast v32, $0xF  }
0x280: {  	v47 =	vbroadcast v34, $0xF;
	v49 =	vmul.f32 v1, v0  }
0x281: {  	v50 =	vbroadcast v35, $0xF;
	v2 =	vsel vm0, v45, v46  }
0x282: {  	v51 =	vbroadcast v36, $0xF;
	v2 =	vsel vm1, v2, v47;
	v5 =	vmul.f32 v49, v1  }
0x283: {  	v52 =	vbroadcast v37, $0xF;
	v2 =	vsel vm2, v2, v50  }
0x284: {  	v53 =	vbroadcast v38, $0xF;
	v2 =	vsel vm3, v2, v51;
	v5 =	vsub.f32 $1.500000000e+00, v5  }
0x285: {  	v54 =	vbroadcast v39, $0xF;
	v2 =	vsel vm4, v2, v52  }
0x286: {  	v55 =	vbroadcast v48, $0xF;
	v2 =	vsel vm5, v2, v53;
	v1 =	vmul.f32 v5, v1  }
0x287: {  	v57 =	vbroadcast v56, $0xF;
	v2 =	vsel vm6, v2, v54  }
0x288: {  	v58 =	vbroadcast v13, $0xF;
	v2 =	vsel vm7, v55, v2;
	v0 =	vmul.f32 v1, v0  }
0x289: {  	v59 =	vbroadcast v12, $0xF;
	v2 =	vsel vm8, v2, v57  }
0x28a: {  	v60 =	vbroadcast v6, $0xF;
	v2 =	vsel vm9, v2, v58;
	v0 =	vmul.f32 v0, v1  }
0x28b: {  	v61 =	vbroadcast v7, $0xF;
	v2 =	vsel vm10, v2, v59  }
0x28c: {  	s24 =	sadd.s32 $0x40, s24;
	v62 =	vbroadcast v8, $0xF;
	v2 =	vsel vm11, v2, v60;
	v0 =	vsub.f32 $1.500000000e+00, v0  }
0x28d: {  	p0 =	sne.s32 s24, $0x800;
	v2 =	vsel vm12, v2, v61  }
.Ltmp1:
0x28e: {  	v2 =	vsel vm13, v2, v62;
	v0 =	vmul.f32 v0, v1;
	(pc) =	sbr.rel @p0 .LBB2_4-.Ltmp1, $3  }
0x28f: {  	v63 =	vsel vm14, v2, v40  }
0x290: {  	v0 =	vmul.f32 v0, v63;
	_ =	sdelay $0x1  }
0x291: {  	s25 =	sadd.s32 $0x400, s25;
	[tilespmem:s26+$0x1C480] =	vst v0  }
0x292: {  	[hbm4b:s7+s3] =	stream.linear.scatter [tilespmem:s10], [sflag:$0xB], $0x200, $0x38;
	[tilespmem:$0x1C680] =	vst v63  }
0x293: {  	_ =	swait.ge [sflag:s9], $0x200  }
0x294: {  	v0 =	vld [tilespmem:$0x1FF20]  }
0x295: {  	v1 =	vld [tilespmem:$0x1FF30]  }
0x296: {  	v2 =	vld [tilespmem:$0x1FF40]  }
0x297: {  	v3 =	vld [tilespmem:$0x1FF50]  }
0x298: {  	v4 =	vld [tilespmem:$0x1FF60]  }
0x299: {  	v5 =	vld [tilespmem:$0x1FF70]  }
0x29a: {  	v6 =	vld [tilespmem:$0x1FF80]  }
0x29b: {  	s23 =	sadd.s32 $0x1, s23;
	v7 =	vld [tilespmem:$0x1FF90]  }
0x29c: {  	p0 =	sne.s32 s23, s8;
	v8 =	vld [tilespmem:$0x1FFA0]  }
.Ltmp2:
0x29d: {  	v9 =	vld [tilespmem:$0x1FFB0];
	(pc) =	sbr.rel @p0 .LBB2_1-.Ltmp2, $4  }
0x29e: {  	v10 =	vld [tilespmem:$0x1FFC0]  }
0x29f: {  	v11 =	vld [tilespmem:$0x1FFD0]  }
0x2a0: {  	[sflag:s9] =	ssyncset.done $0x0;
	v12 =	vld [tilespmem:$0x1FFE0]  }
0x2a1: {  	v13 =	vld [tilespmem:$0x1FFF0];
	[sflag:s9] =	ssyncadd.s32 $0xFFFFFE00  }
0x2a2: {  	_ =	sfence.sel $0x180000  }
0x2a3: {  	[bflag:$0x0] =	sbarrier.arrive $0xFFFF  }
0x2a4: {  	_ =	strace $0x90000047  }
0x2a5: {  	s0 =	stileid.u32;
	[bflag:$0x2] =	sbarrier.arrive $0xFFFF  }
0x2a6: {  	p0 =	sne.s32 s0, $0x0;
	s0 =	rddreg [dreg:$0x5]  }
0x2a7: {  	s0 =	sadd.s32 @!p0 $0x100000, s0  }
0x2a8: {  	[sflag:s0] =	ssyncadd.tile.s32 @!p0 $0x1;
	_ =	shalt  }
.Lfunc_end2:
_tile_overlayer_lowered:
.L_overlay_start_2:
0x2a9: {  	(tag) =	ssettag $0x2  }
0x2aa: {  	s0 =	rddreg [dreg:$0x0];
	s2 =	stileid.u32  }
0x2ab: {  	s1 =	rddreg [dreg:$0x1];
	p0 =	sne.s32 s2, $0x0  }
0x2ac: {  	s3 =	rddreg [dreg:$0x2];
	[bflag:$0x3] =	sbarrier.arrive $0xFFFF;
	s2 =	simm.s32 @!p0 $0x1C0B  }
0x2ad: {  	[timem:s3], [sflag:s2] =	dma.local @!p0 [hbm:s0], s1  }
0x2ae: {  	s0 =	simm.s32 @!p0 $0xB  }
0x2af: {  	_ =	swait.ge @!p0 [sflag:s0], s1  }
0x2b0: {  	s1 =	ssub.s32 @!p0 $0x0, s1;
	[sflag:s0] =	ssyncset.done @!p0 $0x0  }
0x2b1: {  	[sflag:s0] =	ssyncadd.s32 @!p0 s1  }
0x2b2: {  	[bflag:$0x3] =	sbarrier.arrive $0xFFFF  }
0x2b3: {  	_ =	shalt  }

</sc_bundles>
